<compile_context>
chip_gen: v7x
topology: tpu7x:2x2x1
jax: 0.10.2.dev20260603
libtpu: 0.0.44.dev20260713+nightly
codegen_flags: <defaults>
</compile_context>

<pallas_src>
import functools

import jax
import jax.numpy as jnp
from jax import lax
from jax.experimental import pallas as pl
from jax.experimental.pallas import tpu as pltpu
from jax.experimental.pallas import tpu_sc as plsc

BATCH = 16384
D = 64
NC = 2
NS = 16
NW = NC * NS
BPW = BATCH // NW
L = 16
BLK = 16
NBLK = BPW // BLK
NBUF = 2


def _cf_body(uid_hbm, mid_hbm, ut_hbm, mt_hbm, wb_hbm, out_hbm,
             uidx, midx, uring, mring, wv, outv, usem, msem):
    wid = lax.axis_index("s") * NC + lax.axis_index("c")
    base = wid * BPW

    pltpu.sync_copy(uid_hbm.at[pl.ds(base, BPW)], uidx)
    pltpu.sync_copy(mid_hbm.at[pl.ds(base, BPW)], midx)
    pltpu.sync_copy(wb_hbm, wv)

    lane = lax.iota(jnp.int32, L)
    last_lane = lane == (L - 1)

    def issue_block(blk, par):
        uids = uidx[pl.ds(blk * BLK, L)] & ~7
        mids = midx[pl.ds(blk * BLK, L)] & ~7
        for r in range(BLK):
            slot = par * BLK + r
            pltpu.async_copy(
                ut_hbm.at[pl.ds(pl.multiple_of(uids[r], 8), 8), :],
                uring.at[slot], usem)
            pltpu.async_copy(
                mt_hbm.at[pl.ds(pl.multiple_of(mids[r], 8), 8), :],
                mring.at[slot], msem)

    def wait_block(par):
        for r in range(BLK):
            slot = par * BLK + r
            pltpu.make_async_copy(
                ut_hbm.at[pl.ds(0, 8), :], uring.at[slot], usem).wait()
            pltpu.make_async_copy(
                mt_hbm.at[pl.ds(0, 8), :], mring.at[slot], msem).wait()

    issue_block(0, 0)

    w = [wv[pl.ds(k * L, L)] for k in range(2 * D // L)]
    bvec = wv[pl.ds(2 * D, L)]

    def block(g, carry):
        par = lax.rem(g, NBUF)
        wait_block(par)

        @pl.when(g + 1 < NBLK)
        def _():
            issue_block(g + 1, lax.rem(g + 1, NBUF))

        row0 = g * BLK
        usub = uidx[pl.ds(row0, L)] & 7
        msub = midx[pl.ds(row0, L)] & 7
        for r in range(BLK):
            slot = par * BLK + r
            ur = usub[r]
            mr = msub[r]
            acc = None
            for k in range(D // L):
                uv = uring[slot, ur, pl.ds(k * L, L)] * w[k]
                mv = mring[slot, mr, pl.ds(k * L, L)] * w[D // L + k]
                t = uv + mv
                acc = t if acc is None else acc + t
            s = plsc.cumsum(acc) + bvec
            plsc.store_scatter(
                outv, [jnp.full((L,), row0 + r, jnp.int32)], s, mask=last_lane
            )
        return carry

    lax.fori_loop(0, NBLK, block, 0)

    pltpu.sync_copy(outv, out_hbm.at[pl.ds(base, BPW)])


@jax.jit
def _cf_call(user_ids, movie_ids, user_table, movie_table, wb):
    mesh = plsc.VectorSubcoreMesh(core_axis_name="c", subcore_axis_name="s")
    f = functools.partial(
        pl.kernel,
        mesh=mesh,
        compiler_params=pltpu.CompilerParams(needs_layout_passes=False),
        out_type=jax.ShapeDtypeStruct((BATCH,), jnp.float32),
        scratch_types=[
            pltpu.VMEM((BPW,), jnp.int32),
            pltpu.VMEM((BPW,), jnp.int32),
            pltpu.VMEM((NBUF * BLK, 8, D), jnp.float32),
            pltpu.VMEM((NBUF * BLK, 8, D), jnp.float32),
            pltpu.VMEM((2 * D + L,), jnp.float32),
            pltpu.VMEM((BPW,), jnp.float32),
            pltpu.SemaphoreType.DMA,
            pltpu.SemaphoreType.DMA,
        ],
    )(_cf_body)
    return f(user_ids, movie_ids, user_table, movie_table, wb)


def kernel(user_ids, movie_ids, user_table, movie_table, W, b):
    wb = jnp.concatenate(
        [W.reshape(2 * D), jnp.broadcast_to(b.reshape(1), (L,))]
    )
    return _cf_call(
        user_ids.astype(jnp.int32), movie_ids.astype(jnp.int32),
        user_table, movie_table, wb,
    )

# --- scband reference (transcript-rebuilt; emitter-appended) ---
"""Pipeline reference for scband-collaborative-filtering-1314259992751 (READ-ONLY COPY).

The authoritative reference and input builder live on the scoring server;
editing this copy changes nothing except your own understanding.
"""

import jax, jax.numpy as jnp
import numpy as np

NUM_USERS = 1000000
NUM_MOVIES = 100000
EMBED_DIM = 64
BATCH = 16384

def setup_inputs(seed: int = 0) -> dict:
    key = jax.random.key(seed)
    k1, k2, k3, k4, k5, k6 = jax.random.split(key, 6)
    user_ids = jax.random.randint(k1, (BATCH,), 0, NUM_USERS, dtype=jnp.int64 if jax.config.jax_enable_x64 else jnp.int32)
    movie_ids = jax.random.randint(k2, (BATCH,), 0, NUM_MOVIES, dtype=jnp.int64 if jax.config.jax_enable_x64 else jnp.int32)
    user_table = jax.random.normal(k3, (NUM_USERS, EMBED_DIM), dtype=jnp.float32)
    movie_table = jax.random.normal(k4, (NUM_MOVIES, EMBED_DIM), dtype=jnp.float32)
    bound = 1.0 / np.sqrt(EMBED_DIM * 2)
    W = jax.random.uniform(k5, (EMBED_DIM * 2, 1), minval=-bound, maxval=bound, dtype=jnp.float32)
    b = jax.random.uniform(k6, (1,), minval=-bound, maxval=bound, dtype=jnp.float32)
    return {"user_ids": user_ids, "movie_ids": movie_ids, "user_table": user_table, "movie_table": movie_table, "W": W, "b": b}

def reference(user_ids, movie_ids, user_table, movie_table, W, b):
    user_embeds = jnp.take(user_table, user_ids, axis=0)
    movie_embeds = jnp.take(movie_table, movie_ids, axis=0)
    concat_embeds = jnp.concatenate([user_embeds, movie_embeds], axis=1)
    output = concat_embeds @ W + b
    return jnp.squeeze(output)

if __name__ == "__main__":
    import jax
    _d = setup_inputs()
    print(jax.jit(kernel)(*tuple(_d.values())))

</pallas_src>

<mosaic_0001>
#map = affine_map<(d0, d1) -> (0)>
#map1 = affine_map<(d0, d1) -> (0, 0)>
module attributes {stable_mosaic.version = 14 : i64} {
  func.func @_cf_body(%arg0: i32, %arg1: i32, %arg2: memref<16384xi32, #tpu.memory_space<hbm>>, %arg3: memref<16384xi32, #tpu.memory_space<hbm>>, %arg4: memref<1000000x64xf32, #tpu.memory_space<hbm>>, %arg5: memref<100000x64xf32, #tpu.memory_space<hbm>>, %arg6: memref<144xf32, #tpu.memory_space<hbm>>, %arg7: memref<16384xf32, #tpu.memory_space<hbm>>, %arg8: memref<512xi32, #tpu.memory_space<vmem>>, %arg9: memref<512xi32, #tpu.memory_space<vmem>>, %arg10: memref<32x8x64xf32, #tpu.memory_space<vmem>>, %arg11: memref<32x8x64xf32, #tpu.memory_space<vmem>>, %arg12: memref<144xf32, #tpu.memory_space<vmem>>, %arg13: memref<512xf32, #tpu.memory_space<vmem>>, %arg14: memref<!tpu.dma_semaphore, #tpu.memory_space<semaphore_mem>>, %arg15: memref<!tpu.dma_semaphore, #tpu.memory_space<semaphore_mem>>) attributes {dimension_semantics = [#tpu.dimension_semantics<core_parallel>, #tpu.dimension_semantics<subcore_parallel>], iteration_bounds = array<i64: 2, 16>, scalar_prefetch = 0 : i64, scratch_operands = 8 : i64, tpu.core_type = #tpu.core_type<sc_vector_subcore>, window_params = [{transform_indices = #map}, {transform_indices = #map}, {transform_indices = #map1}, {transform_indices = #map1}, {transform_indices = #map}, {transform_indices = #map}]} {
    %mul3A = arith.constant 2 : i32
    %mul3A_0 = arith.muli %arg1, %mul3A : i32
    %add3A = arith.addi %mul3A_0, %arg0 : i32
    %mul3A_1 = arith.constant 512 : i32
    %mul3A_2 = arith.muli %add3A, %mul3A_1 : i32
    "tpu.region"() ({
      %run_scoped3A = tpu.sem_alloc : memref<!tpu.dma_semaphore, #tpu.memory_space<semaphore_mem>>
      %dma_start3A_544 = tpu.memref_slice %arg2[%mul3A_2] : memref<16384xi32, #tpu.memory_space<hbm>> -> memref<512xi32, #tpu.memory_space<hbm>>
      %dma_start3A_545 = tpu.memref_slice %arg2[%mul3A_2] : memref<16384xi32, #tpu.memory_space<hbm>> -> memref<512xi32, #tpu.memory_space<hbm>>
      tpu.enqueue_dma source(%dma_start3A_545 : memref<512xi32, #tpu.memory_space<hbm>>) target(%arg8 : memref<512xi32, #tpu.memory_space<vmem>>) target_semaphore(%run_scoped3A : memref<!tpu.dma_semaphore, #tpu.memory_space<semaphore_mem>>)
      %dma_wait3A = tpu.memref_slice %arg2[%mul3A_2] : memref<16384xi32, #tpu.memory_space<hbm>> -> memref<512xi32, #tpu.memory_space<hbm>>
      %dma_wait3A_546 = tpu.memref_slice %arg2[%mul3A_2] : memref<16384xi32, #tpu.memory_space<hbm>> -> memref<512xi32, #tpu.memory_space<hbm>>
      tpu.wait_dma2 semaphore(%run_scoped3A : memref<!tpu.dma_semaphore, #tpu.memory_space<semaphore_mem>>) src(%dma_wait3A_546 : memref<512xi32, #tpu.memory_space<hbm>>) dst(%arg8 : memref<512xi32, #tpu.memory_space<vmem>>)
      tpu.yield
    }) : () -> ()
    "tpu.region"() ({
      %run_scoped3A = tpu.sem_alloc : memref<!tpu.dma_semaphore, #tpu.memory_space<semaphore_mem>>
      %dma_start3A_544 = tpu.memref_slice %arg3[%mul3A_2] : memref<16384xi32, #tpu.memory_space<hbm>> -> memref<512xi32, #tpu.memory_space<hbm>>
      %dma_start3A_545 = tpu.memref_slice %arg3[%mul3A_2] : memref<16384xi32, #tpu.memory_space<hbm>> -> memref<512xi32, #tpu.memory_space<hbm>>
      tpu.enqueue_dma source(%dma_start3A_545 : memref<512xi32, #tpu.memory_space<hbm>>) target(%arg9 : memref<512xi32, #tpu.memory_space<vmem>>) target_semaphore(%run_scoped3A : memref<!tpu.dma_semaphore, #tpu.memory_space<semaphore_mem>>)
      %dma_wait3A = tpu.memref_slice %arg3[%mul3A_2] : memref<16384xi32, #tpu.memory_space<hbm>> -> memref<512xi32, #tpu.memory_space<hbm>>
      %dma_wait3A_546 = tpu.memref_slice %arg3[%mul3A_2] : memref<16384xi32, #tpu.memory_space<hbm>> -> memref<512xi32, #tpu.memory_space<hbm>>
      tpu.wait_dma2 semaphore(%run_scoped3A : memref<!tpu.dma_semaphore, #tpu.memory_space<semaphore_mem>>) src(%dma_wait3A_546 : memref<512xi32, #tpu.memory_space<hbm>>) dst(%arg9 : memref<512xi32, #tpu.memory_space<vmem>>)
      tpu.yield
    }) : () -> ()
    "tpu.region"() ({
      %run_scoped3A = tpu.sem_alloc : memref<!tpu.dma_semaphore, #tpu.memory_space<semaphore_mem>>
      tpu.enqueue_dma source(%arg6 : memref<144xf32, #tpu.memory_space<hbm>>) target(%arg12 : memref<144xf32, #tpu.memory_space<vmem>>) target_semaphore(%run_scoped3A : memref<!tpu.dma_semaphore, #tpu.memory_space<semaphore_mem>>)
      tpu.wait_dma2 semaphore(%run_scoped3A : memref<!tpu.dma_semaphore, #tpu.memory_space<semaphore_mem>>) src(%arg6 : memref<144xf32, #tpu.memory_space<hbm>>) dst(%arg12 : memref<144xf32, #tpu.memory_space<vmem>>)
      tpu.yield
    }) : () -> ()
    %iota3A = tpu.iota {dimensions = array<i32: 0>} : vector<16xi32>
    %eq3A = arith.constant 15 : i32
    %eq3A_3 = vector.broadcast %eq3A : i32 to vector<16xi32>
    %eq3A_4 = arith.cmpi eq, %iota3A, %eq3A_3 : vector<16xi32>
    %get3A = arith.constant 0 : index
    %get3A_5 = tpu.vector_load %arg8[%get3A] {strides = array<i32>} : memref<512xi32, #tpu.memory_space<vmem>>, vector<16xi32>,
    %and3A = arith.constant -8 : i32
    %and3A_6 = vector.broadcast %and3A : i32 to vector<16xi32>
    %and3A_7 = arith.andi %get3A_5, %and3A_6 : vector<16xi32>
    %get3A_8 = arith.constant 0 : index
    %get3A_9 = tpu.vector_load %arg9[%get3A_8] {strides = array<i32>} : memref<512xi32, #tpu.memory_space<vmem>>, vector<16xi32>,
    %and3A_10 = arith.constant -8 : i32
    %and3A_11 = vector.broadcast %and3A_10 : i32 to vector<16xi32>
    %and3A_12 = arith.andi %get3A_9, %and3A_11 : vector<16xi32>
    %slice3A = vector.extract_strided_slice %and3A_7 {offsets = [0], sizes = [1], strides = [1]} : vector<16xi32> to vector<1xi32>
    %squeeze3A = vector.extract %slice3A[0] : i32 from vector<1xi32>
    %multiple_of3A = tpu.assume_multiple %squeeze3A, 8 : i32
    %dma_start3A = arith.constant 0 : i32
    %dma_start3A_13 = arith.constant 0 : i32
    %dma_start3A_14 = arith.constant 0 : i32
    %dma_start3A_15 = tpu.memref_slice %arg10[%dma_start3A, %dma_start3A_13, %dma_start3A_14] : memref<32x8x64xf32, #tpu.memory_space<vmem>> -> memref<1x8x64xf32, #tpu.memory_space<vmem>>
    %dma_start3A_16 = tpu.memref_squeeze %dma_start3A_15 : memref<1x8x64xf32, #tpu.memory_space<vmem>> -> memref<8x64xf32, #tpu.memory_space<vmem>>
    %dma_start3A_17 = arith.constant 0 : i32
    %dma_start3A_18 = tpu.memref_slice %arg4[%multiple_of3A, %dma_start3A_17] : memref<1000000x64xf32, #tpu.memory_space<hbm>> -> memref<8x64xf32, #tpu.memory_space<hbm>>
    %dma_start3A_19 = arith.constant 0 : i32
    %dma_start3A_20 = arith.constant 0 : i32
    %dma_start3A_21 = tpu.memref_slice %arg10[%dma_start3A, %dma_start3A_19, %dma_start3A_20] : memref<32x8x64xf32, #tpu.memory_space<vmem>> -> memref<1x8x64xf32, #tpu.memory_space<vmem>>
    %dma_start3A_22 = tpu.memref_squeeze %dma_start3A_21 : memref<1x8x64xf32, #tpu.memory_space<vmem>> -> memref<8x64xf32, #tpu.memory_space<vmem>>
    %dma_start3A_23 = arith.constant 0 : i32
    %dma_start3A_24 = tpu.memref_slice %arg4[%multiple_of3A, %dma_start3A_23] : memref<1000000x64xf32, #tpu.memory_space<hbm>> -> memref<8x64xf32, #tpu.memory_space<hbm>>
    tpu.enqueue_dma source(%dma_start3A_24 : memref<8x64xf32, #tpu.memory_space<hbm>>) target(%dma_start3A_22 : memref<8x64xf32, #tpu.memory_space<vmem>>) target_semaphore(%arg14 : memref<!tpu.dma_semaphore, #tpu.memory_space<semaphore_mem>>)
    %slice3A_25 = vector.extract_strided_slice %and3A_12 {offsets = [0], sizes = [1], strides = [1]} : vector<16xi32> to vector<1xi32>
    %squeeze3A_26 = vector.extract %slice3A_25[0] : i32 from vector<1xi32>
    %multiple_of3A_27 = tpu.assume_multiple %squeeze3A_26, 8 : i32
    %dma_start3A_28 = arith.constant 0 : i32
    %dma_start3A_29 = arith.constant 0 : i32
    %dma_start3A_30 = arith.constant 0 : i32
    %dma_start3A_31 = tpu.memref_slice %arg11[%dma_start3A_28, %dma_start3A_29, %dma_start3A_30] : memref<32x8x64xf32, #tpu.memory_space<vmem>> -> memref<1x8x64xf32, #tpu.memory_space<vmem>>
    %dma_start3A_32 = tpu.memref_squeeze %dma_start3A_31 : memref<1x8x64xf32, #tpu.memory_space<vmem>> -> memref<8x64xf32, #tpu.memory_space<vmem>>
    %dma_start3A_33 = arith.constant 0 : i32
    %dma_start3A_34 = tpu.memref_slice %arg5[%multiple_of3A_27, %dma_start3A_33] : memref<100000x64xf32, #tpu.memory_space<hbm>> -> memref<8x64xf32, #tpu.memory_space<hbm>>
    %dma_start3A_35 = arith.constant 0 : i32
    %dma_start3A_36 = arith.constant 0 : i32
    %dma_start3A_37 = tpu.memref_slice %arg11[%dma_start3A_28, %dma_start3A_35, %dma_start3A_36] : memref<32x8x64xf32, #tpu.memory_space<vmem>> -> memref<1x8x64xf32, #tpu.memory_space<vmem>>
    %dma_start3A_38 = tpu.memref_squeeze %dma_start3A_37 : memref<1x8x64xf32, #tpu.memory_space<vmem>> -> memref<8x64xf32, #tpu.memory_space<vmem>>
    %dma_start3A_39 = arith.constant 0 : i32
    %dma_start3A_40 = tpu.memref_slice %arg5[%multiple_of3A_27, %dma_start3A_39] : memref<100000x64xf32, #tpu.memory_space<hbm>> -> memref<8x64xf32, #tpu.memory_space<hbm>>
    tpu.enqueue_dma source(%dma_start3A_40 : memref<8x64xf32, #tpu.memory_space<hbm>>) target(%dma_start3A_38 : memref<8x64xf32, #tpu.memory_space<vmem>>) target_semaphore(%arg15 : memref<!tpu.dma_semaphore, #tpu.memory_space<semaphore_mem>>)
    %slice3A_41 = vector.extract_strided_slice %and3A_7 {offsets = [1], sizes = [1], strides = [1]} : vector<16xi32> to vector<1xi32>
    %squeeze3A_42 = vector.extract %slice3A_41[0] : i32 from vector<1xi32>
    %multiple_of3A_43 = tpu.assume_multiple %squeeze3A_42, 8 : i32
    %dma_start3A_44 = arith.constant 1 : i32
    %dma_start3A_45 = arith.constant 0 : i32
    %dma_start3A_46 = arith.constant 0 : i32
    %dma_start3A_47 = tpu.memref_slice %arg10[%dma_start3A_44, %dma_start3A_45, %dma_start3A_46] : memref<32x8x64xf32, #tpu.memory_space<vmem>> -> memref<1x8x64xf32, #tpu.memory_space<vmem>>
    %dma_start3A_48 = tpu.memref_squeeze %dma_start3A_47 : memref<1x8x64xf32, #tpu.memory_space<vmem>> -> memref<8x64xf32, #tpu.memory_space<vmem>>
    %dma_start3A_49 = arith.constant 0 : i32
    %dma_start3A_50 = tpu.memref_slice %arg4[%multiple_of3A_43, %dma_start3A_49] : memref<1000000x64xf32, #tpu.memory_space<hbm>> -> memref<8x64xf32, #tpu.memory_space<hbm>>
    %dma_start3A_51 = arith.constant 0 : i32
    %dma_start3A_52 = arith.constant 0 : i32
    %dma_start3A_53 = tpu.memref_slice %arg10[%dma_start3A_44, %dma_start3A_51, %dma_start3A_52] : memref<32x8x64xf32, #tpu.memory_space<vmem>> -> memref<1x8x64xf32, #tpu.memory_space<vmem>>
    %dma_start3A_54 = tpu.memref_squeeze %dma_start3A_53 : memref<1x8x64xf32, #tpu.memory_space<vmem>> -> memref<8x64xf32, #tpu.memory_space<vmem>>
    %dma_start3A_55 = arith.constant 0 : i32
    %dma_start3A_56 = tpu.memref_slice %arg4[%multiple_of3A_43, %dma_start3A_55] : memref<1000000x64xf32, #tpu.memory_space<hbm>> -> memref<8x64xf32, #tpu.memory_space<hbm>>
    tpu.enqueue_dma source(%dma_start3A_56 : memref<8x64xf32, #tpu.memory_space<hbm>>) target(%dma_start3A_54 : memref<8x64xf32, #tpu.memory_space<vmem>>) target_semaphore(%arg14 : memref<!tpu.dma_semaphore, #tpu.memory_space<semaphore_mem>>)
    %slice3A_57 = vector.extract_strided_slice %and3A_12 {offsets = [1], sizes = [1], strides = [1]} : vector<16xi32> to vector<1xi32>
    %squeeze3A_58 = vector.extract %slice3A_57[0] : i32 from vector<1xi32>
    %multiple_of3A_59 = tpu.assume_multiple %squeeze3A_58, 8 : i32
    %dma_start3A_60 = arith.constant 1 : i32
    %dma_start3A_61 = arith.constant 0 : i32
    %dma_start3A_62 = arith.constant 0 : i32
    %dma_start3A_63 = tpu.memref_slice %arg11[%dma_start3A_60, %dma_start3A_61, %dma_start3A_62] : memref<32x8x64xf32, #tpu.memory_space<vmem>> -> memref<1x8x64xf32, #tpu.memory_space<vmem>>
    %dma_start3A_64 = tpu.memref_squeeze %dma_start3A_63 : memref<1x8x64xf32, #tpu.memory_space<vmem>> -> memref<8x64xf32, #tpu.memory_space<vmem>>
    %dma_start3A_65 = arith.constant 0 : i32
    %dma_start3A_66 = tpu.memref_slice %arg5[%multiple_of3A_59, %dma_start3A_65] : memref<100000x64xf32, #tpu.memory_space<hbm>> -> memref<8x64xf32, #tpu.memory_space<hbm>>
    %dma_start3A_67 = arith.constant 0 : i32
    %dma_start3A_68 = arith.constant 0 : i32
    %dma_start3A_69 = tpu.memref_slice %arg11[%dma_start3A_60, %dma_start3A_67, %dma_start3A_68] : memref<32x8x64xf32, #tpu.memory_space<vmem>> -> memref<1x8x64xf32, #tpu.memory_space<vmem>>
    %dma_start3A_70 = tpu.memref_squeeze %dma_start3A_69 : memref<1x8x64xf32, #tpu.memory_space<vmem>> -> memref<8x64xf32, #tpu.memory_space<vmem>>
    %dma_start3A_71 = arith.constant 0 : i32
    %dma_start3A_72 = tpu.memref_slice %arg5[%multiple_of3A_59, %dma_start3A_71] : memref<100000x64xf32, #tpu.memory_space<hbm>> -> memref<8x64xf32, #tpu.memory_space<hbm>>
    tpu.enqueue_dma source(%dma_start3A_72 : memref<8x64xf32, #tpu.memory_space<hbm>>) target(%dma_start3A_70 : memref<8x64xf32, #tpu.memory_space<vmem>>) target_semaphore(%arg15 : memref<!tpu.dma_semaphore, #tpu.memory_space<semaphore_mem>>)
    %slice3A_73 = vector.extract_strided_slice %and3A_7 {offsets = [2], sizes = [1], strides = [1]} : vector<16xi32> to vector<1xi32>
    %squeeze3A_74 = vector.extract %slice3A_73[0] : i32 from vector<1xi32>
    %multiple_of3A_75 = tpu.assume_multiple %squeeze3A_74, 8 : i32
    %dma_start3A_76 = arith.constant 2 : i32
    %dma_start3A_77 = arith.constant 0 : i32
    %dma_start3A_78 = arith.constant 0 : i32
    %dma_start3A_79 = tpu.memref_slice %arg10[%dma_start3A_76, %dma_start3A_77, %dma_start3A_78] : memref<32x8x64xf32, #tpu.memory_space<vmem>> -> memref<1x8x64xf32, #tpu.memory_space<vmem>>
    %dma_start3A_80 = tpu.memref_squeeze %dma_start3A_79 : memref<1x8x64xf32, #tpu.memory_space<vmem>> -> memref<8x64xf32, #tpu.memory_space<vmem>>
    %dma_start3A_81 = arith.constant 0 : i32
    %dma_start3A_82 = tpu.memref_slice %arg4[%multiple_of3A_75, %dma_start3A_81] : memref<1000000x64xf32, #tpu.memory_space<hbm>> -> memref<8x64xf32, #tpu.memory_space<hbm>>
    %dma_start3A_83 = arith.constant 0 : i32
    %dma_start3A_84 = arith.constant 0 : i32
    %dma_start3A_85 = tpu.memref_slice %arg10[%dma_start3A_76, %dma_start3A_83, %dma_start3A_84] : memref<32x8x64xf32, #tpu.memory_space<vmem>> -> memref<1x8x64xf32, #tpu.memory_space<vmem>>
    %dma_start3A_86 = tpu.memref_squeeze %dma_start3A_85 : memref<1x8x64xf32, #tpu.memory_space<vmem>> -> memref<8x64xf32, #tpu.memory_space<vmem>>
    %dma_start3A_87 = arith.constant 0 : i32
    %dma_start3A_88 = tpu.memref_slice %arg4[%multiple_of3A_75, %dma_start3A_87] : memref<1000000x64xf32, #tpu.memory_space<hbm>> -> memref<8x64xf32, #tpu.memory_space<hbm>>
    tpu.enqueue_dma source(%dma_start3A_88 : memref<8x64xf32, #tpu.memory_space<hbm>>) target(%dma_start3A_86 : memref<8x64xf32, #tpu.memory_space<vmem>>) target_semaphore(%arg14 : memref<!tpu.dma_semaphore, #tpu.memory_space<semaphore_mem>>)
    %slice3A_89 = vector.extract_strided_slice %and3A_12 {offsets = [2], sizes = [1], strides = [1]} : vector<16xi32> to vector<1xi32>
    %squeeze3A_90 = vector.extract %slice3A_89[0] : i32 from vector<1xi32>
    %multiple_of3A_91 = tpu.assume_multiple %squeeze3A_90, 8 : i32
    %dma_start3A_92 = arith.constant 2 : i32
    %dma_start3A_93 = arith.constant 0 : i32
    %dma_start3A_94 = arith.constant 0 : i32
    %dma_start3A_95 = tpu.memref_slice %arg11[%dma_start3A_92, %dma_start3A_93, %dma_start3A_94] : memref<32x8x64xf32, #tpu.memory_space<vmem>> -> memref<1x8x64xf32, #tpu.memory_space<vmem>>
    %dma_start3A_96 = tpu.memref_squeeze %dma_start3A_95 : memref<1x8x64xf32, #tpu.memory_space<vmem>> -> memref<8x64xf32, #tpu.memory_space<vmem>>
    %dma_start3A_97 = arith.constant 0 : i32
    %dma_start3A_98 = tpu.memref_slice %arg5[%multiple_of3A_91, %dma_start3A_97] : memref<100000x64xf32, #tpu.memory_space<hbm>> -> memref<8x64xf32, #tpu.memory_space<hbm>>
    %dma_start3A_99 = arith.constant 0 : i32
    %dma_start3A_100 = arith.constant 0 : i32
    %dma_start3A_101 = tpu.memref_slice %arg11[%dma_start3A_92, %dma_start3A_99, %dma_start3A_100] : memref<32x8x64xf32, #tpu.memory_space<vmem>> -> memref<1x8x64xf32, #tpu.memory_space<vmem>>
    %dma_start3A_102 = tpu.memref_squeeze %dma_start3A_101 : memref<1x8x64xf32, #tpu.memory_space<vmem>> -> memref<8x64xf32, #tpu.memory_space<vmem>>
    %dma_start3A_103 = arith.constant 0 : i32
    %dma_start3A_104 = tpu.memref_slice %arg5[%multiple_of3A_91, %dma_start3A_103] : memref<100000x64xf32, #tpu.memory_space<hbm>> -> memref<8x64xf32, #tpu.memory_space<hbm>>
    tpu.enqueue_dma source(%dma_start3A_104 : memref<8x64xf32, #tpu.memory_space<hbm>>) target(%dma_start3A_102 : memref<8x64xf32, #tpu.memory_space<vmem>>) target_semaphore(%arg15 : memref<!tpu.dma_semaphore, #tpu.memory_space<semaphore_mem>>)
    %slice3A_105 = vector.extract_strided_slice %and3A_7 {offsets = [3], sizes = [1], strides = [1]} : vector<16xi32> to vector<1xi32>
    %squeeze3A_106 = vector.extract %slice3A_105[0] : i32 from vector<1xi32>
    %multiple_of3A_107 = tpu.assume_multiple %squeeze3A_106, 8 : i32
    %dma_start3A_108 = arith.constant 3 : i32
    %dma_start3A_109 = arith.constant 0 : i32
    %dma_start3A_110 = arith.constant 0 : i32
    %dma_start3A_111 = tpu.memref_slice %arg10[%dma_start3A_108, %dma_start3A_109, %dma_start3A_110] : memref<32x8x64xf32, #tpu.memory_space<vmem>> -> memref<1x8x64xf32, #tpu.memory_space<vmem>>
    %dma_start3A_112 = tpu.memref_squeeze %dma_start3A_111 : memref<1x8x64xf32, #tpu.memory_space<vmem>> -> memref<8x64xf32, #tpu.memory_space<vmem>>
    %dma_start3A_113 = arith.constant 0 : i32
    %dma_start3A_114 = tpu.memref_slice %arg4[%multiple_of3A_107, %dma_start3A_113] : memref<1000000x64xf32, #tpu.memory_space<hbm>> -> memref<8x64xf32, #tpu.memory_space<hbm>>
    %dma_start3A_115 = arith.constant 0 : i32
    %dma_start3A_116 = arith.constant 0 : i32
    %dma_start3A_117 = tpu.memref_slice %arg10[%dma_start3A_108, %dma_start3A_115, %dma_start3A_116] : memref<32x8x64xf32, #tpu.memory_space<vmem>> -> memref<1x8x64xf32, #tpu.memory_space<vmem>>
    %dma_start3A_118 = tpu.memref_squeeze %dma_start3A_117 : memref<1x8x64xf32, #tpu.memory_space<vmem>> -> memref<8x64xf32, #tpu.memory_space<vmem>>
    %dma_start3A_119 = arith.constant 0 : i32
    %dma_start3A_120 = tpu.memref_slice %arg4[%multiple_of3A_107, %dma_start3A_119] : memref<1000000x64xf32, #tpu.memory_space<hbm>> -> memref<8x64xf32, #tpu.memory_space<hbm>>
    tpu.enqueue_dma source(%dma_start3A_120 : memref<8x64xf32, #tpu.memory_space<hbm>>) target(%dma_start3A_118 : memref<8x64xf32, #tpu.memory_space<vmem>>) target_semaphore(%arg14 : memref<!tpu.dma_semaphore, #tpu.memory_space<semaphore_mem>>)
    %slice3A_121 = vector.extract_strided_slice %and3A_12 {offsets = [3], sizes = [1], strides = [1]} : vector<16xi32> to vector<1xi32>
    %squeeze3A_122 = vector.extract %slice3A_121[0] : i32 from vector<1xi32>
    %multiple_of3A_123 = tpu.assume_multiple %squeeze3A_122, 8 : i32
    %dma_start3A_124 = arith.constant 3 : i32
    %dma_start3A_125 = arith.constant 0 : i32
    %dma_start3A_126 = arith.constant 0 : i32
    %dma_start3A_127 = tpu.memref_slice %arg11[%dma_start3A_124, %dma_start3A_125, %dma_start3A_126] : memref<32x8x64xf32, #tpu.memory_space<vmem>> -> memref<1x8x64xf32, #tpu.memory_space<vmem>>
    %dma_start3A_128 = tpu.memref_squeeze %dma_start3A_127 : memref<1x8x64xf32, #tpu.memory_space<vmem>> -> memref<8x64xf32, #tpu.memory_space<vmem>>
    %dma_start3A_129 = arith.constant 0 : i32
    %dma_start3A_130 = tpu.memref_slice %arg5[%multiple_of3A_123, %dma_start3A_129] : memref<100000x64xf32, #tpu.memory_space<hbm>> -> memref<8x64xf32, #tpu.memory_space<hbm>>
    %dma_start3A_131 = arith.constant 0 : i32
    %dma_start3A_132 = arith.constant 0 : i32
    %dma_start3A_133 = tpu.memref_slice %arg11[%dma_start3A_124, %dma_start3A_131, %dma_start3A_132] : memref<32x8x64xf32, #tpu.memory_space<vmem>> -> memref<1x8x64xf32, #tpu.memory_space<vmem>>
    %dma_start3A_134 = tpu.memref_squeeze %dma_start3A_133 : memref<1x8x64xf32, #tpu.memory_space<vmem>> -> memref<8x64xf32, #tpu.memory_space<vmem>>
    %dma_start3A_135 = arith.constant 0 : i32
    %dma_start3A_136 = tpu.memref_slice %arg5[%multiple_of3A_123, %dma_start3A_135] : memref<100000x64xf32, #tpu.memory_space<hbm>> -> memref<8x64xf32, #tpu.memory_space<hbm>>
    tpu.enqueue_dma source(%dma_start3A_136 : memref<8x64xf32, #tpu.memory_space<hbm>>) target(%dma_start3A_134 : memref<8x64xf32, #tpu.memory_space<vmem>>) target_semaphore(%arg15 : memref<!tpu.dma_semaphore, #tpu.memory_space<semaphore_mem>>)
    %slice3A_137 = vector.extract_strided_slice %and3A_7 {offsets = [4], sizes = [1], strides = [1]} : vector<16xi32> to vector<1xi32>
    %squeeze3A_138 = vector.extract %slice3A_137[0] : i32 from vector<1xi32>
    %multiple_of3A_139 = tpu.assume_multiple %squeeze3A_138, 8 : i32
    %dma_start3A_140 = arith.constant 4 : i32
    %dma_start3A_141 = arith.constant 0 : i32
    %dma_start3A_142 = arith.constant 0 : i32
    %dma_start3A_143 = tpu.memref_slice %arg10[%dma_start3A_140, %dma_start3A_141, %dma_start3A_142] : memref<32x8x64xf32, #tpu.memory_space<vmem>> -> memref<1x8x64xf32, #tpu.memory_space<vmem>>
    %dma_start3A_144 = tpu.memref_squeeze %dma_start3A_143 : memref<1x8x64xf32, #tpu.memory_space<vmem>> -> memref<8x64xf32, #tpu.memory_space<vmem>>
    %dma_start3A_145 = arith.constant 0 : i32
    %dma_start3A_146 = tpu.memref_slice %arg4[%multiple_of3A_139, %dma_start3A_145] : memref<1000000x64xf32, #tpu.memory_space<hbm>> -> memref<8x64xf32, #tpu.memory_space<hbm>>
    %dma_start3A_147 = arith.constant 0 : i32
    %dma_start3A_148 = arith.constant 0 : i32
    %dma_start3A_149 = tpu.memref_slice %arg10[%dma_start3A_140, %dma_start3A_147, %dma_start3A_148] : memref<32x8x64xf32, #tpu.memory_space<vmem>> -> memref<1x8x64xf32, #tpu.memory_space<vmem>>
    %dma_start3A_150 = tpu.memref_squeeze %dma_start3A_149 : memref<1x8x64xf32, #tpu.memory_space<vmem>> -> memref<8x64xf32, #tpu.memory_space<vmem>>
    %dma_start3A_151 = arith.constant 0 : i32
    %dma_start3A_152 = tpu.memref_slice %arg4[%multiple_of3A_139, %dma_start3A_151] : memref<1000000x64xf32, #tpu.memory_space<hbm>> -> memref<8x64xf32, #tpu.memory_space<hbm>>
    tpu.enqueue_dma source(%dma_start3A_152 : memref<8x64xf32, #tpu.memory_space<hbm>>) target(%dma_start3A_150 : memref<8x64xf32, #tpu.memory_space<vmem>>) target_semaphore(%arg14 : memref<!tpu.dma_semaphore, #tpu.memory_space<semaphore_mem>>)
    %slice3A_153 = vector.extract_strided_slice %and3A_12 {offsets = [4], sizes = [1], strides = [1]} : vector<16xi32> to vector<1xi32>
    %squeeze3A_154 = vector.extract %slice3A_153[0] : i32 from vector<1xi32>
    %multiple_of3A_155 = tpu.assume_multiple %squeeze3A_154, 8 : i32
    %dma_start3A_156 = arith.constant 4 : i32
    %dma_start3A_157 = arith.constant 0 : i32
    %dma_start3A_158 = arith.constant 0 : i32
    %dma_start3A_159 = tpu.memref_slice %arg11[%dma_start3A_156, %dma_start3A_157, %dma_start3A_158] : memref<32x8x64xf32, #tpu.memory_space<vmem>> -> memref<1x8x64xf32, #tpu.memory_space<vmem>>
    %dma_start3A_160 = tpu.memref_squeeze %dma_start3A_159 : memref<1x8x64xf32, #tpu.memory_space<vmem>> -> memref<8x64xf32, #tpu.memory_space<vmem>>
    %dma_start3A_161 = arith.constant 0 : i32
    %dma_start3A_162 = tpu.memref_slice %arg5[%multiple_of3A_155, %dma_start3A_161] : memref<100000x64xf32, #tpu.memory_space<hbm>> -> memref<8x64xf32, #tpu.memory_space<hbm>>
    %dma_start3A_163 = arith.constant 0 : i32
    %dma_start3A_164 = arith.constant 0 : i32
    %dma_start3A_165 = tpu.memref_slice %arg11[%dma_start3A_156, %dma_start3A_163, %dma_start3A_164] : memref<32x8x64xf32, #tpu.memory_space<vmem>> -> memref<1x8x64xf32, #tpu.memory_space<vmem>>
    %dma_start3A_166 = tpu.memref_squeeze %dma_start3A_165 : memref<1x8x64xf32, #tpu.memory_space<vmem>> -> memref<8x64xf32, #tpu.memory_space<vmem>>
    %dma_start3A_167 = arith.constant 0 : i32
    %dma_start3A_168 = tpu.memref_slice %arg5[%multiple_of3A_155, %dma_start3A_167] : memref<100000x64xf32, #tpu.memory_space<hbm>> -> memref<8x64xf32, #tpu.memory_space<hbm>>
    tpu.enqueue_dma source(%dma_start3A_168 : memref<8x64xf32, #tpu.memory_space<hbm>>) target(%dma_start3A_166 : memref<8x64xf32, #tpu.memory_space<vmem>>) target_semaphore(%arg15 : memref<!tpu.dma_semaphore, #tpu.memory_space<semaphore_mem>>)
    %slice3A_169 = vector.extract_strided_slice %and3A_7 {offsets = [5], sizes = [1], strides = [1]} : vector<16xi32> to vector<1xi32>
    %squeeze3A_170 = vector.extract %slice3A_169[0] : i32 from vector<1xi32>
    %multiple_of3A_171 = tpu.assume_multiple %squeeze3A_170, 8 : i32
    %dma_start3A_172 = arith.constant 5 : i32
    %dma_start3A_173 = arith.constant 0 : i32
    %dma_start3A_174 = arith.constant 0 : i32
    %dma_start3A_175 = tpu.memref_slice %arg10[%dma_start3A_172, %dma_start3A_173, %dma_start3A_174] : memref<32x8x64xf32, #tpu.memory_space<vmem>> -> memref<1x8x64xf32, #tpu.memory_space<vmem>>
    %dma_start3A_176 = tpu.memref_squeeze %dma_start3A_175 : memref<1x8x64xf32, #tpu.memory_space<vmem>> -> memref<8x64xf32, #tpu.memory_space<vmem>>
    %dma_start3A_177 = arith.constant 0 : i32
    %dma_start3A_178 = tpu.memref_slice %arg4[%multiple_of3A_171, %dma_start3A_177] : memref<1000000x64xf32, #tpu.memory_space<hbm>> -> memref<8x64xf32, #tpu.memory_space<hbm>>
    %dma_start3A_179 = arith.constant 0 : i32
    %dma_start3A_180 = arith.constant 0 : i32
    %dma_start3A_181 = tpu.memref_slice %arg10[%dma_start3A_172, %dma_start3A_179, %dma_start3A_180] : memref<32x8x64xf32, #tpu.memory_space<vmem>> -> memref<1x8x64xf32, #tpu.memory_space<vmem>>
    %dma_start3A_182 = tpu.memref_squeeze %dma_start3A_181 : memref<1x8x64xf32, #tpu.memory_space<vmem>> -> memref<8x64xf32, #tpu.memory_space<vmem>>
    %dma_start3A_183 = arith.constant 0 : i32
    %dma_start3A_184 = tpu.memref_slice %arg4[%multiple_of3A_171, %dma_start3A_183] : memref<1000000x64xf32, #tpu.memory_space<hbm>> -> memref<8x64xf32, #tpu.memory_space<hbm>>
    tpu.enqueue_dma source(%dma_start3A_184 : memref<8x64xf32, #tpu.memory_space<hbm>>) target(%dma_start3A_182 : memref<8x64xf32, #tpu.memory_space<vmem>>) target_semaphore(%arg14 : memref<!tpu.dma_semaphore, #tpu.memory_space<semaphore_mem>>)
    %slice3A_185 = vector.extract_strided_slice %and3A_12 {offsets = [5], sizes = [1], strides = [1]} : vector<16xi32> to vector<1xi32>
    %squeeze3A_186 = vector.extract %slice3A_185[0] : i32 from vector<1xi32>
    %multiple_of3A_187 = tpu.assume_multiple %squeeze3A_186, 8 : i32
    %dma_start3A_188 = arith.constant 5 : i32
    %dma_start3A_189 = arith.constant 0 : i32
    %dma_start3A_190 = arith.constant 0 : i32
    %dma_start3A_191 = tpu.memref_slice %arg11[%dma_start3A_188, %dma_start3A_189, %dma_start3A_190] : memref<32x8x64xf32, #tpu.memory_space<vmem>> -> memref<1x8x64xf32, #tpu.memory_space<vmem>>
    %dma_start3A_192 = tpu.memref_squeeze %dma_start3A_191 : memref<1x8x64xf32, #tpu.memory_space<vmem>> -> memref<8x64xf32, #tpu.memory_space<vmem>>
    %dma_start3A_193 = arith.constant 0 : i32
    %dma_start3A_194 = tpu.memref_slice %arg5[%multiple_of3A_187, %dma_start3A_193] : memref<100000x64xf32, #tpu.memory_space<hbm>> -> memref<8x64xf32, #tpu.memory_space<hbm>>
    %dma_start3A_195 = arith.constant 0 : i32
    %dma_start3A_196 = arith.constant 0 : i32
    %dma_start3A_197 = tpu.memref_slice %arg11[%dma_start3A_188, %dma_start3A_195, %dma_start3A_196] : memref<32x8x64xf32, #tpu.memory_space<vmem>> -> memref<1x8x64xf32, #tpu.memory_space<vmem>>
    %dma_start3A_198 = tpu.memref_squeeze %dma_start3A_197 : memref<1x8x64xf32, #tpu.memory_space<vmem>> -> memref<8x64xf32, #tpu.memory_space<vmem>>
    %dma_start3A_199 = arith.constant 0 : i32
    %dma_start3A_200 = tpu.memref_slice %arg5[%multiple_of3A_187, %dma_start3A_199] : memref<100000x64xf32, #tpu.memory_space<hbm>> -> memref<8x64xf32, #tpu.memory_space<hbm>>
    tpu.enqueue_dma source(%dma_start3A_200 : memref<8x64xf32, #tpu.memory_space<hbm>>) target(%dma_start3A_198 : memref<8x64xf32, #tpu.memory_space<vmem>>) target_semaphore(%arg15 : memref<!tpu.dma_semaphore, #tpu.memory_space<semaphore_mem>>)
    %slice3A_201 = vector.extract_strided_slice %and3A_7 {offsets = [6], sizes = [1], strides = [1]} : vector<16xi32> to vector<1xi32>
    %squeeze3A_202 = vector.extract %slice3A_201[0] : i32 from vector<1xi32>
    %multiple_of3A_203 = tpu.assume_multiple %squeeze3A_202, 8 : i32
    %dma_start3A_204 = arith.constant 6 : i32
    %dma_start3A_205 = arith.constant 0 : i32
    %dma_start3A_206 = arith.constant 0 : i32
    %dma_start3A_207 = tpu.memref_slice %arg10[%dma_start3A_204, %dma_start3A_205, %dma_start3A_206] : memref<32x8x64xf32, #tpu.memory_space<vmem>> -> memref<1x8x64xf32, #tpu.memory_space<vmem>>
    %dma_start3A_208 = tpu.memref_squeeze %dma_start3A_207 : memref<1x8x64xf32, #tpu.memory_space<vmem>> -> memref<8x64xf32, #tpu.memory_space<vmem>>
    %dma_start3A_209 = arith.constant 0 : i32
    %dma_start3A_210 = tpu.memref_slice %arg4[%multiple_of3A_203, %dma_start3A_209] : memref<1000000x64xf32, #tpu.memory_space<hbm>> -> memref<8x64xf32, #tpu.memory_space<hbm>>
    %dma_start3A_211 = arith.constant 0 : i32
    %dma_start3A_212 = arith.constant 0 : i32
    %dma_start3A_213 = tpu.memref_slice %arg10[%dma_start3A_204, %dma_start3A_211, %dma_start3A_212] : memref<32x8x64xf32, #tpu.memory_space<vmem>> -> memref<1x8x64xf32, #tpu.memory_space<vmem>>
    %dma_start3A_214 = tpu.memref_squeeze %dma_start3A_213 : memref<1x8x64xf32, #tpu.memory_space<vmem>> -> memref<8x64xf32, #tpu.memory_space<vmem>>
    %dma_start3A_215 = arith.constant 0 : i32
    %dma_start3A_216 = tpu.memref_slice %arg4[%multiple_of3A_203, %dma_start3A_215] : memref<1000000x64xf32, #tpu.memory_space<hbm>> -> memref<8x64xf32, #tpu.memory_space<hbm>>
    tpu.enqueue_dma source(%dma_start3A_216 : memref<8x64xf32, #tpu.memory_space<hbm>>) target(%dma_start3A_214 : memref<8x64xf32, #tpu.memory_space<vmem>>) target_semaphore(%arg14 : memref<!tpu.dma_semaphore, #tpu.memory_space<semaphore_mem>>)
    %slice3A_217 = vector.extract_strided_slice %and3A_12 {offsets = [6], sizes = [1], strides = [1]} : vector<16xi32> to vector<1xi32>
    %squeeze3A_218 = vector.extract %slice3A_217[0] : i32 from vector<1xi32>
    %multiple_of3A_219 = tpu.assume_multiple %squeeze3A_218, 8 : i32
    %dma_start3A_220 = arith.constant 6 : i32
    %dma_start3A_221 = arith.constant 0 : i32
    %dma_start3A_222 = arith.constant 0 : i32
    %dma_start3A_223 = tpu.memref_slice %arg11[%dma_start3A_220, %dma_start3A_221, %dma_start3A_222] : memref<32x8x64xf32, #tpu.memory_space<vmem>> -> memref<1x8x64xf32, #tpu.memory_space<vmem>>
    %dma_start3A_224 = tpu.memref_squeeze %dma_start3A_223 : memref<1x8x64xf32, #tpu.memory_space<vmem>> -> memref<8x64xf32, #tpu.memory_space<vmem>>
    %dma_start3A_225 = arith.constant 0 : i32
    %dma_start3A_226 = tpu.memref_slice %arg5[%multiple_of3A_219, %dma_start3A_225] : memref<100000x64xf32, #tpu.memory_space<hbm>> -> memref<8x64xf32, #tpu.memory_space<hbm>>
    %dma_start3A_227 = arith.constant 0 : i32
    %dma_start3A_228 = arith.constant 0 : i32
    %dma_start3A_229 = tpu.memref_slice %arg11[%dma_start3A_220, %dma_start3A_227, %dma_start3A_228] : memref<32x8x64xf32, #tpu.memory_space<vmem>> -> memref<1x8x64xf32, #tpu.memory_space<vmem>>
    %dma_start3A_230 = tpu.memref_squeeze %dma_start3A_229 : memref<1x8x64xf32, #tpu.memory_space<vmem>> -> memref<8x64xf32, #tpu.memory_space<vmem>>
    %dma_start3A_231 = arith.constant 0 : i32
    %dma_start3A_232 = tpu.memref_slice %arg5[%multiple_of3A_219, %dma_start3A_231] : memref<100000x64xf32, #tpu.memory_space<hbm>> -> memref<8x64xf32, #tpu.memory_space<hbm>>
    tpu.enqueue_dma source(%dma_start3A_232 : memref<8x64xf32, #tpu.memory_space<hbm>>) target(%dma_start3A_230 : memref<8x64xf32, #tpu.memory_space<vmem>>) target_semaphore(%arg15 : memref<!tpu.dma_semaphore, #tpu.memory_space<semaphore_mem>>)
    %slice3A_233 = vector.extract_strided_slice %and3A_7 {offsets = [7], sizes = [1], strides = [1]} : vector<16xi32> to vector<1xi32>
    %squeeze3A_234 = vector.extract %slice3A_233[0] : i32 from vector<1xi32>
    %multiple_of3A_235 = tpu.assume_multiple %squeeze3A_234, 8 : i32
    %dma_start3A_236 = arith.constant 7 : i32
    %dma_start3A_237 = arith.constant 0 : i32
    %dma_start3A_238 = arith.constant 0 : i32
    %dma_start3A_239 = tpu.memref_slice %arg10[%dma_start3A_236, %dma_start3A_237, %dma_start3A_238] : memref<32x8x64xf32, #tpu.memory_space<vmem>> -> memref<1x8x64xf32, #tpu.memory_space<vmem>>
    %dma_start3A_240 = tpu.memref_squeeze %dma_start3A_239 : memref<1x8x64xf32, #tpu.memory_space<vmem>> -> memref<8x64xf32, #tpu.memory_space<vmem>>
    %dma_start3A_241 = arith.constant 0 : i32
    %dma_start3A_242 = tpu.memref_slice %arg4[%multiple_of3A_235, %dma_start3A_241] : memref<1000000x64xf32, #tpu.memory_space<hbm>> -> memref<8x64xf32, #tpu.memory_space<hbm>>
    %dma_start3A_243 = arith.constant 0 : i32
    %dma_start3A_244 = arith.constant 0 : i32
    %dma_start3A_245 = tpu.memref_slice %arg10[%dma_start3A_236, %dma_start3A_243, %dma_start3A_244] : memref<32x8x64xf32, #tpu.memory_space<vmem>> -> memref<1x8x64xf32, #tpu.memory_space<vmem>>
    %dma_start3A_246 = tpu.memref_squeeze %dma_start3A_245 : memref<1x8x64xf32, #tpu.memory_space<vmem>> -> memref<8x64xf32, #tpu.memory_space<vmem>>
    %dma_start3A_247 = arith.constant 0 : i32
    %dma_start3A_248 = tpu.memref_slice %arg4[%multiple_of3A_235, %dma_start3A_247] : memref<1000000x64xf32, #tpu.memory_space<hbm>> -> memref<8x64xf32, #tpu.memory_space<hbm>>
    tpu.enqueue_dma source(%dma_start3A_248 : memref<8x64xf32, #tpu.memory_space<hbm>>) target(%dma_start3A_246 : memref<8x64xf32, #tpu.memory_space<vmem>>) target_semaphore(%arg14 : memref<!tpu.dma_semaphore, #tpu.memory_space<semaphore_mem>>)
    %slice3A_249 = vector.extract_strided_slice %and3A_12 {offsets = [7], sizes = [1], strides = [1]} : vector<16xi32> to vector<1xi32>
    %squeeze3A_250 = vector.extract %slice3A_249[0] : i32 from vector<1xi32>
    %multiple_of3A_251 = tpu.assume_multiple %squeeze3A_250, 8 : i32
    %dma_start3A_252 = arith.constant 7 : i32
    %dma_start3A_253 = arith.constant 0 : i32
    %dma_start3A_254 = arith.constant 0 : i32
    %dma_start3A_255 = tpu.memref_slice %arg11[%dma_start3A_252, %dma_start3A_253, %dma_start3A_254] : memref<32x8x64xf32, #tpu.memory_space<vmem>> -> memref<1x8x64xf32, #tpu.memory_space<vmem>>
    %dma_start3A_256 = tpu.memref_squeeze %dma_start3A_255 : memref<1x8x64xf32, #tpu.memory_space<vmem>> -> memref<8x64xf32, #tpu.memory_space<vmem>>
    %dma_start3A_257 = arith.constant 0 : i32
    %dma_start3A_258 = tpu.memref_slice %arg5[%multiple_of3A_251, %dma_start3A_257] : memref<100000x64xf32, #tpu.memory_space<hbm>> -> memref<8x64xf32, #tpu.memory_space<hbm>>
    %dma_start3A_259 = arith.constant 0 : i32
    %dma_start3A_260 = arith.constant 0 : i32
    %dma_start3A_261 = tpu.memref_slice %arg11[%dma_start3A_252, %dma_start3A_259, %dma_start3A_260] : memref<32x8x64xf32, #tpu.memory_space<vmem>> -> memref<1x8x64xf32, #tpu.memory_space<vmem>>
    %dma_start3A_262 = tpu.memref_squeeze %dma_start3A_261 : memref<1x8x64xf32, #tpu.memory_space<vmem>> -> memref<8x64xf32, #tpu.memory_space<vmem>>
    %dma_start3A_263 = arith.constant 0 : i32
    %dma_start3A_264 = tpu.memref_slice %arg5[%multiple_of3A_251, %dma_start3A_263] : memref<100000x64xf32, #tpu.memory_space<hbm>> -> memref<8x64xf32, #tpu.memory_space<hbm>>
    tpu.enqueue_dma source(%dma_start3A_264 : memref<8x64xf32, #tpu.memory_space<hbm>>) target(%dma_start3A_262 : memref<8x64xf32, #tpu.memory_space<vmem>>) target_semaphore(%arg15 : memref<!tpu.dma_semaphore, #tpu.memory_space<semaphore_mem>>)
    %slice3A_265 = vector.extract_strided_slice %and3A_7 {offsets = [8], sizes = [1], strides = [1]} : vector<16xi32> to vector<1xi32>
    %squeeze3A_266 = vector.extract %slice3A_265[0] : i32 from vector<1xi32>
    %multiple_of3A_267 = tpu.assume_multiple %squeeze3A_266, 8 : i32
    %dma_start3A_268 = arith.constant 8 : i32
    %dma_start3A_269 = arith.constant 0 : i32
    %dma_start3A_270 = arith.constant 0 : i32
    %dma_start3A_271 = tpu.memref_slice %arg10[%dma_start3A_268, %dma_start3A_269, %dma_start3A_270] : memref<32x8x64xf32, #tpu.memory_space<vmem>> -> memref<1x8x64xf32, #tpu.memory_space<vmem>>
    %dma_start3A_272 = tpu.memref_squeeze %dma_start3A_271 : memref<1x8x64xf32, #tpu.memory_space<vmem>> -> memref<8x64xf32, #tpu.memory_space<vmem>>
    %dma_start3A_273 = arith.constant 0 : i32
    %dma_start3A_274 = tpu.memref_slice %arg4[%multiple_of3A_267, %dma_start3A_273] : memref<1000000x64xf32, #tpu.memory_space<hbm>> -> memref<8x64xf32, #tpu.memory_space<hbm>>
    %dma_start3A_275 = arith.constant 0 : i32
    %dma_start3A_276 = arith.constant 0 : i32
    %dma_start3A_277 = tpu.memref_slice %arg10[%dma_start3A_268, %dma_start3A_275, %dma_start3A_276] : memref<32x8x64xf32, #tpu.memory_space<vmem>> -> memref<1x8x64xf32, #tpu.memory_space<vmem>>
    %dma_start3A_278 = tpu.memref_squeeze %dma_start3A_277 : memref<1x8x64xf32, #tpu.memory_space<vmem>> -> memref<8x64xf32, #tpu.memory_space<vmem>>
    %dma_start3A_279 = arith.constant 0 : i32
    %dma_start3A_280 = tpu.memref_slice %arg4[%multiple_of3A_267, %dma_start3A_279] : memref<1000000x64xf32, #tpu.memory_space<hbm>> -> memref<8x64xf32, #tpu.memory_space<hbm>>
    tpu.enqueue_dma source(%dma_start3A_280 : memref<8x64xf32, #tpu.memory_space<hbm>>) target(%dma_start3A_278 : memref<8x64xf32, #tpu.memory_space<vmem>>) target_semaphore(%arg14 : memref<!tpu.dma_semaphore, #tpu.memory_space<semaphore_mem>>)
    %slice3A_281 = vector.extract_strided_slice %and3A_12 {offsets = [8], sizes = [1], strides = [1]} : vector<16xi32> to vector<1xi32>
    %squeeze3A_282 = vector.extract %slice3A_281[0] : i32 from vector<1xi32>
    %multiple_of3A_283 = tpu.assume_multiple %squeeze3A_282, 8 : i32
    %dma_start3A_284 = arith.constant 8 : i32
    %dma_start3A_285 = arith.constant 0 : i32
    %dma_start3A_286 = arith.constant 0 : i32
    %dma_start3A_287 = tpu.memref_slice %arg11[%dma_start3A_284, %dma_start3A_285, %dma_start3A_286] : memref<32x8x64xf32, #tpu.memory_space<vmem>> -> memref<1x8x64xf32, #tpu.memory_space<vmem>>
    %dma_start3A_288 = tpu.memref_squeeze %dma_start3A_287 : memref<1x8x64xf32, #tpu.memory_space<vmem>> -> memref<8x64xf32, #tpu.memory_space<vmem>>
    %dma_start3A_289 = arith.constant 0 : i32
    %dma_start3A_290 = tpu.memref_slice %arg5[%multiple_of3A_283, %dma_start3A_289] : memref<100000x64xf32, #tpu.memory_space<hbm>> -> memref<8x64xf32, #tpu.memory_space<hbm>>
    %dma_start3A_291 = arith.constant 0 : i32
    %dma_start3A_292 = arith.constant 0 : i32
    %dma_start3A_293 = tpu.memref_slice %arg11[%dma_start3A_284, %dma_start3A_291, %dma_start3A_292] : memref<32x8x64xf32, #tpu.memory_space<vmem>> -> memref<1x8x64xf32, #tpu.memory_space<vmem>>
    %dma_start3A_294 = tpu.memref_squeeze %dma_start3A_293 : memref<1x8x64xf32, #tpu.memory_space<vmem>> -> memref<8x64xf32, #tpu.memory_space<vmem>>
    %dma_start3A_295 = arith.constant 0 : i32
    %dma_start3A_296 = tpu.memref_slice %arg5[%multiple_of3A_283, %dma_start3A_295] : memref<100000x64xf32, #tpu.memory_space<hbm>> -> memref<8x64xf32, #tpu.memory_space<hbm>>
    tpu.enqueue_dma source(%dma_start3A_296 : memref<8x64xf32, #tpu.memory_space<hbm>>) target(%dma_start3A_294 : memref<8x64xf32, #tpu.memory_space<vmem>>) target_semaphore(%arg15 : memref<!tpu.dma_semaphore, #tpu.memory_space<semaphore_mem>>)
    %slice3A_297 = vector.extract_strided_slice %and3A_7 {offsets = [9], sizes = [1], strides = [1]} : vector<16xi32> to vector<1xi32>
    %squeeze3A_298 = vector.extract %slice3A_297[0] : i32 from vector<1xi32>
    %multiple_of3A_299 = tpu.assume_multiple %squeeze3A_298, 8 : i32
    %dma_start3A_300 = arith.constant 9 : i32
    %dma_start3A_301 = arith.constant 0 : i32
    %dma_start3A_302 = arith.constant 0 : i32
    %dma_start3A_303 = tpu.memref_slice %arg10[%dma_start3A_300, %dma_start3A_301, %dma_start3A_302] : memref<32x8x64xf32, #tpu.memory_space<vmem>> -> memref<1x8x64xf32, #tpu.memory_space<vmem>>
    %dma_start3A_304 = tpu.memref_squeeze %dma_start3A_303 : memref<1x8x64xf32, #tpu.memory_space<vmem>> -> memref<8x64xf32, #tpu.memory_space<vmem>>
    %dma_start3A_305 = arith.constant 0 : i32
    %dma_start3A_306 = tpu.memref_slice %arg4[%multiple_of3A_299, %dma_start3A_305] : memref<1000000x64xf32, #tpu.memory_space<hbm>> -> memref<8x64xf32, #tpu.memory_space<hbm>>
    %dma_start3A_307 = arith.constant 0 : i32
    %dma_start3A_308 = arith.constant 0 : i32
    %dma_start3A_309 = tpu.memref_slice %arg10[%dma_start3A_300, %dma_start3A_307, %dma_start3A_308] : memref<32x8x64xf32, #tpu.memory_space<vmem>> -> memref<1x8x64xf32, #tpu.memory_space<vmem>>
    %dma_start3A_310 = tpu.memref_squeeze %dma_start3A_309 : memref<1x8x64xf32, #tpu.memory_space<vmem>> -> memref<8x64xf32, #tpu.memory_space<vmem>>
    %dma_start3A_311 = arith.constant 0 : i32
    %dma_start3A_312 = tpu.memref_slice %arg4[%multiple_of3A_299, %dma_start3A_311] : memref<1000000x64xf32, #tpu.memory_space<hbm>> -> memref<8x64xf32, #tpu.memory_space<hbm>>
    tpu.enqueue_dma source(%dma_start3A_312 : memref<8x64xf32, #tpu.memory_space<hbm>>) target(%dma_start3A_310 : memref<8x64xf32, #tpu.memory_space<vmem>>) target_semaphore(%arg14 : memref<!tpu.dma_semaphore, #tpu.memory_space<semaphore_mem>>)
    %slice3A_313 = vector.extract_strided_slice %and3A_12 {offsets = [9], sizes = [1], strides = [1]} : vector<16xi32> to vector<1xi32>
    %squeeze3A_314 = vector.extract %slice3A_313[0] : i32 from vector<1xi32>
    %multiple_of3A_315 = tpu.assume_multiple %squeeze3A_314, 8 : i32
    %dma_start3A_316 = arith.constant 9 : i32
    %dma_start3A_317 = arith.constant 0 : i32
    %dma_start3A_318 = arith.constant 0 : i32
    %dma_start3A_319 = tpu.memref_slice %arg11[%dma_start3A_316, %dma_start3A_317, %dma_start3A_318] : memref<32x8x64xf32, #tpu.memory_space<vmem>> -> memref<1x8x64xf32, #tpu.memory_space<vmem>>
    %dma_start3A_320 = tpu.memref_squeeze %dma_start3A_319 : memref<1x8x64xf32, #tpu.memory_space<vmem>> -> memref<8x64xf32, #tpu.memory_space<vmem>>
    %dma_start3A_321 = arith.constant 0 : i32
    %dma_start3A_322 = tpu.memref_slice %arg5[%multiple_of3A_315, %dma_start3A_321] : memref<100000x64xf32, #tpu.memory_space<hbm>> -> memref<8x64xf32, #tpu.memory_space<hbm>>
    %dma_start3A_323 = arith.constant 0 : i32
    %dma_start3A_324 = arith.constant 0 : i32
    %dma_start3A_325 = tpu.memref_slice %arg11[%dma_start3A_316, %dma_start3A_323, %dma_start3A_324] : memref<32x8x64xf32, #tpu.memory_space<vmem>> -> memref<1x8x64xf32, #tpu.memory_space<vmem>>
    %dma_start3A_326 = tpu.memref_squeeze %dma_start3A_325 : memref<1x8x64xf32, #tpu.memory_space<vmem>> -> memref<8x64xf32, #tpu.memory_space<vmem>>
    %dma_start3A_327 = arith.constant 0 : i32
    %dma_start3A_328 = tpu.memref_slice %arg5[%multiple_of3A_315, %dma_start3A_327] : memref<100000x64xf32, #tpu.memory_space<hbm>> -> memref<8x64xf32, #tpu.memory_space<hbm>>
    tpu.enqueue_dma source(%dma_start3A_328 : memref<8x64xf32, #tpu.memory_space<hbm>>) target(%dma_start3A_326 : memref<8x64xf32, #tpu.memory_space<vmem>>) target_semaphore(%arg15 : memref<!tpu.dma_semaphore, #tpu.memory_space<semaphore_mem>>)
    %slice3A_329 = vector.extract_strided_slice %and3A_7 {offsets = [10], sizes = [1], strides = [1]} : vector<16xi32> to vector<1xi32>
    %squeeze3A_330 = vector.extract %slice3A_329[0] : i32 from vector<1xi32>
    %multiple_of3A_331 = tpu.assume_multiple %squeeze3A_330, 8 : i32
    %dma_start3A_332 = arith.constant 10 : i32
    %dma_start3A_333 = arith.constant 0 : i32
    %dma_start3A_334 = arith.constant 0 : i32
    %dma_start3A_335 = tpu.memref_slice %arg10[%dma_start3A_332, %dma_start3A_333, %dma_start3A_334] : memref<32x8x64xf32, #tpu.memory_space<vmem>> -> memref<1x8x64xf32, #tpu.memory_space<vmem>>
    %dma_start3A_336 = tpu.memref_squeeze %dma_start3A_335 : memref<1x8x64xf32, #tpu.memory_space<vmem>> -> memref<8x64xf32, #tpu.memory_space<vmem>>
    %dma_start3A_337 = arith.constant 0 : i32
    %dma_start3A_338 = tpu.memref_slice %arg4[%multiple_of3A_331, %dma_start3A_337] : memref<1000000x64xf32, #tpu.memory_space<hbm>> -> memref<8x64xf32, #tpu.memory_space<hbm>>
    %dma_start3A_339 = arith.constant 0 : i32
    %dma_start3A_340 = arith.constant 0 : i32
    %dma_start3A_341 = tpu.memref_slice %arg10[%dma_start3A_332, %dma_start3A_339, %dma_start3A_340] : memref<32x8x64xf32, #tpu.memory_space<vmem>> -> memref<1x8x64xf32, #tpu.memory_space<vmem>>
    %dma_start3A_342 = tpu.memref_squeeze %dma_start3A_341 : memref<1x8x64xf32, #tpu.memory_space<vmem>> -> memref<8x64xf32, #tpu.memory_space<vmem>>
    %dma_start3A_343 = arith.constant 0 : i32
    %dma_start3A_344 = tpu.memref_slice %arg4[%multiple_of3A_331, %dma_start3A_343] : memref<1000000x64xf32, #tpu.memory_space<hbm>> -> memref<8x64xf32, #tpu.memory_space<hbm>>
    tpu.enqueue_dma source(%dma_start3A_344 : memref<8x64xf32, #tpu.memory_space<hbm>>) target(%dma_start3A_342 : memref<8x64xf32, #tpu.memory_space<vmem>>) target_semaphore(%arg14 : memref<!tpu.dma_semaphore, #tpu.memory_space<semaphore_mem>>)
    %slice3A_345 = vector.extract_strided_slice %and3A_12 {offsets = [10], sizes = [1], strides = [1]} : vector<16xi32> to vector<1xi32>
    %squeeze3A_346 = vector.extract %slice3A_345[0] : i32 from vector<1xi32>
    %multiple_of3A_347 = tpu.assume_multiple %squeeze3A_346, 8 : i32
    %dma_start3A_348 = arith.constant 10 : i32
    %dma_start3A_349 = arith.constant 0 : i32
    %dma_start3A_350 = arith.constant 0 : i32
    %dma_start3A_351 = tpu.memref_slice %arg11[%dma_start3A_348, %dma_start3A_349, %dma_start3A_350] : memref<32x8x64xf32, #tpu.memory_space<vmem>> -> memref<1x8x64xf32, #tpu.memory_space<vmem>>
    %dma_start3A_352 = tpu.memref_squeeze %dma_start3A_351 : memref<1x8x64xf32, #tpu.memory_space<vmem>> -> memref<8x64xf32, #tpu.memory_space<vmem>>
    %dma_start3A_353 = arith.constant 0 : i32
    %dma_start3A_354 = tpu.memref_slice %arg5[%multiple_of3A_347, %dma_start3A_353] : memref<100000x64xf32, #tpu.memory_space<hbm>> -> memref<8x64xf32, #tpu.memory_space<hbm>>
    %dma_start3A_355 = arith.constant 0 : i32
    %dma_start3A_356 = arith.constant 0 : i32
    %dma_start3A_357 = tpu.memref_slice %arg11[%dma_start3A_348, %dma_start3A_355, %dma_start3A_356] : memref<32x8x64xf32, #tpu.memory_space<vmem>> -> memref<1x8x64xf32, #tpu.memory_space<vmem>>
    %dma_start3A_358 = tpu.memref_squeeze %dma_start3A_357 : memref<1x8x64xf32, #tpu.memory_space<vmem>> -> memref<8x64xf32, #tpu.memory_space<vmem>>
    %dma_start3A_359 = arith.constant 0 : i32
    %dma_start3A_360 = tpu.memref_slice %arg5[%multiple_of3A_347, %dma_start3A_359] : memref<100000x64xf32, #tpu.memory_space<hbm>> -> memref<8x64xf32, #tpu.memory_space<hbm>>
    tpu.enqueue_dma source(%dma_start3A_360 : memref<8x64xf32, #tpu.memory_space<hbm>>) target(%dma_start3A_358 : memref<8x64xf32, #tpu.memory_space<vmem>>) target_semaphore(%arg15 : memref<!tpu.dma_semaphore, #tpu.memory_space<semaphore_mem>>)
    %slice3A_361 = vector.extract_strided_slice %and3A_7 {offsets = [11], sizes = [1], strides = [1]} : vector<16xi32> to vector<1xi32>
    %squeeze3A_362 = vector.extract %slice3A_361[0] : i32 from vector<1xi32>
    %multiple_of3A_363 = tpu.assume_multiple %squeeze3A_362, 8 : i32
    %dma_start3A_364 = arith.constant 11 : i32
    %dma_start3A_365 = arith.constant 0 : i32
    %dma_start3A_366 = arith.constant 0 : i32
    %dma_start3A_367 = tpu.memref_slice %arg10[%dma_start3A_364, %dma_start3A_365, %dma_start3A_366] : memref<32x8x64xf32, #tpu.memory_space<vmem>> -> memref<1x8x64xf32, #tpu.memory_space<vmem>>
    %dma_start3A_368 = tpu.memref_squeeze %dma_start3A_367 : memref<1x8x64xf32, #tpu.memory_space<vmem>> -> memref<8x64xf32, #tpu.memory_space<vmem>>
    %dma_start3A_369 = arith.constant 0 : i32
    %dma_start3A_370 = tpu.memref_slice %arg4[%multiple_of3A_363, %dma_start3A_369] : memref<1000000x64xf32, #tpu.memory_space<hbm>> -> memref<8x64xf32, #tpu.memory_space<hbm>>
    %dma_start3A_371 = arith.constant 0 : i32
    %dma_start3A_372 = arith.constant 0 : i32
    %dma_start3A_373 = tpu.memref_slice %arg10[%dma_start3A_364, %dma_start3A_371, %dma_start3A_372] : memref<32x8x64xf32, #tpu.memory_space<vmem>> -> memref<1x8x64xf32, #tpu.memory_space<vmem>>
    %dma_start3A_374 = tpu.memref_squeeze %dma_start3A_373 : memref<1x8x64xf32, #tpu.memory_space<vmem>> -> memref<8x64xf32, #tpu.memory_space<vmem>>
    %dma_start3A_375 = arith.constant 0 : i32
    %dma_start3A_376 = tpu.memref_slice %arg4[%multiple_of3A_363, %dma_start3A_375] : memref<1000000x64xf32, #tpu.memory_space<hbm>> -> memref<8x64xf32, #tpu.memory_space<hbm>>
    tpu.enqueue_dma source(%dma_start3A_376 : memref<8x64xf32, #tpu.memory_space<hbm>>) target(%dma_start3A_374 : memref<8x64xf32, #tpu.memory_space<vmem>>) target_semaphore(%arg14 : memref<!tpu.dma_semaphore, #tpu.memory_space<semaphore_mem>>)
    %slice3A_377 = vector.extract_strided_slice %and3A_12 {offsets = [11], sizes = [1], strides = [1]} : vector<16xi32> to vector<1xi32>
    %squeeze3A_378 = vector.extract %slice3A_377[0] : i32 from vector<1xi32>
    %multiple_of3A_379 = tpu.assume_multiple %squeeze3A_378, 8 : i32
    %dma_start3A_380 = arith.constant 11 : i32
    %dma_start3A_381 = arith.constant 0 : i32
    %dma_start3A_382 = arith.constant 0 : i32
    %dma_start3A_383 = tpu.memref_slice %arg11[%dma_start3A_380, %dma_start3A_381, %dma_start3A_382] : memref<32x8x64xf32, #tpu.memory_space<vmem>> -> memref<1x8x64xf32, #tpu.memory_space<vmem>>
    %dma_start3A_384 = tpu.memref_squeeze %dma_start3A_383 : memref<1x8x64xf32, #tpu.memory_space<vmem>> -> memref<8x64xf32, #tpu.memory_space<vmem>>
    %dma_start3A_385 = arith.constant 0 : i32
    %dma_start3A_386 = tpu.memref_slice %arg5[%multiple_of3A_379, %dma_start3A_385] : memref<100000x64xf32, #tpu.memory_space<hbm>> -> memref<8x64xf32, #tpu.memory_space<hbm>>
    %dma_start3A_387 = arith.constant 0 : i32
    %dma_start3A_388 = arith.constant 0 : i32
    %dma_start3A_389 = tpu.memref_slice %arg11[%dma_start3A_380, %dma_start3A_387, %dma_start3A_388] : memref<32x8x64xf32, #tpu.memory_space<vmem>> -> memref<1x8x64xf32, #tpu.memory_space<vmem>>
    %dma_start3A_390 = tpu.memref_squeeze %dma_start3A_389 : memref<1x8x64xf32, #tpu.memory_space<vmem>> -> memref<8x64xf32, #tpu.memory_space<vmem>>
    %dma_start3A_391 = arith.constant 0 : i32
    %dma_start3A_392 = tpu.memref_slice %arg5[%multiple_of3A_379, %dma_start3A_391] : memref<100000x64xf32, #tpu.memory_space<hbm>> -> memref<8x64xf32, #tpu.memory_space<hbm>>
    tpu.enqueue_dma source(%dma_start3A_392 : memref<8x64xf32, #tpu.memory_space<hbm>>) target(%dma_start3A_390 : memref<8x64xf32, #tpu.memory_space<vmem>>) target_semaphore(%arg15 : memref<!tpu.dma_semaphore, #tpu.memory_space<semaphore_mem>>)
    %slice3A_393 = vector.extract_strided_slice %and3A_7 {offsets = [12], sizes = [1], strides = [1]} : vector<16xi32> to vector<1xi32>
    %squeeze3A_394 = vector.extract %slice3A_393[0] : i32 from vector<1xi32>
    %multiple_of3A_395 = tpu.assume_multiple %squeeze3A_394, 8 : i32
    %dma_start3A_396 = arith.constant 12 : i32
    %dma_start3A_397 = arith.constant 0 : i32
    %dma_start3A_398 = arith.constant 0 : i32
    %dma_start3A_399 = tpu.memref_slice %arg10[%dma_start3A_396, %dma_start3A_397, %dma_start3A_398] : memref<32x8x64xf32, #tpu.memory_space<vmem>> -> memref<1x8x64xf32, #tpu.memory_space<vmem>>
    %dma_start3A_400 = tpu.memref_squeeze %dma_start3A_399 : memref<1x8x64xf32, #tpu.memory_space<vmem>> -> memref<8x64xf32, #tpu.memory_space<vmem>>
    %dma_start3A_401 = arith.constant 0 : i32
    %dma_start3A_402 = tpu.memref_slice %arg4[%multiple_of3A_395, %dma_start3A_401] : memref<1000000x64xf32, #tpu.memory_space<hbm>> -> memref<8x64xf32, #tpu.memory_space<hbm>>
    %dma_start3A_403 = arith.constant 0 : i32
    %dma_start3A_404 = arith.constant 0 : i32
    %dma_start3A_405 = tpu.memref_slice %arg10[%dma_start3A_396, %dma_start3A_403, %dma_start3A_404] : memref<32x8x64xf32, #tpu.memory_space<vmem>> -> memref<1x8x64xf32, #tpu.memory_space<vmem>>
    %dma_start3A_406 = tpu.memref_squeeze %dma_start3A_405 : memref<1x8x64xf32, #tpu.memory_space<vmem>> -> memref<8x64xf32, #tpu.memory_space<vmem>>
    %dma_start3A_407 = arith.constant 0 : i32
    %dma_start3A_408 = tpu.memref_slice %arg4[%multiple_of3A_395, %dma_start3A_407] : memref<1000000x64xf32, #tpu.memory_space<hbm>> -> memref<8x64xf32, #tpu.memory_space<hbm>>
    tpu.enqueue_dma source(%dma_start3A_408 : memref<8x64xf32, #tpu.memory_space<hbm>>) target(%dma_start3A_406 : memref<8x64xf32, #tpu.memory_space<vmem>>) target_semaphore(%arg14 : memref<!tpu.dma_semaphore, #tpu.memory_space<semaphore_mem>>)
    %slice3A_409 = vector.extract_strided_slice %and3A_12 {offsets = [12], sizes = [1], strides = [1]} : vector<16xi32> to vector<1xi32>
    %squeeze3A_410 = vector.extract %slice3A_409[0] : i32 from vector<1xi32>
    %multiple_of3A_411 = tpu.assume_multiple %squeeze3A_410, 8 : i32
    %dma_start3A_412 = arith.constant 12 : i32
    %dma_start3A_413 = arith.constant 0 : i32
    %dma_start3A_414 = arith.constant 0 : i32
    %dma_start3A_415 = tpu.memref_slice %arg11[%dma_start3A_412, %dma_start3A_413, %dma_start3A_414] : memref<32x8x64xf32, #tpu.memory_space<vmem>> -> memref<1x8x64xf32, #tpu.memory_space<vmem>>
    %dma_start3A_416 = tpu.memref_squeeze %dma_start3A_415 : memref<1x8x64xf32, #tpu.memory_space<vmem>> -> memref<8x64xf32, #tpu.memory_space<vmem>>
    %dma_start3A_417 = arith.constant 0 : i32
    %dma_start3A_418 = tpu.memref_slice %arg5[%multiple_of3A_411, %dma_start3A_417] : memref<100000x64xf32, #tpu.memory_space<hbm>> -> memref<8x64xf32, #tpu.memory_space<hbm>>
    %dma_start3A_419 = arith.constant 0 : i32
    %dma_start3A_420 = arith.constant 0 : i32
    %dma_start3A_421 = tpu.memref_slice %arg11[%dma_start3A_412, %dma_start3A_419, %dma_start3A_420] : memref<32x8x64xf32, #tpu.memory_space<vmem>> -> memref<1x8x64xf32, #tpu.memory_space<vmem>>
    %dma_start3A_422 = tpu.memref_squeeze %dma_start3A_421 : memref<1x8x64xf32, #tpu.memory_space<vmem>> -> memref<8x64xf32, #tpu.memory_space<vmem>>
    %dma_start3A_423 = arith.constant 0 : i32
    %dma_start3A_424 = tpu.memref_slice %arg5[%multiple_of3A_411, %dma_start3A_423] : memref<100000x64xf32, #tpu.memory_space<hbm>> -> memref<8x64xf32, #tpu.memory_space<hbm>>
    tpu.enqueue_dma source(%dma_start3A_424 : memref<8x64xf32, #tpu.memory_space<hbm>>) target(%dma_start3A_422 : memref<8x64xf32, #tpu.memory_space<vmem>>) target_semaphore(%arg15 : memref<!tpu.dma_semaphore, #tpu.memory_space<semaphore_mem>>)
    %slice3A_425 = vector.extract_strided_slice %and3A_7 {offsets = [13], sizes = [1], strides = [1]} : vector<16xi32> to vector<1xi32>
    %squeeze3A_426 = vector.extract %slice3A_425[0] : i32 from vector<1xi32>
    %multiple_of3A_427 = tpu.assume_multiple %squeeze3A_426, 8 : i32
    %dma_start3A_428 = arith.constant 13 : i32
    %dma_start3A_429 = arith.constant 0 : i32
    %dma_start3A_430 = arith.constant 0 : i32
    %dma_start3A_431 = tpu.memref_slice %arg10[%dma_start3A_428, %dma_start3A_429, %dma_start3A_430] : memref<32x8x64xf32, #tpu.memory_space<vmem>> -> memref<1x8x64xf32, #tpu.memory_space<vmem>>
    %dma_start3A_432 = tpu.memref_squeeze %dma_start3A_431 : memref<1x8x64xf32, #tpu.memory_space<vmem>> -> memref<8x64xf32, #tpu.memory_space<vmem>>
    %dma_start3A_433 = arith.constant 0 : i32
    %dma_start3A_434 = tpu.memref_slice %arg4[%multiple_of3A_427, %dma_start3A_433] : memref<1000000x64xf32, #tpu.memory_space<hbm>> -> memref<8x64xf32, #tpu.memory_space<hbm>>
    %dma_start3A_435 = arith.constant 0 : i32
    %dma_start3A_436 = arith.constant 0 : i32
    %dma_start3A_437 = tpu.memref_slice %arg10[%dma_start3A_428, %dma_start3A_435, %dma_start3A_436] : memref<32x8x64xf32, #tpu.memory_space<vmem>> -> memref<1x8x64xf32, #tpu.memory_space<vmem>>
    %dma_start3A_438 = tpu.memref_squeeze %dma_start3A_437 : memref<1x8x64xf32, #tpu.memory_space<vmem>> -> memref<8x64xf32, #tpu.memory_space<vmem>>
    %dma_start3A_439 = arith.constant 0 : i32
    %dma_start3A_440 = tpu.memref_slice %arg4[%multiple_of3A_427, %dma_start3A_439] : memref<1000000x64xf32, #tpu.memory_space<hbm>> -> memref<8x64xf32, #tpu.memory_space<hbm>>
    tpu.enqueue_dma source(%dma_start3A_440 : memref<8x64xf32, #tpu.memory_space<hbm>>) target(%dma_start3A_438 : memref<8x64xf32, #tpu.memory_space<vmem>>) target_semaphore(%arg14 : memref<!tpu.dma_semaphore, #tpu.memory_space<semaphore_mem>>)
    %slice3A_441 = vector.extract_strided_slice %and3A_12 {offsets = [13], sizes = [1], strides = [1]} : vector<16xi32> to vector<1xi32>
    %squeeze3A_442 = vector.extract %slice3A_441[0] : i32 from vector<1xi32>
    %multiple_of3A_443 = tpu.assume_multiple %squeeze3A_442, 8 : i32
    %dma_start3A_444 = arith.constant 13 : i32
    %dma_start3A_445 = arith.constant 0 : i32
    %dma_start3A_446 = arith.constant 0 : i32
    %dma_start3A_447 = tpu.memref_slice %arg11[%dma_start3A_444, %dma_start3A_445, %dma_start3A_446] : memref<32x8x64xf32, #tpu.memory_space<vmem>> -> memref<1x8x64xf32, #tpu.memory_space<vmem>>
    %dma_start3A_448 = tpu.memref_squeeze %dma_start3A_447 : memref<1x8x64xf32, #tpu.memory_space<vmem>> -> memref<8x64xf32, #tpu.memory_space<vmem>>
    %dma_start3A_449 = arith.constant 0 : i32
    %dma_start3A_450 = tpu.memref_slice %arg5[%multiple_of3A_443, %dma_start3A_449] : memref<100000x64xf32, #tpu.memory_space<hbm>> -> memref<8x64xf32, #tpu.memory_space<hbm>>
    %dma_start3A_451 = arith.constant 0 : i32
    %dma_start3A_452 = arith.constant 0 : i32
    %dma_start3A_453 = tpu.memref_slice %arg11[%dma_start3A_444, %dma_start3A_451, %dma_start3A_452] : memref<32x8x64xf32, #tpu.memory_space<vmem>> -> memref<1x8x64xf32, #tpu.memory_space<vmem>>
    %dma_start3A_454 = tpu.memref_squeeze %dma_start3A_453 : memref<1x8x64xf32, #tpu.memory_space<vmem>> -> memref<8x64xf32, #tpu.memory_space<vmem>>
    %dma_start3A_455 = arith.constant 0 : i32
    %dma_start3A_456 = tpu.memref_slice %arg5[%multiple_of3A_443, %dma_start3A_455] : memref<100000x64xf32, #tpu.memory_space<hbm>> -> memref<8x64xf32, #tpu.memory_space<hbm>>
    tpu.enqueue_dma source(%dma_start3A_456 : memref<8x64xf32, #tpu.memory_space<hbm>>) target(%dma_start3A_454 : memref<8x64xf32, #tpu.memory_space<vmem>>) target_semaphore(%arg15 : memref<!tpu.dma_semaphore, #tpu.memory_space<semaphore_mem>>)
    %slice3A_457 = vector.extract_strided_slice %and3A_7 {offsets = [14], sizes = [1], strides = [1]} : vector<16xi32> to vector<1xi32>
    %squeeze3A_458 = vector.extract %slice3A_457[0] : i32 from vector<1xi32>
    %multiple_of3A_459 = tpu.assume_multiple %squeeze3A_458, 8 : i32
    %dma_start3A_460 = arith.constant 14 : i32
    %dma_start3A_461 = arith.constant 0 : i32
    %dma_start3A_462 = arith.constant 0 : i32
    %dma_start3A_463 = tpu.memref_slice %arg10[%dma_start3A_460, %dma_start3A_461, %dma_start3A_462] : memref<32x8x64xf32, #tpu.memory_space<vmem>> -> memref<1x8x64xf32, #tpu.memory_space<vmem>>
    %dma_start3A_464 = tpu.memref_squeeze %dma_start3A_463 : memref<1x8x64xf32, #tpu.memory_space<vmem>> -> memref<8x64xf32, #tpu.memory_space<vmem>>
    %dma_start3A_465 = arith.constant 0 : i32
    %dma_start3A_466 = tpu.memref_slice %arg4[%multiple_of3A_459, %dma_start3A_465] : memref<1000000x64xf32, #tpu.memory_space<hbm>> -> memref<8x64xf32, #tpu.memory_space<hbm>>
    %dma_start3A_467 = arith.constant 0 : i32
    %dma_start3A_468 = arith.constant 0 : i32
    %dma_start3A_469 = tpu.memref_slice %arg10[%dma_start3A_460, %dma_start3A_467, %dma_start3A_468] : memref<32x8x64xf32, #tpu.memory_space<vmem>> -> memref<1x8x64xf32, #tpu.memory_space<vmem>>
    %dma_start3A_470 = tpu.memref_squeeze %dma_start3A_469 : memref<1x8x64xf32, #tpu.memory_space<vmem>> -> memref<8x64xf32, #tpu.memory_space<vmem>>
    %dma_start3A_471 = arith.constant 0 : i32
    %dma_start3A_472 = tpu.memref_slice %arg4[%multiple_of3A_459, %dma_start3A_471] : memref<1000000x64xf32, #tpu.memory_space<hbm>> -> memref<8x64xf32, #tpu.memory_space<hbm>>
    tpu.enqueue_dma source(%dma_start3A_472 : memref<8x64xf32, #tpu.memory_space<hbm>>) target(%dma_start3A_470 : memref<8x64xf32, #tpu.memory_space<vmem>>) target_semaphore(%arg14 : memref<!tpu.dma_semaphore, #tpu.memory_space<semaphore_mem>>)
    %slice3A_473 = vector.extract_strided_slice %and3A_12 {offsets = [14], sizes = [1], strides = [1]} : vector<16xi32> to vector<1xi32>
    %squeeze3A_474 = vector.extract %slice3A_473[0] : i32 from vector<1xi32>
    %multiple_of3A_475 = tpu.assume_multiple %squeeze3A_474, 8 : i32
    %dma_start3A_476 = arith.constant 14 : i32
    %dma_start3A_477 = arith.constant 0 : i32
    %dma_start3A_478 = arith.constant 0 : i32
    %dma_start3A_479 = tpu.memref_slice %arg11[%dma_start3A_476, %dma_start3A_477, %dma_start3A_478] : memref<32x8x64xf32, #tpu.memory_space<vmem>> -> memref<1x8x64xf32, #tpu.memory_space<vmem>>
    %dma_start3A_480 = tpu.memref_squeeze %dma_start3A_479 : memref<1x8x64xf32, #tpu.memory_space<vmem>> -> memref<8x64xf32, #tpu.memory_space<vmem>>
    %dma_start3A_481 = arith.constant 0 : i32
    %dma_start3A_482 = tpu.memref_slice %arg5[%multiple_of3A_475, %dma_start3A_481] : memref<100000x64xf32, #tpu.memory_space<hbm>> -> memref<8x64xf32, #tpu.memory_space<hbm>>
    %dma_start3A_483 = arith.constant 0 : i32
    %dma_start3A_484 = arith.constant 0 : i32
    %dma_start3A_485 = tpu.memref_slice %arg11[%dma_start3A_476, %dma_start3A_483, %dma_start3A_484] : memref<32x8x64xf32, #tpu.memory_space<vmem>> -> memref<1x8x64xf32, #tpu.memory_space<vmem>>
    %dma_start3A_486 = tpu.memref_squeeze %dma_start3A_485 : memref<1x8x64xf32, #tpu.memory_space<vmem>> -> memref<8x64xf32, #tpu.memory_space<vmem>>
    %dma_start3A_487 = arith.constant 0 : i32
    %dma_start3A_488 = tpu.memref_slice %arg5[%multiple_of3A_475, %dma_start3A_487] : memref<100000x64xf32, #tpu.memory_space<hbm>> -> memref<8x64xf32, #tpu.memory_space<hbm>>
    tpu.enqueue_dma source(%dma_start3A_488 : memref<8x64xf32, #tpu.memory_space<hbm>>) target(%dma_start3A_486 : memref<8x64xf32, #tpu.memory_space<vmem>>) target_semaphore(%arg15 : memref<!tpu.dma_semaphore, #tpu.memory_space<semaphore_mem>>)
    %slice3A_489 = vector.extract_strided_slice %and3A_7 {offsets = [15], sizes = [1], strides = [1]} : vector<16xi32> to vector<1xi32>
    %squeeze3A_490 = vector.extract %slice3A_489[0] : i32 from vector<1xi32>
    %multiple_of3A_491 = tpu.assume_multiple %squeeze3A_490, 8 : i32
    %dma_start3A_492 = arith.constant 15 : i32
    %dma_start3A_493 = arith.constant 0 : i32
    %dma_start3A_494 = arith.constant 0 : i32
    %dma_start3A_495 = tpu.memref_slice %arg10[%dma_start3A_492, %dma_start3A_493, %dma_start3A_494] : memref<32x8x64xf32, #tpu.memory_space<vmem>> -> memref<1x8x64xf32, #tpu.memory_space<vmem>>
    %dma_start3A_496 = tpu.memref_squeeze %dma_start3A_495 : memref<1x8x64xf32, #tpu.memory_space<vmem>> -> memref<8x64xf32, #tpu.memory_space<vmem>>
    %dma_start3A_497 = arith.constant 0 : i32
    %dma_start3A_498 = tpu.memref_slice %arg4[%multiple_of3A_491, %dma_start3A_497] : memref<1000000x64xf32, #tpu.memory_space<hbm>> -> memref<8x64xf32, #tpu.memory_space<hbm>>
    %dma_start3A_499 = arith.constant 0 : i32
    %dma_start3A_500 = arith.constant 0 : i32
    %dma_start3A_501 = tpu.memref_slice %arg10[%dma_start3A_492, %dma_start3A_499, %dma_start3A_500] : memref<32x8x64xf32, #tpu.memory_space<vmem>> -> memref<1x8x64xf32, #tpu.memory_space<vmem>>
    %dma_start3A_502 = tpu.memref_squeeze %dma_start3A_501 : memref<1x8x64xf32, #tpu.memory_space<vmem>> -> memref<8x64xf32, #tpu.memory_space<vmem>>
    %dma_start3A_503 = arith.constant 0 : i32
    %dma_start3A_504 = tpu.memref_slice %arg4[%multiple_of3A_491, %dma_start3A_503] : memref<1000000x64xf32, #tpu.memory_space<hbm>> -> memref<8x64xf32, #tpu.memory_space<hbm>>
    tpu.enqueue_dma source(%dma_start3A_504 : memref<8x64xf32, #tpu.memory_space<hbm>>) target(%dma_start3A_502 : memref<8x64xf32, #tpu.memory_space<vmem>>) target_semaphore(%arg14 : memref<!tpu.dma_semaphore, #tpu.memory_space<semaphore_mem>>)
    %slice3A_505 = vector.extract_strided_slice %and3A_12 {offsets = [15], sizes = [1], strides = [1]} : vector<16xi32> to vector<1xi32>
    %squeeze3A_506 = vector.extract %slice3A_505[0] : i32 from vector<1xi32>
    %multiple_of3A_507 = tpu.assume_multiple %squeeze3A_506, 8 : i32
    %dma_start3A_508 = arith.constant 15 : i32
    %dma_start3A_509 = arith.constant 0 : i32
    %dma_start3A_510 = arith.constant 0 : i32
    %dma_start3A_511 = tpu.memref_slice %arg11[%dma_start3A_508, %dma_start3A_509, %dma_start3A_510] : memref<32x8x64xf32, #tpu.memory_space<vmem>> -> memref<1x8x64xf32, #tpu.memory_space<vmem>>
    %dma_start3A_512 = tpu.memref_squeeze %dma_start3A_511 : memref<1x8x64xf32, #tpu.memory_space<vmem>> -> memref<8x64xf32, #tpu.memory_space<vmem>>
    %dma_start3A_513 = arith.constant 0 : i32
    %dma_start3A_514 = tpu.memref_slice %arg5[%multiple_of3A_507, %dma_start3A_513] : memref<100000x64xf32, #tpu.memory_space<hbm>> -> memref<8x64xf32, #tpu.memory_space<hbm>>
    %dma_start3A_515 = arith.constant 0 : i32
    %dma_start3A_516 = arith.constant 0 : i32
    %dma_start3A_517 = tpu.memref_slice %arg11[%dma_start3A_508, %dma_start3A_515, %dma_start3A_516] : memref<32x8x64xf32, #tpu.memory_space<vmem>> -> memref<1x8x64xf32, #tpu.memory_space<vmem>>
    %dma_start3A_518 = tpu.memref_squeeze %dma_start3A_517 : memref<1x8x64xf32, #tpu.memory_space<vmem>> -> memref<8x64xf32, #tpu.memory_space<vmem>>
    %dma_start3A_519 = arith.constant 0 : i32
    %dma_start3A_520 = tpu.memref_slice %arg5[%multiple_of3A_507, %dma_start3A_519] : memref<100000x64xf32, #tpu.memory_space<hbm>> -> memref<8x64xf32, #tpu.memory_space<hbm>>
    tpu.enqueue_dma source(%dma_start3A_520 : memref<8x64xf32, #tpu.memory_space<hbm>>) target(%dma_start3A_518 : memref<8x64xf32, #tpu.memory_space<vmem>>) target_semaphore(%arg15 : memref<!tpu.dma_semaphore, #tpu.memory_space<semaphore_mem>>)
    %get3A_521 = arith.constant 0 : index
    %get3A_522 = tpu.vector_load %arg12[%get3A_521] {strides = array<i32>} : memref<144xf32, #tpu.memory_space<vmem>>, vector<16xf32>,
    %get3A_523 = arith.constant 16 : index
    %get3A_524 = tpu.vector_load %arg12[%get3A_523] {strides = array<i32>} : memref<144xf32, #tpu.memory_space<vmem>>, vector<16xf32>,
    %get3A_525 = arith.constant 32 : index
    %get3A_526 = tpu.vector_load %arg12[%get3A_525] {strides = array<i32>} : memref<144xf32, #tpu.memory_space<vmem>>, vector<16xf32>,
    %get3A_527 = arith.constant 48 : index
    %get3A_528 = tpu.vector_load %arg12[%get3A_527] {strides = array<i32>} : memref<144xf32, #tpu.memory_space<vmem>>, vector<16xf32>,
    %get3A_529 = arith.constant 64 : index
    %get3A_530 = tpu.vector_load %arg12[%get3A_529] {strides = array<i32>} : memref<144xf32, #tpu.memory_space<vmem>>, vector<16xf32>,
    %get3A_531 = arith.constant 80 : index
    %get3A_532 = tpu.vector_load %arg12[%get3A_531] {strides = array<i32>} : memref<144xf32, #tpu.memory_space<vmem>>, vector<16xf32>,
    %get3A_533 = arith.constant 96 : index
    %get3A_534 = tpu.vector_load %arg12[%get3A_533] {strides = array<i32>} : memref<144xf32, #tpu.memory_space<vmem>>, vector<16xf32>,
    %get3A_535 = arith.constant 112 : index
    %get3A_536 = tpu.vector_load %arg12[%get3A_535] {strides = array<i32>} : memref<144xf32, #tpu.memory_space<vmem>>, vector<16xf32>,
    %get3A_537 = arith.constant 128 : index
    %get3A_538 = tpu.vector_load %arg12[%get3A_537] {strides = array<i32>} : memref<144xf32, #tpu.memory_space<vmem>>, vector<16xf32>,
    %scan3A = arith.constant 0 : i32
    %scan3A_539 = arith.constant 0 : i32
    %scan3A_540 = arith.constant 32 : i32
    %scan3A_541 = arith.addi %scan3A_539, %scan3A_540 : i32
    %scan3A_542 = arith.constant 1 : i32
    scf.for %scan3A_544 = %scan3A_539 to %scan3A_541 step %scan3A_542  : i32 {
      %rem3A = arith.constant 2 : i32
      %rem3A_545 = arith.remsi %scan3A_544, %rem3A : i32
      %mul3A_546 = arith.constant 16 : i32
      %mul3A_547 = arith.muli %rem3A_545, %mul3A_546 : i32
      %add3A_548 = arith.constant 0 : i32
      %add3A_549 = arith.addi %mul3A_547, %add3A_548 : i32
      %dma_wait3A = arith.constant 0 : i32
      %dma_wait3A_550 = arith.constant 0 : i32
      %dma_wait3A_551 = tpu.memref_slice %arg10[%add3A_549, %dma_wait3A, %dma_wait3A_550] : memref<32x8x64xf32, #tpu.memory_space<vmem>> -> memref<1x8x64xf32, #tpu.memory_space<vmem>>
      %dma_wait3A_552 = tpu.memref_squeeze %dma_wait3A_551 : memref<1x8x64xf32, #tpu.memory_space<vmem>> -> memref<8x64xf32, #tpu.memory_space<vmem>>
      %dma_wait3A_553 = arith.constant 0 : i32
      %dma_wait3A_554 = arith.constant 0 : i32
      %dma_wait3A_555 = tpu.memref_slice %arg4[%dma_wait3A_553, %dma_wait3A_554] : memref<1000000x64xf32, #tpu.memory_space<hbm>> -> memref<8x64xf32, #tpu.memory_space<hbm>>
      %dma_wait3A_556 = arith.constant 0 : i32
      %dma_wait3A_557 = arith.constant 0 : i32
      %dma_wait3A_558 = tpu.memref_slice %arg10[%add3A_549, %dma_wait3A_556, %dma_wait3A_557] : memref<32x8x64xf32, #tpu.memory_space<vmem>> -> memref<1x8x64xf32, #tpu.memory_space<vmem>>
      %dma_wait3A_559 = tpu.memref_squeeze %dma_wait3A_558 : memref<1x8x64xf32, #tpu.memory_space<vmem>> -> memref<8x64xf32, #tpu.memory_space<vmem>>
      %dma_wait3A_560 = arith.constant 0 : i32
      %dma_wait3A_561 = arith.constant 0 : i32
      %dma_wait3A_562 = tpu.memref_slice %arg4[%dma_wait3A_560, %dma_wait3A_561] : memref<1000000x64xf32, #tpu.memory_space<hbm>> -> memref<8x64xf32, #tpu.memory_space<hbm>>
      tpu.wait_dma2 semaphore(%arg14 : memref<!tpu.dma_semaphore, #tpu.memory_space<semaphore_mem>>) src(%dma_wait3A_562 : memref<8x64xf32, #tpu.memory_space<hbm>>) dst(%dma_wait3A_559 : memref<8x64xf32, #tpu.memory_space<vmem>>)
      %dma_wait3A_563 = arith.constant 0 : i32
      %dma_wait3A_564 = arith.constant 0 : i32
      %dma_wait3A_565 = tpu.memref_slice %arg11[%add3A_549, %dma_wait3A_563, %dma_wait3A_564] : memref<32x8x64xf32, #tpu.memory_space<vmem>> -> memref<1x8x64xf32, #tpu.memory_space<vmem>>
      %dma_wait3A_566 = tpu.memref_squeeze %dma_wait3A_565 : memref<1x8x64xf32, #tpu.memory_space<vmem>> -> memref<8x64xf32, #tpu.memory_space<vmem>>
      %dma_wait3A_567 = arith.constant 0 : i32
      %dma_wait3A_568 = arith.constant 0 : i32
      %dma_wait3A_569 = tpu.memref_slice %arg5[%dma_wait3A_567, %dma_wait3A_568] : memref<100000x64xf32, #tpu.memory_space<hbm>> -> memref<8x64xf32, #tpu.memory_space<hbm>>
      %dma_wait3A_570 = arith.constant 0 : i32
      %dma_wait3A_571 = arith.constant 0 : i32
      %dma_wait3A_572 = tpu.memref_slice %arg11[%add3A_549, %dma_wait3A_570, %dma_wait3A_571] : memref<32x8x64xf32, #tpu.memory_space<vmem>> -> memref<1x8x64xf32, #tpu.memory_space<vmem>>
      %dma_wait3A_573 = tpu.memref_squeeze %dma_wait3A_572 : memref<1x8x64xf32, #tpu.memory_space<vmem>> -> memref<8x64xf32, #tpu.memory_space<vmem>>
      %dma_wait3A_574 = arith.constant 0 : i32
      %dma_wait3A_575 = arith.constant 0 : i32
      %dma_wait3A_576 = tpu.memref_slice %arg5[%dma_wait3A_574, %dma_wait3A_575] : memref<100000x64xf32, #tpu.memory_space<hbm>> -> memref<8x64xf32, #tpu.memory_space<hbm>>
      tpu.wait_dma2 semaphore(%arg15 : memref<!tpu.dma_semaphore, #tpu.memory_space<semaphore_mem>>) src(%dma_wait3A_576 : memref<8x64xf32, #tpu.memory_space<hbm>>) dst(%dma_wait3A_573 : memref<8x64xf32, #tpu.memory_space<vmem>>)
      %mul3A_577 = arith.constant 16 : i32
      %mul3A_578 = arith.muli %rem3A_545, %mul3A_577 : i32
      %add3A_579 = arith.constant 1 : i32
      %add3A_580 = arith.addi %mul3A_578, %add3A_579 : i32
      %dma_wait3A_581 = arith.constant 0 : i32
      %dma_wait3A_582 = arith.constant 0 : i32
      %dma_wait3A_583 = tpu.memref_slice %arg10[%add3A_580, %dma_wait3A_581, %dma_wait3A_582] : memref<32x8x64xf32, #tpu.memory_space<vmem>> -> memref<1x8x64xf32, #tpu.memory_space<vmem>>
      %dma_wait3A_584 = tpu.memref_squeeze %dma_wait3A_583 : memref<1x8x64xf32, #tpu.memory_space<vmem>> -> memref<8x64xf32, #tpu.memory_space<vmem>>
      %dma_wait3A_585 = arith.constant 0 : i32
      %dma_wait3A_586 = arith.constant 0 : i32
      %dma_wait3A_587 = tpu.memref_slice %arg4[%dma_wait3A_585, %dma_wait3A_586] : memref<1000000x64xf32, #tpu.memory_space<hbm>> -> memref<8x64xf32, #tpu.memory_space<hbm>>
      %dma_wait3A_588 = arith.constant 0 : i32
      %dma_wait3A_589 = arith.constant 0 : i32
      %dma_wait3A_590 = tpu.memref_slice %arg10[%add3A_580, %dma_wait3A_588, %dma_wait3A_589] : memref<32x8x64xf32, #tpu.memory_space<vmem>> -> memref<1x8x64xf32, #tpu.memory_space<vmem>>
      %dma_wait3A_591 = tpu.memref_squeeze %dma_wait3A_590 : memref<1x8x64xf32, #tpu.memory_space<vmem>> -> memref<8x64xf32, #tpu.memory_space<vmem>>
      %dma_wait3A_592 = arith.constant 0 : i32
      %dma_wait3A_593 = arith.constant 0 : i32
      %dma_wait3A_594 = tpu.memref_slice %arg4[%dma_wait3A_592, %dma_wait3A_593] : memref<1000000x64xf32, #tpu.memory_space<hbm>> -> memref<8x64xf32, #tpu.memory_space<hbm>>
      tpu.wait_dma2 semaphore(%arg14 : memref<!tpu.dma_semaphore, #tpu.memory_space<semaphore_mem>>) src(%dma_wait3A_594 : memref<8x64xf32, #tpu.memory_space<hbm>>) dst(%dma_wait3A_591 : memref<8x64xf32, #tpu.memory_space<vmem>>)
      %dma_wait3A_595 = arith.constant 0 : i32
      %dma_wait3A_596 = arith.constant 0 : i32
      %dma_wait3A_597 = tpu.memref_slice %arg11[%add3A_580, %dma_wait3A_595, %dma_wait3A_596] : memref<32x8x64xf32, #tpu.memory_space<vmem>> -> memref<1x8x64xf32, #tpu.memory_space<vmem>>
      %dma_wait3A_598 = tpu.memref_squeeze %dma_wait3A_597 : memref<1x8x64xf32, #tpu.memory_space<vmem>> -> memref<8x64xf32, #tpu.memory_space<vmem>>
      %dma_wait3A_599 = arith.constant 0 : i32
      %dma_wait3A_600 = arith.constant 0 : i32
      %dma_wait3A_601 = tpu.memref_slice %arg5[%dma_wait3A_599, %dma_wait3A_600] : memref<100000x64xf32, #tpu.memory_space<hbm>> -> memref<8x64xf32, #tpu.memory_space<hbm>>
      %dma_wait3A_602 = arith.constant 0 : i32
      %dma_wait3A_603 = arith.constant 0 : i32
      %dma_wait3A_604 = tpu.memref_slice %arg11[%add3A_580, %dma_wait3A_602, %dma_wait3A_603] : memref<32x8x64xf32, #tpu.memory_space<vmem>> -> memref<1x8x64xf32, #tpu.memory_space<vmem>>
      %dma_wait3A_605 = tpu.memref_squeeze %dma_wait3A_604 : memref<1x8x64xf32, #tpu.memory_space<vmem>> -> memref<8x64xf32, #tpu.memory_space<vmem>>
      %dma_wait3A_606 = arith.constant 0 : i32
      %dma_wait3A_607 = arith.constant 0 : i32
      %dma_wait3A_608 = tpu.memref_slice %arg5[%dma_wait3A_606, %dma_wait3A_607] : memref<100000x64xf32, #tpu.memory_space<hbm>> -> memref<8x64xf32, #tpu.memory_space<hbm>>
      tpu.wait_dma2 semaphore(%arg15 : memref<!tpu.dma_semaphore, #tpu.memory_space<semaphore_mem>>) src(%dma_wait3A_608 : memref<8x64xf32, #tpu.memory_space<hbm>>) dst(%dma_wait3A_605 : memref<8x64xf32, #tpu.memory_space<vmem>>)
      %mul3A_609 = arith.constant 16 : i32
      %mul3A_610 = arith.muli %rem3A_545, %mul3A_609 : i32
      %add3A_611 = arith.constant 2 : i32
      %add3A_612 = arith.addi %mul3A_610, %add3A_611 : i32
      %dma_wait3A_613 = arith.constant 0 : i32
      %dma_wait3A_614 = arith.constant 0 : i32
      %dma_wait3A_615 = tpu.memref_slice %arg10[%add3A_612, %dma_wait3A_613, %dma_wait3A_614] : memref<32x8x64xf32, #tpu.memory_space<vmem>> -> memref<1x8x64xf32, #tpu.memory_space<vmem>>
      %dma_wait3A_616 = tpu.memref_squeeze %dma_wait3A_615 : memref<1x8x64xf32, #tpu.memory_space<vmem>> -> memref<8x64xf32, #tpu.memory_space<vmem>>
      %dma_wait3A_617 = arith.constant 0 : i32
      %dma_wait3A_618 = arith.constant 0 : i32
      %dma_wait3A_619 = tpu.memref_slice %arg4[%dma_wait3A_617, %dma_wait3A_618] : memref<1000000x64xf32, #tpu.memory_space<hbm>> -> memref<8x64xf32, #tpu.memory_space<hbm>>
      %dma_wait3A_620 = arith.constant 0 : i32
      %dma_wait3A_621 = arith.constant 0 : i32
      %dma_wait3A_622 = tpu.memref_slice %arg10[%add3A_612, %dma_wait3A_620, %dma_wait3A_621] : memref<32x8x64xf32, #tpu.memory_space<vmem>> -> memref<1x8x64xf32, #tpu.memory_space<vmem>>
      %dma_wait3A_623 = tpu.memref_squeeze %dma_wait3A_622 : memref<1x8x64xf32, #tpu.memory_space<vmem>> -> memref<8x64xf32, #tpu.memory_space<vmem>>
      %dma_wait3A_624 = arith.constant 0 : i32
      %dma_wait3A_625 = arith.constant 0 : i32
      %dma_wait3A_626 = tpu.memref_slice %arg4[%dma_wait3A_624, %dma_wait3A_625] : memref<1000000x64xf32, #tpu.memory_space<hbm>> -> memref<8x64xf32, #tpu.memory_space<hbm>>
      tpu.wait_dma2 semaphore(%arg14 : memref<!tpu.dma_semaphore, #tpu.memory_space<semaphore_mem>>) src(%dma_wait3A_626 : memref<8x64xf32, #tpu.memory_space<hbm>>) dst(%dma_wait3A_623 : memref<8x64xf32, #tpu.memory_space<vmem>>)
      %dma_wait3A_627 = arith.constant 0 : i32
      %dma_wait3A_628 = arith.constant 0 : i32
      %dma_wait3A_629 = tpu.memref_slice %arg11[%add3A_612, %dma_wait3A_627, %dma_wait3A_628] : memref<32x8x64xf32, #tpu.memory_space<vmem>> -> memref<1x8x64xf32, #tpu.memory_space<vmem>>
      %dma_wait3A_630 = tpu.memref_squeeze %dma_wait3A_629 : memref<1x8x64xf32, #tpu.memory_space<vmem>> -> memref<8x64xf32, #tpu.memory_space<vmem>>
      %dma_wait3A_631 = arith.constant 0 : i32
      %dma_wait3A_632 = arith.constant 0 : i32
      %dma_wait3A_633 = tpu.memref_slice %arg5[%dma_wait3A_631, %dma_wait3A_632] : memref<100000x64xf32, #tpu.memory_space<hbm>> -> memref<8x64xf32, #tpu.memory_space<hbm>>
      %dma_wait3A_634 = arith.constant 0 : i32
      %dma_wait3A_635 = arith.constant 0 : i32
      %dma_wait3A_636 = tpu.memref_slice %arg11[%add3A_612, %dma_wait3A_634, %dma_wait3A_635] : memref<32x8x64xf32, #tpu.memory_space<vmem>> -> memref<1x8x64xf32, #tpu.memory_space<vmem>>
      %dma_wait3A_637 = tpu.memref_squeeze %dma_wait3A_636 : memref<1x8x64xf32, #tpu.memory_space<vmem>> -> memref<8x64xf32, #tpu.memory_space<vmem>>
      %dma_wait3A_638 = arith.constant 0 : i32
      %dma_wait3A_639 = arith.constant 0 : i32
      %dma_wait3A_640 = tpu.memref_slice %arg5[%dma_wait3A_638, %dma_wait3A_639] : memref<100000x64xf32, #tpu.memory_space<hbm>> -> memref<8x64xf32, #tpu.memory_space<hbm>>
      tpu.wait_dma2 semaphore(%arg15 : memref<!tpu.dma_semaphore, #tpu.memory_space<semaphore_mem>>) src(%dma_wait3A_640 : memref<8x64xf32, #tpu.memory_space<hbm>>) dst(%dma_wait3A_637 : memref<8x64xf32, #tpu.memory_space<vmem>>)
      %mul3A_641 = arith.constant 16 : i32
      %mul3A_642 = arith.muli %rem3A_545, %mul3A_641 : i32
      %add3A_643 = arith.constant 3 : i32
      %add3A_644 = arith.addi %mul3A_642, %add3A_643 : i32
      %dma_wait3A_645 = arith.constant 0 : i32
      %dma_wait3A_646 = arith.constant 0 : i32
      %dma_wait3A_647 = tpu.memref_slice %arg10[%add3A_644, %dma_wait3A_645, %dma_wait3A_646] : memref<32x8x64xf32, #tpu.memory_space<vmem>> -> memref<1x8x64xf32, #tpu.memory_space<vmem>>
      %dma_wait3A_648 = tpu.memref_squeeze %dma_wait3A_647 : memref<1x8x64xf32, #tpu.memory_space<vmem>> -> memref<8x64xf32, #tpu.memory_space<vmem>>
      %dma_wait3A_649 = arith.constant 0 : i32
      %dma_wait3A_650 = arith.constant 0 : i32
      %dma_wait3A_651 = tpu.memref_slice %arg4[%dma_wait3A_649, %dma_wait3A_650] : memref<1000000x64xf32, #tpu.memory_space<hbm>> -> memref<8x64xf32, #tpu.memory_space<hbm>>
      %dma_wait3A_652 = arith.constant 0 : i32
      %dma_wait3A_653 = arith.constant 0 : i32
      %dma_wait3A_654 = tpu.memref_slice %arg10[%add3A_644, %dma_wait3A_652, %dma_wait3A_653] : memref<32x8x64xf32, #tpu.memory_space<vmem>> -> memref<1x8x64xf32, #tpu.memory_space<vmem>>
      %dma_wait3A_655 = tpu.memref_squeeze %dma_wait3A_654 : memref<1x8x64xf32, #tpu.memory_space<vmem>> -> memref<8x64xf32, #tpu.memory_space<vmem>>
      %dma_wait3A_656 = arith.constant 0 : i32
      %dma_wait3A_657 = arith.constant 0 : i32
      %dma_wait3A_658 = tpu.memref_slice %arg4[%dma_wait3A_656, %dma_wait3A_657] : memref<1000000x64xf32, #tpu.memory_space<hbm>> -> memref<8x64xf32, #tpu.memory_space<hbm>>
      tpu.wait_dma2 semaphore(%arg14 : memref<!tpu.dma_semaphore, #tpu.memory_space<semaphore_mem>>) src(%dma_wait3A_658 : memref<8x64xf32, #tpu.memory_space<hbm>>) dst(%dma_wait3A_655 : memref<8x64xf32, #tpu.memory_space<vmem>>)
      %dma_wait3A_659 = arith.constant 0 : i32
      %dma_wait3A_660 = arith.constant 0 : i32
      %dma_wait3A_661 = tpu.memref_slice %arg11[%add3A_644, %dma_wait3A_659, %dma_wait3A_660] : memref<32x8x64xf32, #tpu.memory_space<vmem>> -> memref<1x8x64xf32, #tpu.memory_space<vmem>>
      %dma_wait3A_662 = tpu.memref_squeeze %dma_wait3A_661 : memref<1x8x64xf32, #tpu.memory_space<vmem>> -> memref<8x64xf32, #tpu.memory_space<vmem>>
      %dma_wait3A_663 = arith.constant 0 : i32
      %dma_wait3A_664 = arith.constant 0 : i32
      %dma_wait3A_665 = tpu.memref_slice %arg5[%dma_wait3A_663, %dma_wait3A_664] : memref<100000x64xf32, #tpu.memory_space<hbm>> -> memref<8x64xf32, #tpu.memory_space<hbm>>
      %dma_wait3A_666 = arith.constant 0 : i32
      %dma_wait3A_667 = arith.constant 0 : i32
      %dma_wait3A_668 = tpu.memref_slice %arg11[%add3A_644, %dma_wait3A_666, %dma_wait3A_667] : memref<32x8x64xf32, #tpu.memory_space<vmem>> -> memref<1x8x64xf32, #tpu.memory_space<vmem>>
      %dma_wait3A_669 = tpu.memref_squeeze %dma_wait3A_668 : memref<1x8x64xf32, #tpu.memory_space<vmem>> -> memref<8x64xf32, #tpu.memory_space<vmem>>
      %dma_wait3A_670 = arith.constant 0 : i32
      %dma_wait3A_671 = arith.constant 0 : i32
      %dma_wait3A_672 = tpu.memref_slice %arg5[%dma_wait3A_670, %dma_wait3A_671] : memref<100000x64xf32, #tpu.memory_space<hbm>> -> memref<8x64xf32, #tpu.memory_space<hbm>>
      tpu.wait_dma2 semaphore(%arg15 : memref<!tpu.dma_semaphore, #tpu.memory_space<semaphore_mem>>) src(%dma_wait3A_672 : memref<8x64xf32, #tpu.memory_space<hbm>>) dst(%dma_wait3A_669 : memref<8x64xf32, #tpu.memory_space<vmem>>)
      %mul3A_673 = arith.constant 16 : i32
      %mul3A_674 = arith.muli %rem3A_545, %mul3A_673 : i32
      %add3A_675 = arith.constant 4 : i32
      %add3A_676 = arith.addi %mul3A_674, %add3A_675 : i32
      %dma_wait3A_677 = arith.constant 0 : i32
      %dma_wait3A_678 = arith.constant 0 : i32
      %dma_wait3A_679 = tpu.memref_slice %arg10[%add3A_676, %dma_wait3A_677, %dma_wait3A_678] : memref<32x8x64xf32, #tpu.memory_space<vmem>> -> memref<1x8x64xf32, #tpu.memory_space<vmem>>
      %dma_wait3A_680 = tpu.memref_squeeze %dma_wait3A_679 : memref<1x8x64xf32, #tpu.memory_space<vmem>> -> memref<8x64xf32, #tpu.memory_space<vmem>>
      %dma_wait3A_681 = arith.constant 0 : i32
      %dma_wait3A_682 = arith.constant 0 : i32
      %dma_wait3A_683 = tpu.memref_slice %arg4[%dma_wait3A_681, %dma_wait3A_682] : memref<1000000x64xf32, #tpu.memory_space<hbm>> -> memref<8x64xf32, #tpu.memory_space<hbm>>
      %dma_wait3A_684 = arith.constant 0 : i32
      %dma_wait3A_685 = arith.constant 0 : i32
      %dma_wait3A_686 = tpu.memref_slice %arg10[%add3A_676, %dma_wait3A_684, %dma_wait3A_685] : memref<32x8x64xf32, #tpu.memory_space<vmem>> -> memref<1x8x64xf32, #tpu.memory_space<vmem>>
      %dma_wait3A_687 = tpu.memref_squeeze %dma_wait3A_686 : memref<1x8x64xf32, #tpu.memory_space<vmem>> -> memref<8x64xf32, #tpu.memory_space<vmem>>
      %dma_wait3A_688 = arith.constant 0 : i32
      %dma_wait3A_689 = arith.constant 0 : i32
      %dma_wait3A_690 = tpu.memref_slice %arg4[%dma_wait3A_688, %dma_wait3A_689] : memref<1000000x64xf32, #tpu.memory_space<hbm>> -> memref<8x64xf32, #tpu.memory_space<hbm>>
      tpu.wait_dma2 semaphore(%arg14 : memref<!tpu.dma_semaphore, #tpu.memory_space<semaphore_mem>>) src(%dma_wait3A_690 : memref<8x64xf32, #tpu.memory_space<hbm>>) dst(%dma_wait3A_687 : memref<8x64xf32, #tpu.memory_space<vmem>>)
      %dma_wait3A_691 = arith.constant 0 : i32
      %dma_wait3A_692 = arith.constant 0 : i32
      %dma_wait3A_693 = tpu.memref_slice %arg11[%add3A_676, %dma_wait3A_691, %dma_wait3A_692] : memref<32x8x64xf32, #tpu.memory_space<vmem>> -> memref<1x8x64xf32, #tpu.memory_space<vmem>>
      %dma_wait3A_694 = tpu.memref_squeeze %dma_wait3A_693 : memref<1x8x64xf32, #tpu.memory_space<vmem>> -> memref<8x64xf32, #tpu.memory_space<vmem>>
      %dma_wait3A_695 = arith.constant 0 : i32
      %dma_wait3A_696 = arith.constant 0 : i32
      %dma_wait3A_697 = tpu.memref_slice %arg5[%dma_wait3A_695, %dma_wait3A_696] : memref<100000x64xf32, #tpu.memory_space<hbm>> -> memref<8x64xf32, #tpu.memory_space<hbm>>
      %dma_wait3A_698 = arith.constant 0 : i32
      %dma_wait3A_699 = arith.constant 0 : i32
      %dma_wait3A_700 = tpu.memref_slice %arg11[%add3A_676, %dma_wait3A_698, %dma_wait3A_699] : memref<32x8x64xf32, #tpu.memory_space<vmem>> -> memref<1x8x64xf32, #tpu.memory_space<vmem>>
      %dma_wait3A_701 = tpu.memref_squeeze %dma_wait3A_700 : memref<1x8x64xf32, #tpu.memory_space<vmem>> -> memref<8x64xf32, #tpu.memory_space<vmem>>
      %dma_wait3A_702 = arith.constant 0 : i32
      %dma_wait3A_703 = arith.constant 0 : i32
      %dma_wait3A_704 = tpu.memref_slice %arg5[%dma_wait3A_702, %dma_wait3A_703] : memref<100000x64xf32, #tpu.memory_space<hbm>> -> memref<8x64xf32, #tpu.memory_space<hbm>>
      tpu.wait_dma2 semaphore(%arg15 : memref<!tpu.dma_semaphore, #tpu.memory_space<semaphore_mem>>) src(%dma_wait3A_704 : memref<8x64xf32, #tpu.memory_space<hbm>>) dst(%dma_wait3A_701 : memref<8x64xf32, #tpu.memory_space<vmem>>)
      %mul3A_705 = arith.constant 16 : i32
      %mul3A_706 = arith.muli %rem3A_545, %mul3A_705 : i32
      %add3A_707 = arith.constant 5 : i32
      %add3A_708 = arith.addi %mul3A_706, %add3A_707 : i32
      %dma_wait3A_709 = arith.constant 0 : i32
      %dma_wait3A_710 = arith.constant 0 : i32
      %dma_wait3A_711 = tpu.memref_slice %arg10[%add3A_708, %dma_wait3A_709, %dma_wait3A_710] : memref<32x8x64xf32, #tpu.memory_space<vmem>> -> memref<1x8x64xf32, #tpu.memory_space<vmem>>
      %dma_wait3A_712 = tpu.memref_squeeze %dma_wait3A_711 : memref<1x8x64xf32, #tpu.memory_space<vmem>> -> memref<8x64xf32, #tpu.memory_space<vmem>>
      %dma_wait3A_713 = arith.constant 0 : i32
      %dma_wait3A_714 = arith.constant 0 : i32
      %dma_wait3A_715 = tpu.memref_slice %arg4[%dma_wait3A_713, %dma_wait3A_714] : memref<1000000x64xf32, #tpu.memory_space<hbm>> -> memref<8x64xf32, #tpu.memory_space<hbm>>
      %dma_wait3A_716 = arith.constant 0 : i32
      %dma_wait3A_717 = arith.constant 0 : i32
      %dma_wait3A_718 = tpu.memref_slice %arg10[%add3A_708, %dma_wait3A_716, %dma_wait3A_717] : memref<32x8x64xf32, #tpu.memory_space<vmem>> -> memref<1x8x64xf32, #tpu.memory_space<vmem>>
      %dma_wait3A_719 = tpu.memref_squeeze %dma_wait3A_718 : memref<1x8x64xf32, #tpu.memory_space<vmem>> -> memref<8x64xf32, #tpu.memory_space<vmem>>
      %dma_wait3A_720 = arith.constant 0 : i32
      %dma_wait3A_721 = arith.constant 0 : i32
      %dma_wait3A_722 = tpu.memref_slice %arg4[%dma_wait3A_720, %dma_wait3A_721] : memref<1000000x64xf32, #tpu.memory_space<hbm>> -> memref<8x64xf32, #tpu.memory_space<hbm>>
      tpu.wait_dma2 semaphore(%arg14 : memref<!tpu.dma_semaphore, #tpu.memory_space<semaphore_mem>>) src(%dma_wait3A_722 : memref<8x64xf32, #tpu.memory_space<hbm>>) dst(%dma_wait3A_719 : memref<8x64xf32, #tpu.memory_space<vmem>>)
      %dma_wait3A_723 = arith.constant 0 : i32
      %dma_wait3A_724 = arith.constant 0 : i32
      %dma_wait3A_725 = tpu.memref_slice %arg11[%add3A_708, %dma_wait3A_723, %dma_wait3A_724] : memref<32x8x64xf32, #tpu.memory_space<vmem>> -> memref<1x8x64xf32, #tpu.memory_space<vmem>>
      %dma_wait3A_726 = tpu.memref_squeeze %dma_wait3A_725 : memref<1x8x64xf32, #tpu.memory_space<vmem>> -> memref<8x64xf32, #tpu.memory_space<vmem>>
      %dma_wait3A_727 = arith.constant 0 : i32
      %dma_wait3A_728 = arith.constant 0 : i32
      %dma_wait3A_729 = tpu.memref_slice %arg5[%dma_wait3A_727, %dma_wait3A_728] : memref<100000x64xf32, #tpu.memory_space<hbm>> -> memref<8x64xf32, #tpu.memory_space<hbm>>
      %dma_wait3A_730 = arith.constant 0 : i32
      %dma_wait3A_731 = arith.constant 0 : i32
      %dma_wait3A_732 = tpu.memref_slice %arg11[%add3A_708, %dma_wait3A_730, %dma_wait3A_731] : memref<32x8x64xf32, #tpu.memory_space<vmem>> -> memref<1x8x64xf32, #tpu.memory_space<vmem>>
      %dma_wait3A_733 = tpu.memref_squeeze %dma_wait3A_732 : memref<1x8x64xf32, #tpu.memory_space<vmem>> -> memref<8x64xf32, #tpu.memory_space<vmem>>
      %dma_wait3A_734 = arith.constant 0 : i32
      %dma_wait3A_735 = arith.constant 0 : i32
      %dma_wait3A_736 = tpu.memref_slice %arg5[%dma_wait3A_734, %dma_wait3A_735] : memref<100000x64xf32, #tpu.memory_space<hbm>> -> memref<8x64xf32, #tpu.memory_space<hbm>>
      tpu.wait_dma2 semaphore(%arg15 : memref<!tpu.dma_semaphore, #tpu.memory_space<semaphore_mem>>) src(%dma_wait3A_736 : memref<8x64xf32, #tpu.memory_space<hbm>>) dst(%dma_wait3A_733 : memref<8x64xf32, #tpu.memory_space<vmem>>)
      %mul3A_737 = arith.constant 16 : i32
      %mul3A_738 = arith.muli %rem3A_545, %mul3A_737 : i32
      %add3A_739 = arith.constant 6 : i32
      %add3A_740 = arith.addi %mul3A_738, %add3A_739 : i32
      %dma_wait3A_741 = arith.constant 0 : i32
      %dma_wait3A_742 = arith.constant 0 : i32
      %dma_wait3A_743 = tpu.memref_slice %arg10[%add3A_740, %dma_wait3A_741, %dma_wait3A_742] : memref<32x8x64xf32, #tpu.memory_space<vmem>> -> memref<1x8x64xf32, #tpu.memory_space<vmem>>
      %dma_wait3A_744 = tpu.memref_squeeze %dma_wait3A_743 : memref<1x8x64xf32, #tpu.memory_space<vmem>> -> memref<8x64xf32, #tpu.memory_space<vmem>>
      %dma_wait3A_745 = arith.constant 0 : i32
      %dma_wait3A_746 = arith.constant 0 : i32
      %dma_wait3A_747 = tpu.memref_slice %arg4[%dma_wait3A_745, %dma_wait3A_746] : memref<1000000x64xf32, #tpu.memory_space<hbm>> -> memref<8x64xf32, #tpu.memory_space<hbm>>
      %dma_wait3A_748 = arith.constant 0 : i32
      %dma_wait3A_749 = arith.constant 0 : i32
      %dma_wait3A_750 = tpu.memref_slice %arg10[%add3A_740, %dma_wait3A_748, %dma_wait3A_749] : memref<32x8x64xf32, #tpu.memory_space<vmem>> -> memref<1x8x64xf32, #tpu.memory_space<vmem>>
      %dma_wait3A_751 = tpu.memref_squeeze %dma_wait3A_750 : memref<1x8x64xf32, #tpu.memory_space<vmem>> -> memref<8x64xf32, #tpu.memory_space<vmem>>
      %dma_wait3A_752 = arith.constant 0 : i32
      %dma_wait3A_753 = arith.constant 0 : i32
      %dma_wait3A_754 = tpu.memref_slice %arg4[%dma_wait3A_752, %dma_wait3A_753] : memref<1000000x64xf32, #tpu.memory_space<hbm>> -> memref<8x64xf32, #tpu.memory_space<hbm>>
      tpu.wait_dma2 semaphore(%arg14 : memref<!tpu.dma_semaphore, #tpu.memory_space<semaphore_mem>>) src(%dma_wait3A_754 : memref<8x64xf32, #tpu.memory_space<hbm>>) dst(%dma_wait3A_751 : memref<8x64xf32, #tpu.memory_space<vmem>>)
      %dma_wait3A_755 = arith.constant 0 : i32
      %dma_wait3A_756 = arith.constant 0 : i32
      %dma_wait3A_757 = tpu.memref_slice %arg11[%add3A_740, %dma_wait3A_755, %dma_wait3A_756] : memref<32x8x64xf32, #tpu.memory_space<vmem>> -> memref<1x8x64xf32, #tpu.memory_space<vmem>>
      %dma_wait3A_758 = tpu.memref_squeeze %dma_wait3A_757 : memref<1x8x64xf32, #tpu.memory_space<vmem>> -> memref<8x64xf32, #tpu.memory_space<vmem>>
      %dma_wait3A_759 = arith.constant 0 : i32
      %dma_wait3A_760 = arith.constant 0 : i32
      %dma_wait3A_761 = tpu.memref_slice %arg5[%dma_wait3A_759, %dma_wait3A_760] : memref<100000x64xf32, #tpu.memory_space<hbm>> -> memref<8x64xf32, #tpu.memory_space<hbm>>
      %dma_wait3A_762 = arith.constant 0 : i32
      %dma_wait3A_763 = arith.constant 0 : i32
      %dma_wait3A_764 = tpu.memref_slice %arg11[%add3A_740, %dma_wait3A_762, %dma_wait3A_763] : memref<32x8x64xf32, #tpu.memory_space<vmem>> -> memref<1x8x64xf32, #tpu.memory_space<vmem>>
      %dma_wait3A_765 = tpu.memref_squeeze %dma_wait3A_764 : memref<1x8x64xf32, #tpu.memory_space<vmem>> -> memref<8x64xf32, #tpu.memory_space<vmem>>
      %dma_wait3A_766 = arith.constant 0 : i32
      %dma_wait3A_767 = arith.constant 0 : i32
      %dma_wait3A_768 = tpu.memref_slice %arg5[%dma_wait3A_766, %dma_wait3A_767] : memref<100000x64xf32, #tpu.memory_space<hbm>> -> memref<8x64xf32, #tpu.memory_space<hbm>>
      tpu.wait_dma2 semaphore(%arg15 : memref<!tpu.dma_semaphore, #tpu.memory_space<semaphore_mem>>) src(%dma_wait3A_768 : memref<8x64xf32, #tpu.memory_space<hbm>>) dst(%dma_wait3A_765 : memref<8x64xf32, #tpu.memory_space<vmem>>)
      %mul3A_769 = arith.constant 16 : i32
      %mul3A_770 = arith.muli %rem3A_545, %mul3A_769 : i32
      %add3A_771 = arith.constant 7 : i32
      %add3A_772 = arith.addi %mul3A_770, %add3A_771 : i32
      %dma_wait3A_773 = arith.constant 0 : i32
      %dma_wait3A_774 = arith.constant 0 : i32
      %dma_wait3A_775 = tpu.memref_slice %arg10[%add3A_772, %dma_wait3A_773, %dma_wait3A_774] : memref<32x8x64xf32, #tpu.memory_space<vmem>> -> memref<1x8x64xf32, #tpu.memory_space<vmem>>
      %dma_wait3A_776 = tpu.memref_squeeze %dma_wait3A_775 : memref<1x8x64xf32, #tpu.memory_space<vmem>> -> memref<8x64xf32, #tpu.memory_space<vmem>>
      %dma_wait3A_777 = arith.constant 0 : i32
      %dma_wait3A_778 = arith.constant 0 : i32
      %dma_wait3A_779 = tpu.memref_slice %arg4[%dma_wait3A_777, %dma_wait3A_778] : memref<1000000x64xf32, #tpu.memory_space<hbm>> -> memref<8x64xf32, #tpu.memory_space<hbm>>
      %dma_wait3A_780 = arith.constant 0 : i32
      %dma_wait3A_781 = arith.constant 0 : i32
      %dma_wait3A_782 = tpu.memref_slice %arg10[%add3A_772, %dma_wait3A_780, %dma_wait3A_781] : memref<32x8x64xf32, #tpu.memory_space<vmem>> -> memref<1x8x64xf32, #tpu.memory_space<vmem>>
      %dma_wait3A_783 = tpu.memref_squeeze %dma_wait3A_782 : memref<1x8x64xf32, #tpu.memory_space<vmem>> -> memref<8x64xf32, #tpu.memory_space<vmem>>
      %dma_wait3A_784 = arith.constant 0 : i32
      %dma_wait3A_785 = arith.constant 0 : i32
      %dma_wait3A_786 = tpu.memref_slice %arg4[%dma_wait3A_784, %dma_wait3A_785] : memref<1000000x64xf32, #tpu.memory_space<hbm>> -> memref<8x64xf32, #tpu.memory_space<hbm>>
      tpu.wait_dma2 semaphore(%arg14 : memref<!tpu.dma_semaphore, #tpu.memory_space<semaphore_mem>>) src(%dma_wait3A_786 : memref<8x64xf32, #tpu.memory_space<hbm>>) dst(%dma_wait3A_783 : memref<8x64xf32, #tpu.memory_space<vmem>>)
      %dma_wait3A_787 = arith.constant 0 : i32
      %dma_wait3A_788 = arith.constant 0 : i32
      %dma_wait3A_789 = tpu.memref_slice %arg11[%add3A_772, %dma_wait3A_787, %dma_wait3A_788] : memref<32x8x64xf32, #tpu.memory_space<vmem>> -> memref<1x8x64xf32, #tpu.memory_space<vmem>>
      %dma_wait3A_790 = tpu.memref_squeeze %dma_wait3A_789 : memref<1x8x64xf32, #tpu.memory_space<vmem>> -> memref<8x64xf32, #tpu.memory_space<vmem>>
      %dma_wait3A_791 = arith.constant 0 : i32
      %dma_wait3A_792 = arith.constant 0 : i32
      %dma_wait3A_793 = tpu.memref_slice %arg5[%dma_wait3A_791, %dma_wait3A_792] : memref<100000x64xf32, #tpu.memory_space<hbm>> -> memref<8x64xf32, #tpu.memory_space<hbm>>
      %dma_wait3A_794 = arith.constant 0 : i32
      %dma_wait3A_795 = arith.constant 0 : i32
      %dma_wait3A_796 = tpu.memref_slice %arg11[%add3A_772, %dma_wait3A_794, %dma_wait3A_795] : memref<32x8x64xf32, #tpu.memory_space<vmem>> -> memref<1x8x64xf32, #tpu.memory_space<vmem>>
      %dma_wait3A_797 = tpu.memref_squeeze %dma_wait3A_796 : memref<1x8x64xf32, #tpu.memory_space<vmem>> -> memref<8x64xf32, #tpu.memory_space<vmem>>
      %dma_wait3A_798 = arith.constant 0 : i32
      %dma_wait3A_799 = arith.constant 0 : i32
      %dma_wait3A_800 = tpu.memref_slice %arg5[%dma_wait3A_798, %dma_wait3A_799] : memref<100000x64xf32, #tpu.memory_space<hbm>> -> memref<8x64xf32, #tpu.memory_space<hbm>>
      tpu.wait_dma2 semaphore(%arg15 : memref<!tpu.dma_semaphore, #tpu.memory_space<semaphore_mem>>) src(%dma_wait3A_800 : memref<8x64xf32, #tpu.memory_space<hbm>>) dst(%dma_wait3A_797 : memref<8x64xf32, #tpu.memory_space<vmem>>)
      %mul3A_801 = arith.constant 16 : i32
      %mul3A_802 = arith.muli %rem3A_545, %mul3A_801 : i32
      %add3A_803 = arith.constant 8 : i32
      %add3A_804 = arith.addi %mul3A_802, %add3A_803 : i32
      %dma_wait3A_805 = arith.constant 0 : i32
      %dma_wait3A_806 = arith.constant 0 : i32
      %dma_wait3A_807 = tpu.memref_slice %arg10[%add3A_804, %dma_wait3A_805, %dma_wait3A_806] : memref<32x8x64xf32, #tpu.memory_space<vmem>> -> memref<1x8x64xf32, #tpu.memory_space<vmem>>
      %dma_wait3A_808 = tpu.memref_squeeze %dma_wait3A_807 : memref<1x8x64xf32, #tpu.memory_space<vmem>> -> memref<8x64xf32, #tpu.memory_space<vmem>>
      %dma_wait3A_809 = arith.constant 0 : i32
      %dma_wait3A_810 = arith.constant 0 : i32
      %dma_wait3A_811 = tpu.memref_slice %arg4[%dma_wait3A_809, %dma_wait3A_810] : memref<1000000x64xf32, #tpu.memory_space<hbm>> -> memref<8x64xf32, #tpu.memory_space<hbm>>
      %dma_wait3A_812 = arith.constant 0 : i32
      %dma_wait3A_813 = arith.constant 0 : i32
      %dma_wait3A_814 = tpu.memref_slice %arg10[%add3A_804, %dma_wait3A_812, %dma_wait3A_813] : memref<32x8x64xf32, #tpu.memory_space<vmem>> -> memref<1x8x64xf32, #tpu.memory_space<vmem>>
      %dma_wait3A_815 = tpu.memref_squeeze %dma_wait3A_814 : memref<1x8x64xf32, #tpu.memory_space<vmem>> -> memref<8x64xf32, #tpu.memory_space<vmem>>
      %dma_wait3A_816 = arith.constant 0 : i32
      %dma_wait3A_817 = arith.constant 0 : i32
      %dma_wait3A_818 = tpu.memref_slice %arg4[%dma_wait3A_816, %dma_wait3A_817] : memref<1000000x64xf32, #tpu.memory_space<hbm>> -> memref<8x64xf32, #tpu.memory_space<hbm>>
      tpu.wait_dma2 semaphore(%arg14 : memref<!tpu.dma_semaphore, #tpu.memory_space<semaphore_mem>>) src(%dma_wait3A_818 : memref<8x64xf32, #tpu.memory_space<hbm>>) dst(%dma_wait3A_815 : memref<8x64xf32, #tpu.memory_space<vmem>>)
      %dma_wait3A_819 = arith.constant 0 : i32
      %dma_wait3A_820 = arith.constant 0 : i32
      %dma_wait3A_821 = tpu.memref_slice %arg11[%add3A_804, %dma_wait3A_819, %dma_wait3A_820] : memref<32x8x64xf32, #tpu.memory_space<vmem>> -> memref<1x8x64xf32, #tpu.memory_space<vmem>>
      %dma_wait3A_822 = tpu.memref_squeeze %dma_wait3A_821 : memref<1x8x64xf32, #tpu.memory_space<vmem>> -> memref<8x64xf32, #tpu.memory_space<vmem>>
      %dma_wait3A_823 = arith.constant 0 : i32
      %dma_wait3A_824 = arith.constant 0 : i32
      %dma_wait3A_825 = tpu.memref_slice %arg5[%dma_wait3A_823, %dma_wait3A_824] : memref<100000x64xf32, #tpu.memory_space<hbm>> -> memref<8x64xf32, #tpu.memory_space<hbm>>
      %dma_wait3A_826 = arith.constant 0 : i32
      %dma_wait3A_827 = arith.constant 0 : i32
      %dma_wait3A_828 = tpu.memref_slice %arg11[%add3A_804, %dma_wait3A_826, %dma_wait3A_827] : memref<32x8x64xf32, #tpu.memory_space<vmem>> -> memref<1x8x64xf32, #tpu.memory_space<vmem>>
      %dma_wait3A_829 = tpu.memref_squeeze %dma_wait3A_828 : memref<1x8x64xf32, #tpu.memory_space<vmem>> -> memref<8x64xf32, #tpu.memory_space<vmem>>
      %dma_wait3A_830 = arith.constant 0 : i32
      %dma_wait3A_831 = arith.constant 0 : i32
      %dma_wait3A_832 = tpu.memref_slice %arg5[%dma_wait3A_830, %dma_wait3A_831] : memref<100000x64xf32, #tpu.memory_space<hbm>> -> memref<8x64xf32, #tpu.memory_space<hbm>>
      tpu.wait_dma2 semaphore(%arg15 : memref<!tpu.dma_semaphore, #tpu.memory_space<semaphore_mem>>) src(%dma_wait3A_832 : memref<8x64xf32, #tpu.memory_space<hbm>>) dst(%dma_wait3A_829 : memref<8x64xf32, #tpu.memory_space<vmem>>)
      %mul3A_833 = arith.constant 16 : i32
      %mul3A_834 = arith.muli %rem3A_545, %mul3A_833 : i32
      %add3A_835 = arith.constant 9 : i32
      %add3A_836 = arith.addi %mul3A_834, %add3A_835 : i32
      %dma_wait3A_837 = arith.constant 0 : i32
      %dma_wait3A_838 = arith.constant 0 : i32
      %dma_wait3A_839 = tpu.memref_slice %arg10[%add3A_836, %dma_wait3A_837, %dma_wait3A_838] : memref<32x8x64xf32, #tpu.memory_space<vmem>> -> memref<1x8x64xf32, #tpu.memory_space<vmem>>
      %dma_wait3A_840 = tpu.memref_squeeze %dma_wait3A_839 : memref<1x8x64xf32, #tpu.memory_space<vmem>> -> memref<8x64xf32, #tpu.memory_space<vmem>>
      %dma_wait3A_841 = arith.constant 0 : i32
      %dma_wait3A_842 = arith.constant 0 : i32
      %dma_wait3A_843 = tpu.memref_slice %arg4[%dma_wait3A_841, %dma_wait3A_842] : memref<1000000x64xf32, #tpu.memory_space<hbm>> -> memref<8x64xf32, #tpu.memory_space<hbm>>
      %dma_wait3A_844 = arith.constant 0 : i32
      %dma_wait3A_845 = arith.constant 0 : i32
      %dma_wait3A_846 = tpu.memref_slice %arg10[%add3A_836, %dma_wait3A_844, %dma_wait3A_845] : memref<32x8x64xf32, #tpu.memory_space<vmem>> -> memref<1x8x64xf32, #tpu.memory_space<vmem>>
      %dma_wait3A_847 = tpu.memref_squeeze %dma_wait3A_846 : memref<1x8x64xf32, #tpu.memory_space<vmem>> -> memref<8x64xf32, #tpu.memory_space<vmem>>
      %dma_wait3A_848 = arith.constant 0 : i32
      %dma_wait3A_849 = arith.constant 0 : i32
      %dma_wait3A_850 = tpu.memref_slice %arg4[%dma_wait3A_848, %dma_wait3A_849] : memref<1000000x64xf32, #tpu.memory_space<hbm>> -> memref<8x64xf32, #tpu.memory_space<hbm>>
      tpu.wait_dma2 semaphore(%arg14 : memref<!tpu.dma_semaphore, #tpu.memory_space<semaphore_mem>>) src(%dma_wait3A_850 : memref<8x64xf32, #tpu.memory_space<hbm>>) dst(%dma_wait3A_847 : memref<8x64xf32, #tpu.memory_space<vmem>>)
      %dma_wait3A_851 = arith.constant 0 : i32
      %dma_wait3A_852 = arith.constant 0 : i32
      %dma_wait3A_853 = tpu.memref_slice %arg11[%add3A_836, %dma_wait3A_851, %dma_wait3A_852] : memref<32x8x64xf32, #tpu.memory_space<vmem>> -> memref<1x8x64xf32, #tpu.memory_space<vmem>>
      %dma_wait3A_854 = tpu.memref_squeeze %dma_wait3A_853 : memref<1x8x64xf32, #tpu.memory_space<vmem>> -> memref<8x64xf32, #tpu.memory_space<vmem>>
      %dma_wait3A_855 = arith.constant 0 : i32
      %dma_wait3A_856 = arith.constant 0 : i32
      %dma_wait3A_857 = tpu.memref_slice %arg5[%dma_wait3A_855, %dma_wait3A_856] : memref<100000x64xf32, #tpu.memory_space<hbm>> -> memref<8x64xf32, #tpu.memory_space<hbm>>
      %dma_wait3A_858 = arith.constant 0 : i32
      %dma_wait3A_859 = arith.constant 0 : i32
      %dma_wait3A_860 = tpu.memref_slice %arg11[%add3A_836, %dma_wait3A_858, %dma_wait3A_859] : memref<32x8x64xf32, #tpu.memory_space<vmem>> -> memref<1x8x64xf32, #tpu.memory_space<vmem>>
      %dma_wait3A_861 = tpu.memref_squeeze %dma_wait3A_860 : memref<1x8x64xf32, #tpu.memory_space<vmem>> -> memref<8x64xf32, #tpu.memory_space<vmem>>
      %dma_wait3A_862 = arith.constant 0 : i32
      %dma_wait3A_863 = arith.constant 0 : i32
      %dma_wait3A_864 = tpu.memref_slice %arg5[%dma_wait3A_862, %dma_wait3A_863] : memref<100000x64xf32, #tpu.memory_space<hbm>> -> memref<8x64xf32, #tpu.memory_space<hbm>>
      tpu.wait_dma2 semaphore(%arg15 : memref<!tpu.dma_semaphore, #tpu.memory_space<semaphore_mem>>) src(%dma_wait3A_864 : memref<8x64xf32, #tpu.memory_space<hbm>>) dst(%dma_wait3A_861 : memref<8x64xf32, #tpu.memory_space<vmem>>)
      %mul3A_865 = arith.constant 16 : i32
      %mul3A_866 = arith.muli %rem3A_545, %mul3A_865 : i32
      %add3A_867 = arith.constant 10 : i32
      %add3A_868 = arith.addi %mul3A_866, %add3A_867 : i32
      %dma_wait3A_869 = arith.constant 0 : i32
      %dma_wait3A_870 = arith.constant 0 : i32
      %dma_wait3A_871 = tpu.memref_slice %arg10[%add3A_868, %dma_wait3A_869, %dma_wait3A_870] : memref<32x8x64xf32, #tpu.memory_space<vmem>> -> memref<1x8x64xf32, #tpu.memory_space<vmem>>
      %dma_wait3A_872 = tpu.memref_squeeze %dma_wait3A_871 : memref<1x8x64xf32, #tpu.memory_space<vmem>> -> memref<8x64xf32, #tpu.memory_space<vmem>>
      %dma_wait3A_873 = arith.constant 0 : i32
      %dma_wait3A_874 = arith.constant 0 : i32
      %dma_wait3A_875 = tpu.memref_slice %arg4[%dma_wait3A_873, %dma_wait3A_874] : memref<1000000x64xf32, #tpu.memory_space<hbm>> -> memref<8x64xf32, #tpu.memory_space<hbm>>
      %dma_wait3A_876 = arith.constant 0 : i32
      %dma_wait3A_877 = arith.constant 0 : i32
      %dma_wait3A_878 = tpu.memref_slice %arg10[%add3A_868, %dma_wait3A_876, %dma_wait3A_877] : memref<32x8x64xf32, #tpu.memory_space<vmem>> -> memref<1x8x64xf32, #tpu.memory_space<vmem>>
      %dma_wait3A_879 = tpu.memref_squeeze %dma_wait3A_878 : memref<1x8x64xf32, #tpu.memory_space<vmem>> -> memref<8x64xf32, #tpu.memory_space<vmem>>
      %dma_wait3A_880 = arith.constant 0 : i32
      %dma_wait3A_881 = arith.constant 0 : i32
      %dma_wait3A_882 = tpu.memref_slice %arg4[%dma_wait3A_880, %dma_wait3A_881] : memref<1000000x64xf32, #tpu.memory_space<hbm>> -> memref<8x64xf32, #tpu.memory_space<hbm>>
      tpu.wait_dma2 semaphore(%arg14 : memref<!tpu.dma_semaphore, #tpu.memory_space<semaphore_mem>>) src(%dma_wait3A_882 : memref<8x64xf32, #tpu.memory_space<hbm>>) dst(%dma_wait3A_879 : memref<8x64xf32, #tpu.memory_space<vmem>>)
      %dma_wait3A_883 = arith.constant 0 : i32
      %dma_wait3A_884 = arith.constant 0 : i32
      %dma_wait3A_885 = tpu.memref_slice %arg11[%add3A_868, %dma_wait3A_883, %dma_wait3A_884] : memref<32x8x64xf32, #tpu.memory_space<vmem>> -> memref<1x8x64xf32, #tpu.memory_space<vmem>>
      %dma_wait3A_886 = tpu.memref_squeeze %dma_wait3A_885 : memref<1x8x64xf32, #tpu.memory_space<vmem>> -> memref<8x64xf32, #tpu.memory_space<vmem>>
      %dma_wait3A_887 = arith.constant 0 : i32
      %dma_wait3A_888 = arith.constant 0 : i32
      %dma_wait3A_889 = tpu.memref_slice %arg5[%dma_wait3A_887, %dma_wait3A_888] : memref<100000x64xf32, #tpu.memory_space<hbm>> -> memref<8x64xf32, #tpu.memory_space<hbm>>
      %dma_wait3A_890 = arith.constant 0 : i32
      %dma_wait3A_891 = arith.constant 0 : i32
      %dma_wait3A_892 = tpu.memref_slice %arg11[%add3A_868, %dma_wait3A_890, %dma_wait3A_891] : memref<32x8x64xf32, #tpu.memory_space<vmem>> -> memref<1x8x64xf32, #tpu.memory_space<vmem>>
      %dma_wait3A_893 = tpu.memref_squeeze %dma_wait3A_892 : memref<1x8x64xf32, #tpu.memory_space<vmem>> -> memref<8x64xf32, #tpu.memory_space<vmem>>
      %dma_wait3A_894 = arith.constant 0 : i32
      %dma_wait3A_895 = arith.constant 0 : i32
      %dma_wait3A_896 = tpu.memref_slice %arg5[%dma_wait3A_894, %dma_wait3A_895] : memref<100000x64xf32, #tpu.memory_space<hbm>> -> memref<8x64xf32, #tpu.memory_space<hbm>>
      tpu.wait_dma2 semaphore(%arg15 : memref<!tpu.dma_semaphore, #tpu.memory_space<semaphore_mem>>) src(%dma_wait3A_896 : memref<8x64xf32, #tpu.memory_space<hbm>>) dst(%dma_wait3A_893 : memref<8x64xf32, #tpu.memory_space<vmem>>)
      %mul3A_897 = arith.constant 16 : i32
      %mul3A_898 = arith.muli %rem3A_545, %mul3A_897 : i32
      %add3A_899 = arith.constant 11 : i32
      %add3A_900 = arith.addi %mul3A_898, %add3A_899 : i32
      %dma_wait3A_901 = arith.constant 0 : i32
      %dma_wait3A_902 = arith.constant 0 : i32
      %dma_wait3A_903 = tpu.memref_slice %arg10[%add3A_900, %dma_wait3A_901, %dma_wait3A_902] : memref<32x8x64xf32, #tpu.memory_space<vmem>> -> memref<1x8x64xf32, #tpu.memory_space<vmem>>
      %dma_wait3A_904 = tpu.memref_squeeze %dma_wait3A_903 : memref<1x8x64xf32, #tpu.memory_space<vmem>> -> memref<8x64xf32, #tpu.memory_space<vmem>>
      %dma_wait3A_905 = arith.constant 0 : i32
      %dma_wait3A_906 = arith.constant 0 : i32
      %dma_wait3A_907 = tpu.memref_slice %arg4[%dma_wait3A_905, %dma_wait3A_906] : memref<1000000x64xf32, #tpu.memory_space<hbm>> -> memref<8x64xf32, #tpu.memory_space<hbm>>
      %dma_wait3A_908 = arith.constant 0 : i32
      %dma_wait3A_909 = arith.constant 0 : i32
      %dma_wait3A_910 = tpu.memref_slice %arg10[%add3A_900, %dma_wait3A_908, %dma_wait3A_909] : memref<32x8x64xf32, #tpu.memory_space<vmem>> -> memref<1x8x64xf32, #tpu.memory_space<vmem>>
      %dma_wait3A_911 = tpu.memref_squeeze %dma_wait3A_910 : memref<1x8x64xf32, #tpu.memory_space<vmem>> -> memref<8x64xf32, #tpu.memory_space<vmem>>
      %dma_wait3A_912 = arith.constant 0 : i32
      %dma_wait3A_913 = arith.constant 0 : i32
      %dma_wait3A_914 = tpu.memref_slice %arg4[%dma_wait3A_912, %dma_wait3A_913] : memref<1000000x64xf32, #tpu.memory_space<hbm>> -> memref<8x64xf32, #tpu.memory_space<hbm>>
      tpu.wait_dma2 semaphore(%arg14 : memref<!tpu.dma_semaphore, #tpu.memory_space<semaphore_mem>>) src(%dma_wait3A_914 : memref<8x64xf32, #tpu.memory_space<hbm>>) dst(%dma_wait3A_911 : memref<8x64xf32, #tpu.memory_space<vmem>>)
      %dma_wait3A_915 = arith.constant 0 : i32
      %dma_wait3A_916 = arith.constant 0 : i32
      %dma_wait3A_917 = tpu.memref_slice %arg11[%add3A_900, %dma_wait3A_915, %dma_wait3A_916] : memref<32x8x64xf32, #tpu.memory_space<vmem>> -> memref<1x8x64xf32, #tpu.memory_space<vmem>>
      %dma_wait3A_918 = tpu.memref_squeeze %dma_wait3A_917 : memref<1x8x64xf32, #tpu.memory_space<vmem>> -> memref<8x64xf32, #tpu.memory_space<vmem>>
      %dma_wait3A_919 = arith.constant 0 : i32
      %dma_wait3A_920 = arith.constant 0 : i32
      %dma_wait3A_921 = tpu.memref_slice %arg5[%dma_wait3A_919, %dma_wait3A_920] : memref<100000x64xf32, #tpu.memory_space<hbm>> -> memref<8x64xf32, #tpu.memory_space<hbm>>
      %dma_wait3A_922 = arith.constant 0 : i32
      %dma_wait3A_923 = arith.constant 0 : i32
      %dma_wait3A_924 = tpu.memref_slice %arg11[%add3A_900, %dma_wait3A_922, %dma_wait3A_923] : memref<32x8x64xf32, #tpu.memory_space<vmem>> -> memref<1x8x64xf32, #tpu.memory_space<vmem>>
      %dma_wait3A_925 = tpu.memref_squeeze %dma_wait3A_924 : memref<1x8x64xf32, #tpu.memory_space<vmem>> -> memref<8x64xf32, #tpu.memory_space<vmem>>
      %dma_wait3A_926 = arith.constant 0 : i32
      %dma_wait3A_927 = arith.constant 0 : i32
      %dma_wait3A_928 = tpu.memref_slice %arg5[%dma_wait3A_926, %dma_wait3A_927] : memref<100000x64xf32, #tpu.memory_space<hbm>> -> memref<8x64xf32, #tpu.memory_space<hbm>>
      tpu.wait_dma2 semaphore(%arg15 : memref<!tpu.dma_semaphore, #tpu.memory_space<semaphore_mem>>) src(%dma_wait3A_928 : memref<8x64xf32, #tpu.memory_space<hbm>>) dst(%dma_wait3A_925 : memref<8x64xf32, #tpu.memory_space<vmem>>)
      %mul3A_929 = arith.constant 16 : i32
      %mul3A_930 = arith.muli %rem3A_545, %mul3A_929 : i32
      %add3A_931 = arith.constant 12 : i32
      %add3A_932 = arith.addi %mul3A_930, %add3A_931 : i32
      %dma_wait3A_933 = arith.constant 0 : i32
      %dma_wait3A_934 = arith.constant 0 : i32
      %dma_wait3A_935 = tpu.memref_slice %arg10[%add3A_932, %dma_wait3A_933, %dma_wait3A_934] : memref<32x8x64xf32, #tpu.memory_space<vmem>> -> memref<1x8x64xf32, #tpu.memory_space<vmem>>
      %dma_wait3A_936 = tpu.memref_squeeze %dma_wait3A_935 : memref<1x8x64xf32, #tpu.memory_space<vmem>> -> memref<8x64xf32, #tpu.memory_space<vmem>>
      %dma_wait3A_937 = arith.constant 0 : i32
      %dma_wait3A_938 = arith.constant 0 : i32
      %dma_wait3A_939 = tpu.memref_slice %arg4[%dma_wait3A_937, %dma_wait3A_938] : memref<1000000x64xf32, #tpu.memory_space<hbm>> -> memref<8x64xf32, #tpu.memory_space<hbm>>
      %dma_wait3A_940 = arith.constant 0 : i32
      %dma_wait3A_941 = arith.constant 0 : i32
      %dma_wait3A_942 = tpu.memref_slice %arg10[%add3A_932, %dma_wait3A_940, %dma_wait3A_941] : memref<32x8x64xf32, #tpu.memory_space<vmem>> -> memref<1x8x64xf32, #tpu.memory_space<vmem>>
      %dma_wait3A_943 = tpu.memref_squeeze %dma_wait3A_942 : memref<1x8x64xf32, #tpu.memory_space<vmem>> -> memref<8x64xf32, #tpu.memory_space<vmem>>
      %dma_wait3A_944 = arith.constant 0 : i32
      %dma_wait3A_945 = arith.constant 0 : i32
      %dma_wait3A_946 = tpu.memref_slice %arg4[%dma_wait3A_944, %dma_wait3A_945] : memref<1000000x64xf32, #tpu.memory_space<hbm>> -> memref<8x64xf32, #tpu.memory_space<hbm>>
      tpu.wait_dma2 semaphore(%arg14 : memref<!tpu.dma_semaphore, #tpu.memory_space<semaphore_mem>>) src(%dma_wait3A_946 : memref<8x64xf32, #tpu.memory_space<hbm>>) dst(%dma_wait3A_943 : memref<8x64xf32, #tpu.memory_space<vmem>>)
      %dma_wait3A_947 = arith.constant 0 : i32
      %dma_wait3A_948 = arith.constant 0 : i32
      %dma_wait3A_949 = tpu.memref_slice %arg11[%add3A_932, %dma_wait3A_947, %dma_wait3A_948] : memref<32x8x64xf32, #tpu.memory_space<vmem>> -> memref<1x8x64xf32, #tpu.memory_space<vmem>>
      %dma_wait3A_950 = tpu.memref_squeeze %dma_wait3A_949 : memref<1x8x64xf32, #tpu.memory_space<vmem>> -> memref<8x64xf32, #tpu.memory_space<vmem>>
      %dma_wait3A_951 = arith.constant 0 : i32
      %dma_wait3A_952 = arith.constant 0 : i32
      %dma_wait3A_953 = tpu.memref_slice %arg5[%dma_wait3A_951, %dma_wait3A_952] : memref<100000x64xf32, #tpu.memory_space<hbm>> -> memref<8x64xf32, #tpu.memory_space<hbm>>
      %dma_wait3A_954 = arith.constant 0 : i32
      %dma_wait3A_955 = arith.constant 0 : i32
      %dma_wait3A_956 = tpu.memref_slice %arg11[%add3A_932, %dma_wait3A_954, %dma_wait3A_955] : memref<32x8x64xf32, #tpu.memory_space<vmem>> -> memref<1x8x64xf32, #tpu.memory_space<vmem>>
      %dma_wait3A_957 = tpu.memref_squeeze %dma_wait3A_956 : memref<1x8x64xf32, #tpu.memory_space<vmem>> -> memref<8x64xf32, #tpu.memory_space<vmem>>
      %dma_wait3A_958 = arith.constant 0 : i32
      %dma_wait3A_959 = arith.constant 0 : i32
      %dma_wait3A_960 = tpu.memref_slice %arg5[%dma_wait3A_958, %dma_wait3A_959] : memref<100000x64xf32, #tpu.memory_space<hbm>> -> memref<8x64xf32, #tpu.memory_space<hbm>>
      tpu.wait_dma2 semaphore(%arg15 : memref<!tpu.dma_semaphore, #tpu.memory_space<semaphore_mem>>) src(%dma_wait3A_960 : memref<8x64xf32, #tpu.memory_space<hbm>>) dst(%dma_wait3A_957 : memref<8x64xf32, #tpu.memory_space<vmem>>)
      %mul3A_961 = arith.constant 16 : i32
      %mul3A_962 = arith.muli %rem3A_545, %mul3A_961 : i32
      %add3A_963 = arith.constant 13 : i32
      %add3A_964 = arith.addi %mul3A_962, %add3A_963 : i32
      %dma_wait3A_965 = arith.constant 0 : i32
      %dma_wait3A_966 = arith.constant 0 : i32
      %dma_wait3A_967 = tpu.memref_slice %arg10[%add3A_964, %dma_wait3A_965, %dma_wait3A_966] : memref<32x8x64xf32, #tpu.memory_space<vmem>> -> memref<1x8x64xf32, #tpu.memory_space<vmem>>
      %dma_wait3A_968 = tpu.memref_squeeze %dma_wait3A_967 : memref<1x8x64xf32, #tpu.memory_space<vmem>> -> memref<8x64xf32, #tpu.memory_space<vmem>>
      %dma_wait3A_969 = arith.constant 0 : i32
      %dma_wait3A_970 = arith.constant 0 : i32
      %dma_wait3A_971 = tpu.memref_slice %arg4[%dma_wait3A_969, %dma_wait3A_970] : memref<1000000x64xf32, #tpu.memory_space<hbm>> -> memref<8x64xf32, #tpu.memory_space<hbm>>
      %dma_wait3A_972 = arith.constant 0 : i32
      %dma_wait3A_973 = arith.constant 0 : i32
      %dma_wait3A_974 = tpu.memref_slice %arg10[%add3A_964, %dma_wait3A_972, %dma_wait3A_973] : memref<32x8x64xf32, #tpu.memory_space<vmem>> -> memref<1x8x64xf32, #tpu.memory_space<vmem>>
      %dma_wait3A_975 = tpu.memref_squeeze %dma_wait3A_974 : memref<1x8x64xf32, #tpu.memory_space<vmem>> -> memref<8x64xf32, #tpu.memory_space<vmem>>
      %dma_wait3A_976 = arith.constant 0 : i32
      %dma_wait3A_977 = arith.constant 0 : i32
      %dma_wait3A_978 = tpu.memref_slice %arg4[%dma_wait3A_976, %dma_wait3A_977] : memref<1000000x64xf32, #tpu.memory_space<hbm>> -> memref<8x64xf32, #tpu.memory_space<hbm>>
      tpu.wait_dma2 semaphore(%arg14 : memref<!tpu.dma_semaphore, #tpu.memory_space<semaphore_mem>>) src(%dma_wait3A_978 : memref<8x64xf32, #tpu.memory_space<hbm>>) dst(%dma_wait3A_975 : memref<8x64xf32, #tpu.memory_space<vmem>>)
      %dma_wait3A_979 = arith.constant 0 : i32
      %dma_wait3A_980 = arith.constant 0 : i32
      %dma_wait3A_981 = tpu.memref_slice %arg11[%add3A_964, %dma_wait3A_979, %dma_wait3A_980] : memref<32x8x64xf32, #tpu.memory_space<vmem>> -> memref<1x8x64xf32, #tpu.memory_space<vmem>>
      %dma_wait3A_982 = tpu.memref_squeeze %dma_wait3A_981 : memref<1x8x64xf32, #tpu.memory_space<vmem>> -> memref<8x64xf32, #tpu.memory_space<vmem>>
      %dma_wait3A_983 = arith.constant 0 : i32
      %dma_wait3A_984 = arith.constant 0 : i32
      %dma_wait3A_985 = tpu.memref_slice %arg5[%dma_wait3A_983, %dma_wait3A_984] : memref<100000x64xf32, #tpu.memory_space<hbm>> -> memref<8x64xf32, #tpu.memory_space<hbm>>
      %dma_wait3A_986 = arith.constant 0 : i32
      %dma_wait3A_987 = arith.constant 0 : i32
      %dma_wait3A_988 = tpu.memref_slice %arg11[%add3A_964, %dma_wait3A_986, %dma_wait3A_987] : memref<32x8x64xf32, #tpu.memory_space<vmem>> -> memref<1x8x64xf32, #tpu.memory_space<vmem>>
      %dma_wait3A_989 = tpu.memref_squeeze %dma_wait3A_988 : memref<1x8x64xf32, #tpu.memory_space<vmem>> -> memref<8x64xf32, #tpu.memory_space<vmem>>
      %dma_wait3A_990 = arith.constant 0 : i32
      %dma_wait3A_991 = arith.constant 0 : i32
      %dma_wait3A_992 = tpu.memref_slice %arg5[%dma_wait3A_990, %dma_wait3A_991] : memref<100000x64xf32, #tpu.memory_space<hbm>> -> memref<8x64xf32, #tpu.memory_space<hbm>>
      tpu.wait_dma2 semaphore(%arg15 : memref<!tpu.dma_semaphore, #tpu.memory_space<semaphore_mem>>) src(%dma_wait3A_992 : memref<8x64xf32, #tpu.memory_space<hbm>>) dst(%dma_wait3A_989 : memref<8x64xf32, #tpu.memory_space<vmem>>)
      %mul3A_993 = arith.constant 16 : i32
      %mul3A_994 = arith.muli %rem3A_545, %mul3A_993 : i32
      %add3A_995 = arith.constant 14 : i32
      %add3A_996 = arith.addi %mul3A_994, %add3A_995 : i32
      %dma_wait3A_997 = arith.constant 0 : i32
      %dma_wait3A_998 = arith.constant 0 : i32
      %dma_wait3A_999 = tpu.memref_slice %arg10[%add3A_996, %dma_wait3A_997, %dma_wait3A_998] : memref<32x8x64xf32, #tpu.memory_space<vmem>> -> memref<1x8x64xf32, #tpu.memory_space<vmem>>
      %dma_wait3A_1000 = tpu.memref_squeeze %dma_wait3A_999 : memref<1x8x64xf32, #tpu.memory_space<vmem>> -> memref<8x64xf32, #tpu.memory_space<vmem>>
      %dma_wait3A_1001 = arith.constant 0 : i32
      %dma_wait3A_1002 = arith.constant 0 : i32
      %dma_wait3A_1003 = tpu.memref_slice %arg4[%dma_wait3A_1001, %dma_wait3A_1002] : memref<1000000x64xf32, #tpu.memory_space<hbm>> -> memref<8x64xf32, #tpu.memory_space<hbm>>
      %dma_wait3A_1004 = arith.constant 0 : i32
      %dma_wait3A_1005 = arith.constant 0 : i32
      %dma_wait3A_1006 = tpu.memref_slice %arg10[%add3A_996, %dma_wait3A_1004, %dma_wait3A_1005] : memref<32x8x64xf32, #tpu.memory_space<vmem>> -> memref<1x8x64xf32, #tpu.memory_space<vmem>>
      %dma_wait3A_1007 = tpu.memref_squeeze %dma_wait3A_1006 : memref<1x8x64xf32, #tpu.memory_space<vmem>> -> memref<8x64xf32, #tpu.memory_space<vmem>>
      %dma_wait3A_1008 = arith.constant 0 : i32
      %dma_wait3A_1009 = arith.constant 0 : i32
      %dma_wait3A_1010 = tpu.memref_slice %arg4[%dma_wait3A_1008, %dma_wait3A_1009] : memref<1000000x64xf32, #tpu.memory_space<hbm>> -> memref<8x64xf32, #tpu.memory_space<hbm>>
      tpu.wait_dma2 semaphore(%arg14 : memref<!tpu.dma_semaphore, #tpu.memory_space<semaphore_mem>>) src(%dma_wait3A_1010 : memref<8x64xf32, #tpu.memory_space<hbm>>) dst(%dma_wait3A_1007 : memref<8x64xf32, #tpu.memory_space<vmem>>)
      %dma_wait3A_1011 = arith.constant 0 : i32
      %dma_wait3A_1012 = arith.constant 0 : i32
      %dma_wait3A_1013 = tpu.memref_slice %arg11[%add3A_996, %dma_wait3A_1011, %dma_wait3A_1012] : memref<32x8x64xf32, #tpu.memory_space<vmem>> -> memref<1x8x64xf32, #tpu.memory_space<vmem>>
      %dma_wait3A_1014 = tpu.memref_squeeze %dma_wait3A_1013 : memref<1x8x64xf32, #tpu.memory_space<vmem>> -> memref<8x64xf32, #tpu.memory_space<vmem>>
      %dma_wait3A_1015 = arith.constant 0 : i32
      %dma_wait3A_1016 = arith.constant 0 : i32
      %dma_wait3A_1017 = tpu.memref_slice %arg5[%dma_wait3A_1015, %dma_wait3A_1016] : memref<100000x64xf32, #tpu.memory_space<hbm>> -> memref<8x64xf32, #tpu.memory_space<hbm>>
      %dma_wait3A_1018 = arith.constant 0 : i32
      %dma_wait3A_1019 = arith.constant 0 : i32
      %dma_wait3A_1020 = tpu.memref_slice %arg11[%add3A_996, %dma_wait3A_1018, %dma_wait3A_1019] : memref<32x8x64xf32, #tpu.memory_space<vmem>> -> memref<1x8x64xf32, #tpu.memory_space<vmem>>
      %dma_wait3A_1021 = tpu.memref_squeeze %dma_wait3A_1020 : memref<1x8x64xf32, #tpu.memory_space<vmem>> -> memref<8x64xf32, #tpu.memory_space<vmem>>
      %dma_wait3A_1022 = arith.constant 0 : i32
      %dma_wait3A_1023 = arith.constant 0 : i32
      %dma_wait3A_1024 = tpu.memref_slice %arg5[%dma_wait3A_1022, %dma_wait3A_1023] : memref<100000x64xf32, #tpu.memory_space<hbm>> -> memref<8x64xf32, #tpu.memory_space<hbm>>
      tpu.wait_dma2 semaphore(%arg15 : memref<!tpu.dma_semaphore, #tpu.memory_space<semaphore_mem>>) src(%dma_wait3A_1024 : memref<8x64xf32, #tpu.memory_space<hbm>>) dst(%dma_wait3A_1021 : memref<8x64xf32, #tpu.memory_space<vmem>>)
      %mul3A_1025 = arith.constant 16 : i32
      %mul3A_1026 = arith.muli %rem3A_545, %mul3A_1025 : i32
      %add3A_1027 = arith.constant 15 : i32
      %add3A_1028 = arith.addi %mul3A_1026, %add3A_1027 : i32
      %dma_wait3A_1029 = arith.constant 0 : i32
      %dma_wait3A_1030 = arith.constant 0 : i32
      %dma_wait3A_1031 = tpu.memref_slice %arg10[%add3A_1028, %dma_wait3A_1029, %dma_wait3A_1030] : memref<32x8x64xf32, #tpu.memory_space<vmem>> -> memref<1x8x64xf32, #tpu.memory_space<vmem>>
      %dma_wait3A_1032 = tpu.memref_squeeze %dma_wait3A_1031 : memref<1x8x64xf32, #tpu.memory_space<vmem>> -> memref<8x64xf32, #tpu.memory_space<vmem>>
      %dma_wait3A_1033 = arith.constant 0 : i32
      %dma_wait3A_1034 = arith.constant 0 : i32
      %dma_wait3A_1035 = tpu.memref_slice %arg4[%dma_wait3A_1033, %dma_wait3A_1034] : memref<1000000x64xf32, #tpu.memory_space<hbm>> -> memref<8x64xf32, #tpu.memory_space<hbm>>
      %dma_wait3A_1036 = arith.constant 0 : i32
      %dma_wait3A_1037 = arith.constant 0 : i32
      %dma_wait3A_1038 = tpu.memref_slice %arg10[%add3A_1028, %dma_wait3A_1036, %dma_wait3A_1037] : memref<32x8x64xf32, #tpu.memory_space<vmem>> -> memref<1x8x64xf32, #tpu.memory_space<vmem>>
      %dma_wait3A_1039 = tpu.memref_squeeze %dma_wait3A_1038 : memref<1x8x64xf32, #tpu.memory_space<vmem>> -> memref<8x64xf32, #tpu.memory_space<vmem>>
      %dma_wait3A_1040 = arith.constant 0 : i32
      %dma_wait3A_1041 = arith.constant 0 : i32
      %dma_wait3A_1042 = tpu.memref_slice %arg4[%dma_wait3A_1040, %dma_wait3A_1041] : memref<1000000x64xf32, #tpu.memory_space<hbm>> -> memref<8x64xf32, #tpu.memory_space<hbm>>
      tpu.wait_dma2 semaphore(%arg14 : memref<!tpu.dma_semaphore, #tpu.memory_space<semaphore_mem>>) src(%dma_wait3A_1042 : memref<8x64xf32, #tpu.memory_space<hbm>>) dst(%dma_wait3A_1039 : memref<8x64xf32, #tpu.memory_space<vmem>>)
      %dma_wait3A_1043 = arith.constant 0 : i32
      %dma_wait3A_1044 = arith.constant 0 : i32
      %dma_wait3A_1045 = tpu.memref_slice %arg11[%add3A_1028, %dma_wait3A_1043, %dma_wait3A_1044] : memref<32x8x64xf32, #tpu.memory_space<vmem>> -> memref<1x8x64xf32, #tpu.memory_space<vmem>>
      %dma_wait3A_1046 = tpu.memref_squeeze %dma_wait3A_1045 : memref<1x8x64xf32, #tpu.memory_space<vmem>> -> memref<8x64xf32, #tpu.memory_space<vmem>>
      %dma_wait3A_1047 = arith.constant 0 : i32
      %dma_wait3A_1048 = arith.constant 0 : i32
      %dma_wait3A_1049 = tpu.memref_slice %arg5[%dma_wait3A_1047, %dma_wait3A_1048] : memref<100000x64xf32, #tpu.memory_space<hbm>> -> memref<8x64xf32, #tpu.memory_space<hbm>>
      %dma_wait3A_1050 = arith.constant 0 : i32
      %dma_wait3A_1051 = arith.constant 0 : i32
      %dma_wait3A_1052 = tpu.memref_slice %arg11[%add3A_1028, %dma_wait3A_1050, %dma_wait3A_1051] : memref<32x8x64xf32, #tpu.memory_space<vmem>> -> memref<1x8x64xf32, #tpu.memory_space<vmem>>
      %dma_wait3A_1053 = tpu.memref_squeeze %dma_wait3A_1052 : memref<1x8x64xf32, #tpu.memory_space<vmem>> -> memref<8x64xf32, #tpu.memory_space<vmem>>
      %dma_wait3A_1054 = arith.constant 0 : i32
      %dma_wait3A_1055 = arith.constant 0 : i32
      %dma_wait3A_1056 = tpu.memref_slice %arg5[%dma_wait3A_1054, %dma_wait3A_1055] : memref<100000x64xf32, #tpu.memory_space<hbm>> -> memref<8x64xf32, #tpu.memory_space<hbm>>
      tpu.wait_dma2 semaphore(%arg15 : memref<!tpu.dma_semaphore, #tpu.memory_space<semaphore_mem>>) src(%dma_wait3A_1056 : memref<8x64xf32, #tpu.memory_space<hbm>>) dst(%dma_wait3A_1053 : memref<8x64xf32, #tpu.memory_space<vmem>>)
      %add3A_1057 = arith.constant 1 : i32
      %add3A_1058 = arith.addi %scan3A_544, %add3A_1057 : i32
      %lt3A = arith.constant 32 : i32
      %lt3A_1059 = arith.cmpi slt, %add3A_1058, %lt3A : i32
      %convert_element_type3A = arith.extui %lt3A_1059 : i1 to i32
      %cond3A = arith.constant 0 : i32
      %cond3A_1060 = arith.cmpi ne, %convert_element_type3A, %cond3A : i32
      scf.if %cond3A_1060 {
        %add3A_2063 = arith.constant 1 : i32
        %add3A_2064 = arith.addi %scan3A_544, %add3A_2063 : i32
        %add3A_2065 = arith.constant 1 : i32
        %add3A_2066 = arith.addi %scan3A_544, %add3A_2065 : i32
        %rem3A_2067 = arith.constant 2 : i32
        %rem3A_2068 = arith.remsi %add3A_2066, %rem3A_2067 : i32
        %mul3A_2069 = arith.constant 16 : i32
        %mul3A_2070 = arith.muli %add3A_2064, %mul3A_2069 : i32
        %get3A_2071 = arith.index_cast %mul3A_2070 : i32 to index
        %get3A_2072 = tpu.vector_load %arg8[%get3A_2071] {strides = array<i32>} : memref<512xi32, #tpu.memory_space<vmem>>, vector<16xi32>,
        %and3A_2073 = arith.constant -8 : i32
        %and3A_2074 = vector.broadcast %and3A_2073 : i32 to vector<16xi32>
        %and3A_2075 = arith.andi %get3A_2072, %and3A_2074 : vector<16xi32>
        %mul3A_2076 = arith.constant 16 : i32
        %mul3A_2077 = arith.muli %add3A_2064, %mul3A_2076 : i32
        %get3A_2078 = arith.index_cast %mul3A_2077 : i32 to index
        %get3A_2079 = tpu.vector_load %arg9[%get3A_2078] {strides = array<i32>} : memref<512xi32, #tpu.memory_space<vmem>>, vector<16xi32>,
        %and3A_2080 = arith.constant -8 : i32
        %and3A_2081 = vector.broadcast %and3A_2080 : i32 to vector<16xi32>
        %and3A_2082 = arith.andi %get3A_2079, %and3A_2081 : vector<16xi32>
        %mul3A_2083 = arith.constant 16 : i32
        %mul3A_2084 = arith.muli %rem3A_2068, %mul3A_2083 : i32
        %add3A_2085 = arith.constant 0 : i32
        %add3A_2086 = arith.addi %mul3A_2084, %add3A_2085 : i32
        %slice3A_2087 = vector.extract_strided_slice %and3A_2075 {offsets = [0], sizes = [1], strides = [1]} : vector<16xi32> to vector<1xi32>
        %squeeze3A_2088 = vector.extract %slice3A_2087[0] : i32 from vector<1xi32>
        %multiple_of3A_2089 = tpu.assume_multiple %squeeze3A_2088, 8 : i32
        %dma_start3A_2090 = arith.constant 0 : i32
        %dma_start3A_2091 = arith.constant 0 : i32
        %dma_start3A_2092 = tpu.memref_slice %arg10[%add3A_2086, %dma_start3A_2090, %dma_start3A_2091] : memref<32x8x64xf32, #tpu.memory_space<vmem>> -> memref<1x8x64xf32, #tpu.memory_space<vmem>>
        %dma_start3A_2093 = tpu.memref_squeeze %dma_start3A_2092 : memref<1x8x64xf32, #tpu.memory_space<vmem>> -> memref<8x64xf32, #tpu.memory_space<vmem>>
        %dma_start3A_2094 = arith.constant 0 : i32
        %dma_start3A_2095 = tpu.memref_slice %arg4[%multiple_of3A_2089, %dma_start3A_2094] : memref<1000000x64xf32, #tpu.memory_space<hbm>> -> memref<8x64xf32, #tpu.memory_space<hbm>>
        %dma_start3A_2096 = arith.constant 0 : i32
        %dma_start3A_2097 = arith.constant 0 : i32
        %dma_start3A_2098 = tpu.memref_slice %arg10[%add3A_2086, %dma_start3A_2096, %dma_start3A_2097] : memref<32x8x64xf32, #tpu.memory_space<vmem>> -> memref<1x8x64xf32, #tpu.memory_space<vmem>>
        %dma_start3A_2099 = tpu.memref_squeeze %dma_start3A_2098 : memref<1x8x64xf32, #tpu.memory_space<vmem>> -> memref<8x64xf32, #tpu.memory_space<vmem>>
        %dma_start3A_2100 = arith.constant 0 : i32
        %dma_start3A_2101 = tpu.memref_slice %arg4[%multiple_of3A_2089, %dma_start3A_2100] : memref<1000000x64xf32, #tpu.memory_space<hbm>> -> memref<8x64xf32, #tpu.memory_space<hbm>>
        tpu.enqueue_dma source(%dma_start3A_2101 : memref<8x64xf32, #tpu.memory_space<hbm>>) target(%dma_start3A_2099 : memref<8x64xf32, #tpu.memory_space<vmem>>) target_semaphore(%arg14 : memref<!tpu.dma_semaphore, #tpu.memory_space<semaphore_mem>>)
        %slice3A_2102 = vector.extract_strided_slice %and3A_2082 {offsets = [0], sizes = [1], strides = [1]} : vector<16xi32> to vector<1xi32>
        %squeeze3A_2103 = vector.extract %slice3A_2102[0] : i32 from vector<1xi32>
        %multiple_of3A_2104 = tpu.assume_multiple %squeeze3A_2103, 8 : i32
        %dma_start3A_2105 = arith.constant 0 : i32
        %dma_start3A_2106 = arith.constant 0 : i32
        %dma_start3A_2107 = tpu.memref_slice %arg11[%add3A_2086, %dma_start3A_2105, %dma_start3A_2106] : memref<32x8x64xf32, #tpu.memory_space<vmem>> -> memref<1x8x64xf32, #tpu.memory_space<vmem>>
        %dma_start3A_2108 = tpu.memref_squeeze %dma_start3A_2107 : memref<1x8x64xf32, #tpu.memory_space<vmem>> -> memref<8x64xf32, #tpu.memory_space<vmem>>
        %dma_start3A_2109 = arith.constant 0 : i32
        %dma_start3A_2110 = tpu.memref_slice %arg5[%multiple_of3A_2104, %dma_start3A_2109] : memref<100000x64xf32, #tpu.memory_space<hbm>> -> memref<8x64xf32, #tpu.memory_space<hbm>>
        %dma_start3A_2111 = arith.constant 0 : i32
        %dma_start3A_2112 = arith.constant 0 : i32
        %dma_start3A_2113 = tpu.memref_slice %arg11[%add3A_2086, %dma_start3A_2111, %dma_start3A_2112] : memref<32x8x64xf32, #tpu.memory_space<vmem>> -> memref<1x8x64xf32, #tpu.memory_space<vmem>>
        %dma_start3A_2114 = tpu.memref_squeeze %dma_start3A_2113 : memref<1x8x64xf32, #tpu.memory_space<vmem>> -> memref<8x64xf32, #tpu.memory_space<vmem>>
        %dma_start3A_2115 = arith.constant 0 : i32
        %dma_start3A_2116 = tpu.memref_slice %arg5[%multiple_of3A_2104, %dma_start3A_2115] : memref<100000x64xf32, #tpu.memory_space<hbm>> -> memref<8x64xf32, #tpu.memory_space<hbm>>
        tpu.enqueue_dma source(%dma_start3A_2116 : memref<8x64xf32, #tpu.memory_space<hbm>>) target(%dma_start3A_2114 : memref<8x64xf32, #tpu.memory_space<vmem>>) target_semaphore(%arg15 : memref<!tpu.dma_semaphore, #tpu.memory_space<semaphore_mem>>)
        %mul3A_2117 = arith.constant 16 : i32
        %mul3A_2118 = arith.muli %rem3A_2068, %mul3A_2117 : i32
        %add3A_2119 = arith.constant 1 : i32
        %add3A_2120 = arith.addi %mul3A_2118, %add3A_2119 : i32
        %slice3A_2121 = vector.extract_strided_slice %and3A_2075 {offsets = [1], sizes = [1], strides = [1]} : vector<16xi32> to vector<1xi32>
        %squeeze3A_2122 = vector.extract %slice3A_2121[0] : i32 from vector<1xi32>
        %multiple_of3A_2123 = tpu.assume_multiple %squeeze3A_2122, 8 : i32
        %dma_start3A_2124 = arith.constant 0 : i32
        %dma_start3A_2125 = arith.constant 0 : i32
        %dma_start3A_2126 = tpu.memref_slice %arg10[%add3A_2120, %dma_start3A_2124, %dma_start3A_2125] : memref<32x8x64xf32, #tpu.memory_space<vmem>> -> memref<1x8x64xf32, #tpu.memory_space<vmem>>
        %dma_start3A_2127 = tpu.memref_squeeze %dma_start3A_2126 : memref<1x8x64xf32, #tpu.memory_space<vmem>> -> memref<8x64xf32, #tpu.memory_space<vmem>>
        %dma_start3A_2128 = arith.constant 0 : i32
        %dma_start3A_2129 = tpu.memref_slice %arg4[%multiple_of3A_2123, %dma_start3A_2128] : memref<1000000x64xf32, #tpu.memory_space<hbm>> -> memref<8x64xf32, #tpu.memory_space<hbm>>
        %dma_start3A_2130 = arith.constant 0 : i32
        %dma_start3A_2131 = arith.constant 0 : i32
        %dma_start3A_2132 = tpu.memref_slice %arg10[%add3A_2120, %dma_start3A_2130, %dma_start3A_2131] : memref<32x8x64xf32, #tpu.memory_space<vmem>> -> memref<1x8x64xf32, #tpu.memory_space<vmem>>
        %dma_start3A_2133 = tpu.memref_squeeze %dma_start3A_2132 : memref<1x8x64xf32, #tpu.memory_space<vmem>> -> memref<8x64xf32, #tpu.memory_space<vmem>>
        %dma_start3A_2134 = arith.constant 0 : i32
        %dma_start3A_2135 = tpu.memref_slice %arg4[%multiple_of3A_2123, %dma_start3A_2134] : memref<1000000x64xf32, #tpu.memory_space<hbm>> -> memref<8x64xf32, #tpu.memory_space<hbm>>
        tpu.enqueue_dma source(%dma_start3A_2135 : memref<8x64xf32, #tpu.memory_space<hbm>>) target(%dma_start3A_2133 : memref<8x64xf32, #tpu.memory_space<vmem>>) target_semaphore(%arg14 : memref<!tpu.dma_semaphore, #tpu.memory_space<semaphore_mem>>)
        %slice3A_2136 = vector.extract_strided_slice %and3A_2082 {offsets = [1], sizes = [1], strides = [1]} : vector<16xi32> to vector<1xi32>
        %squeeze3A_2137 = vector.extract %slice3A_2136[0] : i32 from vector<1xi32>
        %multiple_of3A_2138 = tpu.assume_multiple %squeeze3A_2137, 8 : i32
        %dma_start3A_2139 = arith.constant 0 : i32
        %dma_start3A_2140 = arith.constant 0 : i32
        %dma_start3A_2141 = tpu.memref_slice %arg11[%add3A_2120, %dma_start3A_2139, %dma_start3A_2140] : memref<32x8x64xf32, #tpu.memory_space<vmem>> -> memref<1x8x64xf32, #tpu.memory_space<vmem>>
        %dma_start3A_2142 = tpu.memref_squeeze %dma_start3A_2141 : memref<1x8x64xf32, #tpu.memory_space<vmem>> -> memref<8x64xf32, #tpu.memory_space<vmem>>
        %dma_start3A_2143 = arith.constant 0 : i32
        %dma_start3A_2144 = tpu.memref_slice %arg5[%multiple_of3A_2138, %dma_start3A_2143] : memref<100000x64xf32, #tpu.memory_space<hbm>> -> memref<8x64xf32, #tpu.memory_space<hbm>>
        %dma_start3A_2145 = arith.constant 0 : i32
        %dma_start3A_2146 = arith.constant 0 : i32
        %dma_start3A_2147 = tpu.memref_slice %arg11[%add3A_2120, %dma_start3A_2145, %dma_start3A_2146] : memref<32x8x64xf32, #tpu.memory_space<vmem>> -> memref<1x8x64xf32, #tpu.memory_space<vmem>>
        %dma_start3A_2148 = tpu.memref_squeeze %dma_start3A_2147 : memref<1x8x64xf32, #tpu.memory_space<vmem>> -> memref<8x64xf32, #tpu.memory_space<vmem>>
        %dma_start3A_2149 = arith.constant 0 : i32
        %dma_start3A_2150 = tpu.memref_slice %arg5[%multiple_of3A_2138, %dma_start3A_2149] : memref<100000x64xf32, #tpu.memory_space<hbm>> -> memref<8x64xf32, #tpu.memory_space<hbm>>
        tpu.enqueue_dma source(%dma_start3A_2150 : memref<8x64xf32, #tpu.memory_space<hbm>>) target(%dma_start3A_2148 : memref<8x64xf32, #tpu.memory_space<vmem>>) target_semaphore(%arg15 : memref<!tpu.dma_semaphore, #tpu.memory_space<semaphore_mem>>)
        %mul3A_2151 = arith.constant 16 : i32
        %mul3A_2152 = arith.muli %rem3A_2068, %mul3A_2151 : i32
        %add3A_2153 = arith.constant 2 : i32
        %add3A_2154 = arith.addi %mul3A_2152, %add3A_2153 : i32
        %slice3A_2155 = vector.extract_strided_slice %and3A_2075 {offsets = [2], sizes = [1], strides = [1]} : vector<16xi32> to vector<1xi32>
        %squeeze3A_2156 = vector.extract %slice3A_2155[0] : i32 from vector<1xi32>
        %multiple_of3A_2157 = tpu.assume_multiple %squeeze3A_2156, 8 : i32
        %dma_start3A_2158 = arith.constant 0 : i32
        %dma_start3A_2159 = arith.constant 0 : i32
        %dma_start3A_2160 = tpu.memref_slice %arg10[%add3A_2154, %dma_start3A_2158, %dma_start3A_2159] : memref<32x8x64xf32, #tpu.memory_space<vmem>> -> memref<1x8x64xf32, #tpu.memory_space<vmem>>
        %dma_start3A_2161 = tpu.memref_squeeze %dma_start3A_2160 : memref<1x8x64xf32, #tpu.memory_space<vmem>> -> memref<8x64xf32, #tpu.memory_space<vmem>>
        %dma_start3A_2162 = arith.constant 0 : i32
        %dma_start3A_2163 = tpu.memref_slice %arg4[%multiple_of3A_2157, %dma_start3A_2162] : memref<1000000x64xf32, #tpu.memory_space<hbm>> -> memref<8x64xf32, #tpu.memory_space<hbm>>
        %dma_start3A_2164 = arith.constant 0 : i32
        %dma_start3A_2165 = arith.constant 0 : i32
        %dma_start3A_2166 = tpu.memref_slice %arg10[%add3A_2154, %dma_start3A_2164, %dma_start3A_2165] : memref<32x8x64xf32, #tpu.memory_space<vmem>> -> memref<1x8x64xf32, #tpu.memory_space<vmem>>
        %dma_start3A_2167 = tpu.memref_squeeze %dma_start3A_2166 : memref<1x8x64xf32, #tpu.memory_space<vmem>> -> memref<8x64xf32, #tpu.memory_space<vmem>>
        %dma_start3A_2168 = arith.constant 0 : i32
        %dma_start3A_2169 = tpu.memref_slice %arg4[%multiple_of3A_2157, %dma_start3A_2168] : memref<1000000x64xf32, #tpu.memory_space<hbm>> -> memref<8x64xf32, #tpu.memory_space<hbm>>
        tpu.enqueue_dma source(%dma_start3A_2169 : memref<8x64xf32, #tpu.memory_space<hbm>>) target(%dma_start3A_2167 : memref<8x64xf32, #tpu.memory_space<vmem>>) target_semaphore(%arg14 : memref<!tpu.dma_semaphore, #tpu.memory_space<semaphore_mem>>)
        %slice3A_2170 = vector.extract_strided_slice %and3A_2082 {offsets = [2], sizes = [1], strides = [1]} : vector<16xi32> to vector<1xi32>
        %squeeze3A_2171 = vector.extract %slice3A_2170[0] : i32 from vector<1xi32>
        %multiple_of3A_2172 = tpu.assume_multiple %squeeze3A_2171, 8 : i32
        %dma_start3A_2173 = arith.constant 0 : i32
        %dma_start3A_2174 = arith.constant 0 : i32
        %dma_start3A_2175 = tpu.memref_slice %arg11[%add3A_2154, %dma_start3A_2173, %dma_start3A_2174] : memref<32x8x64xf32, #tpu.memory_space<vmem>> -> memref<1x8x64xf32, #tpu.memory_space<vmem>>
        %dma_start3A_2176 = tpu.memref_squeeze %dma_start3A_2175 : memref<1x8x64xf32, #tpu.memory_space<vmem>> -> memref<8x64xf32, #tpu.memory_space<vmem>>
        %dma_start3A_2177 = arith.constant 0 : i32
        %dma_start3A_2178 = tpu.memref_slice %arg5[%multiple_of3A_2172, %dma_start3A_2177] : memref<100000x64xf32, #tpu.memory_space<hbm>> -> memref<8x64xf32, #tpu.memory_space<hbm>>
        %dma_start3A_2179 = arith.constant 0 : i32
        %dma_start3A_2180 = arith.constant 0 : i32
        %dma_start3A_2181 = tpu.memref_slice %arg11[%add3A_2154, %dma_start3A_2179, %dma_start3A_2180] : memref<32x8x64xf32, #tpu.memory_space<vmem>> -> memref<1x8x64xf32, #tpu.memory_space<vmem>>
        %dma_start3A_2182 = tpu.memref_squeeze %dma_start3A_2181 : memref<1x8x64xf32, #tpu.memory_space<vmem>> -> memref<8x64xf32, #tpu.memory_space<vmem>>
        %dma_start3A_2183 = arith.constant 0 : i32
        %dma_start3A_2184 = tpu.memref_slice %arg5[%multiple_of3A_2172, %dma_start3A_2183] : memref<100000x64xf32, #tpu.memory_space<hbm>> -> memref<8x64xf32, #tpu.memory_space<hbm>>
        tpu.enqueue_dma source(%dma_start3A_2184 : memref<8x64xf32, #tpu.memory_space<hbm>>) target(%dma_start3A_2182 : memref<8x64xf32, #tpu.memory_space<vmem>>) target_semaphore(%arg15 : memref<!tpu.dma_semaphore, #tpu.memory_space<semaphore_mem>>)
        %mul3A_2185 = arith.constant 16 : i32
        %mul3A_2186 = arith.muli %rem3A_2068, %mul3A_2185 : i32
        %add3A_2187 = arith.constant 3 : i32
        %add3A_2188 = arith.addi %mul3A_2186, %add3A_2187 : i32
        %slice3A_2189 = vector.extract_strided_slice %and3A_2075 {offsets = [3], sizes = [1], strides = [1]} : vector<16xi32> to vector<1xi32>
        %squeeze3A_2190 = vector.extract %slice3A_2189[0] : i32 from vector<1xi32>
        %multiple_of3A_2191 = tpu.assume_multiple %squeeze3A_2190, 8 : i32
        %dma_start3A_2192 = arith.constant 0 : i32
        %dma_start3A_2193 = arith.constant 0 : i32
        %dma_start3A_2194 = tpu.memref_slice %arg10[%add3A_2188, %dma_start3A_2192, %dma_start3A_2193] : memref<32x8x64xf32, #tpu.memory_space<vmem>> -> memref<1x8x64xf32, #tpu.memory_space<vmem>>
        %dma_start3A_2195 = tpu.memref_squeeze %dma_start3A_2194 : memref<1x8x64xf32, #tpu.memory_space<vmem>> -> memref<8x64xf32, #tpu.memory_space<vmem>>
        %dma_start3A_2196 = arith.constant 0 : i32
        %dma_start3A_2197 = tpu.memref_slice %arg4[%multiple_of3A_2191, %dma_start3A_2196] : memref<1000000x64xf32, #tpu.memory_space<hbm>> -> memref<8x64xf32, #tpu.memory_space<hbm>>
        %dma_start3A_2198 = arith.constant 0 : i32
        %dma_start3A_2199 = arith.constant 0 : i32
        %dma_start3A_2200 = tpu.memref_slice %arg10[%add3A_2188, %dma_start3A_2198, %dma_start3A_2199] : memref<32x8x64xf32, #tpu.memory_space<vmem>> -> memref<1x8x64xf32, #tpu.memory_space<vmem>>
        %dma_start3A_2201 = tpu.memref_squeeze %dma_start3A_2200 : memref<1x8x64xf32, #tpu.memory_space<vmem>> -> memref<8x64xf32, #tpu.memory_space<vmem>>
        %dma_start3A_2202 = arith.constant 0 : i32
        %dma_start3A_2203 = tpu.memref_slice %arg4[%multiple_of3A_2191, %dma_start3A_2202] : memref<1000000x64xf32, #tpu.memory_space<hbm>> -> memref<8x64xf32, #tpu.memory_space<hbm>>
        tpu.enqueue_dma source(%dma_start3A_2203 : memref<8x64xf32, #tpu.memory_space<hbm>>) target(%dma_start3A_2201 : memref<8x64xf32, #tpu.memory_space<vmem>>) target_semaphore(%arg14 : memref<!tpu.dma_semaphore, #tpu.memory_space<semaphore_mem>>)
        %slice3A_2204 = vector.extract_strided_slice %and3A_2082 {offsets = [3], sizes = [1], strides = [1]} : vector<16xi32> to vector<1xi32>
        %squeeze3A_2205 = vector.extract %slice3A_2204[0] : i32 from vector<1xi32>
        %multiple_of3A_2206 = tpu.assume_multiple %squeeze3A_2205, 8 : i32
        %dma_start3A_2207 = arith.constant 0 : i32
        %dma_start3A_2208 = arith.constant 0 : i32
        %dma_start3A_2209 = tpu.memref_slice %arg11[%add3A_2188, %dma_start3A_2207, %dma_start3A_2208] : memref<32x8x64xf32, #tpu.memory_space<vmem>> -> memref<1x8x64xf32, #tpu.memory_space<vmem>>
        %dma_start3A_2210 = tpu.memref_squeeze %dma_start3A_2209 : memref<1x8x64xf32, #tpu.memory_space<vmem>> -> memref<8x64xf32, #tpu.memory_space<vmem>>
        %dma_start3A_2211 = arith.constant 0 : i32
        %dma_start3A_2212 = tpu.memref_slice %arg5[%multiple_of3A_2206, %dma_start3A_2211] : memref<100000x64xf32, #tpu.memory_space<hbm>> -> memref<8x64xf32, #tpu.memory_space<hbm>>
        %dma_start3A_2213 = arith.constant 0 : i32
        %dma_start3A_2214 = arith.constant 0 : i32
        %dma_start3A_2215 = tpu.memref_slice %arg11[%add3A_2188, %dma_start3A_2213, %dma_start3A_2214] : memref<32x8x64xf32, #tpu.memory_space<vmem>> -> memref<1x8x64xf32, #tpu.memory_space<vmem>>
        %dma_start3A_2216 = tpu.memref_squeeze %dma_start3A_2215 : memref<1x8x64xf32, #tpu.memory_space<vmem>> -> memref<8x64xf32, #tpu.memory_space<vmem>>
        %dma_start3A_2217 = arith.constant 0 : i32
        %dma_start3A_2218 = tpu.memref_slice %arg5[%multiple_of3A_2206, %dma_start3A_2217] : memref<100000x64xf32, #tpu.memory_space<hbm>> -> memref<8x64xf32, #tpu.memory_space<hbm>>
        tpu.enqueue_dma source(%dma_start3A_2218 : memref<8x64xf32, #tpu.memory_space<hbm>>) target(%dma_start3A_2216 : memref<8x64xf32, #tpu.memory_space<vmem>>) target_semaphore(%arg15 : memref<!tpu.dma_semaphore, #tpu.memory_space<semaphore_mem>>)
        %mul3A_2219 = arith.constant 16 : i32
        %mul3A_2220 = arith.muli %rem3A_2068, %mul3A_2219 : i32
        %add3A_2221 = arith.constant 4 : i32
        %add3A_2222 = arith.addi %mul3A_2220, %add3A_2221 : i32
        %slice3A_2223 = vector.extract_strided_slice %and3A_2075 {offsets = [4], sizes = [1], strides = [1]} : vector<16xi32> to vector<1xi32>
        %squeeze3A_2224 = vector.extract %slice3A_2223[0] : i32 from vector<1xi32>
        %multiple_of3A_2225 = tpu.assume_multiple %squeeze3A_2224, 8 : i32
        %dma_start3A_2226 = arith.constant 0 : i32
        %dma_start3A_2227 = arith.constant 0 : i32
        %dma_start3A_2228 = tpu.memref_slice %arg10[%add3A_2222, %dma_start3A_2226, %dma_start3A_2227] : memref<32x8x64xf32, #tpu.memory_space<vmem>> -> memref<1x8x64xf32, #tpu.memory_space<vmem>>
        %dma_start3A_2229 = tpu.memref_squeeze %dma_start3A_2228 : memref<1x8x64xf32, #tpu.memory_space<vmem>> -> memref<8x64xf32, #tpu.memory_space<vmem>>
        %dma_start3A_2230 = arith.constant 0 : i32
        %dma_start3A_2231 = tpu.memref_slice %arg4[%multiple_of3A_2225, %dma_start3A_2230] : memref<1000000x64xf32, #tpu.memory_space<hbm>> -> memref<8x64xf32, #tpu.memory_space<hbm>>
        %dma_start3A_2232 = arith.constant 0 : i32
        %dma_start3A_2233 = arith.constant 0 : i32
        %dma_start3A_2234 = tpu.memref_slice %arg10[%add3A_2222, %dma_start3A_2232, %dma_start3A_2233] : memref<32x8x64xf32, #tpu.memory_space<vmem>> -> memref<1x8x64xf32, #tpu.memory_space<vmem>>
        %dma_start3A_2235 = tpu.memref_squeeze %dma_start3A_2234 : memref<1x8x64xf32, #tpu.memory_space<vmem>> -> memref<8x64xf32, #tpu.memory_space<vmem>>
        %dma_start3A_2236 = arith.constant 0 : i32
        %dma_start3A_2237 = tpu.memref_slice %arg4[%multiple_of3A_2225, %dma_start3A_2236] : memref<1000000x64xf32, #tpu.memory_space<hbm>> -> memref<8x64xf32, #tpu.memory_space<hbm>>
        tpu.enqueue_dma source(%dma_start3A_2237 : memref<8x64xf32, #tpu.memory_space<hbm>>) target(%dma_start3A_2235 : memref<8x64xf32, #tpu.memory_space<vmem>>) target_semaphore(%arg14 : memref<!tpu.dma_semaphore, #tpu.memory_space<semaphore_mem>>)
        %slice3A_2238 = vector.extract_strided_slice %and3A_2082 {offsets = [4], sizes = [1], strides = [1]} : vector<16xi32> to vector<1xi32>
        %squeeze3A_2239 = vector.extract %slice3A_2238[0] : i32 from vector<1xi32>
        %multiple_of3A_2240 = tpu.assume_multiple %squeeze3A_2239, 8 : i32
        %dma_start3A_2241 = arith.constant 0 : i32
        %dma_start3A_2242 = arith.constant 0 : i32
        %dma_start3A_2243 = tpu.memref_slice %arg11[%add3A_2222, %dma_start3A_2241, %dma_start3A_2242] : memref<32x8x64xf32, #tpu.memory_space<vmem>> -> memref<1x8x64xf32, #tpu.memory_space<vmem>>
        %dma_start3A_2244 = tpu.memref_squeeze %dma_start3A_2243 : memref<1x8x64xf32, #tpu.memory_space<vmem>> -> memref<8x64xf32, #tpu.memory_space<vmem>>
        %dma_start3A_2245 = arith.constant 0 : i32
        %dma_start3A_2246 = tpu.memref_slice %arg5[%multiple_of3A_2240, %dma_start3A_2245] : memref<100000x64xf32, #tpu.memory_space<hbm>> -> memref<8x64xf32, #tpu.memory_space<hbm>>
        %dma_start3A_2247 = arith.constant 0 : i32
        %dma_start3A_2248 = arith.constant 0 : i32
        %dma_start3A_2249 = tpu.memref_slice %arg11[%add3A_2222, %dma_start3A_2247, %dma_start3A_2248] : memref<32x8x64xf32, #tpu.memory_space<vmem>> -> memref<1x8x64xf32, #tpu.memory_space<vmem>>
        %dma_start3A_2250 = tpu.memref_squeeze %dma_start3A_2249 : memref<1x8x64xf32, #tpu.memory_space<vmem>> -> memref<8x64xf32, #tpu.memory_space<vmem>>
        %dma_start3A_2251 = arith.constant 0 : i32
        %dma_start3A_2252 = tpu.memref_slice %arg5[%multiple_of3A_2240, %dma_start3A_2251] : memref<100000x64xf32, #tpu.memory_space<hbm>> -> memref<8x64xf32, #tpu.memory_space<hbm>>
        tpu.enqueue_dma source(%dma_start3A_2252 : memref<8x64xf32, #tpu.memory_space<hbm>>) target(%dma_start3A_2250 : memref<8x64xf32, #tpu.memory_space<vmem>>) target_semaphore(%arg15 : memref<!tpu.dma_semaphore, #tpu.memory_space<semaphore_mem>>)
        %mul3A_2253 = arith.constant 16 : i32
        %mul3A_2254 = arith.muli %rem3A_2068, %mul3A_2253 : i32
        %add3A_2255 = arith.constant 5 : i32
        %add3A_2256 = arith.addi %mul3A_2254, %add3A_2255 : i32
        %slice3A_2257 = vector.extract_strided_slice %and3A_2075 {offsets = [5], sizes = [1], strides = [1]} : vector<16xi32> to vector<1xi32>
        %squeeze3A_2258 = vector.extract %slice3A_2257[0] : i32 from vector<1xi32>
        %multiple_of3A_2259 = tpu.assume_multiple %squeeze3A_2258, 8 : i32
        %dma_start3A_2260 = arith.constant 0 : i32
        %dma_start3A_2261 = arith.constant 0 : i32
        %dma_start3A_2262 = tpu.memref_slice %arg10[%add3A_2256, %dma_start3A_2260, %dma_start3A_2261] : memref<32x8x64xf32, #tpu.memory_space<vmem>> -> memref<1x8x64xf32, #tpu.memory_space<vmem>>
        %dma_start3A_2263 = tpu.memref_squeeze %dma_start3A_2262 : memref<1x8x64xf32, #tpu.memory_space<vmem>> -> memref<8x64xf32, #tpu.memory_space<vmem>>
        %dma_start3A_2264 = arith.constant 0 : i32
        %dma_start3A_2265 = tpu.memref_slice %arg4[%multiple_of3A_2259, %dma_start3A_2264] : memref<1000000x64xf32, #tpu.memory_space<hbm>> -> memref<8x64xf32, #tpu.memory_space<hbm>>
        %dma_start3A_2266 = arith.constant 0 : i32
        %dma_start3A_2267 = arith.constant 0 : i32
        %dma_start3A_2268 = tpu.memref_slice %arg10[%add3A_2256, %dma_start3A_2266, %dma_start3A_2267] : memref<32x8x64xf32, #tpu.memory_space<vmem>> -> memref<1x8x64xf32, #tpu.memory_space<vmem>>
        %dma_start3A_2269 = tpu.memref_squeeze %dma_start3A_2268 : memref<1x8x64xf32, #tpu.memory_space<vmem>> -> memref<8x64xf32, #tpu.memory_space<vmem>>
        %dma_start3A_2270 = arith.constant 0 : i32
        %dma_start3A_2271 = tpu.memref_slice %arg4[%multiple_of3A_2259, %dma_start3A_2270] : memref<1000000x64xf32, #tpu.memory_space<hbm>> -> memref<8x64xf32, #tpu.memory_space<hbm>>
        tpu.enqueue_dma source(%dma_start3A_2271 : memref<8x64xf32, #tpu.memory_space<hbm>>) target(%dma_start3A_2269 : memref<8x64xf32, #tpu.memory_space<vmem>>) target_semaphore(%arg14 : memref<!tpu.dma_semaphore, #tpu.memory_space<semaphore_mem>>)
        %slice3A_2272 = vector.extract_strided_slice %and3A_2082 {offsets = [5], sizes = [1], strides = [1]} : vector<16xi32> to vector<1xi32>
        %squeeze3A_2273 = vector.extract %slice3A_2272[0] : i32 from vector<1xi32>
        %multiple_of3A_2274 = tpu.assume_multiple %squeeze3A_2273, 8 : i32
        %dma_start3A_2275 = arith.constant 0 : i32
        %dma_start3A_2276 = arith.constant 0 : i32
        %dma_start3A_2277 = tpu.memref_slice %arg11[%add3A_2256, %dma_start3A_2275, %dma_start3A_2276] : memref<32x8x64xf32, #tpu.memory_space<vmem>> -> memref<1x8x64xf32, #tpu.memory_space<vmem>>
        %dma_start3A_2278 = tpu.memref_squeeze %dma_start3A_2277 : memref<1x8x64xf32, #tpu.memory_space<vmem>> -> memref<8x64xf32, #tpu.memory_space<vmem>>
        %dma_start3A_2279 = arith.constant 0 : i32
        %dma_start3A_2280 = tpu.memref_slice %arg5[%multiple_of3A_2274, %dma_start3A_2279] : memref<100000x64xf32, #tpu.memory_space<hbm>> -> memref<8x64xf32, #tpu.memory_space<hbm>>
        %dma_start3A_2281 = arith.constant 0 : i32
        %dma_start3A_2282 = arith.constant 0 : i32
        %dma_start3A_2283 = tpu.memref_slice %arg11[%add3A_2256, %dma_start3A_2281, %dma_start3A_2282] : memref<32x8x64xf32, #tpu.memory_space<vmem>> -> memref<1x8x64xf32, #tpu.memory_space<vmem>>
        %dma_start3A_2284 = tpu.memref_squeeze %dma_start3A_2283 : memref<1x8x64xf32, #tpu.memory_space<vmem>> -> memref<8x64xf32, #tpu.memory_space<vmem>>
        %dma_start3A_2285 = arith.constant 0 : i32
        %dma_start3A_2286 = tpu.memref_slice %arg5[%multiple_of3A_2274, %dma_start3A_2285] : memref<100000x64xf32, #tpu.memory_space<hbm>> -> memref<8x64xf32, #tpu.memory_space<hbm>>
        tpu.enqueue_dma source(%dma_start3A_2286 : memref<8x64xf32, #tpu.memory_space<hbm>>) target(%dma_start3A_2284 : memref<8x64xf32, #tpu.memory_space<vmem>>) target_semaphore(%arg15 : memref<!tpu.dma_semaphore, #tpu.memory_space<semaphore_mem>>)
        %mul3A_2287 = arith.constant 16 : i32
        %mul3A_2288 = arith.muli %rem3A_2068, %mul3A_2287 : i32
        %add3A_2289 = arith.constant 6 : i32
        %add3A_2290 = arith.addi %mul3A_2288, %add3A_2289 : i32
        %slice3A_2291 = vector.extract_strided_slice %and3A_2075 {offsets = [6], sizes = [1], strides = [1]} : vector<16xi32> to vector<1xi32>
        %squeeze3A_2292 = vector.extract %slice3A_2291[0] : i32 from vector<1xi32>
        %multiple_of3A_2293 = tpu.assume_multiple %squeeze3A_2292, 8 : i32
        %dma_start3A_2294 = arith.constant 0 : i32
        %dma_start3A_2295 = arith.constant 0 : i32
        %dma_start3A_2296 = tpu.memref_slice %arg10[%add3A_2290, %dma_start3A_2294, %dma_start3A_2295] : memref<32x8x64xf32, #tpu.memory_space<vmem>> -> memref<1x8x64xf32, #tpu.memory_space<vmem>>
        %dma_start3A_2297 = tpu.memref_squeeze %dma_start3A_2296 : memref<1x8x64xf32, #tpu.memory_space<vmem>> -> memref<8x64xf32, #tpu.memory_space<vmem>>
        %dma_start3A_2298 = arith.constant 0 : i32
        %dma_start3A_2299 = tpu.memref_slice %arg4[%multiple_of3A_2293, %dma_start3A_2298] : memref<1000000x64xf32, #tpu.memory_space<hbm>> -> memref<8x64xf32, #tpu.memory_space<hbm>>
        %dma_start3A_2300 = arith.constant 0 : i32
        %dma_start3A_2301 = arith.constant 0 : i32
        %dma_start3A_2302 = tpu.memref_slice %arg10[%add3A_2290, %dma_start3A_2300, %dma_start3A_2301] : memref<32x8x64xf32, #tpu.memory_space<vmem>> -> memref<1x8x64xf32, #tpu.memory_space<vmem>>
        %dma_start3A_2303 = tpu.memref_squeeze %dma_start3A_2302 : memref<1x8x64xf32, #tpu.memory_space<vmem>> -> memref<8x64xf32, #tpu.memory_space<vmem>>
        %dma_start3A_2304 = arith.constant 0 : i32
        %dma_start3A_2305 = tpu.memref_slice %arg4[%multiple_of3A_2293, %dma_start3A_2304] : memref<1000000x64xf32, #tpu.memory_space<hbm>> -> memref<8x64xf32, #tpu.memory_space<hbm>>
        tpu.enqueue_dma source(%dma_start3A_2305 : memref<8x64xf32, #tpu.memory_space<hbm>>) target(%dma_start3A_2303 : memref<8x64xf32, #tpu.memory_space<vmem>>) target_semaphore(%arg14 : memref<!tpu.dma_semaphore, #tpu.memory_space<semaphore_mem>>)
        %slice3A_2306 = vector.extract_strided_slice %and3A_2082 {offsets = [6], sizes = [1], strides = [1]} : vector<16xi32> to vector<1xi32>
        %squeeze3A_2307 = vector.extract %slice3A_2306[0] : i32 from vector<1xi32>
        %multiple_of3A_2308 = tpu.assume_multiple %squeeze3A_2307, 8 : i32
        %dma_start3A_2309 = arith.constant 0 : i32
        %dma_start3A_2310 = arith.constant 0 : i32
        %dma_start3A_2311 = tpu.memref_slice %arg11[%add3A_2290, %dma_start3A_2309, %dma_start3A_2310] : memref<32x8x64xf32, #tpu.memory_space<vmem>> -> memref<1x8x64xf32, #tpu.memory_space<vmem>>
        %dma_start3A_2312 = tpu.memref_squeeze %dma_start3A_2311 : memref<1x8x64xf32, #tpu.memory_space<vmem>> -> memref<8x64xf32, #tpu.memory_space<vmem>>
        %dma_start3A_2313 = arith.constant 0 : i32
        %dma_start3A_2314 = tpu.memref_slice %arg5[%multiple_of3A_2308, %dma_start3A_2313] : memref<100000x64xf32, #tpu.memory_space<hbm>> -> memref<8x64xf32, #tpu.memory_space<hbm>>
        %dma_start3A_2315 = arith.constant 0 : i32
        %dma_start3A_2316 = arith.constant 0 : i32
        %dma_start3A_2317 = tpu.memref_slice %arg11[%add3A_2290, %dma_start3A_2315, %dma_start3A_2316] : memref<32x8x64xf32, #tpu.memory_space<vmem>> -> memref<1x8x64xf32, #tpu.memory_space<vmem>>
        %dma_start3A_2318 = tpu.memref_squeeze %dma_start3A_2317 : memref<1x8x64xf32, #tpu.memory_space<vmem>> -> memref<8x64xf32, #tpu.memory_space<vmem>>
        %dma_start3A_2319 = arith.constant 0 : i32
        %dma_start3A_2320 = tpu.memref_slice %arg5[%multiple_of3A_2308, %dma_start3A_2319] : memref<100000x64xf32, #tpu.memory_space<hbm>> -> memref<8x64xf32, #tpu.memory_space<hbm>>
        tpu.enqueue_dma source(%dma_start3A_2320 : memref<8x64xf32, #tpu.memory_space<hbm>>) target(%dma_start3A_2318 : memref<8x64xf32, #tpu.memory_space<vmem>>) target_semaphore(%arg15 : memref<!tpu.dma_semaphore, #tpu.memory_space<semaphore_mem>>)
        %mul3A_2321 = arith.constant 16 : i32
        %mul3A_2322 = arith.muli %rem3A_2068, %mul3A_2321 : i32
        %add3A_2323 = arith.constant 7 : i32
        %add3A_2324 = arith.addi %mul3A_2322, %add3A_2323 : i32
        %slice3A_2325 = vector.extract_strided_slice %and3A_2075 {offsets = [7], sizes = [1], strides = [1]} : vector<16xi32> to vector<1xi32>
        %squeeze3A_2326 = vector.extract %slice3A_2325[0] : i32 from vector<1xi32>
        %multiple_of3A_2327 = tpu.assume_multiple %squeeze3A_2326, 8 : i32
        %dma_start3A_2328 = arith.constant 0 : i32
        %dma_start3A_2329 = arith.constant 0 : i32
        %dma_start3A_2330 = tpu.memref_slice %arg10[%add3A_2324, %dma_start3A_2328, %dma_start3A_2329] : memref<32x8x64xf32, #tpu.memory_space<vmem>> -> memref<1x8x64xf32, #tpu.memory_space<vmem>>
        %dma_start3A_2331 = tpu.memref_squeeze %dma_start3A_2330 : memref<1x8x64xf32, #tpu.memory_space<vmem>> -> memref<8x64xf32, #tpu.memory_space<vmem>>
        %dma_start3A_2332 = arith.constant 0 : i32
        %dma_start3A_2333 = tpu.memref_slice %arg4[%multiple_of3A_2327, %dma_start3A_2332] : memref<1000000x64xf32, #tpu.memory_space<hbm>> -> memref<8x64xf32, #tpu.memory_space<hbm>>
        %dma_start3A_2334 = arith.constant 0 : i32
        %dma_start3A_2335 = arith.constant 0 : i32
        %dma_start3A_2336 = tpu.memref_slice %arg10[%add3A_2324, %dma_start3A_2334, %dma_start3A_2335] : memref<32x8x64xf32, #tpu.memory_space<vmem>> -> memref<1x8x64xf32, #tpu.memory_space<vmem>>
        %dma_start3A_2337 = tpu.memref_squeeze %dma_start3A_2336 : memref<1x8x64xf32, #tpu.memory_space<vmem>> -> memref<8x64xf32, #tpu.memory_space<vmem>>
        %dma_start3A_2338 = arith.constant 0 : i32
        %dma_start3A_2339 = tpu.memref_slice %arg4[%multiple_of3A_2327, %dma_start3A_2338] : memref<1000000x64xf32, #tpu.memory_space<hbm>> -> memref<8x64xf32, #tpu.memory_space<hbm>>
        tpu.enqueue_dma source(%dma_start3A_2339 : memref<8x64xf32, #tpu.memory_space<hbm>>) target(%dma_start3A_2337 : memref<8x64xf32, #tpu.memory_space<vmem>>) target_semaphore(%arg14 : memref<!tpu.dma_semaphore, #tpu.memory_space<semaphore_mem>>)
        %slice3A_2340 = vector.extract_strided_slice %and3A_2082 {offsets = [7], sizes = [1], strides = [1]} : vector<16xi32> to vector<1xi32>
        %squeeze3A_2341 = vector.extract %slice3A_2340[0] : i32 from vector<1xi32>
        %multiple_of3A_2342 = tpu.assume_multiple %squeeze3A_2341, 8 : i32
        %dma_start3A_2343 = arith.constant 0 : i32
        %dma_start3A_2344 = arith.constant 0 : i32
        %dma_start3A_2345 = tpu.memref_slice %arg11[%add3A_2324, %dma_start3A_2343, %dma_start3A_2344] : memref<32x8x64xf32, #tpu.memory_space<vmem>> -> memref<1x8x64xf32, #tpu.memory_space<vmem>>
        %dma_start3A_2346 = tpu.memref_squeeze %dma_start3A_2345 : memref<1x8x64xf32, #tpu.memory_space<vmem>> -> memref<8x64xf32, #tpu.memory_space<vmem>>
        %dma_start3A_2347 = arith.constant 0 : i32
        %dma_start3A_2348 = tpu.memref_slice %arg5[%multiple_of3A_2342, %dma_start3A_2347] : memref<100000x64xf32, #tpu.memory_space<hbm>> -> memref<8x64xf32, #tpu.memory_space<hbm>>
        %dma_start3A_2349 = arith.constant 0 : i32
        %dma_start3A_2350 = arith.constant 0 : i32
        %dma_start3A_2351 = tpu.memref_slice %arg11[%add3A_2324, %dma_start3A_2349, %dma_start3A_2350] : memref<32x8x64xf32, #tpu.memory_space<vmem>> -> memref<1x8x64xf32, #tpu.memory_space<vmem>>
        %dma_start3A_2352 = tpu.memref_squeeze %dma_start3A_2351 : memref<1x8x64xf32, #tpu.memory_space<vmem>> -> memref<8x64xf32, #tpu.memory_space<vmem>>
        %dma_start3A_2353 = arith.constant 0 : i32
        %dma_start3A_2354 = tpu.memref_slice %arg5[%multiple_of3A_2342, %dma_start3A_2353] : memref<100000x64xf32, #tpu.memory_space<hbm>> -> memref<8x64xf32, #tpu.memory_space<hbm>>
        tpu.enqueue_dma source(%dma_start3A_2354 : memref<8x64xf32, #tpu.memory_space<hbm>>) target(%dma_start3A_2352 : memref<8x64xf32, #tpu.memory_space<vmem>>) target_semaphore(%arg15 : memref<!tpu.dma_semaphore, #tpu.memory_space<semaphore_mem>>)
        %mul3A_2355 = arith.constant 16 : i32
        %mul3A_2356 = arith.muli %rem3A_2068, %mul3A_2355 : i32
        %add3A_2357 = arith.constant 8 : i32
        %add3A_2358 = arith.addi %mul3A_2356, %add3A_2357 : i32
        %slice3A_2359 = vector.extract_strided_slice %and3A_2075 {offsets = [8], sizes = [1], strides = [1]} : vector<16xi32> to vector<1xi32>
        %squeeze3A_2360 = vector.extract %slice3A_2359[0] : i32 from vector<1xi32>
        %multiple_of3A_2361 = tpu.assume_multiple %squeeze3A_2360, 8 : i32
        %dma_start3A_2362 = arith.constant 0 : i32
        %dma_start3A_2363 = arith.constant 0 : i32
        %dma_start3A_2364 = tpu.memref_slice %arg10[%add3A_2358, %dma_start3A_2362, %dma_start3A_2363] : memref<32x8x64xf32, #tpu.memory_space<vmem>> -> memref<1x8x64xf32, #tpu.memory_space<vmem>>
        %dma_start3A_2365 = tpu.memref_squeeze %dma_start3A_2364 : memref<1x8x64xf32, #tpu.memory_space<vmem>> -> memref<8x64xf32, #tpu.memory_space<vmem>>
        %dma_start3A_2366 = arith.constant 0 : i32
        %dma_start3A_2367 = tpu.memref_slice %arg4[%multiple_of3A_2361, %dma_start3A_2366] : memref<1000000x64xf32, #tpu.memory_space<hbm>> -> memref<8x64xf32, #tpu.memory_space<hbm>>
        %dma_start3A_2368 = arith.constant 0 : i32
        %dma_start3A_2369 = arith.constant 0 : i32
        %dma_start3A_2370 = tpu.memref_slice %arg10[%add3A_2358, %dma_start3A_2368, %dma_start3A_2369] : memref<32x8x64xf32, #tpu.memory_space<vmem>> -> memref<1x8x64xf32, #tpu.memory_space<vmem>>
        %dma_start3A_2371 = tpu.memref_squeeze %dma_start3A_2370 : memref<1x8x64xf32, #tpu.memory_space<vmem>> -> memref<8x64xf32, #tpu.memory_space<vmem>>
        %dma_start3A_2372 = arith.constant 0 : i32
        %dma_start3A_2373 = tpu.memref_slice %arg4[%multiple_of3A_2361, %dma_start3A_2372] : memref<1000000x64xf32, #tpu.memory_space<hbm>> -> memref<8x64xf32, #tpu.memory_space<hbm>>
        tpu.enqueue_dma source(%dma_start3A_2373 : memref<8x64xf32, #tpu.memory_space<hbm>>) target(%dma_start3A_2371 : memref<8x64xf32, #tpu.memory_space<vmem>>) target_semaphore(%arg14 : memref<!tpu.dma_semaphore, #tpu.memory_space<semaphore_mem>>)
        %slice3A_2374 = vector.extract_strided_slice %and3A_2082 {offsets = [8], sizes = [1], strides = [1]} : vector<16xi32> to vector<1xi32>
        %squeeze3A_2375 = vector.extract %slice3A_2374[0] : i32 from vector<1xi32>
        %multiple_of3A_2376 = tpu.assume_multiple %squeeze3A_2375, 8 : i32
        %dma_start3A_2377 = arith.constant 0 : i32
        %dma_start3A_2378 = arith.constant 0 : i32
        %dma_start3A_2379 = tpu.memref_slice %arg11[%add3A_2358, %dma_start3A_2377, %dma_start3A_2378] : memref<32x8x64xf32, #tpu.memory_space<vmem>> -> memref<1x8x64xf32, #tpu.memory_space<vmem>>
        %dma_start3A_2380 = tpu.memref_squeeze %dma_start3A_2379 : memref<1x8x64xf32, #tpu.memory_space<vmem>> -> memref<8x64xf32, #tpu.memory_space<vmem>>
        %dma_start3A_2381 = arith.constant 0 : i32
        %dma_start3A_2382 = tpu.memref_slice %arg5[%multiple_of3A_2376, %dma_start3A_2381] : memref<100000x64xf32, #tpu.memory_space<hbm>> -> memref<8x64xf32, #tpu.memory_space<hbm>>
        %dma_start3A_2383 = arith.constant 0 : i32
        %dma_start3A_2384 = arith.constant 0 : i32
        %dma_start3A_2385 = tpu.memref_slice %arg11[%add3A_2358, %dma_start3A_2383, %dma_start3A_2384] : memref<32x8x64xf32, #tpu.memory_space<vmem>> -> memref<1x8x64xf32, #tpu.memory_space<vmem>>
        %dma_start3A_2386 = tpu.memref_squeeze %dma_start3A_2385 : memref<1x8x64xf32, #tpu.memory_space<vmem>> -> memref<8x64xf32, #tpu.memory_space<vmem>>
        %dma_start3A_2387 = arith.constant 0 : i32
        %dma_start3A_2388 = tpu.memref_slice %arg5[%multiple_of3A_2376, %dma_start3A_2387] : memref<100000x64xf32, #tpu.memory_space<hbm>> -> memref<8x64xf32, #tpu.memory_space<hbm>>
        tpu.enqueue_dma source(%dma_start3A_2388 : memref<8x64xf32, #tpu.memory_space<hbm>>) target(%dma_start3A_2386 : memref<8x64xf32, #tpu.memory_space<vmem>>) target_semaphore(%arg15 : memref<!tpu.dma_semaphore, #tpu.memory_space<semaphore_mem>>)
        %mul3A_2389 = arith.constant 16 : i32
        %mul3A_2390 = arith.muli %rem3A_2068, %mul3A_2389 : i32
        %add3A_2391 = arith.constant 9 : i32
        %add3A_2392 = arith.addi %mul3A_2390, %add3A_2391 : i32
        %slice3A_2393 = vector.extract_strided_slice %and3A_2075 {offsets = [9], sizes = [1], strides = [1]} : vector<16xi32> to vector<1xi32>
        %squeeze3A_2394 = vector.extract %slice3A_2393[0] : i32 from vector<1xi32>
        %multiple_of3A_2395 = tpu.assume_multiple %squeeze3A_2394, 8 : i32
        %dma_start3A_2396 = arith.constant 0 : i32
        %dma_start3A_2397 = arith.constant 0 : i32
        %dma_start3A_2398 = tpu.memref_slice %arg10[%add3A_2392, %dma_start3A_2396, %dma_start3A_2397] : memref<32x8x64xf32, #tpu.memory_space<vmem>> -> memref<1x8x64xf32, #tpu.memory_space<vmem>>
        %dma_start3A_2399 = tpu.memref_squeeze %dma_start3A_2398 : memref<1x8x64xf32, #tpu.memory_space<vmem>> -> memref<8x64xf32, #tpu.memory_space<vmem>>
        %dma_start3A_2400 = arith.constant 0 : i32
        %dma_start3A_2401 = tpu.memref_slice %arg4[%multiple_of3A_2395, %dma_start3A_2400] : memref<1000000x64xf32, #tpu.memory_space<hbm>> -> memref<8x64xf32, #tpu.memory_space<hbm>>
        %dma_start3A_2402 = arith.constant 0 : i32
        %dma_start3A_2403 = arith.constant 0 : i32
        %dma_start3A_2404 = tpu.memref_slice %arg10[%add3A_2392, %dma_start3A_2402, %dma_start3A_2403] : memref<32x8x64xf32, #tpu.memory_space<vmem>> -> memref<1x8x64xf32, #tpu.memory_space<vmem>>
        %dma_start3A_2405 = tpu.memref_squeeze %dma_start3A_2404 : memref<1x8x64xf32, #tpu.memory_space<vmem>> -> memref<8x64xf32, #tpu.memory_space<vmem>>
        %dma_start3A_2406 = arith.constant 0 : i32
        %dma_start3A_2407 = tpu.memref_slice %arg4[%multiple_of3A_2395, %dma_start3A_2406] : memref<1000000x64xf32, #tpu.memory_space<hbm>> -> memref<8x64xf32, #tpu.memory_space<hbm>>
        tpu.enqueue_dma source(%dma_start3A_2407 : memref<8x64xf32, #tpu.memory_space<hbm>>) target(%dma_start3A_2405 : memref<8x64xf32, #tpu.memory_space<vmem>>) target_semaphore(%arg14 : memref<!tpu.dma_semaphore, #tpu.memory_space<semaphore_mem>>)
        %slice3A_2408 = vector.extract_strided_slice %and3A_2082 {offsets = [9], sizes = [1], strides = [1]} : vector<16xi32> to vector<1xi32>
        %squeeze3A_2409 = vector.extract %slice3A_2408[0] : i32 from vector<1xi32>
        %multiple_of3A_2410 = tpu.assume_multiple %squeeze3A_2409, 8 : i32
        %dma_start3A_2411 = arith.constant 0 : i32
        %dma_start3A_2412 = arith.constant 0 : i32
        %dma_start3A_2413 = tpu.memref_slice %arg11[%add3A_2392, %dma_start3A_2411, %dma_start3A_2412] : memref<32x8x64xf32, #tpu.memory_space<vmem>> -> memref<1x8x64xf32, #tpu.memory_space<vmem>>
        %dma_start3A_2414 = tpu.memref_squeeze %dma_start3A_2413 : memref<1x8x64xf32, #tpu.memory_space<vmem>> -> memref<8x64xf32, #tpu.memory_space<vmem>>
        %dma_start3A_2415 = arith.constant 0 : i32
        %dma_start3A_2416 = tpu.memref_slice %arg5[%multiple_of3A_2410, %dma_start3A_2415] : memref<100000x64xf32, #tpu.memory_space<hbm>> -> memref<8x64xf32, #tpu.memory_space<hbm>>
        %dma_start3A_2417 = arith.constant 0 : i32
        %dma_start3A_2418 = arith.constant 0 : i32
        %dma_start3A_2419 = tpu.memref_slice %arg11[%add3A_2392, %dma_start3A_2417, %dma_start3A_2418] : memref<32x8x64xf32, #tpu.memory_space<vmem>> -> memref<1x8x64xf32, #tpu.memory_space<vmem>>
        %dma_start3A_2420 = tpu.memref_squeeze %dma_start3A_2419 : memref<1x8x64xf32, #tpu.memory_space<vmem>> -> memref<8x64xf32, #tpu.memory_space<vmem>>
        %dma_start3A_2421 = arith.constant 0 : i32
        %dma_start3A_2422 = tpu.memref_slice %arg5[%multiple_of3A_2410, %dma_start3A_2421] : memref<100000x64xf32, #tpu.memory_space<hbm>> -> memref<8x64xf32, #tpu.memory_space<hbm>>
        tpu.enqueue_dma source(%dma_start3A_2422 : memref<8x64xf32, #tpu.memory_space<hbm>>) target(%dma_start3A_2420 : memref<8x64xf32, #tpu.memory_space<vmem>>) target_semaphore(%arg15 : memref<!tpu.dma_semaphore, #tpu.memory_space<semaphore_mem>>)
        %mul3A_2423 = arith.constant 16 : i32
        %mul3A_2424 = arith.muli %rem3A_2068, %mul3A_2423 : i32
        %add3A_2425 = arith.constant 10 : i32
        %add3A_2426 = arith.addi %mul3A_2424, %add3A_2425 : i32
        %slice3A_2427 = vector.extract_strided_slice %and3A_2075 {offsets = [10], sizes = [1], strides = [1]} : vector<16xi32> to vector<1xi32>
        %squeeze3A_2428 = vector.extract %slice3A_2427[0] : i32 from vector<1xi32>
        %multiple_of3A_2429 = tpu.assume_multiple %squeeze3A_2428, 8 : i32
        %dma_start3A_2430 = arith.constant 0 : i32
        %dma_start3A_2431 = arith.constant 0 : i32
        %dma_start3A_2432 = tpu.memref_slice %arg10[%add3A_2426, %dma_start3A_2430, %dma_start3A_2431] : memref<32x8x64xf32, #tpu.memory_space<vmem>> -> memref<1x8x64xf32, #tpu.memory_space<vmem>>
        %dma_start3A_2433 = tpu.memref_squeeze %dma_start3A_2432 : memref<1x8x64xf32, #tpu.memory_space<vmem>> -> memref<8x64xf32, #tpu.memory_space<vmem>>
        %dma_start3A_2434 = arith.constant 0 : i32
        %dma_start3A_2435 = tpu.memref_slice %arg4[%multiple_of3A_2429, %dma_start3A_2434] : memref<1000000x64xf32, #tpu.memory_space<hbm>> -> memref<8x64xf32, #tpu.memory_space<hbm>>
        %dma_start3A_2436 = arith.constant 0 : i32
        %dma_start3A_2437 = arith.constant 0 : i32
        %dma_start3A_2438 = tpu.memref_slice %arg10[%add3A_2426, %dma_start3A_2436, %dma_start3A_2437] : memref<32x8x64xf32, #tpu.memory_space<vmem>> -> memref<1x8x64xf32, #tpu.memory_space<vmem>>
        %dma_start3A_2439 = tpu.memref_squeeze %dma_start3A_2438 : memref<1x8x64xf32, #tpu.memory_space<vmem>> -> memref<8x64xf32, #tpu.memory_space<vmem>>
        %dma_start3A_2440 = arith.constant 0 : i32
        %dma_start3A_2441 = tpu.memref_slice %arg4[%multiple_of3A_2429, %dma_start3A_2440] : memref<1000000x64xf32, #tpu.memory_space<hbm>> -> memref<8x64xf32, #tpu.memory_space<hbm>>
        tpu.enqueue_dma source(%dma_start3A_2441 : memref<8x64xf32, #tpu.memory_space<hbm>>) target(%dma_start3A_2439 : memref<8x64xf32, #tpu.memory_space<vmem>>) target_semaphore(%arg14 : memref<!tpu.dma_semaphore, #tpu.memory_space<semaphore_mem>>)
        %slice3A_2442 = vector.extract_strided_slice %and3A_2082 {offsets = [10], sizes = [1], strides = [1]} : vector<16xi32> to vector<1xi32>
        %squeeze3A_2443 = vector.extract %slice3A_2442[0] : i32 from vector<1xi32>
        %multiple_of3A_2444 = tpu.assume_multiple %squeeze3A_2443, 8 : i32
        %dma_start3A_2445 = arith.constant 0 : i32
        %dma_start3A_2446 = arith.constant 0 : i32
        %dma_start3A_2447 = tpu.memref_slice %arg11[%add3A_2426, %dma_start3A_2445, %dma_start3A_2446] : memref<32x8x64xf32, #tpu.memory_space<vmem>> -> memref<1x8x64xf32, #tpu.memory_space<vmem>>
        %dma_start3A_2448 = tpu.memref_squeeze %dma_start3A_2447 : memref<1x8x64xf32, #tpu.memory_space<vmem>> -> memref<8x64xf32, #tpu.memory_space<vmem>>
        %dma_start3A_2449 = arith.constant 0 : i32
        %dma_start3A_2450 = tpu.memref_slice %arg5[%multiple_of3A_2444, %dma_start3A_2449] : memref<100000x64xf32, #tpu.memory_space<hbm>> -> memref<8x64xf32, #tpu.memory_space<hbm>>
        %dma_start3A_2451 = arith.constant 0 : i32
        %dma_start3A_2452 = arith.constant 0 : i32
        %dma_start3A_2453 = tpu.memref_slice %arg11[%add3A_2426, %dma_start3A_2451, %dma_start3A_2452] : memref<32x8x64xf32, #tpu.memory_space<vmem>> -> memref<1x8x64xf32, #tpu.memory_space<vmem>>
        %dma_start3A_2454 = tpu.memref_squeeze %dma_start3A_2453 : memref<1x8x64xf32, #tpu.memory_space<vmem>> -> memref<8x64xf32, #tpu.memory_space<vmem>>
        %dma_start3A_2455 = arith.constant 0 : i32
        %dma_start3A_2456 = tpu.memref_slice %arg5[%multiple_of3A_2444, %dma_start3A_2455] : memref<100000x64xf32, #tpu.memory_space<hbm>> -> memref<8x64xf32, #tpu.memory_space<hbm>>
        tpu.enqueue_dma source(%dma_start3A_2456 : memref<8x64xf32, #tpu.memory_space<hbm>>) target(%dma_start3A_2454 : memref<8x64xf32, #tpu.memory_space<vmem>>) target_semaphore(%arg15 : memref<!tpu.dma_semaphore, #tpu.memory_space<semaphore_mem>>)
        %mul3A_2457 = arith.constant 16 : i32
        %mul3A_2458 = arith.muli %rem3A_2068, %mul3A_2457 : i32
        %add3A_2459 = arith.constant 11 : i32
        %add3A_2460 = arith.addi %mul3A_2458, %add3A_2459 : i32
        %slice3A_2461 = vector.extract_strided_slice %and3A_2075 {offsets = [11], sizes = [1], strides = [1]} : vector<16xi32> to vector<1xi32>
        %squeeze3A_2462 = vector.extract %slice3A_2461[0] : i32 from vector<1xi32>
        %multiple_of3A_2463 = tpu.assume_multiple %squeeze3A_2462, 8 : i32
        %dma_start3A_2464 = arith.constant 0 : i32
        %dma_start3A_2465 = arith.constant 0 : i32
        %dma_start3A_2466 = tpu.memref_slice %arg10[%add3A_2460, %dma_start3A_2464, %dma_start3A_2465] : memref<32x8x64xf32, #tpu.memory_space<vmem>> -> memref<1x8x64xf32, #tpu.memory_space<vmem>>
        %dma_start3A_2467 = tpu.memref_squeeze %dma_start3A_2466 : memref<1x8x64xf32, #tpu.memory_space<vmem>> -> memref<8x64xf32, #tpu.memory_space<vmem>>
        %dma_start3A_2468 = arith.constant 0 : i32
        %dma_start3A_2469 = tpu.memref_slice %arg4[%multiple_of3A_2463, %dma_start3A_2468] : memref<1000000x64xf32, #tpu.memory_space<hbm>> -> memref<8x64xf32, #tpu.memory_space<hbm>>
        %dma_start3A_2470 = arith.constant 0 : i32
        %dma_start3A_2471 = arith.constant 0 : i32
        %dma_start3A_2472 = tpu.memref_slice %arg10[%add3A_2460, %dma_start3A_2470, %dma_start3A_2471] : memref<32x8x64xf32, #tpu.memory_space<vmem>> -> memref<1x8x64xf32, #tpu.memory_space<vmem>>
        %dma_start3A_2473 = tpu.memref_squeeze %dma_start3A_2472 : memref<1x8x64xf32, #tpu.memory_space<vmem>> -> memref<8x64xf32, #tpu.memory_space<vmem>>
        %dma_start3A_2474 = arith.constant 0 : i32
        %dma_start3A_2475 = tpu.memref_slice %arg4[%multiple_of3A_2463, %dma_start3A_2474] : memref<1000000x64xf32, #tpu.memory_space<hbm>> -> memref<8x64xf32, #tpu.memory_space<hbm>>
        tpu.enqueue_dma source(%dma_start3A_2475 : memref<8x64xf32, #tpu.memory_space<hbm>>) target(%dma_start3A_2473 : memref<8x64xf32, #tpu.memory_space<vmem>>) target_semaphore(%arg14 : memref<!tpu.dma_semaphore, #tpu.memory_space<semaphore_mem>>)
        %slice3A_2476 = vector.extract_strided_slice %and3A_2082 {offsets = [11], sizes = [1], strides = [1]} : vector<16xi32> to vector<1xi32>
        %squeeze3A_2477 = vector.extract %slice3A_2476[0] : i32 from vector<1xi32>
        %multiple_of3A_2478 = tpu.assume_multiple %squeeze3A_2477, 8 : i32
        %dma_start3A_2479 = arith.constant 0 : i32
        %dma_start3A_2480 = arith.constant 0 : i32
        %dma_start3A_2481 = tpu.memref_slice %arg11[%add3A_2460, %dma_start3A_2479, %dma_start3A_2480] : memref<32x8x64xf32, #tpu.memory_space<vmem>> -> memref<1x8x64xf32, #tpu.memory_space<vmem>>
        %dma_start3A_2482 = tpu.memref_squeeze %dma_start3A_2481 : memref<1x8x64xf32, #tpu.memory_space<vmem>> -> memref<8x64xf32, #tpu.memory_space<vmem>>
        %dma_start3A_2483 = arith.constant 0 : i32
        %dma_start3A_2484 = tpu.memref_slice %arg5[%multiple_of3A_2478, %dma_start3A_2483] : memref<100000x64xf32, #tpu.memory_space<hbm>> -> memref<8x64xf32, #tpu.memory_space<hbm>>
        %dma_start3A_2485 = arith.constant 0 : i32
        %dma_start3A_2486 = arith.constant 0 : i32
        %dma_start3A_2487 = tpu.memref_slice %arg11[%add3A_2460, %dma_start3A_2485, %dma_start3A_2486] : memref<32x8x64xf32, #tpu.memory_space<vmem>> -> memref<1x8x64xf32, #tpu.memory_space<vmem>>
        %dma_start3A_2488 = tpu.memref_squeeze %dma_start3A_2487 : memref<1x8x64xf32, #tpu.memory_space<vmem>> -> memref<8x64xf32, #tpu.memory_space<vmem>>
        %dma_start3A_2489 = arith.constant 0 : i32
        %dma_start3A_2490 = tpu.memref_slice %arg5[%multiple_of3A_2478, %dma_start3A_2489] : memref<100000x64xf32, #tpu.memory_space<hbm>> -> memref<8x64xf32, #tpu.memory_space<hbm>>
        tpu.enqueue_dma source(%dma_start3A_2490 : memref<8x64xf32, #tpu.memory_space<hbm>>) target(%dma_start3A_2488 : memref<8x64xf32, #tpu.memory_space<vmem>>) target_semaphore(%arg15 : memref<!tpu.dma_semaphore, #tpu.memory_space<semaphore_mem>>)
        %mul3A_2491 = arith.constant 16 : i32
        %mul3A_2492 = arith.muli %rem3A_2068, %mul3A_2491 : i32
        %add3A_2493 = arith.constant 12 : i32
        %add3A_2494 = arith.addi %mul3A_2492, %add3A_2493 : i32
        %slice3A_2495 = vector.extract_strided_slice %and3A_2075 {offsets = [12], sizes = [1], strides = [1]} : vector<16xi32> to vector<1xi32>
        %squeeze3A_2496 = vector.extract %slice3A_2495[0] : i32 from vector<1xi32>
        %multiple_of3A_2497 = tpu.assume_multiple %squeeze3A_2496, 8 : i32
        %dma_start3A_2498 = arith.constant 0 : i32
        %dma_start3A_2499 = arith.constant 0 : i32
        %dma_start3A_2500 = tpu.memref_slice %arg10[%add3A_2494, %dma_start3A_2498, %dma_start3A_2499] : memref<32x8x64xf32, #tpu.memory_space<vmem>> -> memref<1x8x64xf32, #tpu.memory_space<vmem>>
        %dma_start3A_2501 = tpu.memref_squeeze %dma_start3A_2500 : memref<1x8x64xf32, #tpu.memory_space<vmem>> -> memref<8x64xf32, #tpu.memory_space<vmem>>
        %dma_start3A_2502 = arith.constant 0 : i32
        %dma_start3A_2503 = tpu.memref_slice %arg4[%multiple_of3A_2497, %dma_start3A_2502] : memref<1000000x64xf32, #tpu.memory_space<hbm>> -> memref<8x64xf32, #tpu.memory_space<hbm>>
        %dma_start3A_2504 = arith.constant 0 : i32
        %dma_start3A_2505 = arith.constant 0 : i32
        %dma_start3A_2506 = tpu.memref_slice %arg10[%add3A_2494, %dma_start3A_2504, %dma_start3A_2505] : memref<32x8x64xf32, #tpu.memory_space<vmem>> -> memref<1x8x64xf32, #tpu.memory_space<vmem>>
        %dma_start3A_2507 = tpu.memref_squeeze %dma_start3A_2506 : memref<1x8x64xf32, #tpu.memory_space<vmem>> -> memref<8x64xf32, #tpu.memory_space<vmem>>
        %dma_start3A_2508 = arith.constant 0 : i32
        %dma_start3A_2509 = tpu.memref_slice %arg4[%multiple_of3A_2497, %dma_start3A_2508] : memref<1000000x64xf32, #tpu.memory_space<hbm>> -> memref<8x64xf32, #tpu.memory_space<hbm>>
        tpu.enqueue_dma source(%dma_start3A_2509 : memref<8x64xf32, #tpu.memory_space<hbm>>) target(%dma_start3A_2507 : memref<8x64xf32, #tpu.memory_space<vmem>>) target_semaphore(%arg14 : memref<!tpu.dma_semaphore, #tpu.memory_space<semaphore_mem>>)
        %slice3A_2510 = vector.extract_strided_slice %and3A_2082 {offsets = [12], sizes = [1], strides = [1]} : vector<16xi32> to vector<1xi32>
        %squeeze3A_2511 = vector.extract %slice3A_2510[0] : i32 from vector<1xi32>
        %multiple_of3A_2512 = tpu.assume_multiple %squeeze3A_2511, 8 : i32
        %dma_start3A_2513 = arith.constant 0 : i32
        %dma_start3A_2514 = arith.constant 0 : i32
        %dma_start3A_2515 = tpu.memref_slice %arg11[%add3A_2494, %dma_start3A_2513, %dma_start3A_2514] : memref<32x8x64xf32, #tpu.memory_space<vmem>> -> memref<1x8x64xf32, #tpu.memory_space<vmem>>
        %dma_start3A_2516 = tpu.memref_squeeze %dma_start3A_2515 : memref<1x8x64xf32, #tpu.memory_space<vmem>> -> memref<8x64xf32, #tpu.memory_space<vmem>>
        %dma_start3A_2517 = arith.constant 0 : i32
        %dma_start3A_2518 = tpu.memref_slice %arg5[%multiple_of3A_2512, %dma_start3A_2517] : memref<100000x64xf32, #tpu.memory_space<hbm>> -> memref<8x64xf32, #tpu.memory_space<hbm>>
        %dma_start3A_2519 = arith.constant 0 : i32
        %dma_start3A_2520 = arith.constant 0 : i32
        %dma_start3A_2521 = tpu.memref_slice %arg11[%add3A_2494, %dma_start3A_2519, %dma_start3A_2520] : memref<32x8x64xf32, #tpu.memory_space<vmem>> -> memref<1x8x64xf32, #tpu.memory_space<vmem>>
        %dma_start3A_2522 = tpu.memref_squeeze %dma_start3A_2521 : memref<1x8x64xf32, #tpu.memory_space<vmem>> -> memref<8x64xf32, #tpu.memory_space<vmem>>
        %dma_start3A_2523 = arith.constant 0 : i32
        %dma_start3A_2524 = tpu.memref_slice %arg5[%multiple_of3A_2512, %dma_start3A_2523] : memref<100000x64xf32, #tpu.memory_space<hbm>> -> memref<8x64xf32, #tpu.memory_space<hbm>>
        tpu.enqueue_dma source(%dma_start3A_2524 : memref<8x64xf32, #tpu.memory_space<hbm>>) target(%dma_start3A_2522 : memref<8x64xf32, #tpu.memory_space<vmem>>) target_semaphore(%arg15 : memref<!tpu.dma_semaphore, #tpu.memory_space<semaphore_mem>>)
        %mul3A_2525 = arith.constant 16 : i32
        %mul3A_2526 = arith.muli %rem3A_2068, %mul3A_2525 : i32
        %add3A_2527 = arith.constant 13 : i32
        %add3A_2528 = arith.addi %mul3A_2526, %add3A_2527 : i32
        %slice3A_2529 = vector.extract_strided_slice %and3A_2075 {offsets = [13], sizes = [1], strides = [1]} : vector<16xi32> to vector<1xi32>
        %squeeze3A_2530 = vector.extract %slice3A_2529[0] : i32 from vector<1xi32>
        %multiple_of3A_2531 = tpu.assume_multiple %squeeze3A_2530, 8 : i32
        %dma_start3A_2532 = arith.constant 0 : i32
        %dma_start3A_2533 = arith.constant 0 : i32
        %dma_start3A_2534 = tpu.memref_slice %arg10[%add3A_2528, %dma_start3A_2532, %dma_start3A_2533] : memref<32x8x64xf32, #tpu.memory_space<vmem>> -> memref<1x8x64xf32, #tpu.memory_space<vmem>>
        %dma_start3A_2535 = tpu.memref_squeeze %dma_start3A_2534 : memref<1x8x64xf32, #tpu.memory_space<vmem>> -> memref<8x64xf32, #tpu.memory_space<vmem>>
        %dma_start3A_2536 = arith.constant 0 : i32
        %dma_start3A_2537 = tpu.memref_slice %arg4[%multiple_of3A_2531, %dma_start3A_2536] : memref<1000000x64xf32, #tpu.memory_space<hbm>> -> memref<8x64xf32, #tpu.memory_space<hbm>>
        %dma_start3A_2538 = arith.constant 0 : i32
        %dma_start3A_2539 = arith.constant 0 : i32
        %dma_start3A_2540 = tpu.memref_slice %arg10[%add3A_2528, %dma_start3A_2538, %dma_start3A_2539] : memref<32x8x64xf32, #tpu.memory_space<vmem>> -> memref<1x8x64xf32, #tpu.memory_space<vmem>>
        %dma_start3A_2541 = tpu.memref_squeeze %dma_start3A_2540 : memref<1x8x64xf32, #tpu.memory_space<vmem>> -> memref<8x64xf32, #tpu.memory_space<vmem>>
        %dma_start3A_2542 = arith.constant 0 : i32
        %dma_start3A_2543 = tpu.memref_slice %arg4[%multiple_of3A_2531, %dma_start3A_2542] : memref<1000000x64xf32, #tpu.memory_space<hbm>> -> memref<8x64xf32, #tpu.memory_space<hbm>>
        tpu.enqueue_dma source(%dma_start3A_2543 : memref<8x64xf32, #tpu.memory_space<hbm>>) target(%dma_start3A_2541 : memref<8x64xf32, #tpu.memory_space<vmem>>) target_semaphore(%arg14 : memref<!tpu.dma_semaphore, #tpu.memory_space<semaphore_mem>>)
        %slice3A_2544 = vector.extract_strided_slice %and3A_2082 {offsets = [13], sizes = [1], strides = [1]} : vector<16xi32> to vector<1xi32>
        %squeeze3A_2545 = vector.extract %slice3A_2544[0] : i32 from vector<1xi32>
        %multiple_of3A_2546 = tpu.assume_multiple %squeeze3A_2545, 8 : i32
        %dma_start3A_2547 = arith.constant 0 : i32
        %dma_start3A_2548 = arith.constant 0 : i32
        %dma_start3A_2549 = tpu.memref_slice %arg11[%add3A_2528, %dma_start3A_2547, %dma_start3A_2548] : memref<32x8x64xf32, #tpu.memory_space<vmem>> -> memref<1x8x64xf32, #tpu.memory_space<vmem>>
        %dma_start3A_2550 = tpu.memref_squeeze %dma_start3A_2549 : memref<1x8x64xf32, #tpu.memory_space<vmem>> -> memref<8x64xf32, #tpu.memory_space<vmem>>
        %dma_start3A_2551 = arith.constant 0 : i32
        %dma_start3A_2552 = tpu.memref_slice %arg5[%multiple_of3A_2546, %dma_start3A_2551] : memref<100000x64xf32, #tpu.memory_space<hbm>> -> memref<8x64xf32, #tpu.memory_space<hbm>>
        %dma_start3A_2553 = arith.constant 0 : i32
        %dma_start3A_2554 = arith.constant 0 : i32
        %dma_start3A_2555 = tpu.memref_slice %arg11[%add3A_2528, %dma_start3A_2553, %dma_start3A_2554] : memref<32x8x64xf32, #tpu.memory_space<vmem>> -> memref<1x8x64xf32, #tpu.memory_space<vmem>>
        %dma_start3A_2556 = tpu.memref_squeeze %dma_start3A_2555 : memref<1x8x64xf32, #tpu.memory_space<vmem>> -> memref<8x64xf32, #tpu.memory_space<vmem>>
        %dma_start3A_2557 = arith.constant 0 : i32
        %dma_start3A_2558 = tpu.memref_slice %arg5[%multiple_of3A_2546, %dma_start3A_2557] : memref<100000x64xf32, #tpu.memory_space<hbm>> -> memref<8x64xf32, #tpu.memory_space<hbm>>
        tpu.enqueue_dma source(%dma_start3A_2558 : memref<8x64xf32, #tpu.memory_space<hbm>>) target(%dma_start3A_2556 : memref<8x64xf32, #tpu.memory_space<vmem>>) target_semaphore(%arg15 : memref<!tpu.dma_semaphore, #tpu.memory_space<semaphore_mem>>)
        %mul3A_2559 = arith.constant 16 : i32
        %mul3A_2560 = arith.muli %rem3A_2068, %mul3A_2559 : i32
        %add3A_2561 = arith.constant 14 : i32
        %add3A_2562 = arith.addi %mul3A_2560, %add3A_2561 : i32
        %slice3A_2563 = vector.extract_strided_slice %and3A_2075 {offsets = [14], sizes = [1], strides = [1]} : vector<16xi32> to vector<1xi32>
        %squeeze3A_2564 = vector.extract %slice3A_2563[0] : i32 from vector<1xi32>
        %multiple_of3A_2565 = tpu.assume_multiple %squeeze3A_2564, 8 : i32
        %dma_start3A_2566 = arith.constant 0 : i32
        %dma_start3A_2567 = arith.constant 0 : i32
        %dma_start3A_2568 = tpu.memref_slice %arg10[%add3A_2562, %dma_start3A_2566, %dma_start3A_2567] : memref<32x8x64xf32, #tpu.memory_space<vmem>> -> memref<1x8x64xf32, #tpu.memory_space<vmem>>
        %dma_start3A_2569 = tpu.memref_squeeze %dma_start3A_2568 : memref<1x8x64xf32, #tpu.memory_space<vmem>> -> memref<8x64xf32, #tpu.memory_space<vmem>>
        %dma_start3A_2570 = arith.constant 0 : i32
        %dma_start3A_2571 = tpu.memref_slice %arg4[%multiple_of3A_2565, %dma_start3A_2570] : memref<1000000x64xf32, #tpu.memory_space<hbm>> -> memref<8x64xf32, #tpu.memory_space<hbm>>
        %dma_start3A_2572 = arith.constant 0 : i32
        %dma_start3A_2573 = arith.constant 0 : i32
        %dma_start3A_2574 = tpu.memref_slice %arg10[%add3A_2562, %dma_start3A_2572, %dma_start3A_2573] : memref<32x8x64xf32, #tpu.memory_space<vmem>> -> memref<1x8x64xf32, #tpu.memory_space<vmem>>
        %dma_start3A_2575 = tpu.memref_squeeze %dma_start3A_2574 : memref<1x8x64xf32, #tpu.memory_space<vmem>> -> memref<8x64xf32, #tpu.memory_space<vmem>>
        %dma_start3A_2576 = arith.constant 0 : i32
        %dma_start3A_2577 = tpu.memref_slice %arg4[%multiple_of3A_2565, %dma_start3A_2576] : memref<1000000x64xf32, #tpu.memory_space<hbm>> -> memref<8x64xf32, #tpu.memory_space<hbm>>
        tpu.enqueue_dma source(%dma_start3A_2577 : memref<8x64xf32, #tpu.memory_space<hbm>>) target(%dma_start3A_2575 : memref<8x64xf32, #tpu.memory_space<vmem>>) target_semaphore(%arg14 : memref<!tpu.dma_semaphore, #tpu.memory_space<semaphore_mem>>)
        %slice3A_2578 = vector.extract_strided_slice %and3A_2082 {offsets = [14], sizes = [1], strides = [1]} : vector<16xi32> to vector<1xi32>
        %squeeze3A_2579 = vector.extract %slice3A_2578[0] : i32 from vector<1xi32>
        %multiple_of3A_2580 = tpu.assume_multiple %squeeze3A_2579, 8 : i32
        %dma_start3A_2581 = arith.constant 0 : i32
        %dma_start3A_2582 = arith.constant 0 : i32
        %dma_start3A_2583 = tpu.memref_slice %arg11[%add3A_2562, %dma_start3A_2581, %dma_start3A_2582] : memref<32x8x64xf32, #tpu.memory_space<vmem>> -> memref<1x8x64xf32, #tpu.memory_space<vmem>>
        %dma_start3A_2584 = tpu.memref_squeeze %dma_start3A_2583 : memref<1x8x64xf32, #tpu.memory_space<vmem>> -> memref<8x64xf32, #tpu.memory_space<vmem>>
        %dma_start3A_2585 = arith.constant 0 : i32
        %dma_start3A_2586 = tpu.memref_slice %arg5[%multiple_of3A_2580, %dma_start3A_2585] : memref<100000x64xf32, #tpu.memory_space<hbm>> -> memref<8x64xf32, #tpu.memory_space<hbm>>
        %dma_start3A_2587 = arith.constant 0 : i32
        %dma_start3A_2588 = arith.constant 0 : i32
        %dma_start3A_2589 = tpu.memref_slice %arg11[%add3A_2562, %dma_start3A_2587, %dma_start3A_2588] : memref<32x8x64xf32, #tpu.memory_space<vmem>> -> memref<1x8x64xf32, #tpu.memory_space<vmem>>
        %dma_start3A_2590 = tpu.memref_squeeze %dma_start3A_2589 : memref<1x8x64xf32, #tpu.memory_space<vmem>> -> memref<8x64xf32, #tpu.memory_space<vmem>>
        %dma_start3A_2591 = arith.constant 0 : i32
        %dma_start3A_2592 = tpu.memref_slice %arg5[%multiple_of3A_2580, %dma_start3A_2591] : memref<100000x64xf32, #tpu.memory_space<hbm>> -> memref<8x64xf32, #tpu.memory_space<hbm>>
        tpu.enqueue_dma source(%dma_start3A_2592 : memref<8x64xf32, #tpu.memory_space<hbm>>) target(%dma_start3A_2590 : memref<8x64xf32, #tpu.memory_space<vmem>>) target_semaphore(%arg15 : memref<!tpu.dma_semaphore, #tpu.memory_space<semaphore_mem>>)
        %mul3A_2593 = arith.constant 16 : i32
        %mul3A_2594 = arith.muli %rem3A_2068, %mul3A_2593 : i32
        %add3A_2595 = arith.constant 15 : i32
        %add3A_2596 = arith.addi %mul3A_2594, %add3A_2595 : i32
        %slice3A_2597 = vector.extract_strided_slice %and3A_2075 {offsets = [15], sizes = [1], strides = [1]} : vector<16xi32> to vector<1xi32>
        %squeeze3A_2598 = vector.extract %slice3A_2597[0] : i32 from vector<1xi32>
        %multiple_of3A_2599 = tpu.assume_multiple %squeeze3A_2598, 8 : i32
        %dma_start3A_2600 = arith.constant 0 : i32
        %dma_start3A_2601 = arith.constant 0 : i32
        %dma_start3A_2602 = tpu.memref_slice %arg10[%add3A_2596, %dma_start3A_2600, %dma_start3A_2601] : memref<32x8x64xf32, #tpu.memory_space<vmem>> -> memref<1x8x64xf32, #tpu.memory_space<vmem>>
        %dma_start3A_2603 = tpu.memref_squeeze %dma_start3A_2602 : memref<1x8x64xf32, #tpu.memory_space<vmem>> -> memref<8x64xf32, #tpu.memory_space<vmem>>
        %dma_start3A_2604 = arith.constant 0 : i32
        %dma_start3A_2605 = tpu.memref_slice %arg4[%multiple_of3A_2599, %dma_start3A_2604] : memref<1000000x64xf32, #tpu.memory_space<hbm>> -> memref<8x64xf32, #tpu.memory_space<hbm>>
        %dma_start3A_2606 = arith.constant 0 : i32
        %dma_start3A_2607 = arith.constant 0 : i32
        %dma_start3A_2608 = tpu.memref_slice %arg10[%add3A_2596, %dma_start3A_2606, %dma_start3A_2607] : memref<32x8x64xf32, #tpu.memory_space<vmem>> -> memref<1x8x64xf32, #tpu.memory_space<vmem>>
        %dma_start3A_2609 = tpu.memref_squeeze %dma_start3A_2608 : memref<1x8x64xf32, #tpu.memory_space<vmem>> -> memref<8x64xf32, #tpu.memory_space<vmem>>
        %dma_start3A_2610 = arith.constant 0 : i32
        %dma_start3A_2611 = tpu.memref_slice %arg4[%multiple_of3A_2599, %dma_start3A_2610] : memref<1000000x64xf32, #tpu.memory_space<hbm>> -> memref<8x64xf32, #tpu.memory_space<hbm>>
        tpu.enqueue_dma source(%dma_start3A_2611 : memref<8x64xf32, #tpu.memory_space<hbm>>) target(%dma_start3A_2609 : memref<8x64xf32, #tpu.memory_space<vmem>>) target_semaphore(%arg14 : memref<!tpu.dma_semaphore, #tpu.memory_space<semaphore_mem>>)
        %slice3A_2612 = vector.extract_strided_slice %and3A_2082 {offsets = [15], sizes = [1], strides = [1]} : vector<16xi32> to vector<1xi32>
        %squeeze3A_2613 = vector.extract %slice3A_2612[0] : i32 from vector<1xi32>
        %multiple_of3A_2614 = tpu.assume_multiple %squeeze3A_2613, 8 : i32
        %dma_start3A_2615 = arith.constant 0 : i32
        %dma_start3A_2616 = arith.constant 0 : i32
        %dma_start3A_2617 = tpu.memref_slice %arg11[%add3A_2596, %dma_start3A_2615, %dma_start3A_2616] : memref<32x8x64xf32, #tpu.memory_space<vmem>> -> memref<1x8x64xf32, #tpu.memory_space<vmem>>
        %dma_start3A_2618 = tpu.memref_squeeze %dma_start3A_2617 : memref<1x8x64xf32, #tpu.memory_space<vmem>> -> memref<8x64xf32, #tpu.memory_space<vmem>>
        %dma_start3A_2619 = arith.constant 0 : i32
        %dma_start3A_2620 = tpu.memref_slice %arg5[%multiple_of3A_2614, %dma_start3A_2619] : memref<100000x64xf32, #tpu.memory_space<hbm>> -> memref<8x64xf32, #tpu.memory_space<hbm>>
        %dma_start3A_2621 = arith.constant 0 : i32
        %dma_start3A_2622 = arith.constant 0 : i32
        %dma_start3A_2623 = tpu.memref_slice %arg11[%add3A_2596, %dma_start3A_2621, %dma_start3A_2622] : memref<32x8x64xf32, #tpu.memory_space<vmem>> -> memref<1x8x64xf32, #tpu.memory_space<vmem>>
        %dma_start3A_2624 = tpu.memref_squeeze %dma_start3A_2623 : memref<1x8x64xf32, #tpu.memory_space<vmem>> -> memref<8x64xf32, #tpu.memory_space<vmem>>
        %dma_start3A_2625 = arith.constant 0 : i32
        %dma_start3A_2626 = tpu.memref_slice %arg5[%multiple_of3A_2614, %dma_start3A_2625] : memref<100000x64xf32, #tpu.memory_space<hbm>> -> memref<8x64xf32, #tpu.memory_space<hbm>>
        tpu.enqueue_dma source(%dma_start3A_2626 : memref<8x64xf32, #tpu.memory_space<hbm>>) target(%dma_start3A_2624 : memref<8x64xf32, #tpu.memory_space<vmem>>) target_semaphore(%arg15 : memref<!tpu.dma_semaphore, #tpu.memory_space<semaphore_mem>>)
      } else {
      }
      %mul3A_1061 = arith.constant 16 : i32
      %mul3A_1062 = arith.muli %scan3A_544, %mul3A_1061 : i32
      %get3A_1063 = arith.index_cast %mul3A_1062 : i32 to index
      %get3A_1064 = tpu.vector_load %arg8[%get3A_1063] {strides = array<i32>} : memref<512xi32, #tpu.memory_space<vmem>>, vector<16xi32>,
      %and3A_1065 = arith.constant 7 : i32
      %and3A_1066 = vector.broadcast %and3A_1065 : i32 to vector<16xi32>
      %and3A_1067 = arith.andi %get3A_1064, %and3A_1066 : vector<16xi32>
      %get3A_1068 = arith.index_cast %mul3A_1062 : i32 to index
      %get3A_1069 = tpu.vector_load %arg9[%get3A_1068] {strides = array<i32>} : memref<512xi32, #tpu.memory_space<vmem>>, vector<16xi32>,
      %and3A_1070 = arith.constant 7 : i32
      %and3A_1071 = vector.broadcast %and3A_1070 : i32 to vector<16xi32>
      %and3A_1072 = arith.andi %get3A_1069, %and3A_1071 : vector<16xi32>
      %mul3A_1073 = arith.constant 16 : i32
      %mul3A_1074 = arith.muli %rem3A_545, %mul3A_1073 : i32
      %add3A_1075 = arith.constant 0 : i32
      %add3A_1076 = arith.addi %mul3A_1074, %add3A_1075 : i32
      %slice3A_1077 = vector.extract_strided_slice %and3A_1067 {offsets = [0], sizes = [1], strides = [1]} : vector<16xi32> to vector<1xi32>
      %squeeze3A_1078 = vector.extract %slice3A_1077[0] : i32 from vector<1xi32>
      %slice3A_1079 = vector.extract_strided_slice %and3A_1072 {offsets = [0], sizes = [1], strides = [1]} : vector<16xi32> to vector<1xi32>
      %squeeze3A_1080 = vector.extract %slice3A_1079[0] : i32 from vector<1xi32>
      %get3A_1081 = arith.index_cast %add3A_1076 : i32 to index
      %get3A_1082 = arith.index_cast %squeeze3A_1078 : i32 to index
      %get3A_1083 = arith.constant 0 : index
      %get3A_1084 = tpu.vector_load %arg10[%get3A_1081, %get3A_1082, %get3A_1083] {strides = array<i32>} : memref<32x8x64xf32, #tpu.memory_space<vmem>>, vector<16xf32>,
      %mul3A_1085 = arith.mulf %get3A_1084, %get3A_522 : vector<16xf32>
      %get3A_1086 = arith.index_cast %add3A_1076 : i32 to index
      %get3A_1087 = arith.index_cast %squeeze3A_1080 : i32 to index
      %get3A_1088 = arith.constant 0 : index
      %get3A_1089 = tpu.vector_load %arg11[%get3A_1086, %get3A_1087, %get3A_1088] {strides = array<i32>} : memref<32x8x64xf32, #tpu.memory_space<vmem>>, vector<16xf32>,
      %mul3A_1090 = arith.mulf %get3A_1089, %get3A_530 : vector<16xf32>
      %add3A_1091 = arith.addf %mul3A_1085, %mul3A_1090 : vector<16xf32>
      %get3A_1092 = arith.index_cast %add3A_1076 : i32 to index
      %get3A_1093 = arith.index_cast %squeeze3A_1078 : i32 to index
      %get3A_1094 = arith.constant 16 : index
      %get3A_1095 = tpu.vector_load %arg10[%get3A_1092, %get3A_1093, %get3A_1094] {strides = array<i32>} : memref<32x8x64xf32, #tpu.memory_space<vmem>>, vector<16xf32>,
      %mul3A_1096 = arith.mulf %get3A_1095, %get3A_524 : vector<16xf32>
      %get3A_1097 = arith.index_cast %add3A_1076 : i32 to index
      %get3A_1098 = arith.index_cast %squeeze3A_1080 : i32 to index
      %get3A_1099 = arith.constant 16 : index
      %get3A_1100 = tpu.vector_load %arg11[%get3A_1097, %get3A_1098, %get3A_1099] {strides = array<i32>} : memref<32x8x64xf32, #tpu.memory_space<vmem>>, vector<16xf32>,
      %mul3A_1101 = arith.mulf %get3A_1100, %get3A_532 : vector<16xf32>
      %add3A_1102 = arith.addf %mul3A_1096, %mul3A_1101 : vector<16xf32>
      %add3A_1103 = arith.addf %add3A_1091, %add3A_1102 : vector<16xf32>
      %get3A_1104 = arith.index_cast %add3A_1076 : i32 to index
      %get3A_1105 = arith.index_cast %squeeze3A_1078 : i32 to index
      %get3A_1106 = arith.constant 32 : index
      %get3A_1107 = tpu.vector_load %arg10[%get3A_1104, %get3A_1105, %get3A_1106] {strides = array<i32>} : memref<32x8x64xf32, #tpu.memory_space<vmem>>, vector<16xf32>,
      %mul3A_1108 = arith.mulf %get3A_1107, %get3A_526 : vector<16xf32>
      %get3A_1109 = arith.index_cast %add3A_1076 : i32 to index
      %get3A_1110 = arith.index_cast %squeeze3A_1080 : i32 to index
      %get3A_1111 = arith.constant 32 : index
      %get3A_1112 = tpu.vector_load %arg11[%get3A_1109, %get3A_1110, %get3A_1111] {strides = array<i32>} : memref<32x8x64xf32, #tpu.memory_space<vmem>>, vector<16xf32>,
      %mul3A_1113 = arith.mulf %get3A_1112, %get3A_534 : vector<16xf32>
      %add3A_1114 = arith.addf %mul3A_1108, %mul3A_1113 : vector<16xf32>
      %add3A_1115 = arith.addf %add3A_1103, %add3A_1114 : vector<16xf32>
      %get3A_1116 = arith.index_cast %add3A_1076 : i32 to index
      %get3A_1117 = arith.index_cast %squeeze3A_1078 : i32 to index
      %get3A_1118 = arith.constant 48 : index
      %get3A_1119 = tpu.vector_load %arg10[%get3A_1116, %get3A_1117, %get3A_1118] {strides = array<i32>} : memref<32x8x64xf32, #tpu.memory_space<vmem>>, vector<16xf32>,
      %mul3A_1120 = arith.mulf %get3A_1119, %get3A_528 : vector<16xf32>
      %get3A_1121 = arith.index_cast %add3A_1076 : i32 to index
      %get3A_1122 = arith.index_cast %squeeze3A_1080 : i32 to index
      %get3A_1123 = arith.constant 48 : index
      %get3A_1124 = tpu.vector_load %arg11[%get3A_1121, %get3A_1122, %get3A_1123] {strides = array<i32>} : memref<32x8x64xf32, #tpu.memory_space<vmem>>, vector<16xf32>,
      %mul3A_1125 = arith.mulf %get3A_1124, %get3A_536 : vector<16xf32>
      %add3A_1126 = arith.addf %mul3A_1120, %mul3A_1125 : vector<16xf32>
      %add3A_1127 = arith.addf %add3A_1115, %add3A_1126 : vector<16xf32>
      %broadcast_in_dim3A = arith.constant true
      %broadcast_in_dim3A_1128 = vector.broadcast %broadcast_in_dim3A : i1 to vector<16xi1>
      %masked_cumsum3A = tpu.scan <sum>, %add3A_1127 masked %broadcast_in_dim3A_1128 : vector<16xf32>, vector<16xi1> -> vector<16xf32>
      %add3A_1129 = arith.addf %masked_cumsum3A, %get3A_538 : vector<16xf32>
      %add3A_1130 = arith.constant 0 : i32
      %add3A_1131 = arith.addi %mul3A_1062, %add3A_1130 : i32
      %broadcast_in_dim3A_1132 = vector.broadcast %add3A_1131 : i32 to vector<16xi32>
      tpu.vector_store_idx %arg13[%broadcast_in_dim3A_1132], %add3A_1129 masked %eq3A_4 : memref<512xf32, #tpu.memory_space<vmem>>[vector<16xi32>], vector<16xf32>, vector<16xi1>
      %mul3A_1133 = arith.constant 16 : i32
      %mul3A_1134 = arith.muli %rem3A_545, %mul3A_1133 : i32
      %add3A_1135 = arith.constant 1 : i32
      %add3A_1136 = arith.addi %mul3A_1134, %add3A_1135 : i32
      %slice3A_1137 = vector.extract_strided_slice %and3A_1067 {offsets = [1], sizes = [1], strides = [1]} : vector<16xi32> to vector<1xi32>
      %squeeze3A_1138 = vector.extract %slice3A_1137[0] : i32 from vector<1xi32>
      %slice3A_1139 = vector.extract_strided_slice %and3A_1072 {offsets = [1], sizes = [1], strides = [1]} : vector<16xi32> to vector<1xi32>
      %squeeze3A_1140 = vector.extract %slice3A_1139[0] : i32 from vector<1xi32>
      %get3A_1141 = arith.index_cast %add3A_1136 : i32 to index
      %get3A_1142 = arith.index_cast %squeeze3A_1138 : i32 to index
      %get3A_1143 = arith.constant 0 : index
      %get3A_1144 = tpu.vector_load %arg10[%get3A_1141, %get3A_1142, %get3A_1143] {strides = array<i32>} : memref<32x8x64xf32, #tpu.memory_space<vmem>>, vector<16xf32>,
      %mul3A_1145 = arith.mulf %get3A_1144, %get3A_522 : vector<16xf32>
      %get3A_1146 = arith.index_cast %add3A_1136 : i32 to index
      %get3A_1147 = arith.index_cast %squeeze3A_1140 : i32 to index
      %get3A_1148 = arith.constant 0 : index
      %get3A_1149 = tpu.vector_load %arg11[%get3A_1146, %get3A_1147, %get3A_1148] {strides = array<i32>} : memref<32x8x64xf32, #tpu.memory_space<vmem>>, vector<16xf32>,
      %mul3A_1150 = arith.mulf %get3A_1149, %get3A_530 : vector<16xf32>
      %add3A_1151 = arith.addf %mul3A_1145, %mul3A_1150 : vector<16xf32>
      %get3A_1152 = arith.index_cast %add3A_1136 : i32 to index
      %get3A_1153 = arith.index_cast %squeeze3A_1138 : i32 to index
      %get3A_1154 = arith.constant 16 : index
      %get3A_1155 = tpu.vector_load %arg10[%get3A_1152, %get3A_1153, %get3A_1154] {strides = array<i32>} : memref<32x8x64xf32, #tpu.memory_space<vmem>>, vector<16xf32>,
      %mul3A_1156 = arith.mulf %get3A_1155, %get3A_524 : vector<16xf32>
      %get3A_1157 = arith.index_cast %add3A_1136 : i32 to index
      %get3A_1158 = arith.index_cast %squeeze3A_1140 : i32 to index
      %get3A_1159 = arith.constant 16 : index
      %get3A_1160 = tpu.vector_load %arg11[%get3A_1157, %get3A_1158, %get3A_1159] {strides = array<i32>} : memref<32x8x64xf32, #tpu.memory_space<vmem>>, vector<16xf32>,
      %mul3A_1161 = arith.mulf %get3A_1160, %get3A_532 : vector<16xf32>
      %add3A_1162 = arith.addf %mul3A_1156, %mul3A_1161 : vector<16xf32>
      %add3A_1163 = arith.addf %add3A_1151, %add3A_1162 : vector<16xf32>
      %get3A_1164 = arith.index_cast %add3A_1136 : i32 to index
      %get3A_1165 = arith.index_cast %squeeze3A_1138 : i32 to index
      %get3A_1166 = arith.constant 32 : index
      %get3A_1167 = tpu.vector_load %arg10[%get3A_1164, %get3A_1165, %get3A_1166] {strides = array<i32>} : memref<32x8x64xf32, #tpu.memory_space<vmem>>, vector<16xf32>,
      %mul3A_1168 = arith.mulf %get3A_1167, %get3A_526 : vector<16xf32>
      %get3A_1169 = arith.index_cast %add3A_1136 : i32 to index
      %get3A_1170 = arith.index_cast %squeeze3A_1140 : i32 to index
      %get3A_1171 = arith.constant 32 : index
      %get3A_1172 = tpu.vector_load %arg11[%get3A_1169, %get3A_1170, %get3A_1171] {strides = array<i32>} : memref<32x8x64xf32, #tpu.memory_space<vmem>>, vector<16xf32>,
      %mul3A_1173 = arith.mulf %get3A_1172, %get3A_534 : vector<16xf32>
      %add3A_1174 = arith.addf %mul3A_1168, %mul3A_1173 : vector<16xf32>
      %add3A_1175 = arith.addf %add3A_1163, %add3A_1174 : vector<16xf32>
      %get3A_1176 = arith.index_cast %add3A_1136 : i32 to index
      %get3A_1177 = arith.index_cast %squeeze3A_1138 : i32 to index
      %get3A_1178 = arith.constant 48 : index
      %get3A_1179 = tpu.vector_load %arg10[%get3A_1176, %get3A_1177, %get3A_1178] {strides = array<i32>} : memref<32x8x64xf32, #tpu.memory_space<vmem>>, vector<16xf32>,
      %mul3A_1180 = arith.mulf %get3A_1179, %get3A_528 : vector<16xf32>
      %get3A_1181 = arith.index_cast %add3A_1136 : i32 to index
      %get3A_1182 = arith.index_cast %squeeze3A_1140 : i32 to index
      %get3A_1183 = arith.constant 48 : index
      %get3A_1184 = tpu.vector_load %arg11[%get3A_1181, %get3A_1182, %get3A_1183] {strides = array<i32>} : memref<32x8x64xf32, #tpu.memory_space<vmem>>, vector<16xf32>,
      %mul3A_1185 = arith.mulf %get3A_1184, %get3A_536 : vector<16xf32>
      %add3A_1186 = arith.addf %mul3A_1180, %mul3A_1185 : vector<16xf32>
      %add3A_1187 = arith.addf %add3A_1175, %add3A_1186 : vector<16xf32>
      %broadcast_in_dim3A_1188 = arith.constant true
      %broadcast_in_dim3A_1189 = vector.broadcast %broadcast_in_dim3A_1188 : i1 to vector<16xi1>
      %masked_cumsum3A_1190 = tpu.scan <sum>, %add3A_1187 masked %broadcast_in_dim3A_1189 : vector<16xf32>, vector<16xi1> -> vector<16xf32>
      %add3A_1191 = arith.addf %masked_cumsum3A_1190, %get3A_538 : vector<16xf32>
      %add3A_1192 = arith.constant 1 : i32
      %add3A_1193 = arith.addi %mul3A_1062, %add3A_1192 : i32
      %broadcast_in_dim3A_1194 = vector.broadcast %add3A_1193 : i32 to vector<16xi32>
      tpu.vector_store_idx %arg13[%broadcast_in_dim3A_1194], %add3A_1191 masked %eq3A_4 : memref<512xf32, #tpu.memory_space<vmem>>[vector<16xi32>], vector<16xf32>, vector<16xi1>
      %mul3A_1195 = arith.constant 16 : i32
      %mul3A_1196 = arith.muli %rem3A_545, %mul3A_1195 : i32
      %add3A_1197 = arith.constant 2 : i32
      %add3A_1198 = arith.addi %mul3A_1196, %add3A_1197 : i32
      %slice3A_1199 = vector.extract_strided_slice %and3A_1067 {offsets = [2], sizes = [1], strides = [1]} : vector<16xi32> to vector<1xi32>
      %squeeze3A_1200 = vector.extract %slice3A_1199[0] : i32 from vector<1xi32>
      %slice3A_1201 = vector.extract_strided_slice %and3A_1072 {offsets = [2], sizes = [1], strides = [1]} : vector<16xi32> to vector<1xi32>
      %squeeze3A_1202 = vector.extract %slice3A_1201[0] : i32 from vector<1xi32>
      %get3A_1203 = arith.index_cast %add3A_1198 : i32 to index
      %get3A_1204 = arith.index_cast %squeeze3A_1200 : i32 to index
      %get3A_1205 = arith.constant 0 : index
      %get3A_1206 = tpu.vector_load %arg10[%get3A_1203, %get3A_1204, %get3A_1205] {strides = array<i32>} : memref<32x8x64xf32, #tpu.memory_space<vmem>>, vector<16xf32>,
      %mul3A_1207 = arith.mulf %get3A_1206, %get3A_522 : vector<16xf32>
      %get3A_1208 = arith.index_cast %add3A_1198 : i32 to index
      %get3A_1209 = arith.index_cast %squeeze3A_1202 : i32 to index
      %get3A_1210 = arith.constant 0 : index
      %get3A_1211 = tpu.vector_load %arg11[%get3A_1208, %get3A_1209, %get3A_1210] {strides = array<i32>} : memref<32x8x64xf32, #tpu.memory_space<vmem>>, vector<16xf32>,
      %mul3A_1212 = arith.mulf %get3A_1211, %get3A_530 : vector<16xf32>
      %add3A_1213 = arith.addf %mul3A_1207, %mul3A_1212 : vector<16xf32>
      %get3A_1214 = arith.index_cast %add3A_1198 : i32 to index
      %get3A_1215 = arith.index_cast %squeeze3A_1200 : i32 to index
      %get3A_1216 = arith.constant 16 : index
      %get3A_1217 = tpu.vector_load %arg10[%get3A_1214, %get3A_1215, %get3A_1216] {strides = array<i32>} : memref<32x8x64xf32, #tpu.memory_space<vmem>>, vector<16xf32>,
      %mul3A_1218 = arith.mulf %get3A_1217, %get3A_524 : vector<16xf32>
      %get3A_1219 = arith.index_cast %add3A_1198 : i32 to index
      %get3A_1220 = arith.index_cast %squeeze3A_1202 : i32 to index
      %get3A_1221 = arith.constant 16 : index
      %get3A_1222 = tpu.vector_load %arg11[%get3A_1219, %get3A_1220, %get3A_1221] {strides = array<i32>} : memref<32x8x64xf32, #tpu.memory_space<vmem>>, vector<16xf32>,
      %mul3A_1223 = arith.mulf %get3A_1222, %get3A_532 : vector<16xf32>
      %add3A_1224 = arith.addf %mul3A_1218, %mul3A_1223 : vector<16xf32>
      %add3A_1225 = arith.addf %add3A_1213, %add3A_1224 : vector<16xf32>
      %get3A_1226 = arith.index_cast %add3A_1198 : i32 to index
      %get3A_1227 = arith.index_cast %squeeze3A_1200 : i32 to index
      %get3A_1228 = arith.constant 32 : index
      %get3A_1229 = tpu.vector_load %arg10[%get3A_1226, %get3A_1227, %get3A_1228] {strides = array<i32>} : memref<32x8x64xf32, #tpu.memory_space<vmem>>, vector<16xf32>,
      %mul3A_1230 = arith.mulf %get3A_1229, %get3A_526 : vector<16xf32>
      %get3A_1231 = arith.index_cast %add3A_1198 : i32 to index
      %get3A_1232 = arith.index_cast %squeeze3A_1202 : i32 to index
      %get3A_1233 = arith.constant 32 : index
      %get3A_1234 = tpu.vector_load %arg11[%get3A_1231, %get3A_1232, %get3A_1233] {strides = array<i32>} : memref<32x8x64xf32, #tpu.memory_space<vmem>>, vector<16xf32>,
      %mul3A_1235 = arith.mulf %get3A_1234, %get3A_534 : vector<16xf32>
      %add3A_1236 = arith.addf %mul3A_1230, %mul3A_1235 : vector<16xf32>
      %add3A_1237 = arith.addf %add3A_1225, %add3A_1236 : vector<16xf32>
      %get3A_1238 = arith.index_cast %add3A_1198 : i32 to index
      %get3A_1239 = arith.index_cast %squeeze3A_1200 : i32 to index
      %get3A_1240 = arith.constant 48 : index
      %get3A_1241 = tpu.vector_load %arg10[%get3A_1238, %get3A_1239, %get3A_1240] {strides = array<i32>} : memref<32x8x64xf32, #tpu.memory_space<vmem>>, vector<16xf32>,
      %mul3A_1242 = arith.mulf %get3A_1241, %get3A_528 : vector<16xf32>
      %get3A_1243 = arith.index_cast %add3A_1198 : i32 to index
      %get3A_1244 = arith.index_cast %squeeze3A_1202 : i32 to index
      %get3A_1245 = arith.constant 48 : index
      %get3A_1246 = tpu.vector_load %arg11[%get3A_1243, %get3A_1244, %get3A_1245] {strides = array<i32>} : memref<32x8x64xf32, #tpu.memory_space<vmem>>, vector<16xf32>,
      %mul3A_1247 = arith.mulf %get3A_1246, %get3A_536 : vector<16xf32>
      %add3A_1248 = arith.addf %mul3A_1242, %mul3A_1247 : vector<16xf32>
      %add3A_1249 = arith.addf %add3A_1237, %add3A_1248 : vector<16xf32>
      %broadcast_in_dim3A_1250 = arith.constant true
      %broadcast_in_dim3A_1251 = vector.broadcast %broadcast_in_dim3A_1250 : i1 to vector<16xi1>
      %masked_cumsum3A_1252 = tpu.scan <sum>, %add3A_1249 masked %broadcast_in_dim3A_1251 : vector<16xf32>, vector<16xi1> -> vector<16xf32>
      %add3A_1253 = arith.addf %masked_cumsum3A_1252, %get3A_538 : vector<16xf32>
      %add3A_1254 = arith.constant 2 : i32
      %add3A_1255 = arith.addi %mul3A_1062, %add3A_1254 : i32
      %broadcast_in_dim3A_1256 = vector.broadcast %add3A_1255 : i32 to vector<16xi32>
      tpu.vector_store_idx %arg13[%broadcast_in_dim3A_1256], %add3A_1253 masked %eq3A_4 : memref<512xf32, #tpu.memory_space<vmem>>[vector<16xi32>], vector<16xf32>, vector<16xi1>
      %mul3A_1257 = arith.constant 16 : i32
      %mul3A_1258 = arith.muli %rem3A_545, %mul3A_1257 : i32
      %add3A_1259 = arith.constant 3 : i32
      %add3A_1260 = arith.addi %mul3A_1258, %add3A_1259 : i32
      %slice3A_1261 = vector.extract_strided_slice %and3A_1067 {offsets = [3], sizes = [1], strides = [1]} : vector<16xi32> to vector<1xi32>
      %squeeze3A_1262 = vector.extract %slice3A_1261[0] : i32 from vector<1xi32>
      %slice3A_1263 = vector.extract_strided_slice %and3A_1072 {offsets = [3], sizes = [1], strides = [1]} : vector<16xi32> to vector<1xi32>
      %squeeze3A_1264 = vector.extract %slice3A_1263[0] : i32 from vector<1xi32>
      %get3A_1265 = arith.index_cast %add3A_1260 : i32 to index
      %get3A_1266 = arith.index_cast %squeeze3A_1262 : i32 to index
      %get3A_1267 = arith.constant 0 : index
      %get3A_1268 = tpu.vector_load %arg10[%get3A_1265, %get3A_1266, %get3A_1267] {strides = array<i32>} : memref<32x8x64xf32, #tpu.memory_space<vmem>>, vector<16xf32>,
      %mul3A_1269 = arith.mulf %get3A_1268, %get3A_522 : vector<16xf32>
      %get3A_1270 = arith.index_cast %add3A_1260 : i32 to index
      %get3A_1271 = arith.index_cast %squeeze3A_1264 : i32 to index
      %get3A_1272 = arith.constant 0 : index
      %get3A_1273 = tpu.vector_load %arg11[%get3A_1270, %get3A_1271, %get3A_1272] {strides = array<i32>} : memref<32x8x64xf32, #tpu.memory_space<vmem>>, vector<16xf32>,
      %mul3A_1274 = arith.mulf %get3A_1273, %get3A_530 : vector<16xf32>
      %add3A_1275 = arith.addf %mul3A_1269, %mul3A_1274 : vector<16xf32>
      %get3A_1276 = arith.index_cast %add3A_1260 : i32 to index
      %get3A_1277 = arith.index_cast %squeeze3A_1262 : i32 to index
      %get3A_1278 = arith.constant 16 : index
      %get3A_1279 = tpu.vector_load %arg10[%get3A_1276, %get3A_1277, %get3A_1278] {strides = array<i32>} : memref<32x8x64xf32, #tpu.memory_space<vmem>>, vector<16xf32>,
      %mul3A_1280 = arith.mulf %get3A_1279, %get3A_524 : vector<16xf32>
      %get3A_1281 = arith.index_cast %add3A_1260 : i32 to index
      %get3A_1282 = arith.index_cast %squeeze3A_1264 : i32 to index
      %get3A_1283 = arith.constant 16 : index
      %get3A_1284 = tpu.vector_load %arg11[%get3A_1281, %get3A_1282, %get3A_1283] {strides = array<i32>} : memref<32x8x64xf32, #tpu.memory_space<vmem>>, vector<16xf32>,
      %mul3A_1285 = arith.mulf %get3A_1284, %get3A_532 : vector<16xf32>
      %add3A_1286 = arith.addf %mul3A_1280, %mul3A_1285 : vector<16xf32>
      %add3A_1287 = arith.addf %add3A_1275, %add3A_1286 : vector<16xf32>
      %get3A_1288 = arith.index_cast %add3A_1260 : i32 to index
      %get3A_1289 = arith.index_cast %squeeze3A_1262 : i32 to index
      %get3A_1290 = arith.constant 32 : index
      %get3A_1291 = tpu.vector_load %arg10[%get3A_1288, %get3A_1289, %get3A_1290] {strides = array<i32>} : memref<32x8x64xf32, #tpu.memory_space<vmem>>, vector<16xf32>,
      %mul3A_1292 = arith.mulf %get3A_1291, %get3A_526 : vector<16xf32>
      %get3A_1293 = arith.index_cast %add3A_1260 : i32 to index
      %get3A_1294 = arith.index_cast %squeeze3A_1264 : i32 to index
      %get3A_1295 = arith.constant 32 : index
      %get3A_1296 = tpu.vector_load %arg11[%get3A_1293, %get3A_1294, %get3A_1295] {strides = array<i32>} : memref<32x8x64xf32, #tpu.memory_space<vmem>>, vector<16xf32>,
      %mul3A_1297 = arith.mulf %get3A_1296, %get3A_534 : vector<16xf32>
      %add3A_1298 = arith.addf %mul3A_1292, %mul3A_1297 : vector<16xf32>
      %add3A_1299 = arith.addf %add3A_1287, %add3A_1298 : vector<16xf32>
      %get3A_1300 = arith.index_cast %add3A_1260 : i32 to index
      %get3A_1301 = arith.index_cast %squeeze3A_1262 : i32 to index
      %get3A_1302 = arith.constant 48 : index
      %get3A_1303 = tpu.vector_load %arg10[%get3A_1300, %get3A_1301, %get3A_1302] {strides = array<i32>} : memref<32x8x64xf32, #tpu.memory_space<vmem>>, vector<16xf32>,
      %mul3A_1304 = arith.mulf %get3A_1303, %get3A_528 : vector<16xf32>
      %get3A_1305 = arith.index_cast %add3A_1260 : i32 to index
      %get3A_1306 = arith.index_cast %squeeze3A_1264 : i32 to index
      %get3A_1307 = arith.constant 48 : index
      %get3A_1308 = tpu.vector_load %arg11[%get3A_1305, %get3A_1306, %get3A_1307] {strides = array<i32>} : memref<32x8x64xf32, #tpu.memory_space<vmem>>, vector<16xf32>,
      %mul3A_1309 = arith.mulf %get3A_1308, %get3A_536 : vector<16xf32>
      %add3A_1310 = arith.addf %mul3A_1304, %mul3A_1309 : vector<16xf32>
      %add3A_1311 = arith.addf %add3A_1299, %add3A_1310 : vector<16xf32>
      %broadcast_in_dim3A_1312 = arith.constant true
      %broadcast_in_dim3A_1313 = vector.broadcast %broadcast_in_dim3A_1312 : i1 to vector<16xi1>
      %masked_cumsum3A_1314 = tpu.scan <sum>, %add3A_1311 masked %broadcast_in_dim3A_1313 : vector<16xf32>, vector<16xi1> -> vector<16xf32>
      %add3A_1315 = arith.addf %masked_cumsum3A_1314, %get3A_538 : vector<16xf32>
      %add3A_1316 = arith.constant 3 : i32
      %add3A_1317 = arith.addi %mul3A_1062, %add3A_1316 : i32
      %broadcast_in_dim3A_1318 = vector.broadcast %add3A_1317 : i32 to vector<16xi32>
      tpu.vector_store_idx %arg13[%broadcast_in_dim3A_1318], %add3A_1315 masked %eq3A_4 : memref<512xf32, #tpu.memory_space<vmem>>[vector<16xi32>], vector<16xf32>, vector<16xi1>
      %mul3A_1319 = arith.constant 16 : i32
      %mul3A_1320 = arith.muli %rem3A_545, %mul3A_1319 : i32
      %add3A_1321 = arith.constant 4 : i32
      %add3A_1322 = arith.addi %mul3A_1320, %add3A_1321 : i32
      %slice3A_1323 = vector.extract_strided_slice %and3A_1067 {offsets = [4], sizes = [1], strides = [1]} : vector<16xi32> to vector<1xi32>
      %squeeze3A_1324 = vector.extract %slice3A_1323[0] : i32 from vector<1xi32>
      %slice3A_1325 = vector.extract_strided_slice %and3A_1072 {offsets = [4], sizes = [1], strides = [1]} : vector<16xi32> to vector<1xi32>
      %squeeze3A_1326 = vector.extract %slice3A_1325[0] : i32 from vector<1xi32>
      %get3A_1327 = arith.index_cast %add3A_1322 : i32 to index
      %get3A_1328 = arith.index_cast %squeeze3A_1324 : i32 to index
      %get3A_1329 = arith.constant 0 : index
      %get3A_1330 = tpu.vector_load %arg10[%get3A_1327, %get3A_1328, %get3A_1329] {strides = array<i32>} : memref<32x8x64xf32, #tpu.memory_space<vmem>>, vector<16xf32>,
      %mul3A_1331 = arith.mulf %get3A_1330, %get3A_522 : vector<16xf32>
      %get3A_1332 = arith.index_cast %add3A_1322 : i32 to index
      %get3A_1333 = arith.index_cast %squeeze3A_1326 : i32 to index
      %get3A_1334 = arith.constant 0 : index
      %get3A_1335 = tpu.vector_load %arg11[%get3A_1332, %get3A_1333, %get3A_1334] {strides = array<i32>} : memref<32x8x64xf32, #tpu.memory_space<vmem>>, vector<16xf32>,
      %mul3A_1336 = arith.mulf %get3A_1335, %get3A_530 : vector<16xf32>
      %add3A_1337 = arith.addf %mul3A_1331, %mul3A_1336 : vector<16xf32>
      %get3A_1338 = arith.index_cast %add3A_1322 : i32 to index
      %get3A_1339 = arith.index_cast %squeeze3A_1324 : i32 to index
      %get3A_1340 = arith.constant 16 : index
      %get3A_1341 = tpu.vector_load %arg10[%get3A_1338, %get3A_1339, %get3A_1340] {strides = array<i32>} : memref<32x8x64xf32, #tpu.memory_space<vmem>>, vector<16xf32>,
      %mul3A_1342 = arith.mulf %get3A_1341, %get3A_524 : vector<16xf32>
      %get3A_1343 = arith.index_cast %add3A_1322 : i32 to index
      %get3A_1344 = arith.index_cast %squeeze3A_1326 : i32 to index
      %get3A_1345 = arith.constant 16 : index
      %get3A_1346 = tpu.vector_load %arg11[%get3A_1343, %get3A_1344, %get3A_1345] {strides = array<i32>} : memref<32x8x64xf32, #tpu.memory_space<vmem>>, vector<16xf32>,
      %mul3A_1347 = arith.mulf %get3A_1346, %get3A_532 : vector<16xf32>
      %add3A_1348 = arith.addf %mul3A_1342, %mul3A_1347 : vector<16xf32>
      %add3A_1349 = arith.addf %add3A_1337, %add3A_1348 : vector<16xf32>
      %get3A_1350 = arith.index_cast %add3A_1322 : i32 to index
      %get3A_1351 = arith.index_cast %squeeze3A_1324 : i32 to index
      %get3A_1352 = arith.constant 32 : index
      %get3A_1353 = tpu.vector_load %arg10[%get3A_1350, %get3A_1351, %get3A_1352] {strides = array<i32>} : memref<32x8x64xf32, #tpu.memory_space<vmem>>, vector<16xf32>,
      %mul3A_1354 = arith.mulf %get3A_1353, %get3A_526 : vector<16xf32>
      %get3A_1355 = arith.index_cast %add3A_1322 : i32 to index
      %get3A_1356 = arith.index_cast %squeeze3A_1326 : i32 to index
      %get3A_1357 = arith.constant 32 : index
      %get3A_1358 = tpu.vector_load %arg11[%get3A_1355, %get3A_1356, %get3A_1357] {strides = array<i32>} : memref<32x8x64xf32, #tpu.memory_space<vmem>>, vector<16xf32>,
      %mul3A_1359 = arith.mulf %get3A_1358, %get3A_534 : vector<16xf32>
      %add3A_1360 = arith.addf %mul3A_1354, %mul3A_1359 : vector<16xf32>
      %add3A_1361 = arith.addf %add3A_1349, %add3A_1360 : vector<16xf32>
      %get3A_1362 = arith.index_cast %add3A_1322 : i32 to index
      %get3A_1363 = arith.index_cast %squeeze3A_1324 : i32 to index
      %get3A_1364 = arith.constant 48 : index
      %get3A_1365 = tpu.vector_load %arg10[%get3A_1362, %get3A_1363, %get3A_1364] {strides = array<i32>} : memref<32x8x64xf32, #tpu.memory_space<vmem>>, vector<16xf32>,
      %mul3A_1366 = arith.mulf %get3A_1365, %get3A_528 : vector<16xf32>
      %get3A_1367 = arith.index_cast %add3A_1322 : i32 to index
      %get3A_1368 = arith.index_cast %squeeze3A_1326 : i32 to index
      %get3A_1369 = arith.constant 48 : index
      %get3A_1370 = tpu.vector_load %arg11[%get3A_1367, %get3A_1368, %get3A_1369] {strides = array<i32>} : memref<32x8x64xf32, #tpu.memory_space<vmem>>, vector<16xf32>,
      %mul3A_1371 = arith.mulf %get3A_1370, %get3A_536 : vector<16xf32>
      %add3A_1372 = arith.addf %mul3A_1366, %mul3A_1371 : vector<16xf32>
      %add3A_1373 = arith.addf %add3A_1361, %add3A_1372 : vector<16xf32>
      %broadcast_in_dim3A_1374 = arith.constant true
      %broadcast_in_dim3A_1375 = vector.broadcast %broadcast_in_dim3A_1374 : i1 to vector<16xi1>
      %masked_cumsum3A_1376 = tpu.scan <sum>, %add3A_1373 masked %broadcast_in_dim3A_1375 : vector<16xf32>, vector<16xi1> -> vector<16xf32>
      %add3A_1377 = arith.addf %masked_cumsum3A_1376, %get3A_538 : vector<16xf32>
      %add3A_1378 = arith.constant 4 : i32
      %add3A_1379 = arith.addi %mul3A_1062, %add3A_1378 : i32
      %broadcast_in_dim3A_1380 = vector.broadcast %add3A_1379 : i32 to vector<16xi32>
      tpu.vector_store_idx %arg13[%broadcast_in_dim3A_1380], %add3A_1377 masked %eq3A_4 : memref<512xf32, #tpu.memory_space<vmem>>[vector<16xi32>], vector<16xf32>, vector<16xi1>
      %mul3A_1381 = arith.constant 16 : i32
      %mul3A_1382 = arith.muli %rem3A_545, %mul3A_1381 : i32
      %add3A_1383 = arith.constant 5 : i32
      %add3A_1384 = arith.addi %mul3A_1382, %add3A_1383 : i32
      %slice3A_1385 = vector.extract_strided_slice %and3A_1067 {offsets = [5], sizes = [1], strides = [1]} : vector<16xi32> to vector<1xi32>
      %squeeze3A_1386 = vector.extract %slice3A_1385[0] : i32 from vector<1xi32>
      %slice3A_1387 = vector.extract_strided_slice %and3A_1072 {offsets = [5], sizes = [1], strides = [1]} : vector<16xi32> to vector<1xi32>
      %squeeze3A_1388 = vector.extract %slice3A_1387[0] : i32 from vector<1xi32>
      %get3A_1389 = arith.index_cast %add3A_1384 : i32 to index
      %get3A_1390 = arith.index_cast %squeeze3A_1386 : i32 to index
      %get3A_1391 = arith.constant 0 : index
      %get3A_1392 = tpu.vector_load %arg10[%get3A_1389, %get3A_1390, %get3A_1391] {strides = array<i32>} : memref<32x8x64xf32, #tpu.memory_space<vmem>>, vector<16xf32>,
      %mul3A_1393 = arith.mulf %get3A_1392, %get3A_522 : vector<16xf32>
      %get3A_1394 = arith.index_cast %add3A_1384 : i32 to index
      %get3A_1395 = arith.index_cast %squeeze3A_1388 : i32 to index
      %get3A_1396 = arith.constant 0 : index
      %get3A_1397 = tpu.vector_load %arg11[%get3A_1394, %get3A_1395, %get3A_1396] {strides = array<i32>} : memref<32x8x64xf32, #tpu.memory_space<vmem>>, vector<16xf32>,
      %mul3A_1398 = arith.mulf %get3A_1397, %get3A_530 : vector<16xf32>
      %add3A_1399 = arith.addf %mul3A_1393, %mul3A_1398 : vector<16xf32>
      %get3A_1400 = arith.index_cast %add3A_1384 : i32 to index
      %get3A_1401 = arith.index_cast %squeeze3A_1386 : i32 to index
      %get3A_1402 = arith.constant 16 : index
      %get3A_1403 = tpu.vector_load %arg10[%get3A_1400, %get3A_1401, %get3A_1402] {strides = array<i32>} : memref<32x8x64xf32, #tpu.memory_space<vmem>>, vector<16xf32>,
      %mul3A_1404 = arith.mulf %get3A_1403, %get3A_524 : vector<16xf32>
      %get3A_1405 = arith.index_cast %add3A_1384 : i32 to index
      %get3A_1406 = arith.index_cast %squeeze3A_1388 : i32 to index
      %get3A_1407 = arith.constant 16 : index
      %get3A_1408 = tpu.vector_load %arg11[%get3A_1405, %get3A_1406, %get3A_1407] {strides = array<i32>} : memref<32x8x64xf32, #tpu.memory_space<vmem>>, vector<16xf32>,
      %mul3A_1409 = arith.mulf %get3A_1408, %get3A_532 : vector<16xf32>
      %add3A_1410 = arith.addf %mul3A_1404, %mul3A_1409 : vector<16xf32>
      %add3A_1411 = arith.addf %add3A_1399, %add3A_1410 : vector<16xf32>
      %get3A_1412 = arith.index_cast %add3A_1384 : i32 to index
      %get3A_1413 = arith.index_cast %squeeze3A_1386 : i32 to index
      %get3A_1414 = arith.constant 32 : index
      %get3A_1415 = tpu.vector_load %arg10[%get3A_1412, %get3A_1413, %get3A_1414] {strides = array<i32>} : memref<32x8x64xf32, #tpu.memory_space<vmem>>, vector<16xf32>,
      %mul3A_1416 = arith.mulf %get3A_1415, %get3A_526 : vector<16xf32>
      %get3A_1417 = arith.index_cast %add3A_1384 : i32 to index
      %get3A_1418 = arith.index_cast %squeeze3A_1388 : i32 to index
      %get3A_1419 = arith.constant 32 : index
      %get3A_1420 = tpu.vector_load %arg11[%get3A_1417, %get3A_1418, %get3A_1419] {strides = array<i32>} : memref<32x8x64xf32, #tpu.memory_space<vmem>>, vector<16xf32>,
      %mul3A_1421 = arith.mulf %get3A_1420, %get3A_534 : vector<16xf32>
      %add3A_1422 = arith.addf %mul3A_1416, %mul3A_1421 : vector<16xf32>
      %add3A_1423 = arith.addf %add3A_1411, %add3A_1422 : vector<16xf32>
      %get3A_1424 = arith.index_cast %add3A_1384 : i32 to index
      %get3A_1425 = arith.index_cast %squeeze3A_1386 : i32 to index
      %get3A_1426 = arith.constant 48 : index
      %get3A_1427 = tpu.vector_load %arg10[%get3A_1424, %get3A_1425, %get3A_1426] {strides = array<i32>} : memref<32x8x64xf32, #tpu.memory_space<vmem>>, vector<16xf32>,
      %mul3A_1428 = arith.mulf %get3A_1427, %get3A_528 : vector<16xf32>
      %get3A_1429 = arith.index_cast %add3A_1384 : i32 to index
      %get3A_1430 = arith.index_cast %squeeze3A_1388 : i32 to index
      %get3A_1431 = arith.constant 48 : index
      %get3A_1432 = tpu.vector_load %arg11[%get3A_1429, %get3A_1430, %get3A_1431] {strides = array<i32>} : memref<32x8x64xf32, #tpu.memory_space<vmem>>, vector<16xf32>,
      %mul3A_1433 = arith.mulf %get3A_1432, %get3A_536 : vector<16xf32>
      %add3A_1434 = arith.addf %mul3A_1428, %mul3A_1433 : vector<16xf32>
      %add3A_1435 = arith.addf %add3A_1423, %add3A_1434 : vector<16xf32>
      %broadcast_in_dim3A_1436 = arith.constant true
      %broadcast_in_dim3A_1437 = vector.broadcast %broadcast_in_dim3A_1436 : i1 to vector<16xi1>
      %masked_cumsum3A_1438 = tpu.scan <sum>, %add3A_1435 masked %broadcast_in_dim3A_1437 : vector<16xf32>, vector<16xi1> -> vector<16xf32>
      %add3A_1439 = arith.addf %masked_cumsum3A_1438, %get3A_538 : vector<16xf32>
      %add3A_1440 = arith.constant 5 : i32
      %add3A_1441 = arith.addi %mul3A_1062, %add3A_1440 : i32
      %broadcast_in_dim3A_1442 = vector.broadcast %add3A_1441 : i32 to vector<16xi32>
      tpu.vector_store_idx %arg13[%broadcast_in_dim3A_1442], %add3A_1439 masked %eq3A_4 : memref<512xf32, #tpu.memory_space<vmem>>[vector<16xi32>], vector<16xf32>, vector<16xi1>
      %mul3A_1443 = arith.constant 16 : i32
      %mul3A_1444 = arith.muli %rem3A_545, %mul3A_1443 : i32
      %add3A_1445 = arith.constant 6 : i32
      %add3A_1446 = arith.addi %mul3A_1444, %add3A_1445 : i32
      %slice3A_1447 = vector.extract_strided_slice %and3A_1067 {offsets = [6], sizes = [1], strides = [1]} : vector<16xi32> to vector<1xi32>
      %squeeze3A_1448 = vector.extract %slice3A_1447[0] : i32 from vector<1xi32>
      %slice3A_1449 = vector.extract_strided_slice %and3A_1072 {offsets = [6], sizes = [1], strides = [1]} : vector<16xi32> to vector<1xi32>
      %squeeze3A_1450 = vector.extract %slice3A_1449[0] : i32 from vector<1xi32>
      %get3A_1451 = arith.index_cast %add3A_1446 : i32 to index
      %get3A_1452 = arith.index_cast %squeeze3A_1448 : i32 to index
      %get3A_1453 = arith.constant 0 : index
      %get3A_1454 = tpu.vector_load %arg10[%get3A_1451, %get3A_1452, %get3A_1453] {strides = array<i32>} : memref<32x8x64xf32, #tpu.memory_space<vmem>>, vector<16xf32>,
      %mul3A_1455 = arith.mulf %get3A_1454, %get3A_522 : vector<16xf32>
      %get3A_1456 = arith.index_cast %add3A_1446 : i32 to index
      %get3A_1457 = arith.index_cast %squeeze3A_1450 : i32 to index
      %get3A_1458 = arith.constant 0 : index
      %get3A_1459 = tpu.vector_load %arg11[%get3A_1456, %get3A_1457, %get3A_1458] {strides = array<i32>} : memref<32x8x64xf32, #tpu.memory_space<vmem>>, vector<16xf32>,
      %mul3A_1460 = arith.mulf %get3A_1459, %get3A_530 : vector<16xf32>
      %add3A_1461 = arith.addf %mul3A_1455, %mul3A_1460 : vector<16xf32>
      %get3A_1462 = arith.index_cast %add3A_1446 : i32 to index
      %get3A_1463 = arith.index_cast %squeeze3A_1448 : i32 to index
      %get3A_1464 = arith.constant 16 : index
      %get3A_1465 = tpu.vector_load %arg10[%get3A_1462, %get3A_1463, %get3A_1464] {strides = array<i32>} : memref<32x8x64xf32, #tpu.memory_space<vmem>>, vector<16xf32>,
      %mul3A_1466 = arith.mulf %get3A_1465, %get3A_524 : vector<16xf32>
      %get3A_1467 = arith.index_cast %add3A_1446 : i32 to index
      %get3A_1468 = arith.index_cast %squeeze3A_1450 : i32 to index
      %get3A_1469 = arith.constant 16 : index
      %get3A_1470 = tpu.vector_load %arg11[%get3A_1467, %get3A_1468, %get3A_1469] {strides = array<i32>} : memref<32x8x64xf32, #tpu.memory_space<vmem>>, vector<16xf32>,
      %mul3A_1471 = arith.mulf %get3A_1470, %get3A_532 : vector<16xf32>
      %add3A_1472 = arith.addf %mul3A_1466, %mul3A_1471 : vector<16xf32>
      %add3A_1473 = arith.addf %add3A_1461, %add3A_1472 : vector<16xf32>
      %get3A_1474 = arith.index_cast %add3A_1446 : i32 to index
      %get3A_1475 = arith.index_cast %squeeze3A_1448 : i32 to index
      %get3A_1476 = arith.constant 32 : index
      %get3A_1477 = tpu.vector_load %arg10[%get3A_1474, %get3A_1475, %get3A_1476] {strides = array<i32>} : memref<32x8x64xf32, #tpu.memory_space<vmem>>, vector<16xf32>,
      %mul3A_1478 = arith.mulf %get3A_1477, %get3A_526 : vector<16xf32>
      %get3A_1479 = arith.index_cast %add3A_1446 : i32 to index
      %get3A_1480 = arith.index_cast %squeeze3A_1450 : i32 to index
      %get3A_1481 = arith.constant 32 : index
      %get3A_1482 = tpu.vector_load %arg11[%get3A_1479, %get3A_1480, %get3A_1481] {strides = array<i32>} : memref<32x8x64xf32, #tpu.memory_space<vmem>>, vector<16xf32>,
      %mul3A_1483 = arith.mulf %get3A_1482, %get3A_534 : vector<16xf32>
      %add3A_1484 = arith.addf %mul3A_1478, %mul3A_1483 : vector<16xf32>
      %add3A_1485 = arith.addf %add3A_1473, %add3A_1484 : vector<16xf32>
      %get3A_1486 = arith.index_cast %add3A_1446 : i32 to index
      %get3A_1487 = arith.index_cast %squeeze3A_1448 : i32 to index
      %get3A_1488 = arith.constant 48 : index
      %get3A_1489 = tpu.vector_load %arg10[%get3A_1486, %get3A_1487, %get3A_1488] {strides = array<i32>} : memref<32x8x64xf32, #tpu.memory_space<vmem>>, vector<16xf32>,
      %mul3A_1490 = arith.mulf %get3A_1489, %get3A_528 : vector<16xf32>
      %get3A_1491 = arith.index_cast %add3A_1446 : i32 to index
      %get3A_1492 = arith.index_cast %squeeze3A_1450 : i32 to index
      %get3A_1493 = arith.constant 48 : index
      %get3A_1494 = tpu.vector_load %arg11[%get3A_1491, %get3A_1492, %get3A_1493] {strides = array<i32>} : memref<32x8x64xf32, #tpu.memory_space<vmem>>, vector<16xf32>,
      %mul3A_1495 = arith.mulf %get3A_1494, %get3A_536 : vector<16xf32>
      %add3A_1496 = arith.addf %mul3A_1490, %mul3A_1495 : vector<16xf32>
      %add3A_1497 = arith.addf %add3A_1485, %add3A_1496 : vector<16xf32>
      %broadcast_in_dim3A_1498 = arith.constant true
      %broadcast_in_dim3A_1499 = vector.broadcast %broadcast_in_dim3A_1498 : i1 to vector<16xi1>
      %masked_cumsum3A_1500 = tpu.scan <sum>, %add3A_1497 masked %broadcast_in_dim3A_1499 : vector<16xf32>, vector<16xi1> -> vector<16xf32>
      %add3A_1501 = arith.addf %masked_cumsum3A_1500, %get3A_538 : vector<16xf32>
      %add3A_1502 = arith.constant 6 : i32
      %add3A_1503 = arith.addi %mul3A_1062, %add3A_1502 : i32
      %broadcast_in_dim3A_1504 = vector.broadcast %add3A_1503 : i32 to vector<16xi32>
      tpu.vector_store_idx %arg13[%broadcast_in_dim3A_1504], %add3A_1501 masked %eq3A_4 : memref<512xf32, #tpu.memory_space<vmem>>[vector<16xi32>], vector<16xf32>, vector<16xi1>
      %mul3A_1505 = arith.constant 16 : i32
      %mul3A_1506 = arith.muli %rem3A_545, %mul3A_1505 : i32
      %add3A_1507 = arith.constant 7 : i32
      %add3A_1508 = arith.addi %mul3A_1506, %add3A_1507 : i32
      %slice3A_1509 = vector.extract_strided_slice %and3A_1067 {offsets = [7], sizes = [1], strides = [1]} : vector<16xi32> to vector<1xi32>
      %squeeze3A_1510 = vector.extract %slice3A_1509[0] : i32 from vector<1xi32>
      %slice3A_1511 = vector.extract_strided_slice %and3A_1072 {offsets = [7], sizes = [1], strides = [1]} : vector<16xi32> to vector<1xi32>
      %squeeze3A_1512 = vector.extract %slice3A_1511[0] : i32 from vector<1xi32>
      %get3A_1513 = arith.index_cast %add3A_1508 : i32 to index
      %get3A_1514 = arith.index_cast %squeeze3A_1510 : i32 to index
      %get3A_1515 = arith.constant 0 : index
      %get3A_1516 = tpu.vector_load %arg10[%get3A_1513, %get3A_1514, %get3A_1515] {strides = array<i32>} : memref<32x8x64xf32, #tpu.memory_space<vmem>>, vector<16xf32>,
      %mul3A_1517 = arith.mulf %get3A_1516, %get3A_522 : vector<16xf32>
      %get3A_1518 = arith.index_cast %add3A_1508 : i32 to index
      %get3A_1519 = arith.index_cast %squeeze3A_1512 : i32 to index
      %get3A_1520 = arith.constant 0 : index
      %get3A_1521 = tpu.vector_load %arg11[%get3A_1518, %get3A_1519, %get3A_1520] {strides = array<i32>} : memref<32x8x64xf32, #tpu.memory_space<vmem>>, vector<16xf32>,
      %mul3A_1522 = arith.mulf %get3A_1521, %get3A_530 : vector<16xf32>
      %add3A_1523 = arith.addf %mul3A_1517, %mul3A_1522 : vector<16xf32>
      %get3A_1524 = arith.index_cast %add3A_1508 : i32 to index
      %get3A_1525 = arith.index_cast %squeeze3A_1510 : i32 to index
      %get3A_1526 = arith.constant 16 : index
      %get3A_1527 = tpu.vector_load %arg10[%get3A_1524, %get3A_1525, %get3A_1526] {strides = array<i32>} : memref<32x8x64xf32, #tpu.memory_space<vmem>>, vector<16xf32>,
      %mul3A_1528 = arith.mulf %get3A_1527, %get3A_524 : vector<16xf32>
      %get3A_1529 = arith.index_cast %add3A_1508 : i32 to index
      %get3A_1530 = arith.index_cast %squeeze3A_1512 : i32 to index
      %get3A_1531 = arith.constant 16 : index
      %get3A_1532 = tpu.vector_load %arg11[%get3A_1529, %get3A_1530, %get3A_1531] {strides = array<i32>} : memref<32x8x64xf32, #tpu.memory_space<vmem>>, vector<16xf32>,
      %mul3A_1533 = arith.mulf %get3A_1532, %get3A_532 : vector<16xf32>
      %add3A_1534 = arith.addf %mul3A_1528, %mul3A_1533 : vector<16xf32>
      %add3A_1535 = arith.addf %add3A_1523, %add3A_1534 : vector<16xf32>
      %get3A_1536 = arith.index_cast %add3A_1508 : i32 to index
      %get3A_1537 = arith.index_cast %squeeze3A_1510 : i32 to index
      %get3A_1538 = arith.constant 32 : index
      %get3A_1539 = tpu.vector_load %arg10[%get3A_1536, %get3A_1537, %get3A_1538] {strides = array<i32>} : memref<32x8x64xf32, #tpu.memory_space<vmem>>, vector<16xf32>,
      %mul3A_1540 = arith.mulf %get3A_1539, %get3A_526 : vector<16xf32>
      %get3A_1541 = arith.index_cast %add3A_1508 : i32 to index
      %get3A_1542 = arith.index_cast %squeeze3A_1512 : i32 to index
      %get3A_1543 = arith.constant 32 : index
      %get3A_1544 = tpu.vector_load %arg11[%get3A_1541, %get3A_1542, %get3A_1543] {strides = array<i32>} : memref<32x8x64xf32, #tpu.memory_space<vmem>>, vector<16xf32>,
      %mul3A_1545 = arith.mulf %get3A_1544, %get3A_534 : vector<16xf32>
      %add3A_1546 = arith.addf %mul3A_1540, %mul3A_1545 : vector<16xf32>
      %add3A_1547 = arith.addf %add3A_1535, %add3A_1546 : vector<16xf32>
      %get3A_1548 = arith.index_cast %add3A_1508 : i32 to index
      %get3A_1549 = arith.index_cast %squeeze3A_1510 : i32 to index
      %get3A_1550 = arith.constant 48 : index
      %get3A_1551 = tpu.vector_load %arg10[%get3A_1548, %get3A_1549, %get3A_1550] {strides = array<i32>} : memref<32x8x64xf32, #tpu.memory_space<vmem>>, vector<16xf32>,
      %mul3A_1552 = arith.mulf %get3A_1551, %get3A_528 : vector<16xf32>
      %get3A_1553 = arith.index_cast %add3A_1508 : i32 to index
      %get3A_1554 = arith.index_cast %squeeze3A_1512 : i32 to index
      %get3A_1555 = arith.constant 48 : index
      %get3A_1556 = tpu.vector_load %arg11[%get3A_1553, %get3A_1554, %get3A_1555] {strides = array<i32>} : memref<32x8x64xf32, #tpu.memory_space<vmem>>, vector<16xf32>,
      %mul3A_1557 = arith.mulf %get3A_1556, %get3A_536 : vector<16xf32>
      %add3A_1558 = arith.addf %mul3A_1552, %mul3A_1557 : vector<16xf32>
      %add3A_1559 = arith.addf %add3A_1547, %add3A_1558 : vector<16xf32>
      %broadcast_in_dim3A_1560 = arith.constant true
      %broadcast_in_dim3A_1561 = vector.broadcast %broadcast_in_dim3A_1560 : i1 to vector<16xi1>
      %masked_cumsum3A_1562 = tpu.scan <sum>, %add3A_1559 masked %broadcast_in_dim3A_1561 : vector<16xf32>, vector<16xi1> -> vector<16xf32>
      %add3A_1563 = arith.addf %masked_cumsum3A_1562, %get3A_538 : vector<16xf32>
      %add3A_1564 = arith.constant 7 : i32
      %add3A_1565 = arith.addi %mul3A_1062, %add3A_1564 : i32
      %broadcast_in_dim3A_1566 = vector.broadcast %add3A_1565 : i32 to vector<16xi32>
      tpu.vector_store_idx %arg13[%broadcast_in_dim3A_1566], %add3A_1563 masked %eq3A_4 : memref<512xf32, #tpu.memory_space<vmem>>[vector<16xi32>], vector<16xf32>, vector<16xi1>
      %mul3A_1567 = arith.constant 16 : i32
      %mul3A_1568 = arith.muli %rem3A_545, %mul3A_1567 : i32
      %add3A_1569 = arith.constant 8 : i32
      %add3A_1570 = arith.addi %mul3A_1568, %add3A_1569 : i32
      %slice3A_1571 = vector.extract_strided_slice %and3A_1067 {offsets = [8], sizes = [1], strides = [1]} : vector<16xi32> to vector<1xi32>
      %squeeze3A_1572 = vector.extract %slice3A_1571[0] : i32 from vector<1xi32>
      %slice3A_1573 = vector.extract_strided_slice %and3A_1072 {offsets = [8], sizes = [1], strides = [1]} : vector<16xi32> to vector<1xi32>
      %squeeze3A_1574 = vector.extract %slice3A_1573[0] : i32 from vector<1xi32>
      %get3A_1575 = arith.index_cast %add3A_1570 : i32 to index
      %get3A_1576 = arith.index_cast %squeeze3A_1572 : i32 to index
      %get3A_1577 = arith.constant 0 : index
      %get3A_1578 = tpu.vector_load %arg10[%get3A_1575, %get3A_1576, %get3A_1577] {strides = array<i32>} : memref<32x8x64xf32, #tpu.memory_space<vmem>>, vector<16xf32>,
      %mul3A_1579 = arith.mulf %get3A_1578, %get3A_522 : vector<16xf32>
      %get3A_1580 = arith.index_cast %add3A_1570 : i32 to index
      %get3A_1581 = arith.index_cast %squeeze3A_1574 : i32 to index
      %get3A_1582 = arith.constant 0 : index
      %get3A_1583 = tpu.vector_load %arg11[%get3A_1580, %get3A_1581, %get3A_1582] {strides = array<i32>} : memref<32x8x64xf32, #tpu.memory_space<vmem>>, vector<16xf32>,
      %mul3A_1584 = arith.mulf %get3A_1583, %get3A_530 : vector<16xf32>
      %add3A_1585 = arith.addf %mul3A_1579, %mul3A_1584 : vector<16xf32>
      %get3A_1586 = arith.index_cast %add3A_1570 : i32 to index
      %get3A_1587 = arith.index_cast %squeeze3A_1572 : i32 to index
      %get3A_1588 = arith.constant 16 : index
      %get3A_1589 = tpu.vector_load %arg10[%get3A_1586, %get3A_1587, %get3A_1588] {strides = array<i32>} : memref<32x8x64xf32, #tpu.memory_space<vmem>>, vector<16xf32>,
      %mul3A_1590 = arith.mulf %get3A_1589, %get3A_524 : vector<16xf32>
      %get3A_1591 = arith.index_cast %add3A_1570 : i32 to index
      %get3A_1592 = arith.index_cast %squeeze3A_1574 : i32 to index
      %get3A_1593 = arith.constant 16 : index
      %get3A_1594 = tpu.vector_load %arg11[%get3A_1591, %get3A_1592, %get3A_1593] {strides = array<i32>} : memref<32x8x64xf32, #tpu.memory_space<vmem>>, vector<16xf32>,
      %mul3A_1595 = arith.mulf %get3A_1594, %get3A_532 : vector<16xf32>
      %add3A_1596 = arith.addf %mul3A_1590, %mul3A_1595 : vector<16xf32>
      %add3A_1597 = arith.addf %add3A_1585, %add3A_1596 : vector<16xf32>
      %get3A_1598 = arith.index_cast %add3A_1570 : i32 to index
      %get3A_1599 = arith.index_cast %squeeze3A_1572 : i32 to index
      %get3A_1600 = arith.constant 32 : index
      %get3A_1601 = tpu.vector_load %arg10[%get3A_1598, %get3A_1599, %get3A_1600] {strides = array<i32>} : memref<32x8x64xf32, #tpu.memory_space<vmem>>, vector<16xf32>,
      %mul3A_1602 = arith.mulf %get3A_1601, %get3A_526 : vector<16xf32>
      %get3A_1603 = arith.index_cast %add3A_1570 : i32 to index
      %get3A_1604 = arith.index_cast %squeeze3A_1574 : i32 to index
      %get3A_1605 = arith.constant 32 : index
      %get3A_1606 = tpu.vector_load %arg11[%get3A_1603, %get3A_1604, %get3A_1605] {strides = array<i32>} : memref<32x8x64xf32, #tpu.memory_space<vmem>>, vector<16xf32>,
      %mul3A_1607 = arith.mulf %get3A_1606, %get3A_534 : vector<16xf32>
      %add3A_1608 = arith.addf %mul3A_1602, %mul3A_1607 : vector<16xf32>
      %add3A_1609 = arith.addf %add3A_1597, %add3A_1608 : vector<16xf32>
      %get3A_1610 = arith.index_cast %add3A_1570 : i32 to index
      %get3A_1611 = arith.index_cast %squeeze3A_1572 : i32 to index
      %get3A_1612 = arith.constant 48 : index
      %get3A_1613 = tpu.vector_load %arg10[%get3A_1610, %get3A_1611, %get3A_1612] {strides = array<i32>} : memref<32x8x64xf32, #tpu.memory_space<vmem>>, vector<16xf32>,
      %mul3A_1614 = arith.mulf %get3A_1613, %get3A_528 : vector<16xf32>
      %get3A_1615 = arith.index_cast %add3A_1570 : i32 to index
      %get3A_1616 = arith.index_cast %squeeze3A_1574 : i32 to index
      %get3A_1617 = arith.constant 48 : index
      %get3A_1618 = tpu.vector_load %arg11[%get3A_1615, %get3A_1616, %get3A_1617] {strides = array<i32>} : memref<32x8x64xf32, #tpu.memory_space<vmem>>, vector<16xf32>,
      %mul3A_1619 = arith.mulf %get3A_1618, %get3A_536 : vector<16xf32>
      %add3A_1620 = arith.addf %mul3A_1614, %mul3A_1619 : vector<16xf32>
      %add3A_1621 = arith.addf %add3A_1609, %add3A_1620 : vector<16xf32>
      %broadcast_in_dim3A_1622 = arith.constant true
      %broadcast_in_dim3A_1623 = vector.broadcast %broadcast_in_dim3A_1622 : i1 to vector<16xi1>
      %masked_cumsum3A_1624 = tpu.scan <sum>, %add3A_1621 masked %broadcast_in_dim3A_1623 : vector<16xf32>, vector<16xi1> -> vector<16xf32>
      %add3A_1625 = arith.addf %masked_cumsum3A_1624, %get3A_538 : vector<16xf32>
      %add3A_1626 = arith.constant 8 : i32
      %add3A_1627 = arith.addi %mul3A_1062, %add3A_1626 : i32
      %broadcast_in_dim3A_1628 = vector.broadcast %add3A_1627 : i32 to vector<16xi32>
      tpu.vector_store_idx %arg13[%broadcast_in_dim3A_1628], %add3A_1625 masked %eq3A_4 : memref<512xf32, #tpu.memory_space<vmem>>[vector<16xi32>], vector<16xf32>, vector<16xi1>
      %mul3A_1629 = arith.constant 16 : i32
      %mul3A_1630 = arith.muli %rem3A_545, %mul3A_1629 : i32
      %add3A_1631 = arith.constant 9 : i32
      %add3A_1632 = arith.addi %mul3A_1630, %add3A_1631 : i32
      %slice3A_1633 = vector.extract_strided_slice %and3A_1067 {offsets = [9], sizes = [1], strides = [1]} : vector<16xi32> to vector<1xi32>
      %squeeze3A_1634 = vector.extract %slice3A_1633[0] : i32 from vector<1xi32>
      %slice3A_1635 = vector.extract_strided_slice %and3A_1072 {offsets = [9], sizes = [1], strides = [1]} : vector<16xi32> to vector<1xi32>
      %squeeze3A_1636 = vector.extract %slice3A_1635[0] : i32 from vector<1xi32>
      %get3A_1637 = arith.index_cast %add3A_1632 : i32 to index
      %get3A_1638 = arith.index_cast %squeeze3A_1634 : i32 to index
      %get3A_1639 = arith.constant 0 : index
      %get3A_1640 = tpu.vector_load %arg10[%get3A_1637, %get3A_1638, %get3A_1639] {strides = array<i32>} : memref<32x8x64xf32, #tpu.memory_space<vmem>>, vector<16xf32>,
      %mul3A_1641 = arith.mulf %get3A_1640, %get3A_522 : vector<16xf32>
      %get3A_1642 = arith.index_cast %add3A_1632 : i32 to index
      %get3A_1643 = arith.index_cast %squeeze3A_1636 : i32 to index
      %get3A_1644 = arith.constant 0 : index
      %get3A_1645 = tpu.vector_load %arg11[%get3A_1642, %get3A_1643, %get3A_1644] {strides = array<i32>} : memref<32x8x64xf32, #tpu.memory_space<vmem>>, vector<16xf32>,
      %mul3A_1646 = arith.mulf %get3A_1645, %get3A_530 : vector<16xf32>
      %add3A_1647 = arith.addf %mul3A_1641, %mul3A_1646 : vector<16xf32>
      %get3A_1648 = arith.index_cast %add3A_1632 : i32 to index
      %get3A_1649 = arith.index_cast %squeeze3A_1634 : i32 to index
      %get3A_1650 = arith.constant 16 : index
      %get3A_1651 = tpu.vector_load %arg10[%get3A_1648, %get3A_1649, %get3A_1650] {strides = array<i32>} : memref<32x8x64xf32, #tpu.memory_space<vmem>>, vector<16xf32>,
      %mul3A_1652 = arith.mulf %get3A_1651, %get3A_524 : vector<16xf32>
      %get3A_1653 = arith.index_cast %add3A_1632 : i32 to index
      %get3A_1654 = arith.index_cast %squeeze3A_1636 : i32 to index
      %get3A_1655 = arith.constant 16 : index
      %get3A_1656 = tpu.vector_load %arg11[%get3A_1653, %get3A_1654, %get3A_1655] {strides = array<i32>} : memref<32x8x64xf32, #tpu.memory_space<vmem>>, vector<16xf32>,
      %mul3A_1657 = arith.mulf %get3A_1656, %get3A_532 : vector<16xf32>
      %add3A_1658 = arith.addf %mul3A_1652, %mul3A_1657 : vector<16xf32>
      %add3A_1659 = arith.addf %add3A_1647, %add3A_1658 : vector<16xf32>
      %get3A_1660 = arith.index_cast %add3A_1632 : i32 to index
      %get3A_1661 = arith.index_cast %squeeze3A_1634 : i32 to index
      %get3A_1662 = arith.constant 32 : index
      %get3A_1663 = tpu.vector_load %arg10[%get3A_1660, %get3A_1661, %get3A_1662] {strides = array<i32>} : memref<32x8x64xf32, #tpu.memory_space<vmem>>, vector<16xf32>,
      %mul3A_1664 = arith.mulf %get3A_1663, %get3A_526 : vector<16xf32>
      %get3A_1665 = arith.index_cast %add3A_1632 : i32 to index
      %get3A_1666 = arith.index_cast %squeeze3A_1636 : i32 to index
      %get3A_1667 = arith.constant 32 : index
      %get3A_1668 = tpu.vector_load %arg11[%get3A_1665, %get3A_1666, %get3A_1667] {strides = array<i32>} : memref<32x8x64xf32, #tpu.memory_space<vmem>>, vector<16xf32>,
      %mul3A_1669 = arith.mulf %get3A_1668, %get3A_534 : vector<16xf32>
      %add3A_1670 = arith.addf %mul3A_1664, %mul3A_1669 : vector<16xf32>
      %add3A_1671 = arith.addf %add3A_1659, %add3A_1670 : vector<16xf32>
      %get3A_1672 = arith.index_cast %add3A_1632 : i32 to index
      %get3A_1673 = arith.index_cast %squeeze3A_1634 : i32 to index
      %get3A_1674 = arith.constant 48 : index
      %get3A_1675 = tpu.vector_load %arg10[%get3A_1672, %get3A_1673, %get3A_1674] {strides = array<i32>} : memref<32x8x64xf32, #tpu.memory_space<vmem>>, vector<16xf32>,
      %mul3A_1676 = arith.mulf %get3A_1675, %get3A_528 : vector<16xf32>
      %get3A_1677 = arith.index_cast %add3A_1632 : i32 to index
      %get3A_1678 = arith.index_cast %squeeze3A_1636 : i32 to index
      %get3A_1679 = arith.constant 48 : index
      %get3A_1680 = tpu.vector_load %arg11[%get3A_1677, %get3A_1678, %get3A_1679] {strides = array<i32>} : memref<32x8x64xf32, #tpu.memory_space<vmem>>, vector<16xf32>,
      %mul3A_1681 = arith.mulf %get3A_1680, %get3A_536 : vector<16xf32>
      %add3A_1682 = arith.addf %mul3A_1676, %mul3A_1681 : vector<16xf32>
      %add3A_1683 = arith.addf %add3A_1671, %add3A_1682 : vector<16xf32>
      %broadcast_in_dim3A_1684 = arith.constant true
      %broadcast_in_dim3A_1685 = vector.broadcast %broadcast_in_dim3A_1684 : i1 to vector<16xi1>
      %masked_cumsum3A_1686 = tpu.scan <sum>, %add3A_1683 masked %broadcast_in_dim3A_1685 : vector<16xf32>, vector<16xi1> -> vector<16xf32>
      %add3A_1687 = arith.addf %masked_cumsum3A_1686, %get3A_538 : vector<16xf32>
      %add3A_1688 = arith.constant 9 : i32
      %add3A_1689 = arith.addi %mul3A_1062, %add3A_1688 : i32
      %broadcast_in_dim3A_1690 = vector.broadcast %add3A_1689 : i32 to vector<16xi32>
      tpu.vector_store_idx %arg13[%broadcast_in_dim3A_1690], %add3A_1687 masked %eq3A_4 : memref<512xf32, #tpu.memory_space<vmem>>[vector<16xi32>], vector<16xf32>, vector<16xi1>
      %mul3A_1691 = arith.constant 16 : i32
      %mul3A_1692 = arith.muli %rem3A_545, %mul3A_1691 : i32
      %add3A_1693 = arith.constant 10 : i32
      %add3A_1694 = arith.addi %mul3A_1692, %add3A_1693 : i32
      %slice3A_1695 = vector.extract_strided_slice %and3A_1067 {offsets = [10], sizes = [1], strides = [1]} : vector<16xi32> to vector<1xi32>
      %squeeze3A_1696 = vector.extract %slice3A_1695[0] : i32 from vector<1xi32>
      %slice3A_1697 = vector.extract_strided_slice %and3A_1072 {offsets = [10], sizes = [1], strides = [1]} : vector<16xi32> to vector<1xi32>
      %squeeze3A_1698 = vector.extract %slice3A_1697[0] : i32 from vector<1xi32>
      %get3A_1699 = arith.index_cast %add3A_1694 : i32 to index
      %get3A_1700 = arith.index_cast %squeeze3A_1696 : i32 to index
      %get3A_1701 = arith.constant 0 : index
      %get3A_1702 = tpu.vector_load %arg10[%get3A_1699, %get3A_1700, %get3A_1701] {strides = array<i32>} : memref<32x8x64xf32, #tpu.memory_space<vmem>>, vector<16xf32>,
      %mul3A_1703 = arith.mulf %get3A_1702, %get3A_522 : vector<16xf32>
      %get3A_1704 = arith.index_cast %add3A_1694 : i32 to index
      %get3A_1705 = arith.index_cast %squeeze3A_1698 : i32 to index
      %get3A_1706 = arith.constant 0 : index
      %get3A_1707 = tpu.vector_load %arg11[%get3A_1704, %get3A_1705, %get3A_1706] {strides = array<i32>} : memref<32x8x64xf32, #tpu.memory_space<vmem>>, vector<16xf32>,
      %mul3A_1708 = arith.mulf %get3A_1707, %get3A_530 : vector<16xf32>
      %add3A_1709 = arith.addf %mul3A_1703, %mul3A_1708 : vector<16xf32>
      %get3A_1710 = arith.index_cast %add3A_1694 : i32 to index
      %get3A_1711 = arith.index_cast %squeeze3A_1696 : i32 to index
      %get3A_1712 = arith.constant 16 : index
      %get3A_1713 = tpu.vector_load %arg10[%get3A_1710, %get3A_1711, %get3A_1712] {strides = array<i32>} : memref<32x8x64xf32, #tpu.memory_space<vmem>>, vector<16xf32>,
      %mul3A_1714 = arith.mulf %get3A_1713, %get3A_524 : vector<16xf32>
      %get3A_1715 = arith.index_cast %add3A_1694 : i32 to index
      %get3A_1716 = arith.index_cast %squeeze3A_1698 : i32 to index
      %get3A_1717 = arith.constant 16 : index
      %get3A_1718 = tpu.vector_load %arg11[%get3A_1715, %get3A_1716, %get3A_1717] {strides = array<i32>} : memref<32x8x64xf32, #tpu.memory_space<vmem>>, vector<16xf32>,
      %mul3A_1719 = arith.mulf %get3A_1718, %get3A_532 : vector<16xf32>
      %add3A_1720 = arith.addf %mul3A_1714, %mul3A_1719 : vector<16xf32>
      %add3A_1721 = arith.addf %add3A_1709, %add3A_1720 : vector<16xf32>
      %get3A_1722 = arith.index_cast %add3A_1694 : i32 to index
      %get3A_1723 = arith.index_cast %squeeze3A_1696 : i32 to index
      %get3A_1724 = arith.constant 32 : index
      %get3A_1725 = tpu.vector_load %arg10[%get3A_1722, %get3A_1723, %get3A_1724] {strides = array<i32>} : memref<32x8x64xf32, #tpu.memory_space<vmem>>, vector<16xf32>,
      %mul3A_1726 = arith.mulf %get3A_1725, %get3A_526 : vector<16xf32>
      %get3A_1727 = arith.index_cast %add3A_1694 : i32 to index
      %get3A_1728 = arith.index_cast %squeeze3A_1698 : i32 to index
      %get3A_1729 = arith.constant 32 : index
      %get3A_1730 = tpu.vector_load %arg11[%get3A_1727, %get3A_1728, %get3A_1729] {strides = array<i32>} : memref<32x8x64xf32, #tpu.memory_space<vmem>>, vector<16xf32>,
      %mul3A_1731 = arith.mulf %get3A_1730, %get3A_534 : vector<16xf32>
      %add3A_1732 = arith.addf %mul3A_1726, %mul3A_1731 : vector<16xf32>
      %add3A_1733 = arith.addf %add3A_1721, %add3A_1732 : vector<16xf32>
      %get3A_1734 = arith.index_cast %add3A_1694 : i32 to index
      %get3A_1735 = arith.index_cast %squeeze3A_1696 : i32 to index
      %get3A_1736 = arith.constant 48 : index
      %get3A_1737 = tpu.vector_load %arg10[%get3A_1734, %get3A_1735, %get3A_1736] {strides = array<i32>} : memref<32x8x64xf32, #tpu.memory_space<vmem>>, vector<16xf32>,
      %mul3A_1738 = arith.mulf %get3A_1737, %get3A_528 : vector<16xf32>
      %get3A_1739 = arith.index_cast %add3A_1694 : i32 to index
      %get3A_1740 = arith.index_cast %squeeze3A_1698 : i32 to index
      %get3A_1741 = arith.constant 48 : index
      %get3A_1742 = tpu.vector_load %arg11[%get3A_1739, %get3A_1740, %get3A_1741] {strides = array<i32>} : memref<32x8x64xf32, #tpu.memory_space<vmem>>, vector<16xf32>,
      %mul3A_1743 = arith.mulf %get3A_1742, %get3A_536 : vector<16xf32>
      %add3A_1744 = arith.addf %mul3A_1738, %mul3A_1743 : vector<16xf32>
      %add3A_1745 = arith.addf %add3A_1733, %add3A_1744 : vector<16xf32>
      %broadcast_in_dim3A_1746 = arith.constant true
      %broadcast_in_dim3A_1747 = vector.broadcast %broadcast_in_dim3A_1746 : i1 to vector<16xi1>
      %masked_cumsum3A_1748 = tpu.scan <sum>, %add3A_1745 masked %broadcast_in_dim3A_1747 : vector<16xf32>, vector<16xi1> -> vector<16xf32>
      %add3A_1749 = arith.addf %masked_cumsum3A_1748, %get3A_538 : vector<16xf32>
      %add3A_1750 = arith.constant 10 : i32
      %add3A_1751 = arith.addi %mul3A_1062, %add3A_1750 : i32
      %broadcast_in_dim3A_1752 = vector.broadcast %add3A_1751 : i32 to vector<16xi32>
      tpu.vector_store_idx %arg13[%broadcast_in_dim3A_1752], %add3A_1749 masked %eq3A_4 : memref<512xf32, #tpu.memory_space<vmem>>[vector<16xi32>], vector<16xf32>, vector<16xi1>
      %mul3A_1753 = arith.constant 16 : i32
      %mul3A_1754 = arith.muli %rem3A_545, %mul3A_1753 : i32
      %add3A_1755 = arith.constant 11 : i32
      %add3A_1756 = arith.addi %mul3A_1754, %add3A_1755 : i32
      %slice3A_1757 = vector.extract_strided_slice %and3A_1067 {offsets = [11], sizes = [1], strides = [1]} : vector<16xi32> to vector<1xi32>
      %squeeze3A_1758 = vector.extract %slice3A_1757[0] : i32 from vector<1xi32>
      %slice3A_1759 = vector.extract_strided_slice %and3A_1072 {offsets = [11], sizes = [1], strides = [1]} : vector<16xi32> to vector<1xi32>
      %squeeze3A_1760 = vector.extract %slice3A_1759[0] : i32 from vector<1xi32>
      %get3A_1761 = arith.index_cast %add3A_1756 : i32 to index
      %get3A_1762 = arith.index_cast %squeeze3A_1758 : i32 to index
      %get3A_1763 = arith.constant 0 : index
      %get3A_1764 = tpu.vector_load %arg10[%get3A_1761, %get3A_1762, %get3A_1763] {strides = array<i32>} : memref<32x8x64xf32, #tpu.memory_space<vmem>>, vector<16xf32>,
      %mul3A_1765 = arith.mulf %get3A_1764, %get3A_522 : vector<16xf32>
      %get3A_1766 = arith.index_cast %add3A_1756 : i32 to index
      %get3A_1767 = arith.index_cast %squeeze3A_1760 : i32 to index
      %get3A_1768 = arith.constant 0 : index
      %get3A_1769 = tpu.vector_load %arg11[%get3A_1766, %get3A_1767, %get3A_1768] {strides = array<i32>} : memref<32x8x64xf32, #tpu.memory_space<vmem>>, vector<16xf32>,
      %mul3A_1770 = arith.mulf %get3A_1769, %get3A_530 : vector<16xf32>
      %add3A_1771 = arith.addf %mul3A_1765, %mul3A_1770 : vector<16xf32>
      %get3A_1772 = arith.index_cast %add3A_1756 : i32 to index
      %get3A_1773 = arith.index_cast %squeeze3A_1758 : i32 to index
      %get3A_1774 = arith.constant 16 : index
      %get3A_1775 = tpu.vector_load %arg10[%get3A_1772, %get3A_1773, %get3A_1774] {strides = array<i32>} : memref<32x8x64xf32, #tpu.memory_space<vmem>>, vector<16xf32>,
      %mul3A_1776 = arith.mulf %get3A_1775, %get3A_524 : vector<16xf32>
      %get3A_1777 = arith.index_cast %add3A_1756 : i32 to index
      %get3A_1778 = arith.index_cast %squeeze3A_1760 : i32 to index
      %get3A_1779 = arith.constant 16 : index
      %get3A_1780 = tpu.vector_load %arg11[%get3A_1777, %get3A_1778, %get3A_1779] {strides = array<i32>} : memref<32x8x64xf32, #tpu.memory_space<vmem>>, vector<16xf32>,
      %mul3A_1781 = arith.mulf %get3A_1780, %get3A_532 : vector<16xf32>
      %add3A_1782 = arith.addf %mul3A_1776, %mul3A_1781 : vector<16xf32>
      %add3A_1783 = arith.addf %add3A_1771, %add3A_1782 : vector<16xf32>
      %get3A_1784 = arith.index_cast %add3A_1756 : i32 to index
      %get3A_1785 = arith.index_cast %squeeze3A_1758 : i32 to index
      %get3A_1786 = arith.constant 32 : index
      %get3A_1787 = tpu.vector_load %arg10[%get3A_1784, %get3A_1785, %get3A_1786] {strides = array<i32>} : memref<32x8x64xf32, #tpu.memory_space<vmem>>, vector<16xf32>,
      %mul3A_1788 = arith.mulf %get3A_1787, %get3A_526 : vector<16xf32>
      %get3A_1789 = arith.index_cast %add3A_1756 : i32 to index
      %get3A_1790 = arith.index_cast %squeeze3A_1760 : i32 to index
      %get3A_1791 = arith.constant 32 : index
      %get3A_1792 = tpu.vector_load %arg11[%get3A_1789, %get3A_1790, %get3A_1791] {strides = array<i32>} : memref<32x8x64xf32, #tpu.memory_space<vmem>>, vector<16xf32>,
      %mul3A_1793 = arith.mulf %get3A_1792, %get3A_534 : vector<16xf32>
      %add3A_1794 = arith.addf %mul3A_1788, %mul3A_1793 : vector<16xf32>
      %add3A_1795 = arith.addf %add3A_1783, %add3A_1794 : vector<16xf32>
      %get3A_1796 = arith.index_cast %add3A_1756 : i32 to index
      %get3A_1797 = arith.index_cast %squeeze3A_1758 : i32 to index
      %get3A_1798 = arith.constant 48 : index
      %get3A_1799 = tpu.vector_load %arg10[%get3A_1796, %get3A_1797, %get3A_1798] {strides = array<i32>} : memref<32x8x64xf32, #tpu.memory_space<vmem>>, vector<16xf32>,
      %mul3A_1800 = arith.mulf %get3A_1799, %get3A_528 : vector<16xf32>
      %get3A_1801 = arith.index_cast %add3A_1756 : i32 to index
      %get3A_1802 = arith.index_cast %squeeze3A_1760 : i32 to index
      %get3A_1803 = arith.constant 48 : index
      %get3A_1804 = tpu.vector_load %arg11[%get3A_1801, %get3A_1802, %get3A_1803] {strides = array<i32>} : memref<32x8x64xf32, #tpu.memory_space<vmem>>, vector<16xf32>,
      %mul3A_1805 = arith.mulf %get3A_1804, %get3A_536 : vector<16xf32>
      %add3A_1806 = arith.addf %mul3A_1800, %mul3A_1805 : vector<16xf32>
      %add3A_1807 = arith.addf %add3A_1795, %add3A_1806 : vector<16xf32>
      %broadcast_in_dim3A_1808 = arith.constant true
      %broadcast_in_dim3A_1809 = vector.broadcast %broadcast_in_dim3A_1808 : i1 to vector<16xi1>
      %masked_cumsum3A_1810 = tpu.scan <sum>, %add3A_1807 masked %broadcast_in_dim3A_1809 : vector<16xf32>, vector<16xi1> -> vector<16xf32>
      %add3A_1811 = arith.addf %masked_cumsum3A_1810, %get3A_538 : vector<16xf32>
      %add3A_1812 = arith.constant 11 : i32
      %add3A_1813 = arith.addi %mul3A_1062, %add3A_1812 : i32
      %broadcast_in_dim3A_1814 = vector.broadcast %add3A_1813 : i32 to vector<16xi32>
      tpu.vector_store_idx %arg13[%broadcast_in_dim3A_1814], %add3A_1811 masked %eq3A_4 : memref<512xf32, #tpu.memory_space<vmem>>[vector<16xi32>], vector<16xf32>, vector<16xi1>
      %mul3A_1815 = arith.constant 16 : i32
      %mul3A_1816 = arith.muli %rem3A_545, %mul3A_1815 : i32
      %add3A_1817 = arith.constant 12 : i32
      %add3A_1818 = arith.addi %mul3A_1816, %add3A_1817 : i32
      %slice3A_1819 = vector.extract_strided_slice %and3A_1067 {offsets = [12], sizes = [1], strides = [1]} : vector<16xi32> to vector<1xi32>
      %squeeze3A_1820 = vector.extract %slice3A_1819[0] : i32 from vector<1xi32>
      %slice3A_1821 = vector.extract_strided_slice %and3A_1072 {offsets = [12], sizes = [1], strides = [1]} : vector<16xi32> to vector<1xi32>
      %squeeze3A_1822 = vector.extract %slice3A_1821[0] : i32 from vector<1xi32>
      %get3A_1823 = arith.index_cast %add3A_1818 : i32 to index
      %get3A_1824 = arith.index_cast %squeeze3A_1820 : i32 to index
      %get3A_1825 = arith.constant 0 : index
      %get3A_1826 = tpu.vector_load %arg10[%get3A_1823, %get3A_1824, %get3A_1825] {strides = array<i32>} : memref<32x8x64xf32, #tpu.memory_space<vmem>>, vector<16xf32>,
      %mul3A_1827 = arith.mulf %get3A_1826, %get3A_522 : vector<16xf32>
      %get3A_1828 = arith.index_cast %add3A_1818 : i32 to index
      %get3A_1829 = arith.index_cast %squeeze3A_1822 : i32 to index
      %get3A_1830 = arith.constant 0 : index
      %get3A_1831 = tpu.vector_load %arg11[%get3A_1828, %get3A_1829, %get3A_1830] {strides = array<i32>} : memref<32x8x64xf32, #tpu.memory_space<vmem>>, vector<16xf32>,
      %mul3A_1832 = arith.mulf %get3A_1831, %get3A_530 : vector<16xf32>
      %add3A_1833 = arith.addf %mul3A_1827, %mul3A_1832 : vector<16xf32>
      %get3A_1834 = arith.index_cast %add3A_1818 : i32 to index
      %get3A_1835 = arith.index_cast %squeeze3A_1820 : i32 to index
      %get3A_1836 = arith.constant 16 : index
      %get3A_1837 = tpu.vector_load %arg10[%get3A_1834, %get3A_1835, %get3A_1836] {strides = array<i32>} : memref<32x8x64xf32, #tpu.memory_space<vmem>>, vector<16xf32>,
      %mul3A_1838 = arith.mulf %get3A_1837, %get3A_524 : vector<16xf32>
      %get3A_1839 = arith.index_cast %add3A_1818 : i32 to index
      %get3A_1840 = arith.index_cast %squeeze3A_1822 : i32 to index
      %get3A_1841 = arith.constant 16 : index
      %get3A_1842 = tpu.vector_load %arg11[%get3A_1839, %get3A_1840, %get3A_1841] {strides = array<i32>} : memref<32x8x64xf32, #tpu.memory_space<vmem>>, vector<16xf32>,
      %mul3A_1843 = arith.mulf %get3A_1842, %get3A_532 : vector<16xf32>
      %add3A_1844 = arith.addf %mul3A_1838, %mul3A_1843 : vector<16xf32>
      %add3A_1845 = arith.addf %add3A_1833, %add3A_1844 : vector<16xf32>
      %get3A_1846 = arith.index_cast %add3A_1818 : i32 to index
      %get3A_1847 = arith.index_cast %squeeze3A_1820 : i32 to index
      %get3A_1848 = arith.constant 32 : index
      %get3A_1849 = tpu.vector_load %arg10[%get3A_1846, %get3A_1847, %get3A_1848] {strides = array<i32>} : memref<32x8x64xf32, #tpu.memory_space<vmem>>, vector<16xf32>,
      %mul3A_1850 = arith.mulf %get3A_1849, %get3A_526 : vector<16xf32>
      %get3A_1851 = arith.index_cast %add3A_1818 : i32 to index
      %get3A_1852 = arith.index_cast %squeeze3A_1822 : i32 to index
      %get3A_1853 = arith.constant 32 : index
      %get3A_1854 = tpu.vector_load %arg11[%get3A_1851, %get3A_1852, %get3A_1853] {strides = array<i32>} : memref<32x8x64xf32, #tpu.memory_space<vmem>>, vector<16xf32>,
      %mul3A_1855 = arith.mulf %get3A_1854, %get3A_534 : vector<16xf32>
      %add3A_1856 = arith.addf %mul3A_1850, %mul3A_1855 : vector<16xf32>
      %add3A_1857 = arith.addf %add3A_1845, %add3A_1856 : vector<16xf32>
      %get3A_1858 = arith.index_cast %add3A_1818 : i32 to index
      %get3A_1859 = arith.index_cast %squeeze3A_1820 : i32 to index
      %get3A_1860 = arith.constant 48 : index
      %get3A_1861 = tpu.vector_load %arg10[%get3A_1858, %get3A_1859, %get3A_1860] {strides = array<i32>} : memref<32x8x64xf32, #tpu.memory_space<vmem>>, vector<16xf32>,
      %mul3A_1862 = arith.mulf %get3A_1861, %get3A_528 : vector<16xf32>
      %get3A_1863 = arith.index_cast %add3A_1818 : i32 to index
      %get3A_1864 = arith.index_cast %squeeze3A_1822 : i32 to index
      %get3A_1865 = arith.constant 48 : index
      %get3A_1866 = tpu.vector_load %arg11[%get3A_1863, %get3A_1864, %get3A_1865] {strides = array<i32>} : memref<32x8x64xf32, #tpu.memory_space<vmem>>, vector<16xf32>,
      %mul3A_1867 = arith.mulf %get3A_1866, %get3A_536 : vector<16xf32>
      %add3A_1868 = arith.addf %mul3A_1862, %mul3A_1867 : vector<16xf32>
      %add3A_1869 = arith.addf %add3A_1857, %add3A_1868 : vector<16xf32>
      %broadcast_in_dim3A_1870 = arith.constant true
      %broadcast_in_dim3A_1871 = vector.broadcast %broadcast_in_dim3A_1870 : i1 to vector<16xi1>
      %masked_cumsum3A_1872 = tpu.scan <sum>, %add3A_1869 masked %broadcast_in_dim3A_1871 : vector<16xf32>, vector<16xi1> -> vector<16xf32>
      %add3A_1873 = arith.addf %masked_cumsum3A_1872, %get3A_538 : vector<16xf32>
      %add3A_1874 = arith.constant 12 : i32
      %add3A_1875 = arith.addi %mul3A_1062, %add3A_1874 : i32
      %broadcast_in_dim3A_1876 = vector.broadcast %add3A_1875 : i32 to vector<16xi32>
      tpu.vector_store_idx %arg13[%broadcast_in_dim3A_1876], %add3A_1873 masked %eq3A_4 : memref<512xf32, #tpu.memory_space<vmem>>[vector<16xi32>], vector<16xf32>, vector<16xi1>
      %mul3A_1877 = arith.constant 16 : i32
      %mul3A_1878 = arith.muli %rem3A_545, %mul3A_1877 : i32
      %add3A_1879 = arith.constant 13 : i32
      %add3A_1880 = arith.addi %mul3A_1878, %add3A_1879 : i32
      %slice3A_1881 = vector.extract_strided_slice %and3A_1067 {offsets = [13], sizes = [1], strides = [1]} : vector<16xi32> to vector<1xi32>
      %squeeze3A_1882 = vector.extract %slice3A_1881[0] : i32 from vector<1xi32>
      %slice3A_1883 = vector.extract_strided_slice %and3A_1072 {offsets = [13], sizes = [1], strides = [1]} : vector<16xi32> to vector<1xi32>
      %squeeze3A_1884 = vector.extract %slice3A_1883[0] : i32 from vector<1xi32>
      %get3A_1885 = arith.index_cast %add3A_1880 : i32 to index
      %get3A_1886 = arith.index_cast %squeeze3A_1882 : i32 to index
      %get3A_1887 = arith.constant 0 : index
      %get3A_1888 = tpu.vector_load %arg10[%get3A_1885, %get3A_1886, %get3A_1887] {strides = array<i32>} : memref<32x8x64xf32, #tpu.memory_space<vmem>>, vector<16xf32>,
      %mul3A_1889 = arith.mulf %get3A_1888, %get3A_522 : vector<16xf32>
      %get3A_1890 = arith.index_cast %add3A_1880 : i32 to index
      %get3A_1891 = arith.index_cast %squeeze3A_1884 : i32 to index
      %get3A_1892 = arith.constant 0 : index
      %get3A_1893 = tpu.vector_load %arg11[%get3A_1890, %get3A_1891, %get3A_1892] {strides = array<i32>} : memref<32x8x64xf32, #tpu.memory_space<vmem>>, vector<16xf32>,
      %mul3A_1894 = arith.mulf %get3A_1893, %get3A_530 : vector<16xf32>
      %add3A_1895 = arith.addf %mul3A_1889, %mul3A_1894 : vector<16xf32>
      %get3A_1896 = arith.index_cast %add3A_1880 : i32 to index
      %get3A_1897 = arith.index_cast %squeeze3A_1882 : i32 to index
      %get3A_1898 = arith.constant 16 : index
      %get3A_1899 = tpu.vector_load %arg10[%get3A_1896, %get3A_1897, %get3A_1898] {strides = array<i32>} : memref<32x8x64xf32, #tpu.memory_space<vmem>>, vector<16xf32>,
      %mul3A_1900 = arith.mulf %get3A_1899, %get3A_524 : vector<16xf32>
      %get3A_1901 = arith.index_cast %add3A_1880 : i32 to index
      %get3A_1902 = arith.index_cast %squeeze3A_1884 : i32 to index
      %get3A_1903 = arith.constant 16 : index
      %get3A_1904 = tpu.vector_load %arg11[%get3A_1901, %get3A_1902, %get3A_1903] {strides = array<i32>} : memref<32x8x64xf32, #tpu.memory_space<vmem>>, vector<16xf32>,
      %mul3A_1905 = arith.mulf %get3A_1904, %get3A_532 : vector<16xf32>
      %add3A_1906 = arith.addf %mul3A_1900, %mul3A_1905 : vector<16xf32>
      %add3A_1907 = arith.addf %add3A_1895, %add3A_1906 : vector<16xf32>
      %get3A_1908 = arith.index_cast %add3A_1880 : i32 to index
      %get3A_1909 = arith.index_cast %squeeze3A_1882 : i32 to index
      %get3A_1910 = arith.constant 32 : index
      %get3A_1911 = tpu.vector_load %arg10[%get3A_1908, %get3A_1909, %get3A_1910] {strides = array<i32>} : memref<32x8x64xf32, #tpu.memory_space<vmem>>, vector<16xf32>,
      %mul3A_1912 = arith.mulf %get3A_1911, %get3A_526 : vector<16xf32>
      %get3A_1913 = arith.index_cast %add3A_1880 : i32 to index
      %get3A_1914 = arith.index_cast %squeeze3A_1884 : i32 to index
      %get3A_1915 = arith.constant 32 : index
      %get3A_1916 = tpu.vector_load %arg11[%get3A_1913, %get3A_1914, %get3A_1915] {strides = array<i32>} : memref<32x8x64xf32, #tpu.memory_space<vmem>>, vector<16xf32>,
      %mul3A_1917 = arith.mulf %get3A_1916, %get3A_534 : vector<16xf32>
      %add3A_1918 = arith.addf %mul3A_1912, %mul3A_1917 : vector<16xf32>
      %add3A_1919 = arith.addf %add3A_1907, %add3A_1918 : vector<16xf32>
      %get3A_1920 = arith.index_cast %add3A_1880 : i32 to index
      %get3A_1921 = arith.index_cast %squeeze3A_1882 : i32 to index
      %get3A_1922 = arith.constant 48 : index
      %get3A_1923 = tpu.vector_load %arg10[%get3A_1920, %get3A_1921, %get3A_1922] {strides = array<i32>} : memref<32x8x64xf32, #tpu.memory_space<vmem>>, vector<16xf32>,
      %mul3A_1924 = arith.mulf %get3A_1923, %get3A_528 : vector<16xf32>
      %get3A_1925 = arith.index_cast %add3A_1880 : i32 to index
      %get3A_1926 = arith.index_cast %squeeze3A_1884 : i32 to index
      %get3A_1927 = arith.constant 48 : index
      %get3A_1928 = tpu.vector_load %arg11[%get3A_1925, %get3A_1926, %get3A_1927] {strides = array<i32>} : memref<32x8x64xf32, #tpu.memory_space<vmem>>, vector<16xf32>,
      %mul3A_1929 = arith.mulf %get3A_1928, %get3A_536 : vector<16xf32>
      %add3A_1930 = arith.addf %mul3A_1924, %mul3A_1929 : vector<16xf32>
      %add3A_1931 = arith.addf %add3A_1919, %add3A_1930 : vector<16xf32>
      %broadcast_in_dim3A_1932 = arith.constant true
      %broadcast_in_dim3A_1933 = vector.broadcast %broadcast_in_dim3A_1932 : i1 to vector<16xi1>
      %masked_cumsum3A_1934 = tpu.scan <sum>, %add3A_1931 masked %broadcast_in_dim3A_1933 : vector<16xf32>, vector<16xi1> -> vector<16xf32>
      %add3A_1935 = arith.addf %masked_cumsum3A_1934, %get3A_538 : vector<16xf32>
      %add3A_1936 = arith.constant 13 : i32
      %add3A_1937 = arith.addi %mul3A_1062, %add3A_1936 : i32
      %broadcast_in_dim3A_1938 = vector.broadcast %add3A_1937 : i32 to vector<16xi32>
      tpu.vector_store_idx %arg13[%broadcast_in_dim3A_1938], %add3A_1935 masked %eq3A_4 : memref<512xf32, #tpu.memory_space<vmem>>[vector<16xi32>], vector<16xf32>, vector<16xi1>
      %mul3A_1939 = arith.constant 16 : i32
      %mul3A_1940 = arith.muli %rem3A_545, %mul3A_1939 : i32
      %add3A_1941 = arith.constant 14 : i32
      %add3A_1942 = arith.addi %mul3A_1940, %add3A_1941 : i32
      %slice3A_1943 = vector.extract_strided_slice %and3A_1067 {offsets = [14], sizes = [1], strides = [1]} : vector<16xi32> to vector<1xi32>
      %squeeze3A_1944 = vector.extract %slice3A_1943[0] : i32 from vector<1xi32>
      %slice3A_1945 = vector.extract_strided_slice %and3A_1072 {offsets = [14], sizes = [1], strides = [1]} : vector<16xi32> to vector<1xi32>
      %squeeze3A_1946 = vector.extract %slice3A_1945[0] : i32 from vector<1xi32>
      %get3A_1947 = arith.index_cast %add3A_1942 : i32 to index
      %get3A_1948 = arith.index_cast %squeeze3A_1944 : i32 to index
      %get3A_1949 = arith.constant 0 : index
      %get3A_1950 = tpu.vector_load %arg10[%get3A_1947, %get3A_1948, %get3A_1949] {strides = array<i32>} : memref<32x8x64xf32, #tpu.memory_space<vmem>>, vector<16xf32>,
      %mul3A_1951 = arith.mulf %get3A_1950, %get3A_522 : vector<16xf32>
      %get3A_1952 = arith.index_cast %add3A_1942 : i32 to index
      %get3A_1953 = arith.index_cast %squeeze3A_1946 : i32 to index
      %get3A_1954 = arith.constant 0 : index
      %get3A_1955 = tpu.vector_load %arg11[%get3A_1952, %get3A_1953, %get3A_1954] {strides = array<i32>} : memref<32x8x64xf32, #tpu.memory_space<vmem>>, vector<16xf32>,
      %mul3A_1956 = arith.mulf %get3A_1955, %get3A_530 : vector<16xf32>
      %add3A_1957 = arith.addf %mul3A_1951, %mul3A_1956 : vector<16xf32>
      %get3A_1958 = arith.index_cast %add3A_1942 : i32 to index
      %get3A_1959 = arith.index_cast %squeeze3A_1944 : i32 to index
      %get3A_1960 = arith.constant 16 : index
      %get3A_1961 = tpu.vector_load %arg10[%get3A_1958, %get3A_1959, %get3A_1960] {strides = array<i32>} : memref<32x8x64xf32, #tpu.memory_space<vmem>>, vector<16xf32>,
      %mul3A_1962 = arith.mulf %get3A_1961, %get3A_524 : vector<16xf32>
      %get3A_1963 = arith.index_cast %add3A_1942 : i32 to index
      %get3A_1964 = arith.index_cast %squeeze3A_1946 : i32 to index
      %get3A_1965 = arith.constant 16 : index
      %get3A_1966 = tpu.vector_load %arg11[%get3A_1963, %get3A_1964, %get3A_1965] {strides = array<i32>} : memref<32x8x64xf32, #tpu.memory_space<vmem>>, vector<16xf32>,
      %mul3A_1967 = arith.mulf %get3A_1966, %get3A_532 : vector<16xf32>
      %add3A_1968 = arith.addf %mul3A_1962, %mul3A_1967 : vector<16xf32>
      %add3A_1969 = arith.addf %add3A_1957, %add3A_1968 : vector<16xf32>
      %get3A_1970 = arith.index_cast %add3A_1942 : i32 to index
      %get3A_1971 = arith.index_cast %squeeze3A_1944 : i32 to index
      %get3A_1972 = arith.constant 32 : index
      %get3A_1973 = tpu.vector_load %arg10[%get3A_1970, %get3A_1971, %get3A_1972] {strides = array<i32>} : memref<32x8x64xf32, #tpu.memory_space<vmem>>, vector<16xf32>,
      %mul3A_1974 = arith.mulf %get3A_1973, %get3A_526 : vector<16xf32>
      %get3A_1975 = arith.index_cast %add3A_1942 : i32 to index
      %get3A_1976 = arith.index_cast %squeeze3A_1946 : i32 to index
      %get3A_1977 = arith.constant 32 : index
      %get3A_1978 = tpu.vector_load %arg11[%get3A_1975, %get3A_1976, %get3A_1977] {strides = array<i32>} : memref<32x8x64xf32, #tpu.memory_space<vmem>>, vector<16xf32>,
      %mul3A_1979 = arith.mulf %get3A_1978, %get3A_534 : vector<16xf32>
      %add3A_1980 = arith.addf %mul3A_1974, %mul3A_1979 : vector<16xf32>
      %add3A_1981 = arith.addf %add3A_1969, %add3A_1980 : vector<16xf32>
      %get3A_1982 = arith.index_cast %add3A_1942 : i32 to index
      %get3A_1983 = arith.index_cast %squeeze3A_1944 : i32 to index
      %get3A_1984 = arith.constant 48 : index
      %get3A_1985 = tpu.vector_load %arg10[%get3A_1982, %get3A_1983, %get3A_1984] {strides = array<i32>} : memref<32x8x64xf32, #tpu.memory_space<vmem>>, vector<16xf32>,
      %mul3A_1986 = arith.mulf %get3A_1985, %get3A_528 : vector<16xf32>
      %get3A_1987 = arith.index_cast %add3A_1942 : i32 to index
      %get3A_1988 = arith.index_cast %squeeze3A_1946 : i32 to index
      %get3A_1989 = arith.constant 48 : index
      %get3A_1990 = tpu.vector_load %arg11[%get3A_1987, %get3A_1988, %get3A_1989] {strides = array<i32>} : memref<32x8x64xf32, #tpu.memory_space<vmem>>, vector<16xf32>,
      %mul3A_1991 = arith.mulf %get3A_1990, %get3A_536 : vector<16xf32>
      %add3A_1992 = arith.addf %mul3A_1986, %mul3A_1991 : vector<16xf32>
      %add3A_1993 = arith.addf %add3A_1981, %add3A_1992 : vector<16xf32>
      %broadcast_in_dim3A_1994 = arith.constant true
      %broadcast_in_dim3A_1995 = vector.broadcast %broadcast_in_dim3A_1994 : i1 to vector<16xi1>
      %masked_cumsum3A_1996 = tpu.scan <sum>, %add3A_1993 masked %broadcast_in_dim3A_1995 : vector<16xf32>, vector<16xi1> -> vector<16xf32>
      %add3A_1997 = arith.addf %masked_cumsum3A_1996, %get3A_538 : vector<16xf32>
      %add3A_1998 = arith.constant 14 : i32
      %add3A_1999 = arith.addi %mul3A_1062, %add3A_1998 : i32
      %broadcast_in_dim3A_2000 = vector.broadcast %add3A_1999 : i32 to vector<16xi32>
      tpu.vector_store_idx %arg13[%broadcast_in_dim3A_2000], %add3A_1997 masked %eq3A_4 : memref<512xf32, #tpu.memory_space<vmem>>[vector<16xi32>], vector<16xf32>, vector<16xi1>
      %mul3A_2001 = arith.constant 16 : i32
      %mul3A_2002 = arith.muli %rem3A_545, %mul3A_2001 : i32
      %add3A_2003 = arith.constant 15 : i32
      %add3A_2004 = arith.addi %mul3A_2002, %add3A_2003 : i32
      %slice3A_2005 = vector.extract_strided_slice %and3A_1067 {offsets = [15], sizes = [1], strides = [1]} : vector<16xi32> to vector<1xi32>
      %squeeze3A_2006 = vector.extract %slice3A_2005[0] : i32 from vector<1xi32>
      %slice3A_2007 = vector.extract_strided_slice %and3A_1072 {offsets = [15], sizes = [1], strides = [1]} : vector<16xi32> to vector<1xi32>
      %squeeze3A_2008 = vector.extract %slice3A_2007[0] : i32 from vector<1xi32>
      %get3A_2009 = arith.index_cast %add3A_2004 : i32 to index
      %get3A_2010 = arith.index_cast %squeeze3A_2006 : i32 to index
      %get3A_2011 = arith.constant 0 : index
      %get3A_2012 = tpu.vector_load %arg10[%get3A_2009, %get3A_2010, %get3A_2011] {strides = array<i32>} : memref<32x8x64xf32, #tpu.memory_space<vmem>>, vector<16xf32>,
      %mul3A_2013 = arith.mulf %get3A_2012, %get3A_522 : vector<16xf32>
      %get3A_2014 = arith.index_cast %add3A_2004 : i32 to index
      %get3A_2015 = arith.index_cast %squeeze3A_2008 : i32 to index
      %get3A_2016 = arith.constant 0 : index
      %get3A_2017 = tpu.vector_load %arg11[%get3A_2014, %get3A_2015, %get3A_2016] {strides = array<i32>} : memref<32x8x64xf32, #tpu.memory_space<vmem>>, vector<16xf32>,
      %mul3A_2018 = arith.mulf %get3A_2017, %get3A_530 : vector<16xf32>
      %add3A_2019 = arith.addf %mul3A_2013, %mul3A_2018 : vector<16xf32>
      %get3A_2020 = arith.index_cast %add3A_2004 : i32 to index
      %get3A_2021 = arith.index_cast %squeeze3A_2006 : i32 to index
      %get3A_2022 = arith.constant 16 : index
      %get3A_2023 = tpu.vector_load %arg10[%get3A_2020, %get3A_2021, %get3A_2022] {strides = array<i32>} : memref<32x8x64xf32, #tpu.memory_space<vmem>>, vector<16xf32>,
      %mul3A_2024 = arith.mulf %get3A_2023, %get3A_524 : vector<16xf32>
      %get3A_2025 = arith.index_cast %add3A_2004 : i32 to index
      %get3A_2026 = arith.index_cast %squeeze3A_2008 : i32 to index
      %get3A_2027 = arith.constant 16 : index
      %get3A_2028 = tpu.vector_load %arg11[%get3A_2025, %get3A_2026, %get3A_2027] {strides = array<i32>} : memref<32x8x64xf32, #tpu.memory_space<vmem>>, vector<16xf32>,
      %mul3A_2029 = arith.mulf %get3A_2028, %get3A_532 : vector<16xf32>
      %add3A_2030 = arith.addf %mul3A_2024, %mul3A_2029 : vector<16xf32>
      %add3A_2031 = arith.addf %add3A_2019, %add3A_2030 : vector<16xf32>
      %get3A_2032 = arith.index_cast %add3A_2004 : i32 to index
      %get3A_2033 = arith.index_cast %squeeze3A_2006 : i32 to index
      %get3A_2034 = arith.constant 32 : index
      %get3A_2035 = tpu.vector_load %arg10[%get3A_2032, %get3A_2033, %get3A_2034] {strides = array<i32>} : memref<32x8x64xf32, #tpu.memory_space<vmem>>, vector<16xf32>,
      %mul3A_2036 = arith.mulf %get3A_2035, %get3A_526 : vector<16xf32>
      %get3A_2037 = arith.index_cast %add3A_2004 : i32 to index
      %get3A_2038 = arith.index_cast %squeeze3A_2008 : i32 to index
      %get3A_2039 = arith.constant 32 : index
      %get3A_2040 = tpu.vector_load %arg11[%get3A_2037, %get3A_2038, %get3A_2039] {strides = array<i32>} : memref<32x8x64xf32, #tpu.memory_space<vmem>>, vector<16xf32>,
      %mul3A_2041 = arith.mulf %get3A_2040, %get3A_534 : vector<16xf32>
      %add3A_2042 = arith.addf %mul3A_2036, %mul3A_2041 : vector<16xf32>
      %add3A_2043 = arith.addf %add3A_2031, %add3A_2042 : vector<16xf32>
      %get3A_2044 = arith.index_cast %add3A_2004 : i32 to index
      %get3A_2045 = arith.index_cast %squeeze3A_2006 : i32 to index
      %get3A_2046 = arith.constant 48 : index
      %get3A_2047 = tpu.vector_load %arg10[%get3A_2044, %get3A_2045, %get3A_2046] {strides = array<i32>} : memref<32x8x64xf32, #tpu.memory_space<vmem>>, vector<16xf32>,
      %mul3A_2048 = arith.mulf %get3A_2047, %get3A_528 : vector<16xf32>
      %get3A_2049 = arith.index_cast %add3A_2004 : i32 to index
      %get3A_2050 = arith.index_cast %squeeze3A_2008 : i32 to index
      %get3A_2051 = arith.constant 48 : index
      %get3A_2052 = tpu.vector_load %arg11[%get3A_2049, %get3A_2050, %get3A_2051] {strides = array<i32>} : memref<32x8x64xf32, #tpu.memory_space<vmem>>, vector<16xf32>,
      %mul3A_2053 = arith.mulf %get3A_2052, %get3A_536 : vector<16xf32>
      %add3A_2054 = arith.addf %mul3A_2048, %mul3A_2053 : vector<16xf32>
      %add3A_2055 = arith.addf %add3A_2043, %add3A_2054 : vector<16xf32>
      %broadcast_in_dim3A_2056 = arith.constant true
      %broadcast_in_dim3A_2057 = vector.broadcast %broadcast_in_dim3A_2056 : i1 to vector<16xi1>
      %masked_cumsum3A_2058 = tpu.scan <sum>, %add3A_2055 masked %broadcast_in_dim3A_2057 : vector<16xf32>, vector<16xi1> -> vector<16xf32>
      %add3A_2059 = arith.addf %masked_cumsum3A_2058, %get3A_538 : vector<16xf32>
      %add3A_2060 = arith.constant 15 : i32
      %add3A_2061 = arith.addi %mul3A_1062, %add3A_2060 : i32
      %broadcast_in_dim3A_2062 = vector.broadcast %add3A_2061 : i32 to vector<16xi32>
      tpu.vector_store_idx %arg13[%broadcast_in_dim3A_2062], %add3A_2059 masked %eq3A_4 : memref<512xf32, #tpu.memory_space<vmem>>[vector<16xi32>], vector<16xf32>, vector<16xi1>
    }
    %scan3A_543 = arith.constant 32 : i32
    "tpu.region"() ({
      %run_scoped3A = tpu.sem_alloc : memref<!tpu.dma_semaphore, #tpu.memory_space<semaphore_mem>>
      %dma_start3A_544 = tpu.memref_slice %arg7[%mul3A_2] : memref<16384xf32, #tpu.memory_space<hbm>> -> memref<512xf32, #tpu.memory_space<hbm>>
      %dma_start3A_545 = tpu.memref_slice %arg7[%mul3A_2] : memref<16384xf32, #tpu.memory_space<hbm>> -> memref<512xf32, #tpu.memory_space<hbm>>
      tpu.enqueue_dma source(%arg13 : memref<512xf32, #tpu.memory_space<vmem>>) target(%dma_start3A_545 : memref<512xf32, #tpu.memory_space<hbm>>) target_semaphore(%run_scoped3A : memref<!tpu.dma_semaphore, #tpu.memory_space<semaphore_mem>>)
      %dma_wait3A = tpu.memref_slice %arg7[%mul3A_2] : memref<16384xf32, #tpu.memory_space<hbm>> -> memref<512xf32, #tpu.memory_space<hbm>>
      %dma_wait3A_546 = tpu.memref_slice %arg7[%mul3A_2] : memref<16384xf32, #tpu.memory_space<hbm>> -> memref<512xf32, #tpu.memory_space<hbm>>
      tpu.wait_dma2 semaphore(%run_scoped3A : memref<!tpu.dma_semaphore, #tpu.memory_space<semaphore_mem>>) src(%arg13 : memref<512xf32, #tpu.memory_space<vmem>>) dst(%dma_wait3A_546 : memref<512xf32, #tpu.memory_space<hbm>>)
      tpu.yield
    }) : () -> ()
    return
  }
}

</mosaic_0001>

<sc_bundles>
// kernel: _cf_call.3.cloned.1.call-start
scs
__scs_entry_jumppad:
0x0: {  	(pc) =	sbr.rel $0x88, $3  }
0x1: {  	(tag) =	ssettag $0x0;
	lr =	simm.s32 $0x1  }
0x2: {  	[smem:$0x3F9C] =	sst lr;
	_ =	strace $0xD0000000  }
0x3: {  	_ = 	snop  }
0x4: {  	_ = 	snop  }
0x5: {  	_ = 	snop  }
0x6: {  	_ = 	snop  }
0x7: {  	_ = 	snop  }
__scs_overlays_trampoline_lowered:
0x8: {  	[smem:$0x3FAB] =	sst s0  }
0x9: {  	[smem:$0x3FAC] =	sst s1  }
0xa: {  	[smem:$0x3FAD] =	sst s2  }
0xb: {  	[smem:$0x3FAE] =	sst s3  }
0xc: {  	[smem:$0x3FAF] =	sst s4  }
0xd: {  	[smem:$0x3FB0] =	sst s5  }
0xe: {  	[smem:$0x3FB1] =	sst s6  }
0xf: {  	[smem:$0x3FB2] =	sst s7  }
0x10: {  	[smem:$0x3FB3] =	sst s8  }
0x11: {  	[smem:$0x3FB4] =	sst s9;
	s0 =	simm.s32 @!p0 $0x0  }
0x12: {  	s1 =	sld [smem:$0x3F9A];
	s0 =	simm.s32 @p0 $0x1  }
0x13: {  	[smem:$0x3FB5] =	sst s0;
	s0 =	simm.s32 @!p1 $0x0  }
0x14: {  	s2 =	sld [smem:$0x3F99];
	s0 =	simm.s32 @p1 $0x1  }
0x15: {  	[smem:$0x3FB6] =	sst s0;
	s0 =	simm.s32 @!p2 $0x0  }
0x16: {  	s3 =	sld [smem:$0x3FDB];
	s0 =	simm.s32 @p2 $0x1  }
0x17: {  	s4 =	simm.s32 $0x1BF5;
	[smem:$0x3FB8] =	sst s0  }
0x18: {  	s0 =	sld [smem:$0x3F9B];
	_ =	swait.ge [sflag:s4], $0x0  }
0x19: {  	s7 =	sld [smem:$0x3F9C]  }
0x1a: {  	s8 =	sadd.s32 $0xFFFFE003, lr  }
0x1b: {  	s9 =	sadd.s32 $0xFFFFFEF7, lr;
	s5 =	simm.s32 $0xFFFFFFFF;
	p2 =	slt.u32 s8, $0xFFFFF086  }
0x1c: {  	p1 =	slt.u32 s9, $0xF7A;
	s5 =	simm.s32 @!p2 $0x0  }
0x1d: {  	s5 =	simm.s32 @p1 $0x1;
	p0 =	seq.s32 s7, s2  }
0x1e: {  	s7 =	smul.u32 @!p0 $0xF7A, s2;
	p2 =	seq.s32 @!p0 s5, $0x0  }
0x1f: {  	s9 =	smul.u32 $0xF7A, s1;
	s8 =	simm.s32 @!p0 $0x1BF5;
	p2 =	por !p2, p0  }
0x20: {  	[sflag:s8] =	ssyncset.s32 @!p0 $0xFFFFF086;
	s6 =	sadd.s32 @!p0 s3, s7;
	s7 =	simm.s32 @!p0 $0x108  }
0x21: {  	s3 =	sadd.s32 s3, s9;
	s6 =	sadd.s32 @!p0 $0x88, s6;
	s7 =	simm.s32 @p2 $0x1082  }
0x22: {  	[simem:s7], [sflag:s8] =	dma.local @!p0 [hbm:s6], $0xF7A  }
0x23: {  	s9 =	sor.u32 $0xD0000000, s2;
	s6 =	simm.s32 $0x108;
	_ =	swait.ge @!p0 [sflag:s8], $0x0  }
0x24: {  	s3 =	sadd.s32 $0x88, s3;
	s6 =	simm.s32 @!p1 $0x1082;
	[sflag:s4] =	ssyncset.s32 $0xFFFFF086  }
0x25: {  	[simem:s6], [sflag:s4] =	dma.local [hbm:s3], $0xF7A  }
0x26: {  	[smem:$0x3F9C] =	sst s1;
	(tag) =	ssettag s2;
	_ =	strace s9  }
0x27: {  	s1 =	sld [smem:$0x3FAC]  }
0x28: {  	s2 =	sld [smem:$0x3FAD]  }
0x29: {  	s4 =	sld [smem:$0x3FAF]  }
0x2a: {  	p0 =	seq.s32 s5, $0x0;
	s5 =	sld [smem:$0x3FB0]  }
0x2b: {  	s6 =	sld [smem:$0x3FB1]  }
0x2c: {  	s7 =	sld [smem:$0x3FB2]  }
0x2d: {  	s3 =	simm.s32 $0x108;
	s8 =	sld [smem:$0x3FB3]  }
0x2e: {  	s3 =	simm.s32 @!p0 $0x1082;
	s9 =	sld [smem:$0x3FB4]  }
0x2f: {  	lr =	sadd.s32 s0, s3;
	s0 =	sld [smem:$0x3FAB]  }
0x30: {  	s3 =	sld [smem:$0x3FAE]  }
0x31: {  	[smem:$0x3FB7] =	sst s10  }
0x32: {  	s10 =	sld [smem:$0x3FB5];
	_ =	sdelay $0x3  }
0x33: {  	p0 =	seq.s32 s10, $0x1;
	s10 =	sld [smem:$0x3FB7];
	_ =	sdelay $0x3  }
0x34: {  	[smem:$0x3FB7] =	sst s10  }
0x35: {  	s10 =	sld [smem:$0x3FB6];
	_ =	sdelay $0x3  }
0x36: {  	p1 =	seq.s32 s10, $0x1;
	s10 =	sld [smem:$0x3FB7];
	_ =	sdelay $0x3  }
0x37: {  	[smem:$0x3FB7] =	sst s10  }
0x38: {  	s10 =	sld [smem:$0x3FB8]  }
0x39: {  	_ = 	snop;
	(pc) =	sbr.ind lr, $3  }
0x3a: {  	_ = 	snop  }
0x3b: {  	_ = 	snop  }
0x3c: {  	p2 =	seq.s32 s10, $0x1;
	s10 =	sld [smem:$0x3FB7]  }
0x3d: {  	_ =	shalt  }
0x3e: {  	_ =	shalt  }
0x3f: {  	_ =	shalt  }
0x40: {  	_ =	shalt  }
0x41: {  	_ =	shalt  }
0x42: {  	_ =	shalt  }
0x43: {  	_ =	shalt  }
0x44: {  	_ =	shalt  }
0x45: {  	_ =	shalt  }
0x46: {  	_ =	shalt  }
0x47: {  	_ =	shalt  }
0x48: {  	_ =	shalt  }
0x49: {  	_ =	shalt  }
0x4a: {  	_ =	shalt  }
0x4b: {  	_ =	shalt  }
0x4c: {  	_ =	shalt  }
0x4d: {  	_ =	shalt  }
0x4e: {  	_ =	shalt  }
0x4f: {  	_ =	shalt  }
0x50: {  	_ =	shalt  }
0x51: {  	_ =	shalt  }
0x52: {  	_ =	shalt  }
0x53: {  	_ =	shalt  }
0x54: {  	_ =	shalt  }
0x55: {  	_ =	shalt  }
0x56: {  	_ =	shalt  }
0x57: {  	_ =	shalt  }
0x58: {  	_ =	shalt  }
0x59: {  	_ =	shalt  }
0x5a: {  	_ =	shalt  }
0x5b: {  	_ =	shalt  }
0x5c: {  	_ =	shalt  }
0x5d: {  	_ =	shalt  }
0x5e: {  	_ =	shalt  }
0x5f: {  	_ =	shalt  }
0x60: {  	_ =	shalt  }
0x61: {  	_ =	shalt  }
0x62: {  	_ =	shalt  }
0x63: {  	_ =	shalt  }
0x64: {  	_ =	shalt  }
0x65: {  	_ =	shalt  }
0x66: {  	_ =	shalt  }
0x67: {  	_ =	shalt  }
0x68: {  	_ =	shalt  }
0x69: {  	_ =	shalt  }
0x6a: {  	_ =	shalt  }
0x6b: {  	_ =	shalt  }
0x6c: {  	_ =	shalt  }
0x6d: {  	_ =	shalt  }
0x6e: {  	_ =	shalt  }
0x6f: {  	_ =	shalt  }
0x70: {  	_ =	shalt  }
0x71: {  	_ =	shalt  }
0x72: {  	_ =	shalt  }
0x73: {  	_ =	shalt  }
0x74: {  	_ =	shalt  }
0x75: {  	_ =	shalt  }
0x76: {  	_ =	shalt  }
0x77: {  	_ =	shalt  }
0x78: {  	_ =	shalt  }
0x79: {  	_ =	shalt  }
0x7a: {  	_ =	shalt  }
0x7b: {  	_ =	shalt  }
0x7c: {  	_ =	shalt  }
0x7d: {  	_ =	shalt  }
0x7e: {  	_ =	shalt  }
0x7f: {  	_ =	shalt  }
0x80: {  	_ =	shalt  }
0x81: {  	_ =	shalt  }
0x82: {  	_ =	shalt  }
0x83: {  	_ =	shalt  }
0x84: {  	_ =	shalt  }
0x85: {  	_ =	shalt  }
0x86: {  	_ =	shalt  }
0x87: {  	_ =	shalt  }
.Lfunc_end0:
.L_simem_size_0:
called_computation_lowered:
.L_overlay_start_0:
0x88: {  	s2 =	sld [smem:$0x3FD9]  }
0x89: {  	s3 =	sld [smem:$0x3FFE];
	_ =	sdelay $0x1  }
0x8a: {  	s1 =	srdreg.scid  }
0x8b: {  	s0 =	sand.u32 $0x1, s1  }
0x8c: {  	s17 =	sshll.u32 s0, $0xA;
	s2 =	sadd.s32 s3, s2  }
0x8d: {  	s2 =	sadd.s32 s2, s17  }
0x8e: {  	[smem:$0x3FC3] =	sst s2  }
0x8f: {  	_ = 	snop  }
0x90: {  	s2 =	sld [smem:$0x3FC9]  }
0x91: {  	s18 =	sld [smem:$0x3FC8]  }
0x92: {  	s4 =	sld [smem:$0x3FC5]  }
0x93: {  	s5 =	sld [smem:$0x3FD0];
	(tm) =	ssettm $0x1  }
0x94: {  	s6 =	sld [smem:$0x3FFB];
	_ =	sdelay $0x3  }
0x95: {  	_ =	strace s6  }
0x96: {  	s6 =	sld [smem:$0x3FFC];
	_ =	sdelay $0x3  }
0x97: {  	_ =	strace s6  }
0x98: {  	s6 =	sld [smem:$0x3FFD];
	_ =	sdelay $0x3  }
0x99: {  	_ =	strace s6  }
0x9a: {  	_ =	strace $0x8FFFFFFF  }
0x9b: {  	s19 =	sld [smem:$0x3FDB];
	_ =	sdelay $0x1  }
0x9c: {  	s7 =	simm.s32 $_scs_section_size  }
0x9d: {  	s8 =	simm.s32 $_size__tile_overlayer_lowered;
	s9 =	simm.s32 $_tile_overlayer_lowered  }
0x9e: {  	s22 =	simm.s32 $0x1BFF;
	s21 =	sshll.u32 s9, $0x1;
	s6 =	sadd.s32 s7, s19  }
0x9f: {  	s10 =	simm.s32 $0x0;
	s20 =	sshll.u32 s8, $0x1;
	s8 =	sadd.s32 s21, s6  }
0xa0: {  	[timem:s10], [sflag:s22] =	dma.local [hbm:s8], s20  }
0xa1: {  	_ =	swait.ge [sflag:s22], s20  }
0xa2: {  	s7 =	ssub.s32 $0x0, s20;
	[sflag:s22] =	ssyncset.done $0x0  }
0xa3: {  	[sflag:s22] =	ssyncadd.s32 s7;
	_ =	sdelay $0x1  }
0xa4: {  	s23 =	simm.s32 $0x1B8B  }
0xa5: {  	_ =	swait.ge [sflag:s23], $0x1  }
0xa6: {  	[sflag:s23] =	ssyncset.done $0x0  }
0xa7: {  	s25 =	simm.s32 $0x1B8E;
	s24 =	sld [smem:$0x3FFE];
	[sflag:s23] =	ssyncadd.s32 $0xFFFFFFFF  }
0xa8: {  	s26 =	simm.s32 $execute0_lowered;
	[smem:$0x3FD2] =	sst s25  }
0xa9: {  	s8 =	sshll.u32 s26, $0x1;
	_ =	strace $0x80000046;
	[dreg:$0x1] =	wrdreg $0xFFFFFFFF  }
0xaa: {  	s28 =	simm.s32 $_size_execute0_lowered;
	s6 =	sadd.s32 s6, s8;
	[dreg:$0x0] =	wrdreg $0x0  }
0xab: {  	s8 =	sshll.u32 s28, $0x1;
	[dreg:$0x2] =	wrdreg s6  }
0xac: {  	[dreg:$0x3] =	wrdreg s8  }
0xad: {  	[dreg:$0x4] =	wrdreg $0xC0  }
0xae: {  	_ =	task [dreg:s10], $0x5FFFF  }
0xaf: {  	[dreg:$0x1] =	wrdreg $0xFFFFFFFF  }
0xb0: {  	[dreg:$0x0] =	wrdreg $0x60  }
0xb1: {  	[dreg:$0x2] =	wrdreg s2  }
0xb2: {  	[dreg:$0x3] =	wrdreg s18  }
0xb3: {  	[dreg:$0x4] =	wrdreg s24  }
0xb4: {  	[dreg:$0x5] =	wrdreg s4  }
0xb5: {  	[dreg:$0x6] =	wrdreg s5  }
0xb6: {  	[dreg:$0x7] =	wrdreg $0x9  }
0xb7: {  	_ =	task.clear_ibuf [dreg:s10], $0x8FFFF;
	_ =	strace $0x90000046  }
0xb8: {  	s29 =	simm.s32 $0x9;
	_ =	strace $0x80000048  }
0xb9: {  	_ =	swait.ge [sflag:s29], $0x1  }
0xba: {  	[sflag:s29] =	ssyncadd.s32 $0xFFFFFFFF  }
0xbb: {  	_ =	strace $0x90000048  }
0xbc: {  	_ =	sfence  }
0xbd: {  	s30 =	sld [smem:$0x0];
	_ =	sdelay $0x2  }
0xbe: {  	s31 =	sshll.u32 s1, $0xD;
	s1 =	sshrl.u32 s1, $0x2  }
0xbf: {  	s3 =	sand.u32 $0x4000, s31;
	s1 =	sadd.s32 s1, s30  }
0xc0: {  	s0 =	sor.u32 s3, s0;
	s1 =	sshll.u32 s1, $0x11  }
0xc1: {  	s0 =	sor.u32 s1, s0  }
0xc2: {  	s0 =	sadd.s32 $0x8F2B, s0  }
0xc3: {  	[sflag:s0] =	ssyncadd.remote.s32 $0x1  }
0xc4: {  	_ =	sfence.sel $0xFFFF  }
0xc5: {  	[dreg:$0x0] =	wrdreg $0xFFFFFFFF;
	(pc) =	sbr.abs _section_cstart, $3  }
0xc6: {  	[dreg:$0x1] =	wrdreg $0xFFFFFFFF  }
0xc7: {  	_ =	task.clear_ibuf [dreg:s10], $0x2FFFF;
	_ =	strace $0x9FFFFFFF  }
0xc8: {  	(tm) =	ssettm $0x7FFFFFFF  }
0xc9: {  	_ =	shalt  }
tec
execute0_lowered:
.L_overlay_start_1:
0x0: {  	(tag) =	ssettag $0x1  }
0x1: {  	s0 =	rddreg [dreg:$0x0]  }
0x2: {  	s1 =	rddreg [dreg:$0x1]  }
0x3: {  	s2 =	rddreg [dreg:$0x2]  }
0x4: {  	s8 =	rddreg [dreg:$0x4];
	s3 =	simm.s32 $0x0  }
0x5: {  	s4 =	srdreg.scid;
	s5 =	stileid.u32;
	s12 =	simm.s32 $0x3000  }
0x6: {  	s13 =	simm.s32 $0xB000;
	s14 =	simm.s32 $0x3400;
	s15 =	simm.s32 $0xB400  }
0x7: {  	s16 =	simm.s32 $0x3800;
	s17 =	simm.s32 $0xB800;
	s18 =	simm.s32 $0x3C00  }
0x8: {  	s19 =	simm.s32 $0xBC00;
	s20 =	simm.s32 $0x4000;
	s21 =	simm.s32 $0xC000  }
0x9: {  	s22 =	simm.s32 $0x1;
	s23 =	simm.s32 $0x2;
	s24 =	simm.s32 $0x10500  }
0xa: {  	s25 =	simm.s32 $0x0;
	[smem:$0x7FF] =	sst s3;
	s4 =	sand.u32 $0x1, s4  }
.Ltmp0:
0xb: {  	s5 =	sshll.u32 s5, $0x7;
	_ =	strace $0x80000047;
	(pc) =	sbr.rel .LBB2_1-.Ltmp0, $4  }
0xc: {  	s6 =	ssub.s32 $0x2, s4;
	s7 =	sshll.u32 s4, $0x6;
	s4 =	sadd.s32 $0x186E00, s2  }
0xd: {  	s9 =	sshrl.u32 s6, $0x1;
	s10 =	sor.u32 s7, s5;
	s5 =	sadd.s32 $0x400, s2  }
0xe: {  	s31 =	ssub.s32 s6, s9;
	s6 =	sadd.s32 s0, s10;
	s7 =	sadd.s32 s1, s10  }
0xf: {  	vm0 =	vcmask $0x3F3C;
	s8 =	sadd.s32 s8, s10;
	s10 =	simm.s32 $0x3;
	s9 =	smax.u32 s31, $0x1  }
.LBB2_5:
0x10: {  	s25 =	sadd.s32 $0x1, s25  }
0x11: {  	p0 =	sne.s32 s25, s9  }
.Ltmp1:
0x12: {  	_ = 	snop;
	(pc) =	sbr.rel @!p0 .LBB2_6-.Ltmp1, $4  }
0x13: {  	[hbm4b:s8+s3] =	stream.linear.scatter [tilespmem:s24], [sflag:$0x3], $0x200, $0x38;
	[tilespmem:$0x10700] =	vst v63  }
0x14: {  	_ =	swait.ge [sflag:s10], $0x200  }
0x15: {  	[sflag:s10] =	ssyncset.done $0x0  }
0x16: {  	[sflag:s10] =	ssyncadd.s32 $0xFFFFFE00  }
.LBB2_1:
0x17: {  	[tilespmem:s3], [sflag:$0x3] =	stream.linear.gather [hbm4b:s6+s3], $0x200, $0x38;
	[tilespmem:$0x10700] =	vst v63  }
0x18: {  	_ =	swait.ge [sflag:s10], $0x200  }
0x19: {  	[sflag:s10] =	ssyncset.done $0x0  }
0x1a: {  	s0 =	simm.s32 $0x200;
	[sflag:s10] =	ssyncadd.s32 $0xFFFFFE00  }
0x1b: {  	[tilespmem:s0], [sflag:$0x3] =	stream.linear.gather [hbm4b:s7+s3], $0x200, $0x38;
	[tilespmem:$0x10700] =	vst v63  }
0x1c: {  	_ =	swait.ge [sflag:s10], $0x200  }
0x1d: {  	[sflag:s10] =	ssyncset.done $0x0  }
0x1e: {  	[sflag:s10] =	ssyncadd.s32 $0xFFFFFE00  }
0x1f: {  	s1 =	simm.s32 $0x10400;
	s31 =	rddreg [dreg:$0x3]  }
0x20: {  	[tilespmem:s1], [sflag:$0x3] =	stream.linear.gather [hbm4b:s31+s3], $0x100, $0x38;
	[tilespmem:$0x10700] =	vst v63  }
0x21: {  	_ =	swait.ge [sflag:s10], $0x100  }
0x22: {  	[sflag:s10] =	ssyncset.done $0x0  }
0x23: {  	[sflag:s10] =	ssyncadd.s32 $0xFFFFFF00  }
0x24: {  	v0 =	vld [tilespmem:$0x0];
	_ =	sdelay $0x1  }
0x25: {  	v1 =	vld [tilespmem:$0x200];
	_ =	sdelay $0x2  }
0x26: {  	v0 =	vand.u32 $0xFFFFFFF8, v0  }
0x27: {  	v0 =	vshll.u32 v0, $0x4  }
0x28: {  	v1 =	vand.u32 $0xFFFFFFF8, v1;
	v0 =	vadd.s32 s4, v0  }
0x29: {  	v1 =	vshll.u32 v1, $0x4;
	(v2sf) =	vpush v0, $0x0  }
0x2a: {  	v1 =	vadd.s32 s5, v1  }
0x2b: {  	(v2sf) =	vpush v1, $0x0;
	_ =	sdelay $0x1  }
0x2c: {  	(v2sf) =	vpush v0, $0x1;
	_ =	sdelay $0x1  }
0x2d: {  	(v2sf) =	vpush v1, $0x1;
	_ =	sdelay $0x1  }
0x2e: {  	(v2sf) =	vpush v0, $0x2;
	_ =	sdelay $0x1  }
0x2f: {  	(v2sf) =	vpush v1, $0x2;
	_ =	sdelay $0x1  }
0x30: {  	(v2sf) =	vpush v0, $0x3;
	_ =	sdelay $0x1  }
0x31: {  	(v2sf) =	vpush v1, $0x3  }
0x32: {  	s2 =	simm.s32 $0x400;
	s26 =	spop (v2sf)  }
0x33: {  	(v2sf) =	vpush v0, $0x4;
	[tilespmem:s2], [sflag:$0x1] =	stream.linear.gather [hbm4b:s26+s3], $0x400, $0x38;
	[tilespmem:$0x10700] =	vst v63  }
0x34: {  	s31 =	simm.s32 $0x8400;
	s11 =	spop (v2sf)  }
0x35: {  	(v2sf) =	vpush v1, $0x4;
	[tilespmem:s31], [sflag:$0x2] =	stream.linear.gather [hbm4b:s11+s3], $0x400, $0x38;
	[tilespmem:$0x10700] =	vst v63  }
0x36: {  	s2 =	simm.s32 $0x800;
	s1 =	spop (v2sf)  }
0x37: {  	(v2sf) =	vpush v0, $0x5;
	[tilespmem:s2], [sflag:$0x1] =	stream.linear.gather [hbm4b:s1+s3], $0x400, $0x38;
	[tilespmem:$0x10700] =	vst v63  }
0x38: {  	s11 =	spop (v2sf);
	s31 =	simm.s32 $0x8800  }
0x39: {  	(v2sf) =	vpush v1, $0x5;
	[tilespmem:s31], [sflag:$0x2] =	stream.linear.gather [hbm4b:s11+s3], $0x400, $0x38;
	[tilespmem:$0x10700] =	vst v63  }
0x3a: {  	s1 =	spop (v2sf);
	s2 =	simm.s32 $0xC00  }
0x3b: {  	(v2sf) =	vpush v0, $0x6;
	[tilespmem:s2], [sflag:$0x1] =	stream.linear.gather [hbm4b:s1+s3], $0x400, $0x38;
	[tilespmem:$0x10700] =	vst v63  }
0x3c: {  	s11 =	spop (v2sf);
	s31 =	simm.s32 $0x8C00  }
0x3d: {  	(v2sf) =	vpush v1, $0x6;
	[tilespmem:s31], [sflag:$0x2] =	stream.linear.gather [hbm4b:s11+s3], $0x400, $0x38;
	[tilespmem:$0x10700] =	vst v63  }
0x3e: {  	s1 =	spop (v2sf);
	s2 =	simm.s32 $0x1000  }
0x3f: {  	(v2sf) =	vpush v0, $0x7;
	[tilespmem:s2], [sflag:$0x1] =	stream.linear.gather [hbm4b:s1+s3], $0x400, $0x38;
	[tilespmem:$0x10700] =	vst v63  }
0x40: {  	s11 =	spop (v2sf);
	s31 =	simm.s32 $0x9000  }
0x41: {  	(v2sf) =	vpush v1, $0x7;
	[tilespmem:s31], [sflag:$0x2] =	stream.linear.gather [hbm4b:s11+s3], $0x400, $0x38;
	[tilespmem:$0x10700] =	vst v63  }
0x42: {  	s2 =	simm.s32 $0x1400;
	s1 =	spop (v2sf)  }
0x43: {  	(v2sf) =	vpush v0, $0x8;
	[tilespmem:s2], [sflag:$0x1] =	stream.linear.gather [hbm4b:s1+s3], $0x400, $0x38;
	[tilespmem:$0x10700] =	vst v63  }
0x44: {  	s31 =	simm.s32 $0x9400;
	s11 =	spop (v2sf)  }
0x45: {  	(v2sf) =	vpush v1, $0x8;
	[tilespmem:s31], [sflag:$0x2] =	stream.linear.gather [hbm4b:s11+s3], $0x400, $0x38;
	[tilespmem:$0x10700] =	vst v63  }
0x46: {  	s1 =	spop (v2sf);
	s2 =	simm.s32 $0x1800  }
0x47: {  	(v2sf) =	vpush v0, $0x9;
	[tilespmem:s2], [sflag:$0x1] =	stream.linear.gather [hbm4b:s1+s3], $0x400, $0x38;
	[tilespmem:$0x10700] =	vst v63  }
0x48: {  	s11 =	spop (v2sf);
	s31 =	simm.s32 $0x9800  }
0x49: {  	(v2sf) =	vpush v1, $0x9;
	[tilespmem:s31], [sflag:$0x2] =	stream.linear.gather [hbm4b:s11+s3], $0x400, $0x38;
	[tilespmem:$0x10700] =	vst v63  }
0x4a: {  	s1 =	spop (v2sf);
	s2 =	simm.s32 $0x1C00  }
0x4b: {  	(v2sf) =	vpush v0, $0xA;
	[tilespmem:s2], [sflag:$0x1] =	stream.linear.gather [hbm4b:s1+s3], $0x400, $0x38;
	[tilespmem:$0x10700] =	vst v63  }
0x4c: {  	s11 =	spop (v2sf);
	s31 =	simm.s32 $0x9C00  }
0x4d: {  	(v2sf) =	vpush v1, $0xA;
	[tilespmem:s31], [sflag:$0x2] =	stream.linear.gather [hbm4b:s11+s3], $0x400, $0x38;
	[tilespmem:$0x10700] =	vst v63  }
0x4e: {  	s1 =	spop (v2sf);
	s2 =	simm.s32 $0x2000  }
0x4f: {  	(v2sf) =	vpush v0, $0xB;
	[tilespmem:s2], [sflag:$0x1] =	stream.linear.gather [hbm4b:s1+s3], $0x400, $0x38;
	[tilespmem:$0x10700] =	vst v63  }
0x50: {  	s11 =	spop (v2sf);
	s31 =	simm.s32 $0xA000  }
0x51: {  	(v2sf) =	vpush v1, $0xB;
	[tilespmem:s31], [sflag:$0x2] =	stream.linear.gather [hbm4b:s11+s3], $0x400, $0x38;
	[tilespmem:$0x10700] =	vst v63  }
0x52: {  	s2 =	simm.s32 $0x2400;
	s1 =	spop (v2sf)  }
0x53: {  	(v2sf) =	vpush v0, $0xC;
	[tilespmem:s2], [sflag:$0x1] =	stream.linear.gather [hbm4b:s1+s3], $0x400, $0x38;
	[tilespmem:$0x10700] =	vst v63  }
0x54: {  	s11 =	spop (v2sf);
	s31 =	simm.s32 $0xA400  }
0x55: {  	(v2sf) =	vpush v1, $0xC;
	[tilespmem:s31], [sflag:$0x2] =	stream.linear.gather [hbm4b:s11+s3], $0x400, $0x38;
	[tilespmem:$0x10700] =	vst v63  }
0x56: {  	s1 =	spop (v2sf);
	s2 =	simm.s32 $0x2800  }
0x57: {  	(v2sf) =	vpush v0, $0xD;
	[tilespmem:s2], [sflag:$0x1] =	stream.linear.gather [hbm4b:s1+s3], $0x400, $0x38;
	[tilespmem:$0x10700] =	vst v63  }
0x58: {  	s11 =	spop (v2sf);
	s31 =	simm.s32 $0xA800  }
0x59: {  	(v2sf) =	vpush v1, $0xD;
	[tilespmem:s31], [sflag:$0x2] =	stream.linear.gather [hbm4b:s11+s3], $0x400, $0x38;
	[tilespmem:$0x10700] =	vst v63  }
0x5a: {  	s1 =	spop (v2sf);
	s2 =	simm.s32 $0x2C00  }
0x5b: {  	(v2sf) =	vpush v0, $0xE;
	[tilespmem:s2], [sflag:$0x1] =	stream.linear.gather [hbm4b:s1+s3], $0x400, $0x38;
	[tilespmem:$0x10700] =	vst v63  }
0x5c: {  	s11 =	spop (v2sf);
	s31 =	simm.s32 $0xAC00  }
0x5d: {  	(v2sf) =	vpush v1, $0xE;
	[tilespmem:s31], [sflag:$0x2] =	stream.linear.gather [hbm4b:s11+s3], $0x400, $0x38;
	[tilespmem:$0x10700] =	vst v63  }
0x5e: {  	s0 =	spop (v2sf)  }
0x5f: {  	(v2sf) =	vpush v0, $0xF;
	[tilespmem:s12], [sflag:$0x1] =	stream.linear.gather [hbm4b:s0+s3], $0x400, $0x38;
	[tilespmem:$0x10700] =	vst v63  }
0x60: {  	s1 =	spop (v2sf)  }
0x61: {  	(v2sf) =	vpush v1, $0xF;
	[tilespmem:s13], [sflag:$0x2] =	stream.linear.gather [hbm4b:s1+s3], $0x400, $0x38;
	[tilespmem:$0x10700] =	vst v63  }
0x62: {  	s2 =	spop (v2sf)  }
0x63: {  	[tilespmem:s14], [sflag:$0x1] =	stream.linear.gather [hbm4b:s2+s3], $0x400, $0x38;
	[tilespmem:$0x10700] =	vst v63  }
0x64: {  	s11 =	spop (v2sf)  }
0x65: {  	[tilespmem:s15], [sflag:$0x2] =	stream.linear.gather [hbm4b:s11+s3], $0x400, $0x38;
	[tilespmem:$0x10700] =	vst v63  }
0x66: {  	s31 =	spop (v2sf)  }
0x67: {  	[tilespmem:s16], [sflag:$0x1] =	stream.linear.gather [hbm4b:s31+s3], $0x400, $0x38;
	[tilespmem:$0x10700] =	vst v63  }
0x68: {  	s0 =	spop (v2sf)  }
0x69: {  	[tilespmem:s17], [sflag:$0x2] =	stream.linear.gather [hbm4b:s0+s3], $0x400, $0x38;
	[tilespmem:$0x10700] =	vst v63  }
0x6a: {  	s1 =	spop (v2sf)  }
0x6b: {  	[tilespmem:s18], [sflag:$0x1] =	stream.linear.gather [hbm4b:s1+s3], $0x400, $0x38;
	[tilespmem:$0x10700] =	vst v63  }
0x6c: {  	s2 =	spop (v2sf)  }
0x6d: {  	[tilespmem:s19], [sflag:$0x2] =	stream.linear.gather [hbm4b:s2+s3], $0x400, $0x38;
	[tilespmem:$0x10700] =	vst v63  }
0x6e: {  	s11 =	spop (v2sf)  }
0x6f: {  	[tilespmem:s20], [sflag:$0x1] =	stream.linear.gather [hbm4b:s11+s3], $0x400, $0x38;
	[tilespmem:$0x10700] =	vst v63  }
0x70: {  	s31 =	spop (v2sf)  }
0x71: {  	[tilespmem:s21], [sflag:$0x2] =	stream.linear.gather [hbm4b:s31+s3], $0x400, $0x38;
	[tilespmem:$0x10700] =	vst v63  }
0x72: {  	v0 =	vld [tilespmem:$0x10400]  }
0x73: {  	v1 =	vld [tilespmem:$0x10410]  }
0x74: {  	v2 =	vld [tilespmem:$0x10420]  }
0x75: {  	v3 =	vld [tilespmem:$0x10430]  }
.Ltmp2:
0x76: {  	v4 =	vld [tilespmem:$0x10440];
	(pc) =	sbr.rel .LBB2_2-.Ltmp2, $4  }
0x77: {  	v5 =	vld [tilespmem:$0x10450]  }
0x78: {  	v6 =	vld [tilespmem:$0x10460]  }
0x79: {  	s28 =	simm.s32 $0x10;
	v7 =	vld [tilespmem:$0x10470]  }
0x7a: {  	s29 =	simm.s32 $0x210;
	s30 =	simm.s32 $0x0;
	s26 =	simm.s32 $0xF;
	v8 =	vld [tilespmem:$0x10480]  }
.LBB2_4:
0x7b: {  	v9 =	vld [tilespmem:s28+$0xFFFFFFF0];
	_ =	sdelay $0x1  }
0x7c: {  	v11 =	vld [tilespmem:s29+$0xFFFFFFF0];
	_ =	sdelay $0x2  }
0x7d: {  	v9 =	vand.u32 $0x7, v9  }
0x7e: {  	v10 =	vshll.u32 v9, $0x7  }
0x7f: {  	v9 =	vand.u32 $0x7, v11;
	(v2sf) =	vpush v10, $0x0  }
0x80: {  	v9 =	vshll.u32 v9, $0x7;
	(v2sf) =	vpush v10, $0x1  }
0x81: {  	(v2sf) =	vpush v9, $0x0;
	_ =	sdelay $0xc  }
0x82: {  	s31 =	sand.u32 $0x4000, s30;
	s0 =	spop (v2sf)  }
0x83: {  	s2 =	spop (v2sf);
	s0 =	sadd.s32 s0, s31  }
0x84: {  	s1 =	spop (v2sf);
	v11 =	vld [tilespmem:s0+$0x400]  }
0x85: {  	v13 =	vld [tilespmem:s0+$0x410];
	s1 =	sadd.s32 s1, s31  }
0x86: {  	v12 =	vld [tilespmem:s1+$0x8400]  }
0x87: {  	v14 =	vld [tilespmem:s1+$0x8410]  }
0x88: {  	v15 =	vld [tilespmem:s0+$0x420]  }
0x89: {  	v16 =	vld [tilespmem:s1+$0x8420]  }
0x8a: {  	v17 =	vld [tilespmem:s0+$0x430]  }
0x8b: {  	v18 =	vld [tilespmem:s1+$0x8430];
	v11 =	vmul.f32 v11, v0;
	v13 =	vmul.f32 v13, v1  }
0x8c: {  	v12 =	vmul.f32 v12, v4;
	v14 =	vmul.f32 v14, v5  }
0x8d: {  	v38 =	vmul.f32 v15, v2  }
0x8e: {  	v39 =	vmul.f32 v16, v6;
	v11 =	vadd.f32 v12, v11;
	v37 =	vadd.f32 v14, v13  }
0x8f: {  	v41 =	vmul.f32 v17, v3  }
0x90: {  	v42 =	vmul.f32 v18, v7;
	v40 =	vadd.f32 v39, v38;
	v11 =	vadd.f32 v37, v11;
	_ =	sdelay $0x1  }
0x91: {  	v43 =	vadd.f32 v42, v41;
	v11 =	vadd.f32 v40, v11;
	_ =	sdelay $0x1  }
0x92: {  	(v2sf) =	vpush v9, $0x1;
	v11 =	vadd.f32 v43, v11;
	_ =	sdelay $0x1  }
0x93: {  	(xrf2) =	vadd.scan.msk.f32 $0xffff, v11;
	_ =	sdelay $0x3  }
0x94: {  	s11 =	sadd.s32 $0xFFFFFFF1, s26  }
0x95: {  	v11 =	vmov s11  }
0x96: {  	v11 =	vand.u32 $0xFFFFFFF0, v11  }
0x97: {  	v11 =	vbroadcast v11, $0x0;
	_ =	sdelay $0x2  }
0x98: {  	v44, _, _ =	vpop (xrf2)  }
0x99: {  	v12 =	vadd.f32 v44, v8  }
0x9a: {  	s1 =	sor.u32 $0x400, s31  }
0x9b: {  	s2 =	sadd.s32 s2, s1;
	s11 =	spop (v2sf);
	[tilespmem:v11+s24+$0x0] =	vst.idx.msk vm0, v12  }
0x9c: {  	s0 =	sadd.s32 s11, s1;
	v11 =	vld [tilespmem:s2+$0x400]  }
0x9d: {  	v12 =	vld [tilespmem:s0+$0x8400]  }
0x9e: {  	v45 =	vld [tilespmem:s2+$0x410]  }
0x9f: {  	v46 =	vld [tilespmem:s0+$0x8410]  }
0xa0: {  	v47 =	vld [tilespmem:s2+$0x420]  }
0xa1: {  	v48 =	vld [tilespmem:s0+$0x8420]  }
0xa2: {  	v49 =	vld [tilespmem:s2+$0x430]  }
0xa3: {  	v50 =	vld [tilespmem:s0+$0x8430];
	v11 =	vmul.f32 v11, v0;
	v12 =	vmul.f32 v12, v4  }
0xa4: {  	v13 =	vmul.f32 v45, v1;
	v14 =	vmul.f32 v46, v5  }
0xa5: {  	v52 =	vmul.f32 v47, v2  }
0xa6: {  	v53 =	vmul.f32 v48, v6;
	v11 =	vadd.f32 v12, v11;
	v51 =	vadd.f32 v14, v13  }
0xa7: {  	v55 =	vmul.f32 v49, v3  }
0xa8: {  	v56 =	vmul.f32 v50, v7;
	v54 =	vadd.f32 v53, v52;
	v11 =	vadd.f32 v51, v11  }
0xa9: {  	(v2sf) =	vpush v10, $0x2  }
0xaa: {  	v57 =	vadd.f32 v56, v55;
	v11 =	vadd.f32 v54, v11  }
0xab: {  	(v2sf) =	vpush v10, $0x3  }
0xac: {  	(v2sf) =	vpush v9, $0x2;
	v11 =	vadd.f32 v57, v11;
	_ =	sdelay $0x1  }
0xad: {  	(xrf2) =	vadd.scan.msk.f32 $0xffff, v11;
	_ =	sdelay $0x3  }
0xae: {  	s2 =	sadd.s32 $0xFFFFFFF2, s26  }
0xaf: {  	v11 =	vmov s2  }
0xb0: {  	v11 =	vand.u32 $0xFFFFFFF1, v11  }
0xb1: {  	v11 =	vbroadcast v11, $0x0;
	_ =	sdelay $0x2  }
0xb2: {  	v58, _, _ =	vpop (xrf2)  }
0xb3: {  	s11 =	spop (v2sf);
	v12 =	vadd.f32 v58, v8  }
0xb4: {  	s1 =	sor.u32 $0x800, s31;
	s2 =	spop (v2sf)  }
0xb5: {  	s0 =	sadd.s32 s11, s1;
	s11 =	spop (v2sf);
	[tilespmem:v11+s24+$0x0] =	vst.idx.msk vm0, v12  }
0xb6: {  	s1 =	sadd.s32 s11, s1;
	v11 =	vld [tilespmem:s0+$0x400]  }
0xb7: {  	v12 =	vld [tilespmem:s1+$0x8400]  }
0xb8: {  	v59 =	vld [tilespmem:s0+$0x410]  }
0xb9: {  	v60 =	vld [tilespmem:s1+$0x8410]  }
0xba: {  	v61 =	vld [tilespmem:s0+$0x420]  }
0xbb: {  	v62 =	vld [tilespmem:s1+$0x8420]  }
0xbc: {  	v63 =	vld [tilespmem:s0+$0x430]  }
0xbd: {  	v21 =	vld [tilespmem:s1+$0x8430];
	v11 =	vmul.f32 v11, v0;
	v12 =	vmul.f32 v12, v4  }
0xbe: {  	v13 =	vmul.f32 v59, v1;
	v14 =	vmul.f32 v60, v5  }
0xbf: {  	v23 =	vmul.f32 v61, v2  }
0xc0: {  	v24 =	vmul.f32 v62, v6;
	v11 =	vadd.f32 v12, v11;
	v22 =	vadd.f32 v14, v13  }
0xc1: {  	v26 =	vmul.f32 v63, v3  }
0xc2: {  	v27 =	vmul.f32 v21, v7;
	v25 =	vadd.f32 v24, v23;
	v11 =	vadd.f32 v22, v11;
	_ =	sdelay $0x1  }
0xc3: {  	v28 =	vadd.f32 v27, v26;
	v11 =	vadd.f32 v25, v11;
	_ =	sdelay $0x1  }
0xc4: {  	(v2sf) =	vpush v9, $0x3;
	v11 =	vadd.f32 v28, v11;
	_ =	sdelay $0x1  }
0xc5: {  	(xrf2) =	vadd.scan.msk.f32 $0xffff, v11;
	_ =	sdelay $0x3  }
0xc6: {  	s11 =	sadd.s32 $0xFFFFFFF3, s26  }
0xc7: {  	v11 =	vmov s11  }
0xc8: {  	v11 =	vand.u32 $0xFFFFFFF2, v11  }
0xc9: {  	v11 =	vbroadcast v11, $0x0;
	_ =	sdelay $0x2  }
0xca: {  	v29, _, _ =	vpop (xrf2)  }
0xcb: {  	v12 =	vadd.f32 v29, v8  }
0xcc: {  	s1 =	sor.u32 $0xC00, s31  }
0xcd: {  	s2 =	sadd.s32 s2, s1;
	s11 =	spop (v2sf);
	[tilespmem:v11+s24+$0x0] =	vst.idx.msk vm0, v12  }
0xce: {  	s0 =	sadd.s32 s11, s1;
	v11 =	vld [tilespmem:s2+$0x400]  }
0xcf: {  	v12 =	vld [tilespmem:s0+$0x8400]  }
0xd0: {  	v30 =	vld [tilespmem:s2+$0x410]  }
0xd1: {  	v31 =	vld [tilespmem:s0+$0x8410]  }
0xd2: {  	v32 =	vld [tilespmem:s2+$0x420]  }
0xd3: {  	v33 =	vld [tilespmem:s0+$0x8420]  }
0xd4: {  	v34 =	vld [tilespmem:s2+$0x430]  }
0xd5: {  	v35 =	vld [tilespmem:s0+$0x8430];
	v11 =	vmul.f32 v11, v0;
	v12 =	vmul.f32 v12, v4  }
0xd6: {  	v13 =	vmul.f32 v30, v1;
	v14 =	vmul.f32 v31, v5  }
0xd7: {  	v37 =	vmul.f32 v32, v2  }
0xd8: {  	v38 =	vmul.f32 v33, v6;
	v11 =	vadd.f32 v12, v11;
	v36 =	vadd.f32 v14, v13  }
0xd9: {  	v40 =	vmul.f32 v34, v3  }
0xda: {  	v41 =	vmul.f32 v35, v7;
	v39 =	vadd.f32 v38, v37;
	v11 =	vadd.f32 v36, v11  }
0xdb: {  	(v2sf) =	vpush v10, $0x4  }
0xdc: {  	v42 =	vadd.f32 v41, v40;
	v11 =	vadd.f32 v39, v11  }
0xdd: {  	(v2sf) =	vpush v10, $0x5  }
0xde: {  	(v2sf) =	vpush v9, $0x4;
	v11 =	vadd.f32 v42, v11;
	_ =	sdelay $0x1  }
0xdf: {  	(xrf2) =	vadd.scan.msk.f32 $0xffff, v11;
	_ =	sdelay $0x3  }
0xe0: {  	s2 =	sadd.s32 $0xFFFFFFF4, s26  }
0xe1: {  	v11 =	vmov s2  }
0xe2: {  	v11 =	vand.u32 $0xFFFFFFF3, v11  }
0xe3: {  	v11 =	vbroadcast v11, $0x0;
	_ =	sdelay $0x2  }
0xe4: {  	v43, _, _ =	vpop (xrf2)  }
0xe5: {  	s11 =	spop (v2sf);
	v12 =	vadd.f32 v43, v8  }
0xe6: {  	s1 =	sor.u32 $0x1000, s31;
	s2 =	spop (v2sf)  }
0xe7: {  	s0 =	sadd.s32 s11, s1;
	s11 =	spop (v2sf);
	[tilespmem:v11+s24+$0x0] =	vst.idx.msk vm0, v12  }
0xe8: {  	s1 =	sadd.s32 s11, s1;
	v11 =	vld [tilespmem:s0+$0x400]  }
0xe9: {  	v12 =	vld [tilespmem:s1+$0x8400]  }
0xea: {  	v44 =	vld [tilespmem:s0+$0x410]  }
0xeb: {  	v45 =	vld [tilespmem:s1+$0x8410]  }
0xec: {  	v46 =	vld [tilespmem:s0+$0x420]  }
0xed: {  	v47 =	vld [tilespmem:s1+$0x8420]  }
0xee: {  	v48 =	vld [tilespmem:s0+$0x430]  }
0xef: {  	v49 =	vld [tilespmem:s1+$0x8430];
	v11 =	vmul.f32 v11, v0;
	v12 =	vmul.f32 v12, v4  }
0xf0: {  	v13 =	vmul.f32 v44, v1;
	v14 =	vmul.f32 v45, v5  }
0xf1: {  	v51 =	vmul.f32 v46, v2  }
0xf2: {  	v52 =	vmul.f32 v47, v6;
	v11 =	vadd.f32 v12, v11;
	v50 =	vadd.f32 v14, v13  }
0xf3: {  	v54 =	vmul.f32 v48, v3  }
0xf4: {  	v55 =	vmul.f32 v49, v7;
	v53 =	vadd.f32 v52, v51;
	v11 =	vadd.f32 v50, v11;
	_ =	sdelay $0x1  }
0xf5: {  	v56 =	vadd.f32 v55, v54;
	v11 =	vadd.f32 v53, v11;
	_ =	sdelay $0x1  }
0xf6: {  	(v2sf) =	vpush v9, $0x5;
	v11 =	vadd.f32 v56, v11;
	_ =	sdelay $0x1  }
0xf7: {  	(xrf2) =	vadd.scan.msk.f32 $0xffff, v11;
	_ =	sdelay $0x3  }
0xf8: {  	s11 =	sadd.s32 $0xFFFFFFF5, s26  }
0xf9: {  	v11 =	vmov s11  }
0xfa: {  	v11 =	vand.u32 $0xFFFFFFF4, v11  }
0xfb: {  	v11 =	vbroadcast v11, $0x0;
	_ =	sdelay $0x2  }
0xfc: {  	v57, _, _ =	vpop (xrf2)  }
0xfd: {  	v12 =	vadd.f32 v57, v8  }
0xfe: {  	s1 =	sor.u32 $0x1400, s31  }
0xff: {  	s2 =	sadd.s32 s2, s1;
	s11 =	spop (v2sf);
	[tilespmem:v11+s24+$0x0] =	vst.idx.msk vm0, v12  }
0x100: {  	s0 =	sadd.s32 s11, s1;
	v11 =	vld [tilespmem:s2+$0x400]  }
0x101: {  	v12 =	vld [tilespmem:s0+$0x8400]  }
0x102: {  	v58 =	vld [tilespmem:s2+$0x410]  }
0x103: {  	v59 =	vld [tilespmem:s0+$0x8410]  }
0x104: {  	v60 =	vld [tilespmem:s2+$0x420]  }
0x105: {  	v61 =	vld [tilespmem:s0+$0x8420]  }
0x106: {  	v62 =	vld [tilespmem:s2+$0x430]  }
0x107: {  	v63 =	vld [tilespmem:s0+$0x8430];
	v11 =	vmul.f32 v11, v0;
	v12 =	vmul.f32 v12, v4  }
0x108: {  	v13 =	vmul.f32 v58, v1;
	v14 =	vmul.f32 v59, v5  }
0x109: {  	v22 =	vmul.f32 v60, v2  }
0x10a: {  	v23 =	vmul.f32 v61, v6;
	v11 =	vadd.f32 v12, v11;
	v21 =	vadd.f32 v14, v13  }
0x10b: {  	v25 =	vmul.f32 v62, v3  }
0x10c: {  	v26 =	vmul.f32 v63, v7;
	v24 =	vadd.f32 v23, v22;
	v11 =	vadd.f32 v21, v11  }
0x10d: {  	(v2sf) =	vpush v10, $0x6  }
0x10e: {  	v27 =	vadd.f32 v26, v25;
	v11 =	vadd.f32 v24, v11  }
0x10f: {  	(v2sf) =	vpush v10, $0x7  }
0x110: {  	(v2sf) =	vpush v9, $0x6;
	v11 =	vadd.f32 v27, v11;
	_ =	sdelay $0x1  }
0x111: {  	(xrf2) =	vadd.scan.msk.f32 $0xffff, v11;
	_ =	sdelay $0x3  }
0x112: {  	s2 =	sadd.s32 $0xFFFFFFF6, s26  }
0x113: {  	v11 =	vmov s2  }
0x114: {  	v11 =	vand.u32 $0xFFFFFFF5, v11  }
0x115: {  	v11 =	vbroadcast v11, $0x0;
	_ =	sdelay $0x2  }
0x116: {  	v28, _, _ =	vpop (xrf2)  }
0x117: {  	s11 =	spop (v2sf);
	v12 =	vadd.f32 v28, v8  }
0x118: {  	s1 =	sor.u32 $0x1800, s31;
	s2 =	spop (v2sf)  }
0x119: {  	s0 =	sadd.s32 s11, s1;
	s11 =	spop (v2sf);
	[tilespmem:v11+s24+$0x0] =	vst.idx.msk vm0, v12  }
0x11a: {  	s1 =	sadd.s32 s11, s1;
	v11 =	vld [tilespmem:s0+$0x400]  }
0x11b: {  	v12 =	vld [tilespmem:s1+$0x8400]  }
0x11c: {  	v29 =	vld [tilespmem:s0+$0x410]  }
0x11d: {  	v30 =	vld [tilespmem:s1+$0x8410]  }
0x11e: {  	v31 =	vld [tilespmem:s0+$0x420]  }
0x11f: {  	v32 =	vld [tilespmem:s1+$0x8420]  }
0x120: {  	v33 =	vld [tilespmem:s0+$0x430]  }
0x121: {  	v34 =	vld [tilespmem:s1+$0x8430];
	v11 =	vmul.f32 v11, v0;
	v12 =	vmul.f32 v12, v4  }
0x122: {  	v13 =	vmul.f32 v29, v1;
	v14 =	vmul.f32 v30, v5  }
0x123: {  	v36 =	vmul.f32 v31, v2  }
0x124: {  	v37 =	vmul.f32 v32, v6;
	v11 =	vadd.f32 v12, v11;
	v35 =	vadd.f32 v14, v13  }
0x125: {  	v39 =	vmul.f32 v33, v3  }
0x126: {  	v40 =	vmul.f32 v34, v7;
	v38 =	vadd.f32 v37, v36;
	v11 =	vadd.f32 v35, v11;
	_ =	sdelay $0x1  }
0x127: {  	v41 =	vadd.f32 v40, v39;
	v11 =	vadd.f32 v38, v11;
	_ =	sdelay $0x1  }
0x128: {  	(v2sf) =	vpush v9, $0x7;
	v11 =	vadd.f32 v41, v11;
	_ =	sdelay $0x1  }
0x129: {  	(xrf2) =	vadd.scan.msk.f32 $0xffff, v11;
	_ =	sdelay $0x3  }
0x12a: {  	s11 =	sadd.s32 $0xFFFFFFF7, s26  }
0x12b: {  	v11 =	vmov s11  }
0x12c: {  	v11 =	vand.u32 $0xFFFFFFF6, v11  }
0x12d: {  	v11 =	vbroadcast v11, $0x0;
	_ =	sdelay $0x2  }
0x12e: {  	v42, _, _ =	vpop (xrf2)  }
0x12f: {  	v12 =	vadd.f32 v42, v8  }
0x130: {  	s1 =	sor.u32 $0x1C00, s31  }
0x131: {  	s2 =	sadd.s32 s2, s1;
	s11 =	spop (v2sf);
	[tilespmem:v11+s24+$0x0] =	vst.idx.msk vm0, v12  }
0x132: {  	s0 =	sadd.s32 s11, s1;
	v11 =	vld [tilespmem:s2+$0x400]  }
0x133: {  	v12 =	vld [tilespmem:s0+$0x8400]  }
0x134: {  	v43 =	vld [tilespmem:s2+$0x410]  }
0x135: {  	v44 =	vld [tilespmem:s0+$0x8410]  }
0x136: {  	v45 =	vld [tilespmem:s2+$0x420]  }
0x137: {  	v46 =	vld [tilespmem:s0+$0x8420]  }
0x138: {  	v47 =	vld [tilespmem:s2+$0x430]  }
0x139: {  	v48 =	vld [tilespmem:s0+$0x8430];
	v11 =	vmul.f32 v11, v0;
	v12 =	vmul.f32 v12, v4  }
0x13a: {  	v13 =	vmul.f32 v43, v1;
	v14 =	vmul.f32 v44, v5  }
0x13b: {  	v50 =	vmul.f32 v45, v2  }
0x13c: {  	v51 =	vmul.f32 v46, v6;
	v11 =	vadd.f32 v12, v11;
	v49 =	vadd.f32 v14, v13  }
0x13d: {  	v53 =	vmul.f32 v47, v3  }
0x13e: {  	v54 =	vmul.f32 v48, v7;
	v52 =	vadd.f32 v51, v50;
	v11 =	vadd.f32 v49, v11  }
0x13f: {  	(v2sf) =	vpush v10, $0x8  }
0x140: {  	v55 =	vadd.f32 v54, v53;
	v11 =	vadd.f32 v52, v11  }
0x141: {  	(v2sf) =	vpush v10, $0x9  }
0x142: {  	(v2sf) =	vpush v9, $0x8;
	v11 =	vadd.f32 v55, v11;
	_ =	sdelay $0x1  }
0x143: {  	(xrf2) =	vadd.scan.msk.f32 $0xffff, v11;
	_ =	sdelay $0x3  }
0x144: {  	s2 =	sadd.s32 $0xFFFFFFF8, s26  }
0x145: {  	v11 =	vmov s2  }
0x146: {  	v11 =	vand.u32 $0xFFFFFFF7, v11  }
0x147: {  	v11 =	vbroadcast v11, $0x0;
	_ =	sdelay $0x2  }
0x148: {  	v56, _, _ =	vpop (xrf2)  }
0x149: {  	s11 =	spop (v2sf);
	v12 =	vadd.f32 v56, v8  }
0x14a: {  	s1 =	sor.u32 $0x2000, s31;
	s2 =	spop (v2sf)  }
0x14b: {  	s0 =	sadd.s32 s11, s1;
	s11 =	spop (v2sf);
	[tilespmem:v11+s24+$0x0] =	vst.idx.msk vm0, v12  }
0x14c: {  	s1 =	sadd.s32 s11, s1;
	v11 =	vld [tilespmem:s0+$0x400]  }
0x14d: {  	v12 =	vld [tilespmem:s1+$0x8400]  }
0x14e: {  	v57 =	vld [tilespmem:s0+$0x410]  }
0x14f: {  	v58 =	vld [tilespmem:s1+$0x8410]  }
0x150: {  	v59 =	vld [tilespmem:s0+$0x420]  }
0x151: {  	v60 =	vld [tilespmem:s1+$0x8420]  }
0x152: {  	v61 =	vld [tilespmem:s0+$0x430]  }
0x153: {  	v62 =	vld [tilespmem:s1+$0x8430];
	v11 =	vmul.f32 v11, v0;
	v12 =	vmul.f32 v12, v4  }
0x154: {  	v13 =	vmul.f32 v57, v1;
	v14 =	vmul.f32 v58, v5  }
0x155: {  	v19 =	vmul.f32 v59, v2  }
0x156: {  	v20 =	vmul.f32 v60, v6;
	v11 =	vadd.f32 v12, v11;
	v63 =	vadd.f32 v14, v13  }
0x157: {  	v22 =	vmul.f32 v61, v3  }
0x158: {  	v23 =	vmul.f32 v62, v7;
	v21 =	vadd.f32 v20, v19;
	v11 =	vadd.f32 v63, v11;
	_ =	sdelay $0x1  }
0x159: {  	v24 =	vadd.f32 v23, v22;
	v11 =	vadd.f32 v21, v11;
	_ =	sdelay $0x1  }
0x15a: {  	(v2sf) =	vpush v9, $0x9;
	v11 =	vadd.f32 v24, v11;
	_ =	sdelay $0x1  }
0x15b: {  	(xrf2) =	vadd.scan.msk.f32 $0xffff, v11;
	_ =	sdelay $0x3  }
0x15c: {  	s11 =	sadd.s32 $0xFFFFFFF9, s26  }
0x15d: {  	v11 =	vmov s11  }
0x15e: {  	v11 =	vand.u32 $0xFFFFFFF8, v11  }
0x15f: {  	v11 =	vbroadcast v11, $0x0;
	_ =	sdelay $0x2  }
0x160: {  	v25, _, _ =	vpop (xrf2)  }
0x161: {  	v12 =	vadd.f32 v25, v8  }
0x162: {  	s1 =	sor.u32 $0x2400, s31  }
0x163: {  	s2 =	sadd.s32 s2, s1;
	s11 =	spop (v2sf);
	[tilespmem:v11+s24+$0x0] =	vst.idx.msk vm0, v12  }
0x164: {  	s0 =	sadd.s32 s11, s1;
	v11 =	vld [tilespmem:s2+$0x400]  }
0x165: {  	v12 =	vld [tilespmem:s0+$0x8400]  }
0x166: {  	v26 =	vld [tilespmem:s2+$0x410]  }
0x167: {  	v27 =	vld [tilespmem:s0+$0x8410]  }
0x168: {  	v28 =	vld [tilespmem:s2+$0x420]  }
0x169: {  	v29 =	vld [tilespmem:s0+$0x8420]  }
0x16a: {  	v30 =	vld [tilespmem:s2+$0x430]  }
0x16b: {  	v31 =	vld [tilespmem:s0+$0x8430];
	v11 =	vmul.f32 v11, v0;
	v12 =	vmul.f32 v12, v4  }
0x16c: {  	v13 =	vmul.f32 v26, v1;
	v14 =	vmul.f32 v27, v5  }
0x16d: {  	v33 =	vmul.f32 v28, v2  }
0x16e: {  	v34 =	vmul.f32 v29, v6;
	v11 =	vadd.f32 v12, v11;
	v32 =	vadd.f32 v14, v13  }
0x16f: {  	v36 =	vmul.f32 v30, v3  }
0x170: {  	v37 =	vmul.f32 v31, v7;
	v35 =	vadd.f32 v34, v33;
	v11 =	vadd.f32 v32, v11  }
0x171: {  	(v2sf) =	vpush v10, $0xA  }
0x172: {  	v38 =	vadd.f32 v37, v36;
	v11 =	vadd.f32 v35, v11  }
0x173: {  	(v2sf) =	vpush v10, $0xB  }
0x174: {  	(v2sf) =	vpush v9, $0xA;
	v11 =	vadd.f32 v38, v11;
	_ =	sdelay $0x1  }
0x175: {  	(xrf2) =	vadd.scan.msk.f32 $0xffff, v11;
	_ =	sdelay $0x3  }
0x176: {  	s2 =	sadd.s32 $0xFFFFFFFA, s26  }
0x177: {  	v11 =	vmov s2  }
0x178: {  	v11 =	vand.u32 $0xFFFFFFF9, v11  }
0x179: {  	v11 =	vbroadcast v11, $0x0;
	_ =	sdelay $0x2  }
0x17a: {  	v39, _, _ =	vpop (xrf2)  }
0x17b: {  	s11 =	spop (v2sf);
	v12 =	vadd.f32 v39, v8  }
0x17c: {  	s1 =	sor.u32 $0x2800, s31;
	s2 =	spop (v2sf)  }
0x17d: {  	s0 =	sadd.s32 s11, s1;
	s11 =	spop (v2sf);
	[tilespmem:v11+s24+$0x0] =	vst.idx.msk vm0, v12  }
0x17e: {  	s1 =	sadd.s32 s11, s1;
	v11 =	vld [tilespmem:s0+$0x400]  }
0x17f: {  	v12 =	vld [tilespmem:s1+$0x8400]  }
0x180: {  	v40 =	vld [tilespmem:s0+$0x410]  }
0x181: {  	v41 =	vld [tilespmem:s1+$0x8410]  }
0x182: {  	v42 =	vld [tilespmem:s0+$0x420]  }
0x183: {  	v43 =	vld [tilespmem:s1+$0x8420]  }
0x184: {  	v44 =	vld [tilespmem:s0+$0x430]  }
0x185: {  	v45 =	vld [tilespmem:s1+$0x8430];
	v11 =	vmul.f32 v11, v0;
	v12 =	vmul.f32 v12, v4  }
0x186: {  	v13 =	vmul.f32 v40, v1;
	v14 =	vmul.f32 v41, v5  }
0x187: {  	v47 =	vmul.f32 v42, v2  }
0x188: {  	v48 =	vmul.f32 v43, v6;
	v11 =	vadd.f32 v12, v11;
	v46 =	vadd.f32 v14, v13  }
0x189: {  	v50 =	vmul.f32 v44, v3  }
0x18a: {  	v51 =	vmul.f32 v45, v7;
	v49 =	vadd.f32 v48, v47;
	v11 =	vadd.f32 v46, v11;
	_ =	sdelay $0x1  }
0x18b: {  	v52 =	vadd.f32 v51, v50;
	v11 =	vadd.f32 v49, v11;
	_ =	sdelay $0x1  }
0x18c: {  	(v2sf) =	vpush v9, $0xB;
	v11 =	vadd.f32 v52, v11;
	_ =	sdelay $0x1  }
0x18d: {  	(xrf2) =	vadd.scan.msk.f32 $0xffff, v11;
	_ =	sdelay $0x3  }
0x18e: {  	s11 =	sadd.s32 $0xFFFFFFFB, s26  }
0x18f: {  	v11 =	vmov s11  }
0x190: {  	v11 =	vand.u32 $0xFFFFFFFA, v11  }
0x191: {  	v11 =	vbroadcast v11, $0x0;
	_ =	sdelay $0x2  }
0x192: {  	v53, _, _ =	vpop (xrf2)  }
0x193: {  	v12 =	vadd.f32 v53, v8  }
0x194: {  	s1 =	sor.u32 $0x2C00, s31  }
0x195: {  	s2 =	sadd.s32 s2, s1;
	s11 =	spop (v2sf);
	[tilespmem:v11+s24+$0x0] =	vst.idx.msk vm0, v12  }
0x196: {  	s0 =	sadd.s32 s11, s1;
	v11 =	vld [tilespmem:s2+$0x400]  }
0x197: {  	v12 =	vld [tilespmem:s0+$0x8400]  }
0x198: {  	v54 =	vld [tilespmem:s2+$0x410]  }
0x199: {  	v55 =	vld [tilespmem:s0+$0x8410]  }
0x19a: {  	v56 =	vld [tilespmem:s2+$0x420]  }
0x19b: {  	v57 =	vld [tilespmem:s0+$0x8420]  }
0x19c: {  	v58 =	vld [tilespmem:s2+$0x430]  }
0x19d: {  	v59 =	vld [tilespmem:s0+$0x8430];
	v11 =	vmul.f32 v11, v0;
	v12 =	vmul.f32 v12, v4  }
0x19e: {  	v13 =	vmul.f32 v54, v1;
	v14 =	vmul.f32 v55, v5  }
0x19f: {  	v61 =	vmul.f32 v56, v2  }
0x1a0: {  	v62 =	vmul.f32 v57, v6;
	v11 =	vadd.f32 v12, v11;
	v60 =	vadd.f32 v14, v13  }
0x1a1: {  	v16 =	vmul.f32 v58, v3  }
0x1a2: {  	v17 =	vmul.f32 v59, v7;
	v63 =	vadd.f32 v62, v61;
	v11 =	vadd.f32 v60, v11  }
0x1a3: {  	(v2sf) =	vpush v10, $0xC  }
0x1a4: {  	v18 =	vadd.f32 v17, v16;
	v11 =	vadd.f32 v63, v11  }
0x1a5: {  	(v2sf) =	vpush v10, $0xD  }
0x1a6: {  	(v2sf) =	vpush v9, $0xC;
	v11 =	vadd.f32 v18, v11;
	_ =	sdelay $0x1  }
0x1a7: {  	(xrf2) =	vadd.scan.msk.f32 $0xffff, v11;
	_ =	sdelay $0x3  }
0x1a8: {  	s2 =	sadd.s32 $0xFFFFFFFC, s26  }
0x1a9: {  	v11 =	vmov s2  }
0x1aa: {  	v11 =	vand.u32 $0xFFFFFFFB, v11  }
0x1ab: {  	v11 =	vbroadcast v11, $0x0;
	_ =	sdelay $0x2  }
0x1ac: {  	v19, _, _ =	vpop (xrf2)  }
0x1ad: {  	s11 =	spop (v2sf);
	v12 =	vadd.f32 v19, v8  }
0x1ae: {  	s1 =	sor.u32 $0x3000, s31;
	s2 =	spop (v2sf)  }
0x1af: {  	s0 =	sadd.s32 s11, s1;
	s11 =	spop (v2sf);
	[tilespmem:v11+s24+$0x0] =	vst.idx.msk vm0, v12  }
0x1b0: {  	s1 =	sadd.s32 s11, s1;
	v11 =	vld [tilespmem:s0+$0x400]  }
0x1b1: {  	v12 =	vld [tilespmem:s1+$0x8400]  }
0x1b2: {  	v20 =	vld [tilespmem:s0+$0x410]  }
0x1b3: {  	v21 =	vld [tilespmem:s1+$0x8410]  }
0x1b4: {  	v22 =	vld [tilespmem:s0+$0x420]  }
0x1b5: {  	v23 =	vld [tilespmem:s1+$0x8420]  }
0x1b6: {  	v24 =	vld [tilespmem:s0+$0x430]  }
0x1b7: {  	v25 =	vld [tilespmem:s1+$0x8430];
	v11 =	vmul.f32 v11, v0;
	v12 =	vmul.f32 v12, v4  }
0x1b8: {  	v13 =	vmul.f32 v20, v1;
	v14 =	vmul.f32 v21, v5  }
0x1b9: {  	v27 =	vmul.f32 v22, v2  }
0x1ba: {  	v28 =	vmul.f32 v23, v6;
	v11 =	vadd.f32 v12, v11;
	v26 =	vadd.f32 v14, v13  }
0x1bb: {  	v30 =	vmul.f32 v24, v3  }
0x1bc: {  	v31 =	vmul.f32 v25, v7;
	v29 =	vadd.f32 v28, v27;
	v11 =	vadd.f32 v26, v11;
	_ =	sdelay $0x1  }
0x1bd: {  	v32 =	vadd.f32 v31, v30;
	v11 =	vadd.f32 v29, v11;
	_ =	sdelay $0x1  }
0x1be: {  	(v2sf) =	vpush v9, $0xD;
	v11 =	vadd.f32 v32, v11;
	_ =	sdelay $0x1  }
0x1bf: {  	(xrf2) =	vadd.scan.msk.f32 $0xffff, v11;
	_ =	sdelay $0x3  }
0x1c0: {  	s11 =	sadd.s32 $0xFFFFFFFD, s26  }
0x1c1: {  	v11 =	vmov s11  }
0x1c2: {  	v11 =	vand.u32 $0xFFFFFFFC, v11  }
0x1c3: {  	v11 =	vbroadcast v11, $0x0;
	_ =	sdelay $0x2  }
0x1c4: {  	v33, _, _ =	vpop (xrf2)  }
0x1c5: {  	v12 =	vadd.f32 v33, v8  }
0x1c6: {  	s1 =	sor.u32 $0x3400, s31  }
0x1c7: {  	s2 =	sadd.s32 s2, s1;
	s11 =	spop (v2sf);
	[tilespmem:v11+s24+$0x0] =	vst.idx.msk vm0, v12  }
0x1c8: {  	s0 =	sadd.s32 s11, s1;
	v11 =	vld [tilespmem:s2+$0x400]  }
0x1c9: {  	v12 =	vld [tilespmem:s0+$0x8400]  }
0x1ca: {  	v34 =	vld [tilespmem:s2+$0x410]  }
0x1cb: {  	v35 =	vld [tilespmem:s0+$0x8410]  }
0x1cc: {  	v36 =	vld [tilespmem:s2+$0x420]  }
0x1cd: {  	v37 =	vld [tilespmem:s0+$0x8420]  }
0x1ce: {  	v38 =	vld [tilespmem:s2+$0x430]  }
0x1cf: {  	v39 =	vld [tilespmem:s0+$0x8430];
	v11 =	vmul.f32 v11, v0;
	v12 =	vmul.f32 v12, v4  }
0x1d0: {  	v13 =	vmul.f32 v34, v1;
	v14 =	vmul.f32 v35, v5  }
0x1d1: {  	v41 =	vmul.f32 v36, v2  }
0x1d2: {  	v42 =	vmul.f32 v37, v6;
	v11 =	vadd.f32 v12, v11;
	v40 =	vadd.f32 v14, v13  }
0x1d3: {  	v44 =	vmul.f32 v38, v3  }
0x1d4: {  	v45 =	vmul.f32 v39, v7;
	v43 =	vadd.f32 v42, v41;
	v11 =	vadd.f32 v40, v11  }
0x1d5: {  	(v2sf) =	vpush v10, $0xE  }
0x1d6: {  	v46 =	vadd.f32 v45, v44;
	v11 =	vadd.f32 v43, v11  }
0x1d7: {  	(v2sf) =	vpush v10, $0xF  }
0x1d8: {  	(v2sf) =	vpush v9, $0xE;
	v10 =	vadd.f32 v46, v11;
	_ =	sdelay $0x1  }
0x1d9: {  	(xrf2) =	vadd.scan.msk.f32 $0xffff, v10;
	_ =	sdelay $0x3  }
0x1da: {  	s2 =	sadd.s32 $0xFFFFFFFE, s26  }
0x1db: {  	v10 =	vmov s2  }
0x1dc: {  	v10 =	vand.u32 $0xFFFFFFFD, v10  }
0x1dd: {  	v10 =	vbroadcast v10, $0x0;
	_ =	sdelay $0x2  }
0x1de: {  	v11, _, _ =	vpop (xrf2)  }
0x1df: {  	s11 =	spop (v2sf);
	v11 =	vadd.f32 v11, v8  }
0x1e0: {  	s1 =	spop (v2sf);
	s2 =	sor.u32 $0x3800, s31  }
0x1e1: {  	s0 =	sadd.s32 s11, s2;
	s11 =	spop (v2sf);
	[tilespmem:v10+s24+$0x0] =	vst.idx.msk vm0, v11  }
0x1e2: {  	s2 =	sadd.s32 s11, s2;
	v10 =	vld [tilespmem:s0+$0x400]  }
0x1e3: {  	v11 =	vld [tilespmem:s2+$0x8400]  }
0x1e4: {  	v47 =	vld [tilespmem:s0+$0x410]  }
0x1e5: {  	v48 =	vld [tilespmem:s2+$0x8410]  }
0x1e6: {  	v49 =	vld [tilespmem:s0+$0x420]  }
0x1e7: {  	v50 =	vld [tilespmem:s2+$0x8420]  }
0x1e8: {  	v51 =	vld [tilespmem:s0+$0x430]  }
0x1e9: {  	v52 =	vld [tilespmem:s2+$0x8430];
	v10 =	vmul.f32 v10, v0;
	v11 =	vmul.f32 v11, v4  }
0x1ea: {  	v12 =	vmul.f32 v47, v1;
	v13 =	vmul.f32 v48, v5  }
0x1eb: {  	v53 =	vmul.f32 v49, v2  }
0x1ec: {  	v54 =	vmul.f32 v50, v6;
	v10 =	vadd.f32 v11, v10;
	v11 =	vadd.f32 v13, v12  }
0x1ed: {  	v55 =	vmul.f32 v51, v3  }
0x1ee: {  	v56 =	vmul.f32 v52, v7;
	v10 =	vadd.f32 v11, v10;
	v11 =	vadd.f32 v54, v53;
	_ =	sdelay $0x1  }
0x1ef: {  	v10 =	vadd.f32 v11, v10;
	v11 =	vadd.f32 v56, v55;
	_ =	sdelay $0x1  }
0x1f0: {  	(v2sf) =	vpush v9, $0xF;
	v9 =	vadd.f32 v11, v10;
	_ =	sdelay $0x1  }
0x1f1: {  	(xrf2) =	vadd.scan.msk.f32 $0xffff, v9;
	_ =	sdelay $0x3  }
0x1f2: {  	s2 =	sadd.s32 $0xFFFFFFFF, s26  }
0x1f3: {  	v9 =	vmov s2  }
0x1f4: {  	v9 =	vand.u32 $0xFFFFFFFE, v9  }
0x1f5: {  	v9 =	vbroadcast v9, $0x0;
	_ =	sdelay $0x2  }
0x1f6: {  	v10, _, _ =	vpop (xrf2)  }
0x1f7: {  	v10 =	vadd.f32 v10, v8  }
0x1f8: {  	s11 =	sor.u32 $0x3C00, s31  }
0x1f9: {  	s31 =	spop (v2sf);
	s1 =	sadd.s32 s1, s11;
	[tilespmem:v9+s24+$0x0] =	vst.idx.msk vm0, v10  }
0x1fa: {  	s0 =	sadd.s32 s31, s11;
	v9 =	vld [tilespmem:s1+$0x400]  }
0x1fb: {  	v10 =	vld [tilespmem:s0+$0x8400]  }
0x1fc: {  	v11 =	vld [tilespmem:s1+$0x410]  }
0x1fd: {  	v57 =	vld [tilespmem:s0+$0x8410]  }
0x1fe: {  	v59 =	vld [tilespmem:s0+$0x8420]  }
0x1ff: {  	v58 =	vld [tilespmem:s1+$0x420]  }
0x200: {  	v61 =	vld [tilespmem:s0+$0x8430]  }
0x201: {  	v60 =	vld [tilespmem:s1+$0x430];
	v9 =	vmul.f32 v9, v0;
	v10 =	vmul.f32 v10, v4  }
0x202: {  	v11 =	vmul.f32 v11, v1;
	v12 =	vmul.f32 v57, v5  }
0x203: {  	v62 =	vmul.f32 v59, v6  }
0x204: {  	v9 =	vadd.f32 v10, v9;
	v10 =	vadd.f32 v12, v11;
	v11 =	vmul.f32 v58, v2  }
0x205: {  	v63 =	vmul.f32 v61, v7  }
0x206: {  	v9 =	vadd.f32 v10, v9;
	v10 =	vadd.f32 v62, v11;
	v11 =	vmul.f32 v60, v3;
	_ =	sdelay $0x1  }
0x207: {  	v9 =	vadd.f32 v10, v9;
	v10 =	vadd.f32 v63, v11;
	_ =	sdelay $0x1  }
0x208: {  	v9 =	vadd.f32 v10, v9;
	_ =	sdelay $0x1  }
0x209: {  	(xrf2) =	vadd.scan.msk.f32 $0xffff, v9;
	_ =	sdelay $0x6  }
0x20a: {  	v9 =	vmov s26;
	s26 =	sadd.s32 $0x10, s26  }
0x20b: {  	p0 =	sne.s32 s26, $0x20F  }
.Ltmp3:
0x20c: {  	_ = 	snop;
	(pc) =	sbr.rel @!p0 .LBB2_5-.Ltmp3, $3  }
0x20d: {  	v10, _, _ =	vpop (xrf2)  }
0x20e: {  	v10 =	vadd.f32 v10, v8;
	_ =	sdelay $0x1  }
0x20f: {  	s30 =	sadd.s32 $0x4000, s30;
	s28 =	sadd.s32 $0x10, s28;
	s29 =	sadd.s32 $0x10, s29;
	[tilespmem:v9+s24+$0x0] =	vst.idx.msk vm0, v10  }
.LBB2_2:
0x210: {  	_ =	swait.ge [sflag:s22], $0x400  }
0x211: {  	[sflag:s22] =	ssyncset.done $0x0  }
0x212: {  	[sflag:s22] =	ssyncadd.s32 $0xFFFFFC00  }
0x213: {  	_ =	swait.ge [sflag:s23], $0x400  }
0x214: {  	[sflag:s23] =	ssyncset.done $0x0  }
0x215: {  	[sflag:s23] =	ssyncadd.s32 $0xFFFFFC00  }
0x216: {  	_ =	swait.ge [sflag:s22], $0x400  }
0x217: {  	[sflag:s22] =	ssyncset.done $0x0  }
0x218: {  	[sflag:s22] =	ssyncadd.s32 $0xFFFFFC00  }
0x219: {  	_ =	swait.ge [sflag:s23], $0x400  }
0x21a: {  	[sflag:s23] =	ssyncset.done $0x0  }
0x21b: {  	[sflag:s23] =	ssyncadd.s32 $0xFFFFFC00  }
0x21c: {  	_ =	swait.ge [sflag:s22], $0x400  }
0x21d: {  	[sflag:s22] =	ssyncset.done $0x0  }
0x21e: {  	[sflag:s22] =	ssyncadd.s32 $0xFFFFFC00  }
0x21f: {  	_ =	swait.ge [sflag:s23], $0x400  }
0x220: {  	[sflag:s23] =	ssyncset.done $0x0  }
0x221: {  	[sflag:s23] =	ssyncadd.s32 $0xFFFFFC00  }
0x222: {  	_ =	swait.ge [sflag:s22], $0x400  }
0x223: {  	[sflag:s22] =	ssyncset.done $0x0  }
0x224: {  	[sflag:s22] =	ssyncadd.s32 $0xFFFFFC00  }
0x225: {  	_ =	swait.ge [sflag:s23], $0x400  }
0x226: {  	[sflag:s23] =	ssyncset.done $0x0  }
0x227: {  	[sflag:s23] =	ssyncadd.s32 $0xFFFFFC00  }
0x228: {  	_ =	swait.ge [sflag:s22], $0x400  }
0x229: {  	[sflag:s22] =	ssyncset.done $0x0  }
0x22a: {  	[sflag:s22] =	ssyncadd.s32 $0xFFFFFC00  }
0x22b: {  	_ =	swait.ge [sflag:s23], $0x400  }
0x22c: {  	[sflag:s23] =	ssyncset.done $0x0  }
0x22d: {  	[sflag:s23] =	ssyncadd.s32 $0xFFFFFC00  }
0x22e: {  	_ =	swait.ge [sflag:s22], $0x400  }
0x22f: {  	[sflag:s22] =	ssyncset.done $0x0  }
0x230: {  	[sflag:s22] =	ssyncadd.s32 $0xFFFFFC00  }
0x231: {  	_ =	swait.ge [sflag:s23], $0x400  }
0x232: {  	[sflag:s23] =	ssyncset.done $0x0  }
0x233: {  	[sflag:s23] =	ssyncadd.s32 $0xFFFFFC00  }
0x234: {  	_ =	swait.ge [sflag:s22], $0x400  }
0x235: {  	[sflag:s22] =	ssyncset.done $0x0  }
0x236: {  	[sflag:s22] =	ssyncadd.s32 $0xFFFFFC00  }
0x237: {  	_ =	swait.ge [sflag:s23], $0x400  }
0x238: {  	[sflag:s23] =	ssyncset.done $0x0  }
0x239: {  	[sflag:s23] =	ssyncadd.s32 $0xFFFFFC00  }
0x23a: {  	_ =	swait.ge [sflag:s22], $0x400  }
0x23b: {  	[sflag:s22] =	ssyncset.done $0x0  }
0x23c: {  	[sflag:s22] =	ssyncadd.s32 $0xFFFFFC00  }
0x23d: {  	_ =	swait.ge [sflag:s23], $0x400  }
0x23e: {  	[sflag:s23] =	ssyncset.done $0x0  }
0x23f: {  	[sflag:s23] =	ssyncadd.s32 $0xFFFFFC00  }
0x240: {  	_ =	swait.ge [sflag:s22], $0x400  }
0x241: {  	[sflag:s22] =	ssyncset.done $0x0  }
0x242: {  	[sflag:s22] =	ssyncadd.s32 $0xFFFFFC00  }
0x243: {  	_ =	swait.ge [sflag:s23], $0x400  }
0x244: {  	[sflag:s23] =	ssyncset.done $0x0  }
0x245: {  	[sflag:s23] =	ssyncadd.s32 $0xFFFFFC00  }
0x246: {  	_ =	swait.ge [sflag:s22], $0x400  }
0x247: {  	[sflag:s22] =	ssyncset.done $0x0  }
0x248: {  	[sflag:s22] =	ssyncadd.s32 $0xFFFFFC00  }
0x249: {  	_ =	swait.ge [sflag:s23], $0x400  }
0x24a: {  	[sflag:s23] =	ssyncset.done $0x0  }
0x24b: {  	[sflag:s23] =	ssyncadd.s32 $0xFFFFFC00  }
0x24c: {  	_ =	swait.ge [sflag:s22], $0x400  }
0x24d: {  	[sflag:s22] =	ssyncset.done $0x0  }
0x24e: {  	[sflag:s22] =	ssyncadd.s32 $0xFFFFFC00  }
0x24f: {  	_ =	swait.ge [sflag:s23], $0x400  }
0x250: {  	[sflag:s23] =	ssyncset.done $0x0  }
0x251: {  	[sflag:s23] =	ssyncadd.s32 $0xFFFFFC00  }
0x252: {  	_ =	swait.ge [sflag:s22], $0x400  }
0x253: {  	[sflag:s22] =	ssyncset.done $0x0  }
0x254: {  	[sflag:s22] =	ssyncadd.s32 $0xFFFFFC00  }
0x255: {  	_ =	swait.ge [sflag:s23], $0x400  }
0x256: {  	[sflag:s23] =	ssyncset.done $0x0  }
0x257: {  	[sflag:s23] =	ssyncadd.s32 $0xFFFFFC00  }
0x258: {  	_ =	swait.ge [sflag:s22], $0x400  }
0x259: {  	[sflag:s22] =	ssyncset.done $0x0  }
0x25a: {  	[sflag:s22] =	ssyncadd.s32 $0xFFFFFC00  }
0x25b: {  	_ =	swait.ge [sflag:s23], $0x400  }
0x25c: {  	[sflag:s23] =	ssyncset.done $0x0  }
0x25d: {  	[sflag:s23] =	ssyncadd.s32 $0xFFFFFC00  }
0x25e: {  	_ =	swait.ge [sflag:s22], $0x400  }
0x25f: {  	[sflag:s22] =	ssyncset.done $0x0  }
0x260: {  	[sflag:s22] =	ssyncadd.s32 $0xFFFFFC00  }
0x261: {  	_ =	swait.ge [sflag:s23], $0x400  }
0x262: {  	[sflag:s23] =	ssyncset.done $0x0  }
0x263: {  	[sflag:s23] =	ssyncadd.s32 $0xFFFFFC00  }
0x264: {  	_ =	swait.ge [sflag:s22], $0x400  }
0x265: {  	[sflag:s22] =	ssyncset.done $0x0  }
0x266: {  	[sflag:s22] =	ssyncadd.s32 $0xFFFFFC00  }
0x267: {  	_ =	swait.ge [sflag:s23], $0x400  }
0x268: {  	[sflag:s23] =	ssyncset.done $0x0  }
0x269: {  	[sflag:s23] =	ssyncadd.s32 $0xFFFFFC00  }
0x26a: {  	p0 =	seq.s32 s26, $0x1FF;
	_ =	swait.ge [sflag:s22], $0x400  }
.Ltmp4:
0x26b: {  	[sflag:s22] =	ssyncset.done $0x0;
	(pc) =	sbr.rel @p0 .LBB2_4-.Ltmp4, $4  }
0x26c: {  	[sflag:s22] =	ssyncadd.s32 $0xFFFFFC00  }
0x26d: {  	_ =	swait.ge [sflag:s23], $0x400  }
0x26e: {  	[sflag:s23] =	ssyncset.done $0x0  }
0x26f: {  	[sflag:s23] =	ssyncadd.s32 $0xFFFFFC00  }
0x270: {  	v9 =	vld [tilespmem:s28+$0x0];
	_ =	sdelay $0x1  }
0x271: {  	v10 =	vld [tilespmem:s29+$0x0];
	_ =	sdelay $0x2  }
0x272: {  	v9 =	vand.u32 $0xFFFFFFF8, v9  }
0x273: {  	v9 =	vshll.u32 v9, $0x4  }
0x274: {  	v10 =	vand.u32 $0xFFFFFFF8, v10;
	v9 =	vadd.s32 s4, v9  }
0x275: {  	v10 =	vshll.u32 v10, $0x4;
	(v2sf) =	vpush v9, $0x0  }
0x276: {  	v10 =	vadd.s32 s5, v10  }
0x277: {  	(v2sf) =	vpush v10, $0x0;
	_ =	sdelay $0x1  }
0x278: {  	(v2sf) =	vpush v9, $0x1;
	_ =	sdelay $0x1  }
0x279: {  	(v2sf) =	vpush v10, $0x1;
	_ =	sdelay $0x1  }
0x27a: {  	(v2sf) =	vpush v9, $0x2;
	_ =	sdelay $0x1  }
0x27b: {  	(v2sf) =	vpush v10, $0x2;
	_ =	sdelay $0x1  }
0x27c: {  	(v2sf) =	vpush v9, $0x3  }
0x27d: {  	s31 =	sxor.u32 $0xFFFFFFFF, s30  }
0x27e: {  	s31 =	sand.u32 $0x4000, s31;
	(v2sf) =	vpush v10, $0x3  }
0x27f: {  	s0 =	sor.u32 $0x400, s31;
	s2 =	spop (v2sf)  }
0x280: {  	(v2sf) =	vpush v9, $0x4;
	[tilespmem:s0], [sflag:$0x1] =	stream.linear.gather [hbm4b:s2+s3], $0x400, $0x38;
	[tilespmem:$0x10700] =	vst v63  }
0x281: {  	s11 =	sor.u32 $0x8400, s31;
	s1 =	spop (v2sf)  }
0x282: {  	(v2sf) =	vpush v10, $0x4;
	[tilespmem:s11], [sflag:$0x2] =	stream.linear.gather [hbm4b:s1+s3], $0x400, $0x38;
	[tilespmem:$0x10700] =	vst v63  }
0x283: {  	s11 =	sor.u32 $0x800, s31;
	s1 =	spop (v2sf)  }
0x284: {  	(v2sf) =	vpush v9, $0x5;
	[tilespmem:s11], [sflag:$0x1] =	stream.linear.gather [hbm4b:s1+s3], $0x400, $0x38;
	[tilespmem:$0x10700] =	vst v63  }
0x285: {  	s11 =	sor.u32 $0x8800, s31;
	s1 =	spop (v2sf)  }
0x286: {  	(v2sf) =	vpush v10, $0x5;
	[tilespmem:s11], [sflag:$0x2] =	stream.linear.gather [hbm4b:s1+s3], $0x400, $0x38;
	[tilespmem:$0x10700] =	vst v63  }
0x287: {  	s11 =	sor.u32 $0xC00, s31;
	s1 =	spop (v2sf)  }
0x288: {  	(v2sf) =	vpush v9, $0x6;
	[tilespmem:s11], [sflag:$0x1] =	stream.linear.gather [hbm4b:s1+s3], $0x400, $0x38;
	[tilespmem:$0x10700] =	vst v63  }
0x289: {  	s11 =	sor.u32 $0x8C00, s31;
	s1 =	spop (v2sf)  }
0x28a: {  	(v2sf) =	vpush v10, $0x6;
	[tilespmem:s11], [sflag:$0x2] =	stream.linear.gather [hbm4b:s1+s3], $0x400, $0x38;
	[tilespmem:$0x10700] =	vst v63  }
0x28b: {  	s11 =	sor.u32 $0x1000, s31;
	s1 =	spop (v2sf)  }
0x28c: {  	(v2sf) =	vpush v9, $0x7;
	[tilespmem:s11], [sflag:$0x1] =	stream.linear.gather [hbm4b:s1+s3], $0x400, $0x38;
	[tilespmem:$0x10700] =	vst v63  }
0x28d: {  	s11 =	sor.u32 $0x9000, s31;
	s1 =	spop (v2sf)  }
0x28e: {  	(v2sf) =	vpush v10, $0x7;
	[tilespmem:s11], [sflag:$0x2] =	stream.linear.gather [hbm4b:s1+s3], $0x400, $0x38;
	[tilespmem:$0x10700] =	vst v63  }
0x28f: {  	s11 =	sor.u32 $0x1400, s31;
	s1 =	spop (v2sf)  }
0x290: {  	(v2sf) =	vpush v9, $0x8;
	[tilespmem:s11], [sflag:$0x1] =	stream.linear.gather [hbm4b:s1+s3], $0x400, $0x38;
	[tilespmem:$0x10700] =	vst v63  }
0x291: {  	s11 =	sor.u32 $0x9400, s31;
	s1 =	spop (v2sf)  }
0x292: {  	(v2sf) =	vpush v10, $0x8;
	[tilespmem:s11], [sflag:$0x2] =	stream.linear.gather [hbm4b:s1+s3], $0x400, $0x38;
	[tilespmem:$0x10700] =	vst v63  }
0x293: {  	s11 =	sor.u32 $0x1800, s31;
	s1 =	spop (v2sf)  }
0x294: {  	(v2sf) =	vpush v9, $0x9;
	[tilespmem:s11], [sflag:$0x1] =	stream.linear.gather [hbm4b:s1+s3], $0x400, $0x38;
	[tilespmem:$0x10700] =	vst v63  }
0x295: {  	s11 =	sor.u32 $0x9800, s31;
	s1 =	spop (v2sf)  }
0x296: {  	(v2sf) =	vpush v10, $0x9;
	[tilespmem:s11], [sflag:$0x2] =	stream.linear.gather [hbm4b:s1+s3], $0x400, $0x38;
	[tilespmem:$0x10700] =	vst v63  }
0x297: {  	s11 =	sor.u32 $0x1C00, s31;
	s1 =	spop (v2sf)  }
0x298: {  	(v2sf) =	vpush v9, $0xA;
	[tilespmem:s11], [sflag:$0x1] =	stream.linear.gather [hbm4b:s1+s3], $0x400, $0x38;
	[tilespmem:$0x10700] =	vst v63  }
0x299: {  	s11 =	sor.u32 $0x9C00, s31;
	s1 =	spop (v2sf)  }
0x29a: {  	(v2sf) =	vpush v10, $0xA;
	[tilespmem:s11], [sflag:$0x2] =	stream.linear.gather [hbm4b:s1+s3], $0x400, $0x38;
	[tilespmem:$0x10700] =	vst v63  }
0x29b: {  	s11 =	sor.u32 $0x2000, s31;
	s1 =	spop (v2sf)  }
0x29c: {  	(v2sf) =	vpush v9, $0xB;
	[tilespmem:s11], [sflag:$0x1] =	stream.linear.gather [hbm4b:s1+s3], $0x400, $0x38;
	[tilespmem:$0x10700] =	vst v63  }
0x29d: {  	s11 =	sor.u32 $0xA000, s31;
	s1 =	spop (v2sf)  }
0x29e: {  	(v2sf) =	vpush v10, $0xB;
	[tilespmem:s11], [sflag:$0x2] =	stream.linear.gather [hbm4b:s1+s3], $0x400, $0x38;
	[tilespmem:$0x10700] =	vst v63  }
0x29f: {  	s11 =	sor.u32 $0x2400, s31;
	s1 =	spop (v2sf)  }
0x2a0: {  	(v2sf) =	vpush v9, $0xC;
	[tilespmem:s11], [sflag:$0x1] =	stream.linear.gather [hbm4b:s1+s3], $0x400, $0x38;
	[tilespmem:$0x10700] =	vst v63  }
0x2a1: {  	s11 =	sor.u32 $0xA400, s31;
	s1 =	spop (v2sf)  }
0x2a2: {  	(v2sf) =	vpush v10, $0xC;
	[tilespmem:s11], [sflag:$0x2] =	stream.linear.gather [hbm4b:s1+s3], $0x400, $0x38;
	[tilespmem:$0x10700] =	vst v63  }
0x2a3: {  	s11 =	sor.u32 $0x2800, s31;
	s1 =	spop (v2sf)  }
0x2a4: {  	(v2sf) =	vpush v9, $0xD;
	[tilespmem:s11], [sflag:$0x1] =	stream.linear.gather [hbm4b:s1+s3], $0x400, $0x38;
	[tilespmem:$0x10700] =	vst v63  }
0x2a5: {  	s11 =	sor.u32 $0xA800, s31;
	s1 =	spop (v2sf)  }
0x2a6: {  	(v2sf) =	vpush v10, $0xD;
	[tilespmem:s11], [sflag:$0x2] =	stream.linear.gather [hbm4b:s1+s3], $0x400, $0x38;
	[tilespmem:$0x10700] =	vst v63  }
0x2a7: {  	s11 =	sor.u32 $0x2C00, s31;
	s1 =	spop (v2sf)  }
0x2a8: {  	(v2sf) =	vpush v9, $0xE;
	[tilespmem:s11], [sflag:$0x1] =	stream.linear.gather [hbm4b:s1+s3], $0x400, $0x38;
	[tilespmem:$0x10700] =	vst v63  }
0x2a9: {  	s11 =	sor.u32 $0xAC00, s31;
	s1 =	spop (v2sf)  }
0x2aa: {  	(v2sf) =	vpush v10, $0xE;
	[tilespmem:s11], [sflag:$0x2] =	stream.linear.gather [hbm4b:s1+s3], $0x400, $0x38;
	[tilespmem:$0x10700] =	vst v63  }
0x2ab: {  	s11 =	sor.u32 $0x3000, s31;
	s1 =	spop (v2sf)  }
0x2ac: {  	[tilespmem:s11], [sflag:$0x1] =	stream.linear.gather [hbm4b:s1+s3], $0x400, $0x38;
	[tilespmem:$0x10700] =	vst v63  }
0x2ad: {  	(v2sf) =	vpush v9, $0xF;
	s11 =	sor.u32 $0xB000, s31;
	s1 =	spop (v2sf)  }
0x2ae: {  	[tilespmem:s11], [sflag:$0x2] =	stream.linear.gather [hbm4b:s1+s3], $0x400, $0x38;
	[tilespmem:$0x10700] =	vst v63  }
0x2af: {  	(v2sf) =	vpush v10, $0xF;
	s11 =	spop (v2sf);
	s1 =	sor.u32 $0x3400, s31  }
0x2b0: {  	[tilespmem:s1], [sflag:$0x1] =	stream.linear.gather [hbm4b:s11+s3], $0x400, $0x38;
	[tilespmem:$0x10700] =	vst v63  }
0x2b1: {  	s11 =	spop (v2sf);
	s1 =	sor.u32 $0xB400, s31  }
0x2b2: {  	[tilespmem:s1], [sflag:$0x2] =	stream.linear.gather [hbm4b:s11+s3], $0x400, $0x38;
	[tilespmem:$0x10700] =	vst v63  }
0x2b3: {  	s11 =	spop (v2sf);
	s1 =	sor.u32 $0x3800, s31  }
0x2b4: {  	[tilespmem:s1], [sflag:$0x1] =	stream.linear.gather [hbm4b:s11+s3], $0x400, $0x38;
	[tilespmem:$0x10700] =	vst v63  }
0x2b5: {  	s11 =	spop (v2sf);
	s1 =	sor.u32 $0xB800, s31  }
0x2b6: {  	[tilespmem:s1], [sflag:$0x2] =	stream.linear.gather [hbm4b:s11+s3], $0x400, $0x38;
	[tilespmem:$0x10700] =	vst v63  }
0x2b7: {  	s11 =	spop (v2sf);
	s1 =	sor.u32 $0x3C00, s31  }
0x2b8: {  	[tilespmem:s1], [sflag:$0x1] =	stream.linear.gather [hbm4b:s11+s3], $0x400, $0x38;
	[tilespmem:$0x10700] =	vst v63  }
0x2b9: {  	s11 =	spop (v2sf);
	s1 =	sor.u32 $0xBC00, s31  }
0x2ba: {  	[tilespmem:s1], [sflag:$0x2] =	stream.linear.gather [hbm4b:s11+s3], $0x400, $0x38;
	[tilespmem:$0x10700] =	vst v63  }
.Ltmp5:
0x2bb: {  	_ = 	snop;
	(pc) =	sbr.rel .LBB2_4-.Ltmp5, $4  }
0x2bc: {  	s11 =	spop (v2sf);
	s1 =	sadd.s32 $0x4000, s31  }
0x2bd: {  	[tilespmem:s1], [sflag:$0x1] =	stream.linear.gather [hbm4b:s11+s3], $0x400, $0x38;
	[tilespmem:$0x10700] =	vst v63  }
0x2be: {  	s11 =	sadd.s32 $0xC000, s31;
	s31 =	spop (v2sf)  }
0x2bf: {  	[tilespmem:s11], [sflag:$0x2] =	stream.linear.gather [hbm4b:s31+s3], $0x400, $0x38;
	[tilespmem:$0x10700] =	vst v63  }
.LBB2_6:
0x2c0: {  	_ =	sfence.sel $0x180000  }
0x2c1: {  	[bflag:$0x0] =	sbarrier.arrive $0xFFFF  }
0x2c2: {  	_ =	strace $0x90000047  }
0x2c3: {  	s0 =	stileid.u32;
	[bflag:$0x2] =	sbarrier.arrive $0xFFFF  }
0x2c4: {  	p0 =	sne.s32 s0, $0x0;
	s0 =	rddreg [dreg:$0x5]  }
0x2c5: {  	s0 =	sadd.s32 @!p0 $0x100000, s0  }
0x2c6: {  	[sflag:s0] =	ssyncadd.tile.s32 @!p0 $0x1;
	_ =	shalt  }
.Lfunc_end2:
_tile_overlayer_lowered:
.L_overlay_start_2:
0x2c7: {  	(tag) =	ssettag $0x2  }
0x2c8: {  	s0 =	rddreg [dreg:$0x0];
	s2 =	stileid.u32  }
0x2c9: {  	s1 =	rddreg [dreg:$0x1];
	p0 =	sne.s32 s2, $0x0  }
0x2ca: {  	s3 =	rddreg [dreg:$0x2];
	[bflag:$0x3] =	sbarrier.arrive $0xFFFF;
	s2 =	simm.s32 @!p0 $0x1C03  }
0x2cb: {  	[timem:s3], [sflag:s2] =	dma.local @!p0 [hbm:s0], s1  }
0x2cc: {  	s0 =	simm.s32 @!p0 $0x3  }
0x2cd: {  	_ =	swait.ge @!p0 [sflag:s0], s1  }
0x2ce: {  	s1 =	ssub.s32 @!p0 $0x0, s1;
	[sflag:s0] =	ssyncset.done @!p0 $0x0  }
0x2cf: {  	[sflag:s0] =	ssyncadd.s32 @!p0 s1  }
0x2d0: {  	[bflag:$0x3] =	sbarrier.arrive $0xFFFF  }
0x2d1: {  	_ =	shalt  }

</sc_bundles>
